<compile_context>
chip_gen: v7x
topology: tpu7x:2x2x1
jax: 0.10.2.dev20260603
libtpu: 0.0.44.dev20260713+nightly
codegen_flags: <defaults>
</compile_context>

<pallas_src>
import functools

import jax
import jax.numpy as jnp
from jax import lax
from jax.experimental import pallas as pl
from jax.experimental.pallas import tpu as pltpu
from jax.experimental.pallas import tpu_sc as plsc

NH = 8
NP = 4
NL = 4
D = 32
B = 2
LQ = 1024
C = 256
BQ = B * LQ
SHAPES = ((256, 256), (128, 128), (64, 64), (32, 32))
STARTS = (0, 65536, 81920, 86016)
LEN = 87040
NT = 512
NROWS = B * LEN * NH

NC = 2
NS = 16
NW = NC * NS
BQ_PER_W = BQ // NW



def _mm_bias_kernel(x_ref, w_ref, b_ref, o_ref):
    o_ref[...] = jnp.dot(x_ref[...], w_ref[...],
                         preferred_element_type=jnp.float32) + b_ref[...]


def _round_bf16_bits(b):
    return b + 0x7FFF + ((b >> 16) & 1)


def _value_mm_kernel(x_ref, wlo_ref, whi_ref, blo_ref, bhi_ref, o_ref):
    x = x_ref[...]
    lo = jnp.dot(x, wlo_ref[...], preferred_element_type=jnp.float32) + blo_ref[...]
    hi = jnp.dot(x, whi_ref[...], preferred_element_type=jnp.float32) + bhi_ref[...]
    rl = _round_bf16_bits(jax.lax.bitcast_convert_type(lo, jnp.int32))
    rh = _round_bf16_bits(jax.lax.bitcast_convert_type(hi, jnp.int32))
    o_ref[...] = ((rl >> 16) & 0xFFFF) | (rh & jnp.int32(-65536))


def _value_mm(x, wlo, whi, blo, bhi, tile_m):
    m, k = x.shape
    return pl.pallas_call(
        _value_mm_kernel,
        grid=(m // tile_m,),
        in_specs=[
            pl.BlockSpec((tile_m, k), lambda i: (i, 0)),
            pl.BlockSpec((k, 128), lambda i: (0, 0)),
            pl.BlockSpec((k, 128), lambda i: (0, 0)),
            pl.BlockSpec((1, 128), lambda i: (0, 0)),
            pl.BlockSpec((1, 128), lambda i: (0, 0)),
        ],
        out_specs=pl.BlockSpec((tile_m, 128), lambda i: (i, 0)),
        out_shape=jax.ShapeDtypeStruct((m, 128), jnp.int32),
    )(x, wlo, whi, blo[None, :], bhi[None, :])


def _mm_bias(x, wt, b, tile_m):
    m, k = x.shape
    n = wt.shape[1]
    return pl.pallas_call(
        _mm_bias_kernel,
        grid=(m // tile_m,),
        in_specs=[
            pl.BlockSpec((tile_m, k), lambda i: (i, 0)),
            pl.BlockSpec((k, n), lambda i: (0, 0)),
            pl.BlockSpec((1, n), lambda i: (0, 0)),
        ],
        out_specs=pl.BlockSpec((tile_m, n), lambda i: (i, 0)),
        out_shape=jax.ShapeDtypeStruct((m, n), jnp.float32),
    )(x, wt, b[None, :])



def _sample_prep_kernel(q_ref, wx_ref, wy_ref, wa_ref, bx_ref, by_ref, ba_ref,
                        rpx_ref, rpy_ref, idx_ref, w_ref):
    t = q_ref.shape[0]
    q = q_ref[...]
    offx = jnp.dot(q, wx_ref[...], preferred_element_type=jnp.float32) + bx_ref[...]
    offy = jnp.dot(q, wy_ref[...], preferred_element_type=jnp.float32) + by_ref[...]
    logits = jnp.dot(q, wa_ref[...], preferred_element_type=jnp.float32) + ba_ref[...]

    m = jnp.max(logits, axis=1, keepdims=True)
    e = jnp.exp(logits - m)
    gi = lax.broadcasted_iota(jnp.int32, (128, 128), 0) // 16
    gj = lax.broadcasted_iota(jnp.int32, (128, 128), 1) // 16
    gmat = (gi == gj).astype(jnp.float32)
    denom = jnp.dot(e, gmat, preferred_element_type=jnp.float32)
    aw = e / denom

    lane = lax.broadcasted_iota(jnp.int32, (t, 128), 1)
    lvl = (lane % 16) // 4
    hh = lane // 16
    wl_i = jnp.where(lvl == 0, 256, jnp.where(lvl == 1, 128, jnp.where(lvl == 2, 64, 32)))
    hl_i = wl_i
    sl = jnp.where(lvl == 0, 0, jnp.where(lvl == 1, 65536, jnp.where(lvl == 2, 81920, 86016)))
    wl = wl_i.astype(jnp.float32)
    hl = hl_i.astype(jnp.float32)

    row = pl.program_id(0) * t + lax.broadcasted_iota(jnp.int32, (t, 128), 0)
    bvec = row // LQ

    x = rpx_ref[...] * wl + offx - 0.5
    y = rpy_ref[...] * hl + offy - 0.5
    x0 = jnp.floor(x)
    y0 = jnp.floor(y)
    fx = x - x0
    fy = y - y0

    for c, (dx, dy) in enumerate(((0, 0), (1, 0), (0, 1), (1, 1))):
        ix = x0 + dx
        iy = y0 + dy
        valid = ((ix >= 0) & (ix <= wl - 1) & (iy >= 0) & (iy <= hl - 1))
        ixc = jnp.clip(ix, 0, wl - 1).astype(jnp.int32)
        iyc = jnp.clip(iy, 0, hl - 1).astype(jnp.int32)
        pos = sl + iyc * wl_i + ixc
        gidx = (bvec * LEN + pos) * NH + hh
        wb = (fx if dx else 1.0 - fx) * (fy if dy else 1.0 - fy)
        wgt = jnp.where(valid, aw * wb, 0.0)
        idx_ref[c] = gidx
        w_ref[c] = wgt


def _sample_prep(q2, wxt, wyt, wat, bx, by, ba, rpx, rpy):
    tq = 2048
    rep = lambda i: (i, 0)
    full = lambda i: (0, 0)
    return pl.pallas_call(
        _sample_prep_kernel,
        grid=(BQ // tq,),
        in_specs=[
            pl.BlockSpec((tq, C), rep),
            pl.BlockSpec((C, 128), full),
            pl.BlockSpec((C, 128), full),
            pl.BlockSpec((C, 128), full),
            pl.BlockSpec((1, 128), full),
            pl.BlockSpec((1, 128), full),
            pl.BlockSpec((1, 128), full),
            pl.BlockSpec((tq, 128), rep),
            pl.BlockSpec((tq, 128), rep),
        ],
        out_specs=[
            pl.BlockSpec((4, tq, 128), lambda i: (0, i, 0)),
            pl.BlockSpec((4, tq, 128), lambda i: (0, i, 0)),
        ],
        out_shape=[
            jax.ShapeDtypeStruct((4, BQ, 128), jnp.int32),
            jax.ShapeDtypeStruct((4, BQ, 128), jnp.float32),
        ],
    )(q2, wxt, wyt, wat, bx[None, :], by[None, :], ba[None, :], rpx, rpy)



def _lane_bcast(v, j):
    idx = jnp.full((16,), j, dtype=jnp.int32)
    return lax.gather(
        v, idx[:, None],
        dimension_numbers=lax.GatherDimensionNumbers(
            offset_dims=(), collapsed_slice_dims=(0,), start_index_map=(0,)),
        slice_sizes=(1,), mode=lax.GatherScatterMode.PROMISE_IN_BOUNDS)


def _sc_gather_body(table_hbm, idx_hbm, w_hbm, out_hbm,
                    idxs_v, ws_v, rows0_v, rows1_v, out_v, sem0, sem1):
    wid = lax.axis_index("s") * NC + lax.axis_index("c")
    base = wid * BQ_PER_W

    stage = []
    for c in range(4):
        stage.append(pltpu.async_copy(idx_hbm.at[c, pl.ds(base, BQ_PER_W)],
                                      idxs_v.at[c], sem0))
        stage.append(pltpu.async_copy(w_hbm.at[c, pl.ds(base, BQ_PER_W)],
                                      ws_v.at[c], sem0))
    for cp in stage:
        cp.wait()

    def issue(i, rows_v, sem):
        return [pltpu.async_copy(table_hbm.at[idxs_v.at[c, i]],
                                 rows_v.at[pl.ds(c * 128, 128)], sem)
                for c in range(4)]

    def drain(rows_v, sem):
        for c in range(4):
            pltpu.make_async_copy(table_hbm.at[idxs_v.at[0, 0]],
                                  rows_v.at[pl.ds(c * 128, 128)], sem).wait()

    def compute(i, rows_v):
        def h_body(h, carry):
            hbase = h * 16
            acc_e = jnp.zeros((16,), jnp.float32)
            acc_o = jnp.zeros((16,), jnp.float32)
            for c in range(4):
                wv = ws_v[c, i, pl.ds(hbase, 16)]
                for j in range(16):
                    wj = _lane_bcast(wv, j)
                    bits = rows_v[c * 128 + hbase + j, :]
                    even = plsc.bitcast(bits << 16, jnp.float32)
                    odd = plsc.bitcast(bits, jnp.float32)
                    acc_e = acc_e + wj * even
                    acc_o = acc_o + wj * odd
            out_v[i, h, pl.ds(0, 16)] = acc_e
            out_v[i, h, pl.ds(16, 16)] = acc_o
            return carry

        lax.fori_loop(0, NH, h_body, 0)

    issue(0, rows0_v, sem0)

    def step(s, carry):
        i0 = 2 * s
        i1 = i0 + 1
        issue(i1, rows1_v, sem1)
        drain(rows0_v, sem0)
        compute(i0, rows0_v)

        @pl.when(s < BQ_PER_W // 2 - 1)
        def _():
            issue(i0 + 2, rows0_v, sem0)

        drain(rows1_v, sem1)
        compute(i1, rows1_v)
        return carry

    lax.fori_loop(0, BQ_PER_W // 2, step, 0)
    pltpu.sync_copy(out_v, out_hbm.at[pl.ds(base, BQ_PER_W)])


def _sc_gather(table, idx3, w3):
    mesh = plsc.VectorSubcoreMesh(core_axis_name="c", subcore_axis_name="s")
    f = functools.partial(
        pl.kernel, _sc_gather_body, mesh=mesh,
        compiler_params=pltpu.CompilerParams(use_tc_tiling_on_sc=False,
                                             needs_layout_passes=False),
        out_type=jax.ShapeDtypeStruct((BQ, NH, D), jnp.float32),
        scratch_types=[
            pltpu.VMEM((4, BQ_PER_W, 128), jnp.int32),
            pltpu.VMEM((4, BQ_PER_W, 128), jnp.float32),
            pltpu.VMEM((NT, D // 2), jnp.int32),
            pltpu.VMEM((NT, D // 2), jnp.int32),
            pltpu.VMEM((BQ_PER_W, NH, D), jnp.float32),
            pltpu.SemaphoreType.DMA,
            pltpu.SemaphoreType.DMA,
        ],
    )()
    return f(table, idx3, w3)



def kernel(query, reference_points, input_flatten, input_spatial_shapes,
           input_level_start_index, W_value, b_value, W_off, b_off,
           W_attn, b_attn, W_out, b_out):
    q2 = query.reshape(BQ, C)

    wvt = W_value.T
    ch = jnp.arange(C)
    cols_lo = (ch // 16) * 32 + ch % 16
    cols = jnp.concatenate([cols_lo[:128], cols_lo[:128] + 16])
    wlo = wvt[:, cols[:128]]
    whi = wvt[:, cols[128:]]
    value = _value_mm(input_flatten.reshape(B * LEN, C), wlo, whi,
                      b_value[cols[:128]], b_value[cols[128:]], 10880)
    table = value.reshape(NROWS, D // 2)

    wxt = W_off[0::2].T
    wyt = W_off[1::2].T
    bx = b_off[0::2]
    by = b_off[1::2]
    rp = reference_points.reshape(BQ, NL, 2)
    rpx = jnp.tile(jnp.repeat(rp[:, :, 0], NP, axis=1), (1, NH))
    rpy = jnp.tile(jnp.repeat(rp[:, :, 1], NP, axis=1), (1, NH))
    idx_all, w_all = _sample_prep(q2, wxt, wyt, W_attn.T, bx, by, b_attn, rpx, rpy)

    acc = _sc_gather(table, idx_all, w_all)

    out = _mm_bias(acc.reshape(BQ, C), W_out.T, b_out, 1024)
    return out.reshape(B, LQ, C)

# --- scband reference (transcript-rebuilt; emitter-appended) ---
"""Pipeline reference for scband-multi-scale-deformable-attention-60387240181807 (READ-ONLY COPY).

The authoritative reference and input builder live on the scoring server;
editing this copy changes nothing except your own understanding.
"""

import jax, jax.numpy as jnp
import numpy as np
import math

NH = 8
NP = 4


def bilinear_sample(img, grid):
    # img: [N, D, H, W]; grid: [N, Lq, P, 2] in [-1, 1]
    # F.grid_sample(mode='bilinear', padding_mode='zeros', align_corners=False)
    N, D, Hh, Ww = img.shape
    Lq, P = grid.shape[1], grid.shape[2]
    x = (grid[..., 0] + 1.0) * Ww / 2.0 - 0.5
    y = (grid[..., 1] + 1.0) * Hh / 2.0 - 0.5
    x0 = jnp.floor(x)
    y0 = jnp.floor(y)
    flat = img.reshape(N, D, Hh * Ww)

    def corner(ix, iy, w):
        valid = ((ix >= 0) & (ix <= Ww - 1) & (iy >= 0) & (iy <= Hh - 1)).astype(img.dtype)
        ixc = jnp.clip(ix, 0, Ww - 1).astype(jnp.int32)
        iyc = jnp.clip(iy, 0, Hh - 1).astype(jnp.int32)
        idx = (iyc * Ww + ixc).reshape(N, Lq * P)
        g = jax.vmap(lambda f, i: jnp.take(f, i, axis=1))(flat, idx)
        return g * (valid * w).reshape(N, 1, Lq * P)

    out = (corner(x0, y0, (x0 + 1.0 - x) * (y0 + 1.0 - y))
           + corner(x0 + 1.0, y0, (x - x0) * (y0 + 1.0 - y))
           + corner(x0, y0 + 1.0, (x0 + 1.0 - x) * (y - y0))
           + corner(x0 + 1.0, y0 + 1.0, (x - x0) * (y - y0)))
    return out.reshape(N, D, Lq, P)


def _forward(query, reference_points, input_flatten, shapes,
             input_spatial_shapes, input_level_start_index,
             W_value, b_value, W_off, b_off, W_attn, b_attn, W_out, b_out):
    B, Lq, C = query.shape
    nL = len(shapes)
    D = C // NH
    value = input_flatten @ W_value.T + b_value
    value = value.reshape(B, -1, NH, D)
    off = (query @ W_off.T + b_off).reshape(B, Lq, NH, nL, NP, 2)
    aw = jax.nn.softmax((query @ W_attn.T + b_attn).reshape(B, Lq, NH, nL * NP), axis=-1)
    aw = aw.reshape(B, Lq, NH, nL, NP)
    normalizer = input_spatial_shapes[:, ::-1].astype(query.dtype)
    loc = reference_points[:, :, None, :, None, :] + off / normalizer[None, None, None, :, None, :]
    grids = 2.0 * loc - 1.0  # [B, Lq, NH, nL, NP, 2]
    samples = []
    for lid, (H_l, W_l) in enumerate(shapes):
        start = input_level_start_index[lid]
        v = jax.lax.dynamic_slice_in_dim(value, start, H_l * W_l, axis=1)
        v = v.transpose(0, 2, 3, 1).reshape(B * NH, D, H_l, W_l)
        g = grids[:, :, :, lid].transpose(0, 2, 1, 3, 4).reshape(B * NH, Lq, NP, 2)
        s = bilinear_sample(v, g).reshape(B, NH, D, Lq, NP).transpose(0, 3, 1, 4, 2)
        samples.append(s)
    stacked = jnp.stack(samples, axis=3)  # [B, Lq, NH, nL, NP, D]
    out = (stacked * aw[..., None]).sum(axis=4).sum(axis=3).reshape(B, Lq, C)
    return out @ W_out.T + b_out


def setup_inputs(seed: int = 0) -> dict:
    key = jax.random.key(seed)
    B, Lq, C = 2, 1024, 256
    nL = 4
    shapes = np.array([[256, 256], [128, 128], [64, 64], [32, 32]], dtype=np.int64)
    Len_in = int((shapes[:, 0] * shapes[:, 1]).sum())
    ks = jax.random.split(key, 10)
    query = jax.random.normal(ks[0], (B, Lq, C), dtype=jnp.float32)
    reference_points = jax.random.uniform(ks[1], (B, Lq, nL, 2), dtype=jnp.float32)
    input_flatten = jax.random.normal(ks[2], (B, Len_in, C), dtype=jnp.float32)
    level_start = np.concatenate(([0], np.cumsum(shapes[:, 0] * shapes[:, 1])[:-1])).astype(np.int64)
    W_value = jax.random.normal(ks[3], (C, C), dtype=jnp.float32) / np.sqrt(C)
    b_value = jnp.zeros((C,), jnp.float32)
    W_off = jax.random.normal(ks[4], (NH * nL * NP * 2, C), dtype=jnp.float32) * 0.01
    thetas = np.arange(NH, dtype=np.float32) * (2.0 * math.pi / NH)
    grid_init = np.stack([np.cos(thetas), np.sin(thetas)], -1)
    grid_init = grid_init / np.abs(grid_init).max(-1, keepdims=True)
    grid_init = np.tile(grid_init.reshape(NH, 1, 1, 2), (1, nL, NP, 1))
    for i in range(NP):
        grid_init[:, :, i, :] *= i + 1
    b_off = jnp.asarray(grid_init.reshape(-1).astype(np.float32))
    W_attn = jax.random.normal(ks[5], (NH * nL * NP, C), dtype=jnp.float32) * 0.01
    b_attn = jnp.zeros((NH * nL * NP,), jnp.float32)
    W_out = jax.random.normal(ks[6], (C, C), dtype=jnp.float32) / np.sqrt(C)
    b_out = jnp.zeros((C,), jnp.float32)
    return {"query": query, "reference_points": reference_points, "input_flatten": input_flatten,
            "input_spatial_shapes": jnp.asarray(shapes), "input_level_start_index": jnp.asarray(level_start),
            "W_value": W_value, "b_value": b_value, "W_off": W_off, "b_off": b_off,
            "W_attn": W_attn, "b_attn": b_attn, "W_out": W_out, "b_out": b_out}


def reference(query, reference_points, input_flatten, input_spatial_shapes, input_level_start_index,
              W_value, b_value, W_off, b_off, W_attn, b_attn, W_out, b_out):
    shapes = ((256, 256), (128, 128), (64, 64), (32, 32))
    return _forward(query, reference_points, input_flatten, shapes,
                    input_spatial_shapes, input_level_start_index,
                    W_value, b_value, W_off, b_off, W_attn, b_attn, W_out, b_out)

if __name__ == "__main__":
    import jax
    _d = setup_inputs()
    print(jax.jit(kernel)(*tuple(_d.values())))

</pallas_src>

<mosaic_0001>
#map = affine_map<(d0, d1) -> (0, 0)>
#map1 = affine_map<(d0, d1) -> (0, 0, 0)>
module attributes {stable_mosaic.version = 14 : i64} {
  func.func @_sc_gather_body(%arg0: i32, %arg1: i32, %arg2: memref<1392640x16xi32, #tpu.memory_space<hbm>>, %arg3: memref<4x2048x128xi32, #tpu.memory_space<hbm>>, %arg4: memref<4x2048x128xf32, #tpu.memory_space<hbm>>, %arg5: memref<2048x8x32xf32, #tpu.memory_space<hbm>>, %arg6: memref<4x64x128xi32, #tpu.memory_space<vmem>>, %arg7: memref<4x64x128xf32, #tpu.memory_space<vmem>>, %arg8: memref<512x16xi32, #tpu.memory_space<vmem>>, %arg9: memref<512x16xi32, #tpu.memory_space<vmem>>, %arg10: memref<64x8x32xf32, #tpu.memory_space<vmem>>, %arg11: memref<!tpu.dma_semaphore, #tpu.memory_space<semaphore_mem>>, %arg12: memref<!tpu.dma_semaphore, #tpu.memory_space<semaphore_mem>>) attributes {dimension_semantics = [#tpu.dimension_semantics<core_parallel>, #tpu.dimension_semantics<subcore_parallel>], iteration_bounds = array<i64: 2, 16>, scalar_prefetch = 0 : i64, scratch_operands = 7 : i64, tpu.core_type = #tpu.core_type<sc_vector_subcore>, window_params = [{transform_indices = #map}, {transform_indices = #map1}, {transform_indices = #map1}, {transform_indices = #map1}]} {
    %mul3A = arith.constant 2 : i32
    %mul3A_0 = arith.muli %arg1, %mul3A : i32
    %add3A = arith.addi %mul3A_0, %arg0 : i32
    %mul3A_1 = arith.constant 64 : i32
    %mul3A_2 = arith.muli %add3A, %mul3A_1 : i32
    %dma_start3A = arith.constant 0 : i32
    %dma_start3A_3 = arith.constant 0 : i32
    %dma_start3A_4 = arith.constant 0 : i32
    %dma_start3A_5 = arith.constant 0 : i32
    %dma_start3A_6 = tpu.memref_slice %arg6[%dma_start3A_3, %dma_start3A_4, %dma_start3A_5] : memref<4x64x128xi32, #tpu.memory_space<vmem>> -> memref<1x64x128xi32, #tpu.memory_space<vmem>>
    %dma_start3A_7 = tpu.memref_squeeze %dma_start3A_6 : memref<1x64x128xi32, #tpu.memory_space<vmem>> -> memref<64x128xi32, #tpu.memory_space<vmem>>
    %dma_start3A_8 = arith.constant 0 : i32
    %dma_start3A_9 = tpu.memref_slice %arg3[%dma_start3A, %mul3A_2, %dma_start3A_8] : memref<4x2048x128xi32, #tpu.memory_space<hbm>> -> memref<1x64x128xi32, #tpu.memory_space<hbm>>
    %dma_start3A_10 = tpu.memref_squeeze %dma_start3A_9 : memref<1x64x128xi32, #tpu.memory_space<hbm>> -> memref<64x128xi32, #tpu.memory_space<hbm>>
    %dma_start3A_11 = arith.constant 0 : i32
    %dma_start3A_12 = arith.constant 0 : i32
    %dma_start3A_13 = tpu.memref_slice %arg6[%dma_start3A_3, %dma_start3A_11, %dma_start3A_12] : memref<4x64x128xi32, #tpu.memory_space<vmem>> -> memref<1x64x128xi32, #tpu.memory_space<vmem>>
    %dma_start3A_14 = tpu.memref_squeeze %dma_start3A_13 : memref<1x64x128xi32, #tpu.memory_space<vmem>> -> memref<64x128xi32, #tpu.memory_space<vmem>>
    %dma_start3A_15 = arith.constant 0 : i32
    %dma_start3A_16 = tpu.memref_slice %arg3[%dma_start3A, %mul3A_2, %dma_start3A_15] : memref<4x2048x128xi32, #tpu.memory_space<hbm>> -> memref<1x64x128xi32, #tpu.memory_space<hbm>>
    %dma_start3A_17 = tpu.memref_squeeze %dma_start3A_16 : memref<1x64x128xi32, #tpu.memory_space<hbm>> -> memref<64x128xi32, #tpu.memory_space<hbm>>
    tpu.enqueue_dma source(%dma_start3A_17 : memref<64x128xi32, #tpu.memory_space<hbm>>) target(%dma_start3A_14 : memref<64x128xi32, #tpu.memory_space<vmem>>) target_semaphore(%arg11 : memref<!tpu.dma_semaphore, #tpu.memory_space<semaphore_mem>>)
    %dma_start3A_18 = arith.constant 0 : i32
    %dma_start3A_19 = arith.constant 0 : i32
    %dma_start3A_20 = arith.constant 0 : i32
    %dma_start3A_21 = arith.constant 0 : i32
    %dma_start3A_22 = tpu.memref_slice %arg7[%dma_start3A_19, %dma_start3A_20, %dma_start3A_21] : memref<4x64x128xf32, #tpu.memory_space<vmem>> -> memref<1x64x128xf32, #tpu.memory_space<vmem>>
    %dma_start3A_23 = tpu.memref_squeeze %dma_start3A_22 : memref<1x64x128xf32, #tpu.memory_space<vmem>> -> memref<64x128xf32, #tpu.memory_space<vmem>>
    %dma_start3A_24 = arith.constant 0 : i32
    %dma_start3A_25 = tpu.memref_slice %arg4[%dma_start3A_18, %mul3A_2, %dma_start3A_24] : memref<4x2048x128xf32, #tpu.memory_space<hbm>> -> memref<1x64x128xf32, #tpu.memory_space<hbm>>
    %dma_start3A_26 = tpu.memref_squeeze %dma_start3A_25 : memref<1x64x128xf32, #tpu.memory_space<hbm>> -> memref<64x128xf32, #tpu.memory_space<hbm>>
    %dma_start3A_27 = arith.constant 0 : i32
    %dma_start3A_28 = arith.constant 0 : i32
    %dma_start3A_29 = tpu.memref_slice %arg7[%dma_start3A_19, %dma_start3A_27, %dma_start3A_28] : memref<4x64x128xf32, #tpu.memory_space<vmem>> -> memref<1x64x128xf32, #tpu.memory_space<vmem>>
    %dma_start3A_30 = tpu.memref_squeeze %dma_start3A_29 : memref<1x64x128xf32, #tpu.memory_space<vmem>> -> memref<64x128xf32, #tpu.memory_space<vmem>>
    %dma_start3A_31 = arith.constant 0 : i32
    %dma_start3A_32 = tpu.memref_slice %arg4[%dma_start3A_18, %mul3A_2, %dma_start3A_31] : memref<4x2048x128xf32, #tpu.memory_space<hbm>> -> memref<1x64x128xf32, #tpu.memory_space<hbm>>
    %dma_start3A_33 = tpu.memref_squeeze %dma_start3A_32 : memref<1x64x128xf32, #tpu.memory_space<hbm>> -> memref<64x128xf32, #tpu.memory_space<hbm>>
    tpu.enqueue_dma source(%dma_start3A_33 : memref<64x128xf32, #tpu.memory_space<hbm>>) target(%dma_start3A_30 : memref<64x128xf32, #tpu.memory_space<vmem>>) target_semaphore(%arg11 : memref<!tpu.dma_semaphore, #tpu.memory_space<semaphore_mem>>)
    %dma_start3A_34 = arith.constant 1 : i32
    %dma_start3A_35 = arith.constant 1 : i32
    %dma_start3A_36 = arith.constant 0 : i32
    %dma_start3A_37 = arith.constant 0 : i32
    %dma_start3A_38 = tpu.memref_slice %arg6[%dma_start3A_35, %dma_start3A_36, %dma_start3A_37] : memref<4x64x128xi32, #tpu.memory_space<vmem>> -> memref<1x64x128xi32, #tpu.memory_space<vmem>>
    %dma_start3A_39 = tpu.memref_squeeze %dma_start3A_38 : memref<1x64x128xi32, #tpu.memory_space<vmem>> -> memref<64x128xi32, #tpu.memory_space<vmem>>
    %dma_start3A_40 = arith.constant 0 : i32
    %dma_start3A_41 = tpu.memref_slice %arg3[%dma_start3A_34, %mul3A_2, %dma_start3A_40] : memref<4x2048x128xi32, #tpu.memory_space<hbm>> -> memref<1x64x128xi32, #tpu.memory_space<hbm>>
    %dma_start3A_42 = tpu.memref_squeeze %dma_start3A_41 : memref<1x64x128xi32, #tpu.memory_space<hbm>> -> memref<64x128xi32, #tpu.memory_space<hbm>>
    %dma_start3A_43 = arith.constant 0 : i32
    %dma_start3A_44 = arith.constant 0 : i32
    %dma_start3A_45 = tpu.memref_slice %arg6[%dma_start3A_35, %dma_start3A_43, %dma_start3A_44] : memref<4x64x128xi32, #tpu.memory_space<vmem>> -> memref<1x64x128xi32, #tpu.memory_space<vmem>>
    %dma_start3A_46 = tpu.memref_squeeze %dma_start3A_45 : memref<1x64x128xi32, #tpu.memory_space<vmem>> -> memref<64x128xi32, #tpu.memory_space<vmem>>
    %dma_start3A_47 = arith.constant 0 : i32
    %dma_start3A_48 = tpu.memref_slice %arg3[%dma_start3A_34, %mul3A_2, %dma_start3A_47] : memref<4x2048x128xi32, #tpu.memory_space<hbm>> -> memref<1x64x128xi32, #tpu.memory_space<hbm>>
    %dma_start3A_49 = tpu.memref_squeeze %dma_start3A_48 : memref<1x64x128xi32, #tpu.memory_space<hbm>> -> memref<64x128xi32, #tpu.memory_space<hbm>>
    tpu.enqueue_dma source(%dma_start3A_49 : memref<64x128xi32, #tpu.memory_space<hbm>>) target(%dma_start3A_46 : memref<64x128xi32, #tpu.memory_space<vmem>>) target_semaphore(%arg11 : memref<!tpu.dma_semaphore, #tpu.memory_space<semaphore_mem>>)
    %dma_start3A_50 = arith.constant 1 : i32
    %dma_start3A_51 = arith.constant 1 : i32
    %dma_start3A_52 = arith.constant 0 : i32
    %dma_start3A_53 = arith.constant 0 : i32
    %dma_start3A_54 = tpu.memref_slice %arg7[%dma_start3A_51, %dma_start3A_52, %dma_start3A_53] : memref<4x64x128xf32, #tpu.memory_space<vmem>> -> memref<1x64x128xf32, #tpu.memory_space<vmem>>
    %dma_start3A_55 = tpu.memref_squeeze %dma_start3A_54 : memref<1x64x128xf32, #tpu.memory_space<vmem>> -> memref<64x128xf32, #tpu.memory_space<vmem>>
    %dma_start3A_56 = arith.constant 0 : i32
    %dma_start3A_57 = tpu.memref_slice %arg4[%dma_start3A_50, %mul3A_2, %dma_start3A_56] : memref<4x2048x128xf32, #tpu.memory_space<hbm>> -> memref<1x64x128xf32, #tpu.memory_space<hbm>>
    %dma_start3A_58 = tpu.memref_squeeze %dma_start3A_57 : memref<1x64x128xf32, #tpu.memory_space<hbm>> -> memref<64x128xf32, #tpu.memory_space<hbm>>
    %dma_start3A_59 = arith.constant 0 : i32
    %dma_start3A_60 = arith.constant 0 : i32
    %dma_start3A_61 = tpu.memref_slice %arg7[%dma_start3A_51, %dma_start3A_59, %dma_start3A_60] : memref<4x64x128xf32, #tpu.memory_space<vmem>> -> memref<1x64x128xf32, #tpu.memory_space<vmem>>
    %dma_start3A_62 = tpu.memref_squeeze %dma_start3A_61 : memref<1x64x128xf32, #tpu.memory_space<vmem>> -> memref<64x128xf32, #tpu.memory_space<vmem>>
    %dma_start3A_63 = arith.constant 0 : i32
    %dma_start3A_64 = tpu.memref_slice %arg4[%dma_start3A_50, %mul3A_2, %dma_start3A_63] : memref<4x2048x128xf32, #tpu.memory_space<hbm>> -> memref<1x64x128xf32, #tpu.memory_space<hbm>>
    %dma_start3A_65 = tpu.memref_squeeze %dma_start3A_64 : memref<1x64x128xf32, #tpu.memory_space<hbm>> -> memref<64x128xf32, #tpu.memory_space<hbm>>
    tpu.enqueue_dma source(%dma_start3A_65 : memref<64x128xf32, #tpu.memory_space<hbm>>) target(%dma_start3A_62 : memref<64x128xf32, #tpu.memory_space<vmem>>) target_semaphore(%arg11 : memref<!tpu.dma_semaphore, #tpu.memory_space<semaphore_mem>>)
    %dma_start3A_66 = arith.constant 2 : i32
    %dma_start3A_67 = arith.constant 2 : i32
    %dma_start3A_68 = arith.constant 0 : i32
    %dma_start3A_69 = arith.constant 0 : i32
    %dma_start3A_70 = tpu.memref_slice %arg6[%dma_start3A_67, %dma_start3A_68, %dma_start3A_69] : memref<4x64x128xi32, #tpu.memory_space<vmem>> -> memref<1x64x128xi32, #tpu.memory_space<vmem>>
    %dma_start3A_71 = tpu.memref_squeeze %dma_start3A_70 : memref<1x64x128xi32, #tpu.memory_space<vmem>> -> memref<64x128xi32, #tpu.memory_space<vmem>>
    %dma_start3A_72 = arith.constant 0 : i32
    %dma_start3A_73 = tpu.memref_slice %arg3[%dma_start3A_66, %mul3A_2, %dma_start3A_72] : memref<4x2048x128xi32, #tpu.memory_space<hbm>> -> memref<1x64x128xi32, #tpu.memory_space<hbm>>
    %dma_start3A_74 = tpu.memref_squeeze %dma_start3A_73 : memref<1x64x128xi32, #tpu.memory_space<hbm>> -> memref<64x128xi32, #tpu.memory_space<hbm>>
    %dma_start3A_75 = arith.constant 0 : i32
    %dma_start3A_76 = arith.constant 0 : i32
    %dma_start3A_77 = tpu.memref_slice %arg6[%dma_start3A_67, %dma_start3A_75, %dma_start3A_76] : memref<4x64x128xi32, #tpu.memory_space<vmem>> -> memref<1x64x128xi32, #tpu.memory_space<vmem>>
    %dma_start3A_78 = tpu.memref_squeeze %dma_start3A_77 : memref<1x64x128xi32, #tpu.memory_space<vmem>> -> memref<64x128xi32, #tpu.memory_space<vmem>>
    %dma_start3A_79 = arith.constant 0 : i32
    %dma_start3A_80 = tpu.memref_slice %arg3[%dma_start3A_66, %mul3A_2, %dma_start3A_79] : memref<4x2048x128xi32, #tpu.memory_space<hbm>> -> memref<1x64x128xi32, #tpu.memory_space<hbm>>
    %dma_start3A_81 = tpu.memref_squeeze %dma_start3A_80 : memref<1x64x128xi32, #tpu.memory_space<hbm>> -> memref<64x128xi32, #tpu.memory_space<hbm>>
    tpu.enqueue_dma source(%dma_start3A_81 : memref<64x128xi32, #tpu.memory_space<hbm>>) target(%dma_start3A_78 : memref<64x128xi32, #tpu.memory_space<vmem>>) target_semaphore(%arg11 : memref<!tpu.dma_semaphore, #tpu.memory_space<semaphore_mem>>)
    %dma_start3A_82 = arith.constant 2 : i32
    %dma_start3A_83 = arith.constant 2 : i32
    %dma_start3A_84 = arith.constant 0 : i32
    %dma_start3A_85 = arith.constant 0 : i32
    %dma_start3A_86 = tpu.memref_slice %arg7[%dma_start3A_83, %dma_start3A_84, %dma_start3A_85] : memref<4x64x128xf32, #tpu.memory_space<vmem>> -> memref<1x64x128xf32, #tpu.memory_space<vmem>>
    %dma_start3A_87 = tpu.memref_squeeze %dma_start3A_86 : memref<1x64x128xf32, #tpu.memory_space<vmem>> -> memref<64x128xf32, #tpu.memory_space<vmem>>
    %dma_start3A_88 = arith.constant 0 : i32
    %dma_start3A_89 = tpu.memref_slice %arg4[%dma_start3A_82, %mul3A_2, %dma_start3A_88] : memref<4x2048x128xf32, #tpu.memory_space<hbm>> -> memref<1x64x128xf32, #tpu.memory_space<hbm>>
    %dma_start3A_90 = tpu.memref_squeeze %dma_start3A_89 : memref<1x64x128xf32, #tpu.memory_space<hbm>> -> memref<64x128xf32, #tpu.memory_space<hbm>>
    %dma_start3A_91 = arith.constant 0 : i32
    %dma_start3A_92 = arith.constant 0 : i32
    %dma_start3A_93 = tpu.memref_slice %arg7[%dma_start3A_83, %dma_start3A_91, %dma_start3A_92] : memref<4x64x128xf32, #tpu.memory_space<vmem>> -> memref<1x64x128xf32, #tpu.memory_space<vmem>>
    %dma_start3A_94 = tpu.memref_squeeze %dma_start3A_93 : memref<1x64x128xf32, #tpu.memory_space<vmem>> -> memref<64x128xf32, #tpu.memory_space<vmem>>
    %dma_start3A_95 = arith.constant 0 : i32
    %dma_start3A_96 = tpu.memref_slice %arg4[%dma_start3A_82, %mul3A_2, %dma_start3A_95] : memref<4x2048x128xf32, #tpu.memory_space<hbm>> -> memref<1x64x128xf32, #tpu.memory_space<hbm>>
    %dma_start3A_97 = tpu.memref_squeeze %dma_start3A_96 : memref<1x64x128xf32, #tpu.memory_space<hbm>> -> memref<64x128xf32, #tpu.memory_space<hbm>>
    tpu.enqueue_dma source(%dma_start3A_97 : memref<64x128xf32, #tpu.memory_space<hbm>>) target(%dma_start3A_94 : memref<64x128xf32, #tpu.memory_space<vmem>>) target_semaphore(%arg11 : memref<!tpu.dma_semaphore, #tpu.memory_space<semaphore_mem>>)
    %dma_start3A_98 = arith.constant 3 : i32
    %dma_start3A_99 = arith.constant 3 : i32
    %dma_start3A_100 = arith.constant 0 : i32
    %dma_start3A_101 = arith.constant 0 : i32
    %dma_start3A_102 = tpu.memref_slice %arg6[%dma_start3A_99, %dma_start3A_100, %dma_start3A_101] : memref<4x64x128xi32, #tpu.memory_space<vmem>> -> memref<1x64x128xi32, #tpu.memory_space<vmem>>
    %dma_start3A_103 = tpu.memref_squeeze %dma_start3A_102 : memref<1x64x128xi32, #tpu.memory_space<vmem>> -> memref<64x128xi32, #tpu.memory_space<vmem>>
    %dma_start3A_104 = arith.constant 0 : i32
    %dma_start3A_105 = tpu.memref_slice %arg3[%dma_start3A_98, %mul3A_2, %dma_start3A_104] : memref<4x2048x128xi32, #tpu.memory_space<hbm>> -> memref<1x64x128xi32, #tpu.memory_space<hbm>>
    %dma_start3A_106 = tpu.memref_squeeze %dma_start3A_105 : memref<1x64x128xi32, #tpu.memory_space<hbm>> -> memref<64x128xi32, #tpu.memory_space<hbm>>
    %dma_start3A_107 = arith.constant 0 : i32
    %dma_start3A_108 = arith.constant 0 : i32
    %dma_start3A_109 = tpu.memref_slice %arg6[%dma_start3A_99, %dma_start3A_107, %dma_start3A_108] : memref<4x64x128xi32, #tpu.memory_space<vmem>> -> memref<1x64x128xi32, #tpu.memory_space<vmem>>
    %dma_start3A_110 = tpu.memref_squeeze %dma_start3A_109 : memref<1x64x128xi32, #tpu.memory_space<vmem>> -> memref<64x128xi32, #tpu.memory_space<vmem>>
    %dma_start3A_111 = arith.constant 0 : i32
    %dma_start3A_112 = tpu.memref_slice %arg3[%dma_start3A_98, %mul3A_2, %dma_start3A_111] : memref<4x2048x128xi32, #tpu.memory_space<hbm>> -> memref<1x64x128xi32, #tpu.memory_space<hbm>>
    %dma_start3A_113 = tpu.memref_squeeze %dma_start3A_112 : memref<1x64x128xi32, #tpu.memory_space<hbm>> -> memref<64x128xi32, #tpu.memory_space<hbm>>
    tpu.enqueue_dma source(%dma_start3A_113 : memref<64x128xi32, #tpu.memory_space<hbm>>) target(%dma_start3A_110 : memref<64x128xi32, #tpu.memory_space<vmem>>) target_semaphore(%arg11 : memref<!tpu.dma_semaphore, #tpu.memory_space<semaphore_mem>>)
    %dma_start3A_114 = arith.constant 3 : i32
    %dma_start3A_115 = arith.constant 3 : i32
    %dma_start3A_116 = arith.constant 0 : i32
    %dma_start3A_117 = arith.constant 0 : i32
    %dma_start3A_118 = tpu.memref_slice %arg7[%dma_start3A_115, %dma_start3A_116, %dma_start3A_117] : memref<4x64x128xf32, #tpu.memory_space<vmem>> -> memref<1x64x128xf32, #tpu.memory_space<vmem>>
    %dma_start3A_119 = tpu.memref_squeeze %dma_start3A_118 : memref<1x64x128xf32, #tpu.memory_space<vmem>> -> memref<64x128xf32, #tpu.memory_space<vmem>>
    %dma_start3A_120 = arith.constant 0 : i32
    %dma_start3A_121 = tpu.memref_slice %arg4[%dma_start3A_114, %mul3A_2, %dma_start3A_120] : memref<4x2048x128xf32, #tpu.memory_space<hbm>> -> memref<1x64x128xf32, #tpu.memory_space<hbm>>
    %dma_start3A_122 = tpu.memref_squeeze %dma_start3A_121 : memref<1x64x128xf32, #tpu.memory_space<hbm>> -> memref<64x128xf32, #tpu.memory_space<hbm>>
    %dma_start3A_123 = arith.constant 0 : i32
    %dma_start3A_124 = arith.constant 0 : i32
    %dma_start3A_125 = tpu.memref_slice %arg7[%dma_start3A_115, %dma_start3A_123, %dma_start3A_124] : memref<4x64x128xf32, #tpu.memory_space<vmem>> -> memref<1x64x128xf32, #tpu.memory_space<vmem>>
    %dma_start3A_126 = tpu.memref_squeeze %dma_start3A_125 : memref<1x64x128xf32, #tpu.memory_space<vmem>> -> memref<64x128xf32, #tpu.memory_space<vmem>>
    %dma_start3A_127 = arith.constant 0 : i32
    %dma_start3A_128 = tpu.memref_slice %arg4[%dma_start3A_114, %mul3A_2, %dma_start3A_127] : memref<4x2048x128xf32, #tpu.memory_space<hbm>> -> memref<1x64x128xf32, #tpu.memory_space<hbm>>
    %dma_start3A_129 = tpu.memref_squeeze %dma_start3A_128 : memref<1x64x128xf32, #tpu.memory_space<hbm>> -> memref<64x128xf32, #tpu.memory_space<hbm>>
    tpu.enqueue_dma source(%dma_start3A_129 : memref<64x128xf32, #tpu.memory_space<hbm>>) target(%dma_start3A_126 : memref<64x128xf32, #tpu.memory_space<vmem>>) target_semaphore(%arg11 : memref<!tpu.dma_semaphore, #tpu.memory_space<semaphore_mem>>)
    %dma_wait3A = arith.constant 0 : i32
    %dma_wait3A_130 = arith.constant 0 : i32
    %dma_wait3A_131 = arith.constant 0 : i32
    %dma_wait3A_132 = arith.constant 0 : i32
    %dma_wait3A_133 = tpu.memref_slice %arg6[%dma_wait3A_130, %dma_wait3A_131, %dma_wait3A_132] : memref<4x64x128xi32, #tpu.memory_space<vmem>> -> memref<1x64x128xi32, #tpu.memory_space<vmem>>
    %dma_wait3A_134 = tpu.memref_squeeze %dma_wait3A_133 : memref<1x64x128xi32, #tpu.memory_space<vmem>> -> memref<64x128xi32, #tpu.memory_space<vmem>>
    %dma_wait3A_135 = arith.constant 0 : i32
    %dma_wait3A_136 = tpu.memref_slice %arg3[%dma_wait3A, %mul3A_2, %dma_wait3A_135] : memref<4x2048x128xi32, #tpu.memory_space<hbm>> -> memref<1x64x128xi32, #tpu.memory_space<hbm>>
    %dma_wait3A_137 = tpu.memref_squeeze %dma_wait3A_136 : memref<1x64x128xi32, #tpu.memory_space<hbm>> -> memref<64x128xi32, #tpu.memory_space<hbm>>
    %dma_wait3A_138 = arith.constant 0 : i32
    %dma_wait3A_139 = arith.constant 0 : i32
    %dma_wait3A_140 = tpu.memref_slice %arg6[%dma_wait3A_130, %dma_wait3A_138, %dma_wait3A_139] : memref<4x64x128xi32, #tpu.memory_space<vmem>> -> memref<1x64x128xi32, #tpu.memory_space<vmem>>
    %dma_wait3A_141 = tpu.memref_squeeze %dma_wait3A_140 : memref<1x64x128xi32, #tpu.memory_space<vmem>> -> memref<64x128xi32, #tpu.memory_space<vmem>>
    %dma_wait3A_142 = arith.constant 0 : i32
    %dma_wait3A_143 = tpu.memref_slice %arg3[%dma_wait3A, %mul3A_2, %dma_wait3A_142] : memref<4x2048x128xi32, #tpu.memory_space<hbm>> -> memref<1x64x128xi32, #tpu.memory_space<hbm>>
    %dma_wait3A_144 = tpu.memref_squeeze %dma_wait3A_143 : memref<1x64x128xi32, #tpu.memory_space<hbm>> -> memref<64x128xi32, #tpu.memory_space<hbm>>
    tpu.wait_dma2 semaphore(%arg11 : memref<!tpu.dma_semaphore, #tpu.memory_space<semaphore_mem>>) src(%dma_wait3A_144 : memref<64x128xi32, #tpu.memory_space<hbm>>) dst(%dma_wait3A_141 : memref<64x128xi32, #tpu.memory_space<vmem>>)
    %dma_wait3A_145 = arith.constant 0 : i32
    %dma_wait3A_146 = arith.constant 0 : i32
    %dma_wait3A_147 = arith.constant 0 : i32
    %dma_wait3A_148 = arith.constant 0 : i32
    %dma_wait3A_149 = tpu.memref_slice %arg7[%dma_wait3A_146, %dma_wait3A_147, %dma_wait3A_148] : memref<4x64x128xf32, #tpu.memory_space<vmem>> -> memref<1x64x128xf32, #tpu.memory_space<vmem>>
    %dma_wait3A_150 = tpu.memref_squeeze %dma_wait3A_149 : memref<1x64x128xf32, #tpu.memory_space<vmem>> -> memref<64x128xf32, #tpu.memory_space<vmem>>
    %dma_wait3A_151 = arith.constant 0 : i32
    %dma_wait3A_152 = tpu.memref_slice %arg4[%dma_wait3A_145, %mul3A_2, %dma_wait3A_151] : memref<4x2048x128xf32, #tpu.memory_space<hbm>> -> memref<1x64x128xf32, #tpu.memory_space<hbm>>
    %dma_wait3A_153 = tpu.memref_squeeze %dma_wait3A_152 : memref<1x64x128xf32, #tpu.memory_space<hbm>> -> memref<64x128xf32, #tpu.memory_space<hbm>>
    %dma_wait3A_154 = arith.constant 0 : i32
    %dma_wait3A_155 = arith.constant 0 : i32
    %dma_wait3A_156 = tpu.memref_slice %arg7[%dma_wait3A_146, %dma_wait3A_154, %dma_wait3A_155] : memref<4x64x128xf32, #tpu.memory_space<vmem>> -> memref<1x64x128xf32, #tpu.memory_space<vmem>>
    %dma_wait3A_157 = tpu.memref_squeeze %dma_wait3A_156 : memref<1x64x128xf32, #tpu.memory_space<vmem>> -> memref<64x128xf32, #tpu.memory_space<vmem>>
    %dma_wait3A_158 = arith.constant 0 : i32
    %dma_wait3A_159 = tpu.memref_slice %arg4[%dma_wait3A_145, %mul3A_2, %dma_wait3A_158] : memref<4x2048x128xf32, #tpu.memory_space<hbm>> -> memref<1x64x128xf32, #tpu.memory_space<hbm>>
    %dma_wait3A_160 = tpu.memref_squeeze %dma_wait3A_159 : memref<1x64x128xf32, #tpu.memory_space<hbm>> -> memref<64x128xf32, #tpu.memory_space<hbm>>
    tpu.wait_dma2 semaphore(%arg11 : memref<!tpu.dma_semaphore, #tpu.memory_space<semaphore_mem>>) src(%dma_wait3A_160 : memref<64x128xf32, #tpu.memory_space<hbm>>) dst(%dma_wait3A_157 : memref<64x128xf32, #tpu.memory_space<vmem>>)
    %dma_wait3A_161 = arith.constant 1 : i32
    %dma_wait3A_162 = arith.constant 1 : i32
    %dma_wait3A_163 = arith.constant 0 : i32
    %dma_wait3A_164 = arith.constant 0 : i32
    %dma_wait3A_165 = tpu.memref_slice %arg6[%dma_wait3A_162, %dma_wait3A_163, %dma_wait3A_164] : memref<4x64x128xi32, #tpu.memory_space<vmem>> -> memref<1x64x128xi32, #tpu.memory_space<vmem>>
    %dma_wait3A_166 = tpu.memref_squeeze %dma_wait3A_165 : memref<1x64x128xi32, #tpu.memory_space<vmem>> -> memref<64x128xi32, #tpu.memory_space<vmem>>
    %dma_wait3A_167 = arith.constant 0 : i32
    %dma_wait3A_168 = tpu.memref_slice %arg3[%dma_wait3A_161, %mul3A_2, %dma_wait3A_167] : memref<4x2048x128xi32, #tpu.memory_space<hbm>> -> memref<1x64x128xi32, #tpu.memory_space<hbm>>
    %dma_wait3A_169 = tpu.memref_squeeze %dma_wait3A_168 : memref<1x64x128xi32, #tpu.memory_space<hbm>> -> memref<64x128xi32, #tpu.memory_space<hbm>>
    %dma_wait3A_170 = arith.constant 0 : i32
    %dma_wait3A_171 = arith.constant 0 : i32
    %dma_wait3A_172 = tpu.memref_slice %arg6[%dma_wait3A_162, %dma_wait3A_170, %dma_wait3A_171] : memref<4x64x128xi32, #tpu.memory_space<vmem>> -> memref<1x64x128xi32, #tpu.memory_space<vmem>>
    %dma_wait3A_173 = tpu.memref_squeeze %dma_wait3A_172 : memref<1x64x128xi32, #tpu.memory_space<vmem>> -> memref<64x128xi32, #tpu.memory_space<vmem>>
    %dma_wait3A_174 = arith.constant 0 : i32
    %dma_wait3A_175 = tpu.memref_slice %arg3[%dma_wait3A_161, %mul3A_2, %dma_wait3A_174] : memref<4x2048x128xi32, #tpu.memory_space<hbm>> -> memref<1x64x128xi32, #tpu.memory_space<hbm>>
    %dma_wait3A_176 = tpu.memref_squeeze %dma_wait3A_175 : memref<1x64x128xi32, #tpu.memory_space<hbm>> -> memref<64x128xi32, #tpu.memory_space<hbm>>
    tpu.wait_dma2 semaphore(%arg11 : memref<!tpu.dma_semaphore, #tpu.memory_space<semaphore_mem>>) src(%dma_wait3A_176 : memref<64x128xi32, #tpu.memory_space<hbm>>) dst(%dma_wait3A_173 : memref<64x128xi32, #tpu.memory_space<vmem>>)
    %dma_wait3A_177 = arith.constant 1 : i32
    %dma_wait3A_178 = arith.constant 1 : i32
    %dma_wait3A_179 = arith.constant 0 : i32
    %dma_wait3A_180 = arith.constant 0 : i32
    %dma_wait3A_181 = tpu.memref_slice %arg7[%dma_wait3A_178, %dma_wait3A_179, %dma_wait3A_180] : memref<4x64x128xf32, #tpu.memory_space<vmem>> -> memref<1x64x128xf32, #tpu.memory_space<vmem>>
    %dma_wait3A_182 = tpu.memref_squeeze %dma_wait3A_181 : memref<1x64x128xf32, #tpu.memory_space<vmem>> -> memref<64x128xf32, #tpu.memory_space<vmem>>
    %dma_wait3A_183 = arith.constant 0 : i32
    %dma_wait3A_184 = tpu.memref_slice %arg4[%dma_wait3A_177, %mul3A_2, %dma_wait3A_183] : memref<4x2048x128xf32, #tpu.memory_space<hbm>> -> memref<1x64x128xf32, #tpu.memory_space<hbm>>
    %dma_wait3A_185 = tpu.memref_squeeze %dma_wait3A_184 : memref<1x64x128xf32, #tpu.memory_space<hbm>> -> memref<64x128xf32, #tpu.memory_space<hbm>>
    %dma_wait3A_186 = arith.constant 0 : i32
    %dma_wait3A_187 = arith.constant 0 : i32
    %dma_wait3A_188 = tpu.memref_slice %arg7[%dma_wait3A_178, %dma_wait3A_186, %dma_wait3A_187] : memref<4x64x128xf32, #tpu.memory_space<vmem>> -> memref<1x64x128xf32, #tpu.memory_space<vmem>>
    %dma_wait3A_189 = tpu.memref_squeeze %dma_wait3A_188 : memref<1x64x128xf32, #tpu.memory_space<vmem>> -> memref<64x128xf32, #tpu.memory_space<vmem>>
    %dma_wait3A_190 = arith.constant 0 : i32
    %dma_wait3A_191 = tpu.memref_slice %arg4[%dma_wait3A_177, %mul3A_2, %dma_wait3A_190] : memref<4x2048x128xf32, #tpu.memory_space<hbm>> -> memref<1x64x128xf32, #tpu.memory_space<hbm>>
    %dma_wait3A_192 = tpu.memref_squeeze %dma_wait3A_191 : memref<1x64x128xf32, #tpu.memory_space<hbm>> -> memref<64x128xf32, #tpu.memory_space<hbm>>
    tpu.wait_dma2 semaphore(%arg11 : memref<!tpu.dma_semaphore, #tpu.memory_space<semaphore_mem>>) src(%dma_wait3A_192 : memref<64x128xf32, #tpu.memory_space<hbm>>) dst(%dma_wait3A_189 : memref<64x128xf32, #tpu.memory_space<vmem>>)
    %dma_wait3A_193 = arith.constant 2 : i32
    %dma_wait3A_194 = arith.constant 2 : i32
    %dma_wait3A_195 = arith.constant 0 : i32
    %dma_wait3A_196 = arith.constant 0 : i32
    %dma_wait3A_197 = tpu.memref_slice %arg6[%dma_wait3A_194, %dma_wait3A_195, %dma_wait3A_196] : memref<4x64x128xi32, #tpu.memory_space<vmem>> -> memref<1x64x128xi32, #tpu.memory_space<vmem>>
    %dma_wait3A_198 = tpu.memref_squeeze %dma_wait3A_197 : memref<1x64x128xi32, #tpu.memory_space<vmem>> -> memref<64x128xi32, #tpu.memory_space<vmem>>
    %dma_wait3A_199 = arith.constant 0 : i32
    %dma_wait3A_200 = tpu.memref_slice %arg3[%dma_wait3A_193, %mul3A_2, %dma_wait3A_199] : memref<4x2048x128xi32, #tpu.memory_space<hbm>> -> memref<1x64x128xi32, #tpu.memory_space<hbm>>
    %dma_wait3A_201 = tpu.memref_squeeze %dma_wait3A_200 : memref<1x64x128xi32, #tpu.memory_space<hbm>> -> memref<64x128xi32, #tpu.memory_space<hbm>>
    %dma_wait3A_202 = arith.constant 0 : i32
    %dma_wait3A_203 = arith.constant 0 : i32
    %dma_wait3A_204 = tpu.memref_slice %arg6[%dma_wait3A_194, %dma_wait3A_202, %dma_wait3A_203] : memref<4x64x128xi32, #tpu.memory_space<vmem>> -> memref<1x64x128xi32, #tpu.memory_space<vmem>>
    %dma_wait3A_205 = tpu.memref_squeeze %dma_wait3A_204 : memref<1x64x128xi32, #tpu.memory_space<vmem>> -> memref<64x128xi32, #tpu.memory_space<vmem>>
    %dma_wait3A_206 = arith.constant 0 : i32
    %dma_wait3A_207 = tpu.memref_slice %arg3[%dma_wait3A_193, %mul3A_2, %dma_wait3A_206] : memref<4x2048x128xi32, #tpu.memory_space<hbm>> -> memref<1x64x128xi32, #tpu.memory_space<hbm>>
    %dma_wait3A_208 = tpu.memref_squeeze %dma_wait3A_207 : memref<1x64x128xi32, #tpu.memory_space<hbm>> -> memref<64x128xi32, #tpu.memory_space<hbm>>
    tpu.wait_dma2 semaphore(%arg11 : memref<!tpu.dma_semaphore, #tpu.memory_space<semaphore_mem>>) src(%dma_wait3A_208 : memref<64x128xi32, #tpu.memory_space<hbm>>) dst(%dma_wait3A_205 : memref<64x128xi32, #tpu.memory_space<vmem>>)
    %dma_wait3A_209 = arith.constant 2 : i32
    %dma_wait3A_210 = arith.constant 2 : i32
    %dma_wait3A_211 = arith.constant 0 : i32
    %dma_wait3A_212 = arith.constant 0 : i32
    %dma_wait3A_213 = tpu.memref_slice %arg7[%dma_wait3A_210, %dma_wait3A_211, %dma_wait3A_212] : memref<4x64x128xf32, #tpu.memory_space<vmem>> -> memref<1x64x128xf32, #tpu.memory_space<vmem>>
    %dma_wait3A_214 = tpu.memref_squeeze %dma_wait3A_213 : memref<1x64x128xf32, #tpu.memory_space<vmem>> -> memref<64x128xf32, #tpu.memory_space<vmem>>
    %dma_wait3A_215 = arith.constant 0 : i32
    %dma_wait3A_216 = tpu.memref_slice %arg4[%dma_wait3A_209, %mul3A_2, %dma_wait3A_215] : memref<4x2048x128xf32, #tpu.memory_space<hbm>> -> memref<1x64x128xf32, #tpu.memory_space<hbm>>
    %dma_wait3A_217 = tpu.memref_squeeze %dma_wait3A_216 : memref<1x64x128xf32, #tpu.memory_space<hbm>> -> memref<64x128xf32, #tpu.memory_space<hbm>>
    %dma_wait3A_218 = arith.constant 0 : i32
    %dma_wait3A_219 = arith.constant 0 : i32
    %dma_wait3A_220 = tpu.memref_slice %arg7[%dma_wait3A_210, %dma_wait3A_218, %dma_wait3A_219] : memref<4x64x128xf32, #tpu.memory_space<vmem>> -> memref<1x64x128xf32, #tpu.memory_space<vmem>>
    %dma_wait3A_221 = tpu.memref_squeeze %dma_wait3A_220 : memref<1x64x128xf32, #tpu.memory_space<vmem>> -> memref<64x128xf32, #tpu.memory_space<vmem>>
    %dma_wait3A_222 = arith.constant 0 : i32
    %dma_wait3A_223 = tpu.memref_slice %arg4[%dma_wait3A_209, %mul3A_2, %dma_wait3A_222] : memref<4x2048x128xf32, #tpu.memory_space<hbm>> -> memref<1x64x128xf32, #tpu.memory_space<hbm>>
    %dma_wait3A_224 = tpu.memref_squeeze %dma_wait3A_223 : memref<1x64x128xf32, #tpu.memory_space<hbm>> -> memref<64x128xf32, #tpu.memory_space<hbm>>
    tpu.wait_dma2 semaphore(%arg11 : memref<!tpu.dma_semaphore, #tpu.memory_space<semaphore_mem>>) src(%dma_wait3A_224 : memref<64x128xf32, #tpu.memory_space<hbm>>) dst(%dma_wait3A_221 : memref<64x128xf32, #tpu.memory_space<vmem>>)
    %dma_wait3A_225 = arith.constant 3 : i32
    %dma_wait3A_226 = arith.constant 3 : i32
    %dma_wait3A_227 = arith.constant 0 : i32
    %dma_wait3A_228 = arith.constant 0 : i32
    %dma_wait3A_229 = tpu.memref_slice %arg6[%dma_wait3A_226, %dma_wait3A_227, %dma_wait3A_228] : memref<4x64x128xi32, #tpu.memory_space<vmem>> -> memref<1x64x128xi32, #tpu.memory_space<vmem>>
    %dma_wait3A_230 = tpu.memref_squeeze %dma_wait3A_229 : memref<1x64x128xi32, #tpu.memory_space<vmem>> -> memref<64x128xi32, #tpu.memory_space<vmem>>
    %dma_wait3A_231 = arith.constant 0 : i32
    %dma_wait3A_232 = tpu.memref_slice %arg3[%dma_wait3A_225, %mul3A_2, %dma_wait3A_231] : memref<4x2048x128xi32, #tpu.memory_space<hbm>> -> memref<1x64x128xi32, #tpu.memory_space<hbm>>
    %dma_wait3A_233 = tpu.memref_squeeze %dma_wait3A_232 : memref<1x64x128xi32, #tpu.memory_space<hbm>> -> memref<64x128xi32, #tpu.memory_space<hbm>>
    %dma_wait3A_234 = arith.constant 0 : i32
    %dma_wait3A_235 = arith.constant 0 : i32
    %dma_wait3A_236 = tpu.memref_slice %arg6[%dma_wait3A_226, %dma_wait3A_234, %dma_wait3A_235] : memref<4x64x128xi32, #tpu.memory_space<vmem>> -> memref<1x64x128xi32, #tpu.memory_space<vmem>>
    %dma_wait3A_237 = tpu.memref_squeeze %dma_wait3A_236 : memref<1x64x128xi32, #tpu.memory_space<vmem>> -> memref<64x128xi32, #tpu.memory_space<vmem>>
    %dma_wait3A_238 = arith.constant 0 : i32
    %dma_wait3A_239 = tpu.memref_slice %arg3[%dma_wait3A_225, %mul3A_2, %dma_wait3A_238] : memref<4x2048x128xi32, #tpu.memory_space<hbm>> -> memref<1x64x128xi32, #tpu.memory_space<hbm>>
    %dma_wait3A_240 = tpu.memref_squeeze %dma_wait3A_239 : memref<1x64x128xi32, #tpu.memory_space<hbm>> -> memref<64x128xi32, #tpu.memory_space<hbm>>
    tpu.wait_dma2 semaphore(%arg11 : memref<!tpu.dma_semaphore, #tpu.memory_space<semaphore_mem>>) src(%dma_wait3A_240 : memref<64x128xi32, #tpu.memory_space<hbm>>) dst(%dma_wait3A_237 : memref<64x128xi32, #tpu.memory_space<vmem>>)
    %dma_wait3A_241 = arith.constant 3 : i32
    %dma_wait3A_242 = arith.constant 3 : i32
    %dma_wait3A_243 = arith.constant 0 : i32
    %dma_wait3A_244 = arith.constant 0 : i32
    %dma_wait3A_245 = tpu.memref_slice %arg7[%dma_wait3A_242, %dma_wait3A_243, %dma_wait3A_244] : memref<4x64x128xf32, #tpu.memory_space<vmem>> -> memref<1x64x128xf32, #tpu.memory_space<vmem>>
    %dma_wait3A_246 = tpu.memref_squeeze %dma_wait3A_245 : memref<1x64x128xf32, #tpu.memory_space<vmem>> -> memref<64x128xf32, #tpu.memory_space<vmem>>
    %dma_wait3A_247 = arith.constant 0 : i32
    %dma_wait3A_248 = tpu.memref_slice %arg4[%dma_wait3A_241, %mul3A_2, %dma_wait3A_247] : memref<4x2048x128xf32, #tpu.memory_space<hbm>> -> memref<1x64x128xf32, #tpu.memory_space<hbm>>
    %dma_wait3A_249 = tpu.memref_squeeze %dma_wait3A_248 : memref<1x64x128xf32, #tpu.memory_space<hbm>> -> memref<64x128xf32, #tpu.memory_space<hbm>>
    %dma_wait3A_250 = arith.constant 0 : i32
    %dma_wait3A_251 = arith.constant 0 : i32
    %dma_wait3A_252 = tpu.memref_slice %arg7[%dma_wait3A_242, %dma_wait3A_250, %dma_wait3A_251] : memref<4x64x128xf32, #tpu.memory_space<vmem>> -> memref<1x64x128xf32, #tpu.memory_space<vmem>>
    %dma_wait3A_253 = tpu.memref_squeeze %dma_wait3A_252 : memref<1x64x128xf32, #tpu.memory_space<vmem>> -> memref<64x128xf32, #tpu.memory_space<vmem>>
    %dma_wait3A_254 = arith.constant 0 : i32
    %dma_wait3A_255 = tpu.memref_slice %arg4[%dma_wait3A_241, %mul3A_2, %dma_wait3A_254] : memref<4x2048x128xf32, #tpu.memory_space<hbm>> -> memref<1x64x128xf32, #tpu.memory_space<hbm>>
    %dma_wait3A_256 = tpu.memref_squeeze %dma_wait3A_255 : memref<1x64x128xf32, #tpu.memory_space<hbm>> -> memref<64x128xf32, #tpu.memory_space<hbm>>
    tpu.wait_dma2 semaphore(%arg11 : memref<!tpu.dma_semaphore, #tpu.memory_space<semaphore_mem>>) src(%dma_wait3A_256 : memref<64x128xf32, #tpu.memory_space<hbm>>) dst(%dma_wait3A_253 : memref<64x128xf32, #tpu.memory_space<vmem>>)
    %dma_start3A_257 = arith.constant 0 : i32
    %dma_start3A_258 = arith.constant 0 : i32
    %dma_start3A_259 = arith.constant 0 : i32
    %dma_start3A_260 = arith.constant 0 : i32
    %dma_start3A_261 = tpu.memref_slice %arg8[%dma_start3A_259, %dma_start3A_260] : memref<512x16xi32, #tpu.memory_space<vmem>> -> memref<128x16xi32, #tpu.memory_space<vmem>>
    %dma_start3A_262 = arith.constant 0 : i32
    %dma_start3A_263 = tpu.memref_slice %arg6[%dma_start3A_257, %dma_start3A_258, %dma_start3A_262] : memref<4x64x128xi32, #tpu.memory_space<vmem>> -> memref<1x1x128xi32, #tpu.memory_space<vmem>>
    %dma_start3A_264 = tpu.memref_squeeze %dma_start3A_263 : memref<1x1x128xi32, #tpu.memory_space<vmem>> -> memref<128xi32, #tpu.memory_space<vmem>>
    %dma_start3A_265 = arith.constant 0 : i32
    %dma_start3A_266 = arith.constant 0 : i32
    %dma_start3A_267 = tpu.memref_slice %arg2[%dma_start3A_265, %dma_start3A_266] : memref<1392640x16xi32, #tpu.memory_space<hbm>> -> memref<1392640x16xi32, #tpu.memory_space<hbm>>
    tpu.enqueue_indirect_dma source(%dma_start3A_267 : memref<1392640x16xi32, #tpu.memory_space<hbm>>) target(%dma_start3A_261 : memref<128x16xi32, #tpu.memory_space<vmem>>) offsets(%dma_start3A_264 : memref<128xi32, #tpu.memory_space<vmem>>) semaphore(%arg11 : memref<!tpu.dma_semaphore, #tpu.memory_space<semaphore_mem>>)
    %dma_start3A_268 = arith.constant 1 : i32
    %dma_start3A_269 = arith.constant 0 : i32
    %dma_start3A_270 = arith.constant 128 : i32
    %dma_start3A_271 = arith.constant 0 : i32
    %dma_start3A_272 = tpu.memref_slice %arg8[%dma_start3A_270, %dma_start3A_271] : memref<512x16xi32, #tpu.memory_space<vmem>> -> memref<128x16xi32, #tpu.memory_space<vmem>>
    %dma_start3A_273 = arith.constant 0 : i32
    %dma_start3A_274 = tpu.memref_slice %arg6[%dma_start3A_268, %dma_start3A_269, %dma_start3A_273] : memref<4x64x128xi32, #tpu.memory_space<vmem>> -> memref<1x1x128xi32, #tpu.memory_space<vmem>>
    %dma_start3A_275 = tpu.memref_squeeze %dma_start3A_274 : memref<1x1x128xi32, #tpu.memory_space<vmem>> -> memref<128xi32, #tpu.memory_space<vmem>>
    %dma_start3A_276 = arith.constant 0 : i32
    %dma_start3A_277 = arith.constant 0 : i32
    %dma_start3A_278 = tpu.memref_slice %arg2[%dma_start3A_276, %dma_start3A_277] : memref<1392640x16xi32, #tpu.memory_space<hbm>> -> memref<1392640x16xi32, #tpu.memory_space<hbm>>
    tpu.enqueue_indirect_dma source(%dma_start3A_278 : memref<1392640x16xi32, #tpu.memory_space<hbm>>) target(%dma_start3A_272 : memref<128x16xi32, #tpu.memory_space<vmem>>) offsets(%dma_start3A_275 : memref<128xi32, #tpu.memory_space<vmem>>) semaphore(%arg11 : memref<!tpu.dma_semaphore, #tpu.memory_space<semaphore_mem>>)
    %dma_start3A_279 = arith.constant 2 : i32
    %dma_start3A_280 = arith.constant 0 : i32
    %dma_start3A_281 = arith.constant 256 : i32
    %dma_start3A_282 = arith.constant 0 : i32
    %dma_start3A_283 = tpu.memref_slice %arg8[%dma_start3A_281, %dma_start3A_282] : memref<512x16xi32, #tpu.memory_space<vmem>> -> memref<128x16xi32, #tpu.memory_space<vmem>>
    %dma_start3A_284 = arith.constant 0 : i32
    %dma_start3A_285 = tpu.memref_slice %arg6[%dma_start3A_279, %dma_start3A_280, %dma_start3A_284] : memref<4x64x128xi32, #tpu.memory_space<vmem>> -> memref<1x1x128xi32, #tpu.memory_space<vmem>>
    %dma_start3A_286 = tpu.memref_squeeze %dma_start3A_285 : memref<1x1x128xi32, #tpu.memory_space<vmem>> -> memref<128xi32, #tpu.memory_space<vmem>>
    %dma_start3A_287 = arith.constant 0 : i32
    %dma_start3A_288 = arith.constant 0 : i32
    %dma_start3A_289 = tpu.memref_slice %arg2[%dma_start3A_287, %dma_start3A_288] : memref<1392640x16xi32, #tpu.memory_space<hbm>> -> memref<1392640x16xi32, #tpu.memory_space<hbm>>
    tpu.enqueue_indirect_dma source(%dma_start3A_289 : memref<1392640x16xi32, #tpu.memory_space<hbm>>) target(%dma_start3A_283 : memref<128x16xi32, #tpu.memory_space<vmem>>) offsets(%dma_start3A_286 : memref<128xi32, #tpu.memory_space<vmem>>) semaphore(%arg11 : memref<!tpu.dma_semaphore, #tpu.memory_space<semaphore_mem>>)
    %dma_start3A_290 = arith.constant 3 : i32
    %dma_start3A_291 = arith.constant 0 : i32
    %dma_start3A_292 = arith.constant 384 : i32
    %dma_start3A_293 = arith.constant 0 : i32
    %dma_start3A_294 = tpu.memref_slice %arg8[%dma_start3A_292, %dma_start3A_293] : memref<512x16xi32, #tpu.memory_space<vmem>> -> memref<128x16xi32, #tpu.memory_space<vmem>>
    %dma_start3A_295 = arith.constant 0 : i32
    %dma_start3A_296 = tpu.memref_slice %arg6[%dma_start3A_290, %dma_start3A_291, %dma_start3A_295] : memref<4x64x128xi32, #tpu.memory_space<vmem>> -> memref<1x1x128xi32, #tpu.memory_space<vmem>>
    %dma_start3A_297 = tpu.memref_squeeze %dma_start3A_296 : memref<1x1x128xi32, #tpu.memory_space<vmem>> -> memref<128xi32, #tpu.memory_space<vmem>>
    %dma_start3A_298 = arith.constant 0 : i32
    %dma_start3A_299 = arith.constant 0 : i32
    %dma_start3A_300 = tpu.memref_slice %arg2[%dma_start3A_298, %dma_start3A_299] : memref<1392640x16xi32, #tpu.memory_space<hbm>> -> memref<1392640x16xi32, #tpu.memory_space<hbm>>
    tpu.enqueue_indirect_dma source(%dma_start3A_300 : memref<1392640x16xi32, #tpu.memory_space<hbm>>) target(%dma_start3A_294 : memref<128x16xi32, #tpu.memory_space<vmem>>) offsets(%dma_start3A_297 : memref<128xi32, #tpu.memory_space<vmem>>) semaphore(%arg11 : memref<!tpu.dma_semaphore, #tpu.memory_space<semaphore_mem>>)
    %scan3A = arith.constant 0 : i32
    %scan3A_301 = arith.constant 0 : i32
    %scan3A_302 = arith.constant 32 : i32
    %scan3A_303 = arith.addi %scan3A_301, %scan3A_302 : i32
    %scan3A_304 = arith.constant 1 : i32
    scf.for %scan3A_306 = %scan3A_301 to %scan3A_303 step %scan3A_304  : i32 {
      %mul3A_307 = arith.constant 2 : i32
      %mul3A_308 = arith.muli %mul3A_307, %scan3A_306 : i32
      %add3A_309 = arith.constant 1 : i32
      %add3A_310 = arith.addi %mul3A_308, %add3A_309 : i32
      %dma_start3A_311 = arith.constant 0 : i32
      %dma_start3A_312 = arith.constant 0 : i32
      %dma_start3A_313 = arith.constant 0 : i32
      %dma_start3A_314 = tpu.memref_slice %arg9[%dma_start3A_312, %dma_start3A_313] : memref<512x16xi32, #tpu.memory_space<vmem>> -> memref<128x16xi32, #tpu.memory_space<vmem>>
      %dma_start3A_315 = arith.constant 0 : i32
      %dma_start3A_316 = tpu.memref_slice %arg6[%dma_start3A_311, %add3A_310, %dma_start3A_315] : memref<4x64x128xi32, #tpu.memory_space<vmem>> -> memref<1x1x128xi32, #tpu.memory_space<vmem>>
      %dma_start3A_317 = tpu.memref_squeeze %dma_start3A_316 : memref<1x1x128xi32, #tpu.memory_space<vmem>> -> memref<128xi32, #tpu.memory_space<vmem>>
      %dma_start3A_318 = arith.constant 0 : i32
      %dma_start3A_319 = arith.constant 0 : i32
      %dma_start3A_320 = tpu.memref_slice %arg2[%dma_start3A_318, %dma_start3A_319] : memref<1392640x16xi32, #tpu.memory_space<hbm>> -> memref<1392640x16xi32, #tpu.memory_space<hbm>>
      tpu.enqueue_indirect_dma source(%dma_start3A_320 : memref<1392640x16xi32, #tpu.memory_space<hbm>>) target(%dma_start3A_314 : memref<128x16xi32, #tpu.memory_space<vmem>>) offsets(%dma_start3A_317 : memref<128xi32, #tpu.memory_space<vmem>>) semaphore(%arg12 : memref<!tpu.dma_semaphore, #tpu.memory_space<semaphore_mem>>)
      %dma_start3A_321 = arith.constant 1 : i32
      %dma_start3A_322 = arith.constant 128 : i32
      %dma_start3A_323 = arith.constant 0 : i32
      %dma_start3A_324 = tpu.memref_slice %arg9[%dma_start3A_322, %dma_start3A_323] : memref<512x16xi32, #tpu.memory_space<vmem>> -> memref<128x16xi32, #tpu.memory_space<vmem>>
      %dma_start3A_325 = arith.constant 0 : i32
      %dma_start3A_326 = tpu.memref_slice %arg6[%dma_start3A_321, %add3A_310, %dma_start3A_325] : memref<4x64x128xi32, #tpu.memory_space<vmem>> -> memref<1x1x128xi32, #tpu.memory_space<vmem>>
      %dma_start3A_327 = tpu.memref_squeeze %dma_start3A_326 : memref<1x1x128xi32, #tpu.memory_space<vmem>> -> memref<128xi32, #tpu.memory_space<vmem>>
      %dma_start3A_328 = arith.constant 0 : i32
      %dma_start3A_329 = arith.constant 0 : i32
      %dma_start3A_330 = tpu.memref_slice %arg2[%dma_start3A_328, %dma_start3A_329] : memref<1392640x16xi32, #tpu.memory_space<hbm>> -> memref<1392640x16xi32, #tpu.memory_space<hbm>>
      tpu.enqueue_indirect_dma source(%dma_start3A_330 : memref<1392640x16xi32, #tpu.memory_space<hbm>>) target(%dma_start3A_324 : memref<128x16xi32, #tpu.memory_space<vmem>>) offsets(%dma_start3A_327 : memref<128xi32, #tpu.memory_space<vmem>>) semaphore(%arg12 : memref<!tpu.dma_semaphore, #tpu.memory_space<semaphore_mem>>)
      %dma_start3A_331 = arith.constant 2 : i32
      %dma_start3A_332 = arith.constant 256 : i32
      %dma_start3A_333 = arith.constant 0 : i32
      %dma_start3A_334 = tpu.memref_slice %arg9[%dma_start3A_332, %dma_start3A_333] : memref<512x16xi32, #tpu.memory_space<vmem>> -> memref<128x16xi32, #tpu.memory_space<vmem>>
      %dma_start3A_335 = arith.constant 0 : i32
      %dma_start3A_336 = tpu.memref_slice %arg6[%dma_start3A_331, %add3A_310, %dma_start3A_335] : memref<4x64x128xi32, #tpu.memory_space<vmem>> -> memref<1x1x128xi32, #tpu.memory_space<vmem>>
      %dma_start3A_337 = tpu.memref_squeeze %dma_start3A_336 : memref<1x1x128xi32, #tpu.memory_space<vmem>> -> memref<128xi32, #tpu.memory_space<vmem>>
      %dma_start3A_338 = arith.constant 0 : i32
      %dma_start3A_339 = arith.constant 0 : i32
      %dma_start3A_340 = tpu.memref_slice %arg2[%dma_start3A_338, %dma_start3A_339] : memref<1392640x16xi32, #tpu.memory_space<hbm>> -> memref<1392640x16xi32, #tpu.memory_space<hbm>>
      tpu.enqueue_indirect_dma source(%dma_start3A_340 : memref<1392640x16xi32, #tpu.memory_space<hbm>>) target(%dma_start3A_334 : memref<128x16xi32, #tpu.memory_space<vmem>>) offsets(%dma_start3A_337 : memref<128xi32, #tpu.memory_space<vmem>>) semaphore(%arg12 : memref<!tpu.dma_semaphore, #tpu.memory_space<semaphore_mem>>)
      %dma_start3A_341 = arith.constant 3 : i32
      %dma_start3A_342 = arith.constant 384 : i32
      %dma_start3A_343 = arith.constant 0 : i32
      %dma_start3A_344 = tpu.memref_slice %arg9[%dma_start3A_342, %dma_start3A_343] : memref<512x16xi32, #tpu.memory_space<vmem>> -> memref<128x16xi32, #tpu.memory_space<vmem>>
      %dma_start3A_345 = arith.constant 0 : i32
      %dma_start3A_346 = tpu.memref_slice %arg6[%dma_start3A_341, %add3A_310, %dma_start3A_345] : memref<4x64x128xi32, #tpu.memory_space<vmem>> -> memref<1x1x128xi32, #tpu.memory_space<vmem>>
      %dma_start3A_347 = tpu.memref_squeeze %dma_start3A_346 : memref<1x1x128xi32, #tpu.memory_space<vmem>> -> memref<128xi32, #tpu.memory_space<vmem>>
      %dma_start3A_348 = arith.constant 0 : i32
      %dma_start3A_349 = arith.constant 0 : i32
      %dma_start3A_350 = tpu.memref_slice %arg2[%dma_start3A_348, %dma_start3A_349] : memref<1392640x16xi32, #tpu.memory_space<hbm>> -> memref<1392640x16xi32, #tpu.memory_space<hbm>>
      tpu.enqueue_indirect_dma source(%dma_start3A_350 : memref<1392640x16xi32, #tpu.memory_space<hbm>>) target(%dma_start3A_344 : memref<128x16xi32, #tpu.memory_space<vmem>>) offsets(%dma_start3A_347 : memref<128xi32, #tpu.memory_space<vmem>>) semaphore(%arg12 : memref<!tpu.dma_semaphore, #tpu.memory_space<semaphore_mem>>)
      %dma_wait3A_351 = arith.constant 0 : i32
      %dma_wait3A_352 = arith.constant 0 : i32
      %dma_wait3A_353 = arith.constant 0 : i32
      %dma_wait3A_354 = arith.constant 0 : i32
      %dma_wait3A_355 = tpu.memref_slice %arg8[%dma_wait3A_353, %dma_wait3A_354] : memref<512x16xi32, #tpu.memory_space<vmem>> -> memref<128x16xi32, #tpu.memory_space<vmem>>
      %dma_wait3A_356 = arith.constant 0 : i32
      %dma_wait3A_357 = tpu.memref_slice %arg6[%dma_wait3A_351, %dma_wait3A_352, %dma_wait3A_356] : memref<4x64x128xi32, #tpu.memory_space<vmem>> -> memref<1x1x128xi32, #tpu.memory_space<vmem>>
      %dma_wait3A_358 = tpu.memref_squeeze %dma_wait3A_357 : memref<1x1x128xi32, #tpu.memory_space<vmem>> -> memref<128xi32, #tpu.memory_space<vmem>>
      %dma_wait3A_359 = arith.constant 0 : i32
      %dma_wait3A_360 = arith.constant 0 : i32
      %dma_wait3A_361 = tpu.memref_slice %arg2[%dma_wait3A_359, %dma_wait3A_360] : memref<1392640x16xi32, #tpu.memory_space<hbm>> -> memref<1392640x16xi32, #tpu.memory_space<hbm>>
      tpu.wait_indirect_dma semaphore(%arg11 : memref<!tpu.dma_semaphore, #tpu.memory_space<semaphore_mem>>) src(%dma_wait3A_361 : memref<1392640x16xi32, #tpu.memory_space<hbm>>) dst(%dma_wait3A_355 : memref<128x16xi32, #tpu.memory_space<vmem>>)
      %dma_wait3A_362 = arith.constant 0 : i32
      %dma_wait3A_363 = arith.constant 0 : i32
      %dma_wait3A_364 = arith.constant 128 : i32
      %dma_wait3A_365 = arith.constant 0 : i32
      %dma_wait3A_366 = tpu.memref_slice %arg8[%dma_wait3A_364, %dma_wait3A_365] : memref<512x16xi32, #tpu.memory_space<vmem>> -> memref<128x16xi32, #tpu.memory_space<vmem>>
      %dma_wait3A_367 = arith.constant 0 : i32
      %dma_wait3A_368 = tpu.memref_slice %arg6[%dma_wait3A_362, %dma_wait3A_363, %dma_wait3A_367] : memref<4x64x128xi32, #tpu.memory_space<vmem>> -> memref<1x1x128xi32, #tpu.memory_space<vmem>>
      %dma_wait3A_369 = tpu.memref_squeeze %dma_wait3A_368 : memref<1x1x128xi32, #tpu.memory_space<vmem>> -> memref<128xi32, #tpu.memory_space<vmem>>
      %dma_wait3A_370 = arith.constant 0 : i32
      %dma_wait3A_371 = arith.constant 0 : i32
      %dma_wait3A_372 = tpu.memref_slice %arg2[%dma_wait3A_370, %dma_wait3A_371] : memref<1392640x16xi32, #tpu.memory_space<hbm>> -> memref<1392640x16xi32, #tpu.memory_space<hbm>>
      tpu.wait_indirect_dma semaphore(%arg11 : memref<!tpu.dma_semaphore, #tpu.memory_space<semaphore_mem>>) src(%dma_wait3A_372 : memref<1392640x16xi32, #tpu.memory_space<hbm>>) dst(%dma_wait3A_366 : memref<128x16xi32, #tpu.memory_space<vmem>>)
      %dma_wait3A_373 = arith.constant 0 : i32
      %dma_wait3A_374 = arith.constant 0 : i32
      %dma_wait3A_375 = arith.constant 256 : i32
      %dma_wait3A_376 = arith.constant 0 : i32
      %dma_wait3A_377 = tpu.memref_slice %arg8[%dma_wait3A_375, %dma_wait3A_376] : memref<512x16xi32, #tpu.memory_space<vmem>> -> memref<128x16xi32, #tpu.memory_space<vmem>>
      %dma_wait3A_378 = arith.constant 0 : i32
      %dma_wait3A_379 = tpu.memref_slice %arg6[%dma_wait3A_373, %dma_wait3A_374, %dma_wait3A_378] : memref<4x64x128xi32, #tpu.memory_space<vmem>> -> memref<1x1x128xi32, #tpu.memory_space<vmem>>
      %dma_wait3A_380 = tpu.memref_squeeze %dma_wait3A_379 : memref<1x1x128xi32, #tpu.memory_space<vmem>> -> memref<128xi32, #tpu.memory_space<vmem>>
      %dma_wait3A_381 = arith.constant 0 : i32
      %dma_wait3A_382 = arith.constant 0 : i32
      %dma_wait3A_383 = tpu.memref_slice %arg2[%dma_wait3A_381, %dma_wait3A_382] : memref<1392640x16xi32, #tpu.memory_space<hbm>> -> memref<1392640x16xi32, #tpu.memory_space<hbm>>
      tpu.wait_indirect_dma semaphore(%arg11 : memref<!tpu.dma_semaphore, #tpu.memory_space<semaphore_mem>>) src(%dma_wait3A_383 : memref<1392640x16xi32, #tpu.memory_space<hbm>>) dst(%dma_wait3A_377 : memref<128x16xi32, #tpu.memory_space<vmem>>)
      %dma_wait3A_384 = arith.constant 0 : i32
      %dma_wait3A_385 = arith.constant 0 : i32
      %dma_wait3A_386 = arith.constant 384 : i32
      %dma_wait3A_387 = arith.constant 0 : i32
      %dma_wait3A_388 = tpu.memref_slice %arg8[%dma_wait3A_386, %dma_wait3A_387] : memref<512x16xi32, #tpu.memory_space<vmem>> -> memref<128x16xi32, #tpu.memory_space<vmem>>
      %dma_wait3A_389 = arith.constant 0 : i32
      %dma_wait3A_390 = tpu.memref_slice %arg6[%dma_wait3A_384, %dma_wait3A_385, %dma_wait3A_389] : memref<4x64x128xi32, #tpu.memory_space<vmem>> -> memref<1x1x128xi32, #tpu.memory_space<vmem>>
      %dma_wait3A_391 = tpu.memref_squeeze %dma_wait3A_390 : memref<1x1x128xi32, #tpu.memory_space<vmem>> -> memref<128xi32, #tpu.memory_space<vmem>>
      %dma_wait3A_392 = arith.constant 0 : i32
      %dma_wait3A_393 = arith.constant 0 : i32
      %dma_wait3A_394 = tpu.memref_slice %arg2[%dma_wait3A_392, %dma_wait3A_393] : memref<1392640x16xi32, #tpu.memory_space<hbm>> -> memref<1392640x16xi32, #tpu.memory_space<hbm>>
      tpu.wait_indirect_dma semaphore(%arg11 : memref<!tpu.dma_semaphore, #tpu.memory_space<semaphore_mem>>) src(%dma_wait3A_394 : memref<1392640x16xi32, #tpu.memory_space<hbm>>) dst(%dma_wait3A_388 : memref<128x16xi32, #tpu.memory_space<vmem>>)
      %scan3A_395 = arith.constant 0 : i32
      %scan3A_396 = arith.constant 0 : i32
      %scan3A_397 = arith.constant 8 : i32
      %scan3A_398 = arith.addi %scan3A_396, %scan3A_397 : i32
      %scan3A_399 = arith.constant 1 : i32
      scf.for %scan3A_453 = %scan3A_396 to %scan3A_398 step %scan3A_399  : i32 {
        %mul3A_454 = arith.constant 16 : i32
        %mul3A_455 = arith.muli %scan3A_453, %mul3A_454 : i32
        %broadcast_in_dim3A = arith.constant 0.000000e+00 : f32
        %broadcast_in_dim3A_456 = vector.broadcast %broadcast_in_dim3A : f32 to vector<16xf32>
        %broadcast_in_dim3A_457 = arith.constant 0.000000e+00 : f32
        %broadcast_in_dim3A_458 = vector.broadcast %broadcast_in_dim3A_457 : f32 to vector<16xf32>
        %get3A = arith.constant 0 : i32
        %get3A_459 = arith.index_cast %get3A : i32 to index
        %get3A_460 = arith.index_cast %mul3A_308 : i32 to index
        %get3A_461 = arith.index_cast %mul3A_455 : i32 to index
        %get3A_462 = tpu.vector_load %arg7[%get3A_459, %get3A_460, %get3A_461] {strides = array<i32>} : memref<4x64x128xf32, #tpu.memory_space<vmem>>, vector<16xf32>,
        %broadcast_in_dim3A_463 = arith.constant 0 : i32
        %broadcast_in_dim3A_464 = vector.broadcast %broadcast_in_dim3A_463 : i32 to vector<16xi32>
        %broadcast_in_dim3A_465 = vector.shape_cast %broadcast_in_dim3A_464 : vector<16xi32> to vector<16x1xi32>
        %gather3A = vector.shape_cast %broadcast_in_dim3A_465 : vector<16x1xi32> to vector<16xi32>
        %gather3A_466 = tpu.dynamic_gather %get3A_462[%gather3A] in [0] : vector<16xf32>, vector<16xi32> -> vector<16xf32>
        %add3A_467 = arith.constant 0 : i32
        %add3A_468 = arith.addi %add3A_467, %mul3A_455 : i32
        %add3A_469 = arith.constant 0 : i32
        %add3A_470 = arith.addi %add3A_468, %add3A_469 : i32
        %get3A_471 = arith.index_cast %add3A_470 : i32 to index
        %get3A_472 = arith.constant 0 : index
        %get3A_473 = tpu.vector_load %arg8[%get3A_471, %get3A_472] {strides = array<i32>} : memref<512x16xi32, #tpu.memory_space<vmem>>, vector<16xi32>,
        %shift_left3A = arith.constant 16 : i32
        %shift_left3A_474 = vector.broadcast %shift_left3A : i32 to vector<16xi32>
        %shift_left3A_475 = arith.shli %get3A_473, %shift_left3A_474 : vector<16xi32>
        %bitcast3A = vector.bitcast %shift_left3A_475 : vector<16xi32> to vector<16xf32>
        %bitcast3A_476 = vector.bitcast %get3A_473 : vector<16xi32> to vector<16xf32>
        %mul3A_477 = arith.mulf %gather3A_466, %bitcast3A : vector<16xf32>
        %add3A_478 = arith.addf %broadcast_in_dim3A_456, %mul3A_477 : vector<16xf32>
        %mul3A_479 = arith.mulf %gather3A_466, %bitcast3A_476 : vector<16xf32>
        %add3A_480 = arith.addf %broadcast_in_dim3A_458, %mul3A_479 : vector<16xf32>
        %broadcast_in_dim3A_481 = arith.constant 1 : i32
        %broadcast_in_dim3A_482 = vector.broadcast %broadcast_in_dim3A_481 : i32 to vector<16xi32>
        %broadcast_in_dim3A_483 = vector.shape_cast %broadcast_in_dim3A_482 : vector<16xi32> to vector<16x1xi32>
        %gather3A_484 = vector.shape_cast %broadcast_in_dim3A_483 : vector<16x1xi32> to vector<16xi32>
        %gather3A_485 = tpu.dynamic_gather %get3A_462[%gather3A_484] in [0] : vector<16xf32>, vector<16xi32> -> vector<16xf32>
        %add3A_486 = arith.constant 0 : i32
        %add3A_487 = arith.addi %add3A_486, %mul3A_455 : i32
        %add3A_488 = arith.constant 1 : i32
        %add3A_489 = arith.addi %add3A_487, %add3A_488 : i32
        %get3A_490 = arith.index_cast %add3A_489 : i32 to index
        %get3A_491 = arith.constant 0 : index
        %get3A_492 = tpu.vector_load %arg8[%get3A_490, %get3A_491] {strides = array<i32>} : memref<512x16xi32, #tpu.memory_space<vmem>>, vector<16xi32>,
        %shift_left3A_493 = arith.constant 16 : i32
        %shift_left3A_494 = vector.broadcast %shift_left3A_493 : i32 to vector<16xi32>
        %shift_left3A_495 = arith.shli %get3A_492, %shift_left3A_494 : vector<16xi32>
        %bitcast3A_496 = vector.bitcast %shift_left3A_495 : vector<16xi32> to vector<16xf32>
        %bitcast3A_497 = vector.bitcast %get3A_492 : vector<16xi32> to vector<16xf32>
        %mul3A_498 = arith.mulf %gather3A_485, %bitcast3A_496 : vector<16xf32>
        %add3A_499 = arith.addf %add3A_478, %mul3A_498 : vector<16xf32>
        %mul3A_500 = arith.mulf %gather3A_485, %bitcast3A_497 : vector<16xf32>
        %add3A_501 = arith.addf %add3A_480, %mul3A_500 : vector<16xf32>
        %broadcast_in_dim3A_502 = arith.constant 2 : i32
        %broadcast_in_dim3A_503 = vector.broadcast %broadcast_in_dim3A_502 : i32 to vector<16xi32>
        %broadcast_in_dim3A_504 = vector.shape_cast %broadcast_in_dim3A_503 : vector<16xi32> to vector<16x1xi32>
        %gather3A_505 = vector.shape_cast %broadcast_in_dim3A_504 : vector<16x1xi32> to vector<16xi32>
        %gather3A_506 = tpu.dynamic_gather %get3A_462[%gather3A_505] in [0] : vector<16xf32>, vector<16xi32> -> vector<16xf32>
        %add3A_507 = arith.constant 0 : i32
        %add3A_508 = arith.addi %add3A_507, %mul3A_455 : i32
        %add3A_509 = arith.constant 2 : i32
        %add3A_510 = arith.addi %add3A_508, %add3A_509 : i32
        %get3A_511 = arith.index_cast %add3A_510 : i32 to index
        %get3A_512 = arith.constant 0 : index
        %get3A_513 = tpu.vector_load %arg8[%get3A_511, %get3A_512] {strides = array<i32>} : memref<512x16xi32, #tpu.memory_space<vmem>>, vector<16xi32>,
        %shift_left3A_514 = arith.constant 16 : i32
        %shift_left3A_515 = vector.broadcast %shift_left3A_514 : i32 to vector<16xi32>
        %shift_left3A_516 = arith.shli %get3A_513, %shift_left3A_515 : vector<16xi32>
        %bitcast3A_517 = vector.bitcast %shift_left3A_516 : vector<16xi32> to vector<16xf32>
        %bitcast3A_518 = vector.bitcast %get3A_513 : vector<16xi32> to vector<16xf32>
        %mul3A_519 = arith.mulf %gather3A_506, %bitcast3A_517 : vector<16xf32>
        %add3A_520 = arith.addf %add3A_499, %mul3A_519 : vector<16xf32>
        %mul3A_521 = arith.mulf %gather3A_506, %bitcast3A_518 : vector<16xf32>
        %add3A_522 = arith.addf %add3A_501, %mul3A_521 : vector<16xf32>
        %broadcast_in_dim3A_523 = arith.constant 3 : i32
        %broadcast_in_dim3A_524 = vector.broadcast %broadcast_in_dim3A_523 : i32 to vector<16xi32>
        %broadcast_in_dim3A_525 = vector.shape_cast %broadcast_in_dim3A_524 : vector<16xi32> to vector<16x1xi32>
        %gather3A_526 = vector.shape_cast %broadcast_in_dim3A_525 : vector<16x1xi32> to vector<16xi32>
        %gather3A_527 = tpu.dynamic_gather %get3A_462[%gather3A_526] in [0] : vector<16xf32>, vector<16xi32> -> vector<16xf32>
        %add3A_528 = arith.constant 0 : i32
        %add3A_529 = arith.addi %add3A_528, %mul3A_455 : i32
        %add3A_530 = arith.constant 3 : i32
        %add3A_531 = arith.addi %add3A_529, %add3A_530 : i32
        %get3A_532 = arith.index_cast %add3A_531 : i32 to index
        %get3A_533 = arith.constant 0 : index
        %get3A_534 = tpu.vector_load %arg8[%get3A_532, %get3A_533] {strides = array<i32>} : memref<512x16xi32, #tpu.memory_space<vmem>>, vector<16xi32>,
        %shift_left3A_535 = arith.constant 16 : i32
        %shift_left3A_536 = vector.broadcast %shift_left3A_535 : i32 to vector<16xi32>
        %shift_left3A_537 = arith.shli %get3A_534, %shift_left3A_536 : vector<16xi32>
        %bitcast3A_538 = vector.bitcast %shift_left3A_537 : vector<16xi32> to vector<16xf32>
        %bitcast3A_539 = vector.bitcast %get3A_534 : vector<16xi32> to vector<16xf32>
        %mul3A_540 = arith.mulf %gather3A_527, %bitcast3A_538 : vector<16xf32>
        %add3A_541 = arith.addf %add3A_520, %mul3A_540 : vector<16xf32>
        %mul3A_542 = arith.mulf %gather3A_527, %bitcast3A_539 : vector<16xf32>
        %add3A_543 = arith.addf %add3A_522, %mul3A_542 : vector<16xf32>
        %broadcast_in_dim3A_544 = arith.constant 4 : i32
        %broadcast_in_dim3A_545 = vector.broadcast %broadcast_in_dim3A_544 : i32 to vector<16xi32>
        %broadcast_in_dim3A_546 = vector.shape_cast %broadcast_in_dim3A_545 : vector<16xi32> to vector<16x1xi32>
        %gather3A_547 = vector.shape_cast %broadcast_in_dim3A_546 : vector<16x1xi32> to vector<16xi32>
        %gather3A_548 = tpu.dynamic_gather %get3A_462[%gather3A_547] in [0] : vector<16xf32>, vector<16xi32> -> vector<16xf32>
        %add3A_549 = arith.constant 0 : i32
        %add3A_550 = arith.addi %add3A_549, %mul3A_455 : i32
        %add3A_551 = arith.constant 4 : i32
        %add3A_552 = arith.addi %add3A_550, %add3A_551 : i32
        %get3A_553 = arith.index_cast %add3A_552 : i32 to index
        %get3A_554 = arith.constant 0 : index
        %get3A_555 = tpu.vector_load %arg8[%get3A_553, %get3A_554] {strides = array<i32>} : memref<512x16xi32, #tpu.memory_space<vmem>>, vector<16xi32>,
        %shift_left3A_556 = arith.constant 16 : i32
        %shift_left3A_557 = vector.broadcast %shift_left3A_556 : i32 to vector<16xi32>
        %shift_left3A_558 = arith.shli %get3A_555, %shift_left3A_557 : vector<16xi32>
        %bitcast3A_559 = vector.bitcast %shift_left3A_558 : vector<16xi32> to vector<16xf32>
        %bitcast3A_560 = vector.bitcast %get3A_555 : vector<16xi32> to vector<16xf32>
        %mul3A_561 = arith.mulf %gather3A_548, %bitcast3A_559 : vector<16xf32>
        %add3A_562 = arith.addf %add3A_541, %mul3A_561 : vector<16xf32>
        %mul3A_563 = arith.mulf %gather3A_548, %bitcast3A_560 : vector<16xf32>
        %add3A_564 = arith.addf %add3A_543, %mul3A_563 : vector<16xf32>
        %broadcast_in_dim3A_565 = arith.constant 5 : i32
        %broadcast_in_dim3A_566 = vector.broadcast %broadcast_in_dim3A_565 : i32 to vector<16xi32>
        %broadcast_in_dim3A_567 = vector.shape_cast %broadcast_in_dim3A_566 : vector<16xi32> to vector<16x1xi32>
        %gather3A_568 = vector.shape_cast %broadcast_in_dim3A_567 : vector<16x1xi32> to vector<16xi32>
        %gather3A_569 = tpu.dynamic_gather %get3A_462[%gather3A_568] in [0] : vector<16xf32>, vector<16xi32> -> vector<16xf32>
        %add3A_570 = arith.constant 0 : i32
        %add3A_571 = arith.addi %add3A_570, %mul3A_455 : i32
        %add3A_572 = arith.constant 5 : i32
        %add3A_573 = arith.addi %add3A_571, %add3A_572 : i32
        %get3A_574 = arith.index_cast %add3A_573 : i32 to index
        %get3A_575 = arith.constant 0 : index
        %get3A_576 = tpu.vector_load %arg8[%get3A_574, %get3A_575] {strides = array<i32>} : memref<512x16xi32, #tpu.memory_space<vmem>>, vector<16xi32>,
        %shift_left3A_577 = arith.constant 16 : i32
        %shift_left3A_578 = vector.broadcast %shift_left3A_577 : i32 to vector<16xi32>
        %shift_left3A_579 = arith.shli %get3A_576, %shift_left3A_578 : vector<16xi32>
        %bitcast3A_580 = vector.bitcast %shift_left3A_579 : vector<16xi32> to vector<16xf32>
        %bitcast3A_581 = vector.bitcast %get3A_576 : vector<16xi32> to vector<16xf32>
        %mul3A_582 = arith.mulf %gather3A_569, %bitcast3A_580 : vector<16xf32>
        %add3A_583 = arith.addf %add3A_562, %mul3A_582 : vector<16xf32>
        %mul3A_584 = arith.mulf %gather3A_569, %bitcast3A_581 : vector<16xf32>
        %add3A_585 = arith.addf %add3A_564, %mul3A_584 : vector<16xf32>
        %broadcast_in_dim3A_586 = arith.constant 6 : i32
        %broadcast_in_dim3A_587 = vector.broadcast %broadcast_in_dim3A_586 : i32 to vector<16xi32>
        %broadcast_in_dim3A_588 = vector.shape_cast %broadcast_in_dim3A_587 : vector<16xi32> to vector<16x1xi32>
        %gather3A_589 = vector.shape_cast %broadcast_in_dim3A_588 : vector<16x1xi32> to vector<16xi32>
        %gather3A_590 = tpu.dynamic_gather %get3A_462[%gather3A_589] in [0] : vector<16xf32>, vector<16xi32> -> vector<16xf32>
        %add3A_591 = arith.constant 0 : i32
        %add3A_592 = arith.addi %add3A_591, %mul3A_455 : i32
        %add3A_593 = arith.constant 6 : i32
        %add3A_594 = arith.addi %add3A_592, %add3A_593 : i32
        %get3A_595 = arith.index_cast %add3A_594 : i32 to index
        %get3A_596 = arith.constant 0 : index
        %get3A_597 = tpu.vector_load %arg8[%get3A_595, %get3A_596] {strides = array<i32>} : memref<512x16xi32, #tpu.memory_space<vmem>>, vector<16xi32>,
        %shift_left3A_598 = arith.constant 16 : i32
        %shift_left3A_599 = vector.broadcast %shift_left3A_598 : i32 to vector<16xi32>
        %shift_left3A_600 = arith.shli %get3A_597, %shift_left3A_599 : vector<16xi32>
        %bitcast3A_601 = vector.bitcast %shift_left3A_600 : vector<16xi32> to vector<16xf32>
        %bitcast3A_602 = vector.bitcast %get3A_597 : vector<16xi32> to vector<16xf32>
        %mul3A_603 = arith.mulf %gather3A_590, %bitcast3A_601 : vector<16xf32>
        %add3A_604 = arith.addf %add3A_583, %mul3A_603 : vector<16xf32>
        %mul3A_605 = arith.mulf %gather3A_590, %bitcast3A_602 : vector<16xf32>
        %add3A_606 = arith.addf %add3A_585, %mul3A_605 : vector<16xf32>
        %broadcast_in_dim3A_607 = arith.constant 7 : i32
        %broadcast_in_dim3A_608 = vector.broadcast %broadcast_in_dim3A_607 : i32 to vector<16xi32>
        %broadcast_in_dim3A_609 = vector.shape_cast %broadcast_in_dim3A_608 : vector<16xi32> to vector<16x1xi32>
        %gather3A_610 = vector.shape_cast %broadcast_in_dim3A_609 : vector<16x1xi32> to vector<16xi32>
        %gather3A_611 = tpu.dynamic_gather %get3A_462[%gather3A_610] in [0] : vector<16xf32>, vector<16xi32> -> vector<16xf32>
        %add3A_612 = arith.constant 0 : i32
        %add3A_613 = arith.addi %add3A_612, %mul3A_455 : i32
        %add3A_614 = arith.constant 7 : i32
        %add3A_615 = arith.addi %add3A_613, %add3A_614 : i32
        %get3A_616 = arith.index_cast %add3A_615 : i32 to index
        %get3A_617 = arith.constant 0 : index
        %get3A_618 = tpu.vector_load %arg8[%get3A_616, %get3A_617] {strides = array<i32>} : memref<512x16xi32, #tpu.memory_space<vmem>>, vector<16xi32>,
        %shift_left3A_619 = arith.constant 16 : i32
        %shift_left3A_620 = vector.broadcast %shift_left3A_619 : i32 to vector<16xi32>
        %shift_left3A_621 = arith.shli %get3A_618, %shift_left3A_620 : vector<16xi32>
        %bitcast3A_622 = vector.bitcast %shift_left3A_621 : vector<16xi32> to vector<16xf32>
        %bitcast3A_623 = vector.bitcast %get3A_618 : vector<16xi32> to vector<16xf32>
        %mul3A_624 = arith.mulf %gather3A_611, %bitcast3A_622 : vector<16xf32>
        %add3A_625 = arith.addf %add3A_604, %mul3A_624 : vector<16xf32>
        %mul3A_626 = arith.mulf %gather3A_611, %bitcast3A_623 : vector<16xf32>
        %add3A_627 = arith.addf %add3A_606, %mul3A_626 : vector<16xf32>
        %broadcast_in_dim3A_628 = arith.constant 8 : i32
        %broadcast_in_dim3A_629 = vector.broadcast %broadcast_in_dim3A_628 : i32 to vector<16xi32>
        %broadcast_in_dim3A_630 = vector.shape_cast %broadcast_in_dim3A_629 : vector<16xi32> to vector<16x1xi32>
        %gather3A_631 = vector.shape_cast %broadcast_in_dim3A_630 : vector<16x1xi32> to vector<16xi32>
        %gather3A_632 = tpu.dynamic_gather %get3A_462[%gather3A_631] in [0] : vector<16xf32>, vector<16xi32> -> vector<16xf32>
        %add3A_633 = arith.constant 0 : i32
        %add3A_634 = arith.addi %add3A_633, %mul3A_455 : i32
        %add3A_635 = arith.constant 8 : i32
        %add3A_636 = arith.addi %add3A_634, %add3A_635 : i32
        %get3A_637 = arith.index_cast %add3A_636 : i32 to index
        %get3A_638 = arith.constant 0 : index
        %get3A_639 = tpu.vector_load %arg8[%get3A_637, %get3A_638] {strides = array<i32>} : memref<512x16xi32, #tpu.memory_space<vmem>>, vector<16xi32>,
        %shift_left3A_640 = arith.constant 16 : i32
        %shift_left3A_641 = vector.broadcast %shift_left3A_640 : i32 to vector<16xi32>
        %shift_left3A_642 = arith.shli %get3A_639, %shift_left3A_641 : vector<16xi32>
        %bitcast3A_643 = vector.bitcast %shift_left3A_642 : vector<16xi32> to vector<16xf32>
        %bitcast3A_644 = vector.bitcast %get3A_639 : vector<16xi32> to vector<16xf32>
        %mul3A_645 = arith.mulf %gather3A_632, %bitcast3A_643 : vector<16xf32>
        %add3A_646 = arith.addf %add3A_625, %mul3A_645 : vector<16xf32>
        %mul3A_647 = arith.mulf %gather3A_632, %bitcast3A_644 : vector<16xf32>
        %add3A_648 = arith.addf %add3A_627, %mul3A_647 : vector<16xf32>
        %broadcast_in_dim3A_649 = arith.constant 9 : i32
        %broadcast_in_dim3A_650 = vector.broadcast %broadcast_in_dim3A_649 : i32 to vector<16xi32>
        %broadcast_in_dim3A_651 = vector.shape_cast %broadcast_in_dim3A_650 : vector<16xi32> to vector<16x1xi32>
        %gather3A_652 = vector.shape_cast %broadcast_in_dim3A_651 : vector<16x1xi32> to vector<16xi32>
        %gather3A_653 = tpu.dynamic_gather %get3A_462[%gather3A_652] in [0] : vector<16xf32>, vector<16xi32> -> vector<16xf32>
        %add3A_654 = arith.constant 0 : i32
        %add3A_655 = arith.addi %add3A_654, %mul3A_455 : i32
        %add3A_656 = arith.constant 9 : i32
        %add3A_657 = arith.addi %add3A_655, %add3A_656 : i32
        %get3A_658 = arith.index_cast %add3A_657 : i32 to index
        %get3A_659 = arith.constant 0 : index
        %get3A_660 = tpu.vector_load %arg8[%get3A_658, %get3A_659] {strides = array<i32>} : memref<512x16xi32, #tpu.memory_space<vmem>>, vector<16xi32>,
        %shift_left3A_661 = arith.constant 16 : i32
        %shift_left3A_662 = vector.broadcast %shift_left3A_661 : i32 to vector<16xi32>
        %shift_left3A_663 = arith.shli %get3A_660, %shift_left3A_662 : vector<16xi32>
        %bitcast3A_664 = vector.bitcast %shift_left3A_663 : vector<16xi32> to vector<16xf32>
        %bitcast3A_665 = vector.bitcast %get3A_660 : vector<16xi32> to vector<16xf32>
        %mul3A_666 = arith.mulf %gather3A_653, %bitcast3A_664 : vector<16xf32>
        %add3A_667 = arith.addf %add3A_646, %mul3A_666 : vector<16xf32>
        %mul3A_668 = arith.mulf %gather3A_653, %bitcast3A_665 : vector<16xf32>
        %add3A_669 = arith.addf %add3A_648, %mul3A_668 : vector<16xf32>
        %broadcast_in_dim3A_670 = arith.constant 10 : i32
        %broadcast_in_dim3A_671 = vector.broadcast %broadcast_in_dim3A_670 : i32 to vector<16xi32>
        %broadcast_in_dim3A_672 = vector.shape_cast %broadcast_in_dim3A_671 : vector<16xi32> to vector<16x1xi32>
        %gather3A_673 = vector.shape_cast %broadcast_in_dim3A_672 : vector<16x1xi32> to vector<16xi32>
        %gather3A_674 = tpu.dynamic_gather %get3A_462[%gather3A_673] in [0] : vector<16xf32>, vector<16xi32> -> vector<16xf32>
        %add3A_675 = arith.constant 0 : i32
        %add3A_676 = arith.addi %add3A_675, %mul3A_455 : i32
        %add3A_677 = arith.constant 10 : i32
        %add3A_678 = arith.addi %add3A_676, %add3A_677 : i32
        %get3A_679 = arith.index_cast %add3A_678 : i32 to index
        %get3A_680 = arith.constant 0 : index
        %get3A_681 = tpu.vector_load %arg8[%get3A_679, %get3A_680] {strides = array<i32>} : memref<512x16xi32, #tpu.memory_space<vmem>>, vector<16xi32>,
        %shift_left3A_682 = arith.constant 16 : i32
        %shift_left3A_683 = vector.broadcast %shift_left3A_682 : i32 to vector<16xi32>
        %shift_left3A_684 = arith.shli %get3A_681, %shift_left3A_683 : vector<16xi32>
        %bitcast3A_685 = vector.bitcast %shift_left3A_684 : vector<16xi32> to vector<16xf32>
        %bitcast3A_686 = vector.bitcast %get3A_681 : vector<16xi32> to vector<16xf32>
        %mul3A_687 = arith.mulf %gather3A_674, %bitcast3A_685 : vector<16xf32>
        %add3A_688 = arith.addf %add3A_667, %mul3A_687 : vector<16xf32>
        %mul3A_689 = arith.mulf %gather3A_674, %bitcast3A_686 : vector<16xf32>
        %add3A_690 = arith.addf %add3A_669, %mul3A_689 : vector<16xf32>
        %broadcast_in_dim3A_691 = arith.constant 11 : i32
        %broadcast_in_dim3A_692 = vector.broadcast %broadcast_in_dim3A_691 : i32 to vector<16xi32>
        %broadcast_in_dim3A_693 = vector.shape_cast %broadcast_in_dim3A_692 : vector<16xi32> to vector<16x1xi32>
        %gather3A_694 = vector.shape_cast %broadcast_in_dim3A_693 : vector<16x1xi32> to vector<16xi32>
        %gather3A_695 = tpu.dynamic_gather %get3A_462[%gather3A_694] in [0] : vector<16xf32>, vector<16xi32> -> vector<16xf32>
        %add3A_696 = arith.constant 0 : i32
        %add3A_697 = arith.addi %add3A_696, %mul3A_455 : i32
        %add3A_698 = arith.constant 11 : i32
        %add3A_699 = arith.addi %add3A_697, %add3A_698 : i32
        %get3A_700 = arith.index_cast %add3A_699 : i32 to index
        %get3A_701 = arith.constant 0 : index
        %get3A_702 = tpu.vector_load %arg8[%get3A_700, %get3A_701] {strides = array<i32>} : memref<512x16xi32, #tpu.memory_space<vmem>>, vector<16xi32>,
        %shift_left3A_703 = arith.constant 16 : i32
        %shift_left3A_704 = vector.broadcast %shift_left3A_703 : i32 to vector<16xi32>
        %shift_left3A_705 = arith.shli %get3A_702, %shift_left3A_704 : vector<16xi32>
        %bitcast3A_706 = vector.bitcast %shift_left3A_705 : vector<16xi32> to vector<16xf32>
        %bitcast3A_707 = vector.bitcast %get3A_702 : vector<16xi32> to vector<16xf32>
        %mul3A_708 = arith.mulf %gather3A_695, %bitcast3A_706 : vector<16xf32>
        %add3A_709 = arith.addf %add3A_688, %mul3A_708 : vector<16xf32>
        %mul3A_710 = arith.mulf %gather3A_695, %bitcast3A_707 : vector<16xf32>
        %add3A_711 = arith.addf %add3A_690, %mul3A_710 : vector<16xf32>
        %broadcast_in_dim3A_712 = arith.constant 12 : i32
        %broadcast_in_dim3A_713 = vector.broadcast %broadcast_in_dim3A_712 : i32 to vector<16xi32>
        %broadcast_in_dim3A_714 = vector.shape_cast %broadcast_in_dim3A_713 : vector<16xi32> to vector<16x1xi32>
        %gather3A_715 = vector.shape_cast %broadcast_in_dim3A_714 : vector<16x1xi32> to vector<16xi32>
        %gather3A_716 = tpu.dynamic_gather %get3A_462[%gather3A_715] in [0] : vector<16xf32>, vector<16xi32> -> vector<16xf32>
        %add3A_717 = arith.constant 0 : i32
        %add3A_718 = arith.addi %add3A_717, %mul3A_455 : i32
        %add3A_719 = arith.constant 12 : i32
        %add3A_720 = arith.addi %add3A_718, %add3A_719 : i32
        %get3A_721 = arith.index_cast %add3A_720 : i32 to index
        %get3A_722 = arith.constant 0 : index
        %get3A_723 = tpu.vector_load %arg8[%get3A_721, %get3A_722] {strides = array<i32>} : memref<512x16xi32, #tpu.memory_space<vmem>>, vector<16xi32>,
        %shift_left3A_724 = arith.constant 16 : i32
        %shift_left3A_725 = vector.broadcast %shift_left3A_724 : i32 to vector<16xi32>
        %shift_left3A_726 = arith.shli %get3A_723, %shift_left3A_725 : vector<16xi32>
        %bitcast3A_727 = vector.bitcast %shift_left3A_726 : vector<16xi32> to vector<16xf32>
        %bitcast3A_728 = vector.bitcast %get3A_723 : vector<16xi32> to vector<16xf32>
        %mul3A_729 = arith.mulf %gather3A_716, %bitcast3A_727 : vector<16xf32>
        %add3A_730 = arith.addf %add3A_709, %mul3A_729 : vector<16xf32>
        %mul3A_731 = arith.mulf %gather3A_716, %bitcast3A_728 : vector<16xf32>
        %add3A_732 = arith.addf %add3A_711, %mul3A_731 : vector<16xf32>
        %broadcast_in_dim3A_733 = arith.constant 13 : i32
        %broadcast_in_dim3A_734 = vector.broadcast %broadcast_in_dim3A_733 : i32 to vector<16xi32>
        %broadcast_in_dim3A_735 = vector.shape_cast %broadcast_in_dim3A_734 : vector<16xi32> to vector<16x1xi32>
        %gather3A_736 = vector.shape_cast %broadcast_in_dim3A_735 : vector<16x1xi32> to vector<16xi32>
        %gather3A_737 = tpu.dynamic_gather %get3A_462[%gather3A_736] in [0] : vector<16xf32>, vector<16xi32> -> vector<16xf32>
        %add3A_738 = arith.constant 0 : i32
        %add3A_739 = arith.addi %add3A_738, %mul3A_455 : i32
        %add3A_740 = arith.constant 13 : i32
        %add3A_741 = arith.addi %add3A_739, %add3A_740 : i32
        %get3A_742 = arith.index_cast %add3A_741 : i32 to index
        %get3A_743 = arith.constant 0 : index
        %get3A_744 = tpu.vector_load %arg8[%get3A_742, %get3A_743] {strides = array<i32>} : memref<512x16xi32, #tpu.memory_space<vmem>>, vector<16xi32>,
        %shift_left3A_745 = arith.constant 16 : i32
        %shift_left3A_746 = vector.broadcast %shift_left3A_745 : i32 to vector<16xi32>
        %shift_left3A_747 = arith.shli %get3A_744, %shift_left3A_746 : vector<16xi32>
        %bitcast3A_748 = vector.bitcast %shift_left3A_747 : vector<16xi32> to vector<16xf32>
        %bitcast3A_749 = vector.bitcast %get3A_744 : vector<16xi32> to vector<16xf32>
        %mul3A_750 = arith.mulf %gather3A_737, %bitcast3A_748 : vector<16xf32>
        %add3A_751 = arith.addf %add3A_730, %mul3A_750 : vector<16xf32>
        %mul3A_752 = arith.mulf %gather3A_737, %bitcast3A_749 : vector<16xf32>
        %add3A_753 = arith.addf %add3A_732, %mul3A_752 : vector<16xf32>
        %broadcast_in_dim3A_754 = arith.constant 14 : i32
        %broadcast_in_dim3A_755 = vector.broadcast %broadcast_in_dim3A_754 : i32 to vector<16xi32>
        %broadcast_in_dim3A_756 = vector.shape_cast %broadcast_in_dim3A_755 : vector<16xi32> to vector<16x1xi32>
        %gather3A_757 = vector.shape_cast %broadcast_in_dim3A_756 : vector<16x1xi32> to vector<16xi32>
        %gather3A_758 = tpu.dynamic_gather %get3A_462[%gather3A_757] in [0] : vector<16xf32>, vector<16xi32> -> vector<16xf32>
        %add3A_759 = arith.constant 0 : i32
        %add3A_760 = arith.addi %add3A_759, %mul3A_455 : i32
        %add3A_761 = arith.constant 14 : i32
        %add3A_762 = arith.addi %add3A_760, %add3A_761 : i32
        %get3A_763 = arith.index_cast %add3A_762 : i32 to index
        %get3A_764 = arith.constant 0 : index
        %get3A_765 = tpu.vector_load %arg8[%get3A_763, %get3A_764] {strides = array<i32>} : memref<512x16xi32, #tpu.memory_space<vmem>>, vector<16xi32>,
        %shift_left3A_766 = arith.constant 16 : i32
        %shift_left3A_767 = vector.broadcast %shift_left3A_766 : i32 to vector<16xi32>
        %shift_left3A_768 = arith.shli %get3A_765, %shift_left3A_767 : vector<16xi32>
        %bitcast3A_769 = vector.bitcast %shift_left3A_768 : vector<16xi32> to vector<16xf32>
        %bitcast3A_770 = vector.bitcast %get3A_765 : vector<16xi32> to vector<16xf32>
        %mul3A_771 = arith.mulf %gather3A_758, %bitcast3A_769 : vector<16xf32>
        %add3A_772 = arith.addf %add3A_751, %mul3A_771 : vector<16xf32>
        %mul3A_773 = arith.mulf %gather3A_758, %bitcast3A_770 : vector<16xf32>
        %add3A_774 = arith.addf %add3A_753, %mul3A_773 : vector<16xf32>
        %broadcast_in_dim3A_775 = arith.constant 15 : i32
        %broadcast_in_dim3A_776 = vector.broadcast %broadcast_in_dim3A_775 : i32 to vector<16xi32>
        %broadcast_in_dim3A_777 = vector.shape_cast %broadcast_in_dim3A_776 : vector<16xi32> to vector<16x1xi32>
        %gather3A_778 = vector.shape_cast %broadcast_in_dim3A_777 : vector<16x1xi32> to vector<16xi32>
        %gather3A_779 = tpu.dynamic_gather %get3A_462[%gather3A_778] in [0] : vector<16xf32>, vector<16xi32> -> vector<16xf32>
        %add3A_780 = arith.constant 0 : i32
        %add3A_781 = arith.addi %add3A_780, %mul3A_455 : i32
        %add3A_782 = arith.constant 15 : i32
        %add3A_783 = arith.addi %add3A_781, %add3A_782 : i32
        %get3A_784 = arith.index_cast %add3A_783 : i32 to index
        %get3A_785 = arith.constant 0 : index
        %get3A_786 = tpu.vector_load %arg8[%get3A_784, %get3A_785] {strides = array<i32>} : memref<512x16xi32, #tpu.memory_space<vmem>>, vector<16xi32>,
        %shift_left3A_787 = arith.constant 16 : i32
        %shift_left3A_788 = vector.broadcast %shift_left3A_787 : i32 to vector<16xi32>
        %shift_left3A_789 = arith.shli %get3A_786, %shift_left3A_788 : vector<16xi32>
        %bitcast3A_790 = vector.bitcast %shift_left3A_789 : vector<16xi32> to vector<16xf32>
        %bitcast3A_791 = vector.bitcast %get3A_786 : vector<16xi32> to vector<16xf32>
        %mul3A_792 = arith.mulf %gather3A_779, %bitcast3A_790 : vector<16xf32>
        %add3A_793 = arith.addf %add3A_772, %mul3A_792 : vector<16xf32>
        %mul3A_794 = arith.mulf %gather3A_779, %bitcast3A_791 : vector<16xf32>
        %add3A_795 = arith.addf %add3A_774, %mul3A_794 : vector<16xf32>
        %get3A_796 = arith.constant 1 : i32
        %get3A_797 = arith.index_cast %get3A_796 : i32 to index
        %get3A_798 = arith.index_cast %mul3A_308 : i32 to index
        %get3A_799 = arith.index_cast %mul3A_455 : i32 to index
        %get3A_800 = tpu.vector_load %arg7[%get3A_797, %get3A_798, %get3A_799] {strides = array<i32>} : memref<4x64x128xf32, #tpu.memory_space<vmem>>, vector<16xf32>,
        %broadcast_in_dim3A_801 = arith.constant 0 : i32
        %broadcast_in_dim3A_802 = vector.broadcast %broadcast_in_dim3A_801 : i32 to vector<16xi32>
        %broadcast_in_dim3A_803 = vector.shape_cast %broadcast_in_dim3A_802 : vector<16xi32> to vector<16x1xi32>
        %gather3A_804 = vector.shape_cast %broadcast_in_dim3A_803 : vector<16x1xi32> to vector<16xi32>
        %gather3A_805 = tpu.dynamic_gather %get3A_800[%gather3A_804] in [0] : vector<16xf32>, vector<16xi32> -> vector<16xf32>
        %add3A_806 = arith.constant 128 : i32
        %add3A_807 = arith.addi %add3A_806, %mul3A_455 : i32
        %add3A_808 = arith.constant 0 : i32
        %add3A_809 = arith.addi %add3A_807, %add3A_808 : i32
        %get3A_810 = arith.index_cast %add3A_809 : i32 to index
        %get3A_811 = arith.constant 0 : index
        %get3A_812 = tpu.vector_load %arg8[%get3A_810, %get3A_811] {strides = array<i32>} : memref<512x16xi32, #tpu.memory_space<vmem>>, vector<16xi32>,
        %shift_left3A_813 = arith.constant 16 : i32
        %shift_left3A_814 = vector.broadcast %shift_left3A_813 : i32 to vector<16xi32>
        %shift_left3A_815 = arith.shli %get3A_812, %shift_left3A_814 : vector<16xi32>
        %bitcast3A_816 = vector.bitcast %shift_left3A_815 : vector<16xi32> to vector<16xf32>
        %bitcast3A_817 = vector.bitcast %get3A_812 : vector<16xi32> to vector<16xf32>
        %mul3A_818 = arith.mulf %gather3A_805, %bitcast3A_816 : vector<16xf32>
        %add3A_819 = arith.addf %add3A_793, %mul3A_818 : vector<16xf32>
        %mul3A_820 = arith.mulf %gather3A_805, %bitcast3A_817 : vector<16xf32>
        %add3A_821 = arith.addf %add3A_795, %mul3A_820 : vector<16xf32>
        %broadcast_in_dim3A_822 = arith.constant 1 : i32
        %broadcast_in_dim3A_823 = vector.broadcast %broadcast_in_dim3A_822 : i32 to vector<16xi32>
        %broadcast_in_dim3A_824 = vector.shape_cast %broadcast_in_dim3A_823 : vector<16xi32> to vector<16x1xi32>
        %gather3A_825 = vector.shape_cast %broadcast_in_dim3A_824 : vector<16x1xi32> to vector<16xi32>
        %gather3A_826 = tpu.dynamic_gather %get3A_800[%gather3A_825] in [0] : vector<16xf32>, vector<16xi32> -> vector<16xf32>
        %add3A_827 = arith.constant 128 : i32
        %add3A_828 = arith.addi %add3A_827, %mul3A_455 : i32
        %add3A_829 = arith.constant 1 : i32
        %add3A_830 = arith.addi %add3A_828, %add3A_829 : i32
        %get3A_831 = arith.index_cast %add3A_830 : i32 to index
        %get3A_832 = arith.constant 0 : index
        %get3A_833 = tpu.vector_load %arg8[%get3A_831, %get3A_832] {strides = array<i32>} : memref<512x16xi32, #tpu.memory_space<vmem>>, vector<16xi32>,
        %shift_left3A_834 = arith.constant 16 : i32
        %shift_left3A_835 = vector.broadcast %shift_left3A_834 : i32 to vector<16xi32>
        %shift_left3A_836 = arith.shli %get3A_833, %shift_left3A_835 : vector<16xi32>
        %bitcast3A_837 = vector.bitcast %shift_left3A_836 : vector<16xi32> to vector<16xf32>
        %bitcast3A_838 = vector.bitcast %get3A_833 : vector<16xi32> to vector<16xf32>
        %mul3A_839 = arith.mulf %gather3A_826, %bitcast3A_837 : vector<16xf32>
        %add3A_840 = arith.addf %add3A_819, %mul3A_839 : vector<16xf32>
        %mul3A_841 = arith.mulf %gather3A_826, %bitcast3A_838 : vector<16xf32>
        %add3A_842 = arith.addf %add3A_821, %mul3A_841 : vector<16xf32>
        %broadcast_in_dim3A_843 = arith.constant 2 : i32
        %broadcast_in_dim3A_844 = vector.broadcast %broadcast_in_dim3A_843 : i32 to vector<16xi32>
        %broadcast_in_dim3A_845 = vector.shape_cast %broadcast_in_dim3A_844 : vector<16xi32> to vector<16x1xi32>
        %gather3A_846 = vector.shape_cast %broadcast_in_dim3A_845 : vector<16x1xi32> to vector<16xi32>
        %gather3A_847 = tpu.dynamic_gather %get3A_800[%gather3A_846] in [0] : vector<16xf32>, vector<16xi32> -> vector<16xf32>
        %add3A_848 = arith.constant 128 : i32
        %add3A_849 = arith.addi %add3A_848, %mul3A_455 : i32
        %add3A_850 = arith.constant 2 : i32
        %add3A_851 = arith.addi %add3A_849, %add3A_850 : i32
        %get3A_852 = arith.index_cast %add3A_851 : i32 to index
        %get3A_853 = arith.constant 0 : index
        %get3A_854 = tpu.vector_load %arg8[%get3A_852, %get3A_853] {strides = array<i32>} : memref<512x16xi32, #tpu.memory_space<vmem>>, vector<16xi32>,
        %shift_left3A_855 = arith.constant 16 : i32
        %shift_left3A_856 = vector.broadcast %shift_left3A_855 : i32 to vector<16xi32>
        %shift_left3A_857 = arith.shli %get3A_854, %shift_left3A_856 : vector<16xi32>
        %bitcast3A_858 = vector.bitcast %shift_left3A_857 : vector<16xi32> to vector<16xf32>
        %bitcast3A_859 = vector.bitcast %get3A_854 : vector<16xi32> to vector<16xf32>
        %mul3A_860 = arith.mulf %gather3A_847, %bitcast3A_858 : vector<16xf32>
        %add3A_861 = arith.addf %add3A_840, %mul3A_860 : vector<16xf32>
        %mul3A_862 = arith.mulf %gather3A_847, %bitcast3A_859 : vector<16xf32>
        %add3A_863 = arith.addf %add3A_842, %mul3A_862 : vector<16xf32>
        %broadcast_in_dim3A_864 = arith.constant 3 : i32
        %broadcast_in_dim3A_865 = vector.broadcast %broadcast_in_dim3A_864 : i32 to vector<16xi32>
        %broadcast_in_dim3A_866 = vector.shape_cast %broadcast_in_dim3A_865 : vector<16xi32> to vector<16x1xi32>
        %gather3A_867 = vector.shape_cast %broadcast_in_dim3A_866 : vector<16x1xi32> to vector<16xi32>
        %gather3A_868 = tpu.dynamic_gather %get3A_800[%gather3A_867] in [0] : vector<16xf32>, vector<16xi32> -> vector<16xf32>
        %add3A_869 = arith.constant 128 : i32
        %add3A_870 = arith.addi %add3A_869, %mul3A_455 : i32
        %add3A_871 = arith.constant 3 : i32
        %add3A_872 = arith.addi %add3A_870, %add3A_871 : i32
        %get3A_873 = arith.index_cast %add3A_872 : i32 to index
        %get3A_874 = arith.constant 0 : index
        %get3A_875 = tpu.vector_load %arg8[%get3A_873, %get3A_874] {strides = array<i32>} : memref<512x16xi32, #tpu.memory_space<vmem>>, vector<16xi32>,
        %shift_left3A_876 = arith.constant 16 : i32
        %shift_left3A_877 = vector.broadcast %shift_left3A_876 : i32 to vector<16xi32>
        %shift_left3A_878 = arith.shli %get3A_875, %shift_left3A_877 : vector<16xi32>
        %bitcast3A_879 = vector.bitcast %shift_left3A_878 : vector<16xi32> to vector<16xf32>
        %bitcast3A_880 = vector.bitcast %get3A_875 : vector<16xi32> to vector<16xf32>
        %mul3A_881 = arith.mulf %gather3A_868, %bitcast3A_879 : vector<16xf32>
        %add3A_882 = arith.addf %add3A_861, %mul3A_881 : vector<16xf32>
        %mul3A_883 = arith.mulf %gather3A_868, %bitcast3A_880 : vector<16xf32>
        %add3A_884 = arith.addf %add3A_863, %mul3A_883 : vector<16xf32>
        %broadcast_in_dim3A_885 = arith.constant 4 : i32
        %broadcast_in_dim3A_886 = vector.broadcast %broadcast_in_dim3A_885 : i32 to vector<16xi32>
        %broadcast_in_dim3A_887 = vector.shape_cast %broadcast_in_dim3A_886 : vector<16xi32> to vector<16x1xi32>
        %gather3A_888 = vector.shape_cast %broadcast_in_dim3A_887 : vector<16x1xi32> to vector<16xi32>
        %gather3A_889 = tpu.dynamic_gather %get3A_800[%gather3A_888] in [0] : vector<16xf32>, vector<16xi32> -> vector<16xf32>
        %add3A_890 = arith.constant 128 : i32
        %add3A_891 = arith.addi %add3A_890, %mul3A_455 : i32
        %add3A_892 = arith.constant 4 : i32
        %add3A_893 = arith.addi %add3A_891, %add3A_892 : i32
        %get3A_894 = arith.index_cast %add3A_893 : i32 to index
        %get3A_895 = arith.constant 0 : index
        %get3A_896 = tpu.vector_load %arg8[%get3A_894, %get3A_895] {strides = array<i32>} : memref<512x16xi32, #tpu.memory_space<vmem>>, vector<16xi32>,
        %shift_left3A_897 = arith.constant 16 : i32
        %shift_left3A_898 = vector.broadcast %shift_left3A_897 : i32 to vector<16xi32>
        %shift_left3A_899 = arith.shli %get3A_896, %shift_left3A_898 : vector<16xi32>
        %bitcast3A_900 = vector.bitcast %shift_left3A_899 : vector<16xi32> to vector<16xf32>
        %bitcast3A_901 = vector.bitcast %get3A_896 : vector<16xi32> to vector<16xf32>
        %mul3A_902 = arith.mulf %gather3A_889, %bitcast3A_900 : vector<16xf32>
        %add3A_903 = arith.addf %add3A_882, %mul3A_902 : vector<16xf32>
        %mul3A_904 = arith.mulf %gather3A_889, %bitcast3A_901 : vector<16xf32>
        %add3A_905 = arith.addf %add3A_884, %mul3A_904 : vector<16xf32>
        %broadcast_in_dim3A_906 = arith.constant 5 : i32
        %broadcast_in_dim3A_907 = vector.broadcast %broadcast_in_dim3A_906 : i32 to vector<16xi32>
        %broadcast_in_dim3A_908 = vector.shape_cast %broadcast_in_dim3A_907 : vector<16xi32> to vector<16x1xi32>
        %gather3A_909 = vector.shape_cast %broadcast_in_dim3A_908 : vector<16x1xi32> to vector<16xi32>
        %gather3A_910 = tpu.dynamic_gather %get3A_800[%gather3A_909] in [0] : vector<16xf32>, vector<16xi32> -> vector<16xf32>
        %add3A_911 = arith.constant 128 : i32
        %add3A_912 = arith.addi %add3A_911, %mul3A_455 : i32
        %add3A_913 = arith.constant 5 : i32
        %add3A_914 = arith.addi %add3A_912, %add3A_913 : i32
        %get3A_915 = arith.index_cast %add3A_914 : i32 to index
        %get3A_916 = arith.constant 0 : index
        %get3A_917 = tpu.vector_load %arg8[%get3A_915, %get3A_916] {strides = array<i32>} : memref<512x16xi32, #tpu.memory_space<vmem>>, vector<16xi32>,
        %shift_left3A_918 = arith.constant 16 : i32
        %shift_left3A_919 = vector.broadcast %shift_left3A_918 : i32 to vector<16xi32>
        %shift_left3A_920 = arith.shli %get3A_917, %shift_left3A_919 : vector<16xi32>
        %bitcast3A_921 = vector.bitcast %shift_left3A_920 : vector<16xi32> to vector<16xf32>
        %bitcast3A_922 = vector.bitcast %get3A_917 : vector<16xi32> to vector<16xf32>
        %mul3A_923 = arith.mulf %gather3A_910, %bitcast3A_921 : vector<16xf32>
        %add3A_924 = arith.addf %add3A_903, %mul3A_923 : vector<16xf32>
        %mul3A_925 = arith.mulf %gather3A_910, %bitcast3A_922 : vector<16xf32>
        %add3A_926 = arith.addf %add3A_905, %mul3A_925 : vector<16xf32>
        %broadcast_in_dim3A_927 = arith.constant 6 : i32
        %broadcast_in_dim3A_928 = vector.broadcast %broadcast_in_dim3A_927 : i32 to vector<16xi32>
        %broadcast_in_dim3A_929 = vector.shape_cast %broadcast_in_dim3A_928 : vector<16xi32> to vector<16x1xi32>
        %gather3A_930 = vector.shape_cast %broadcast_in_dim3A_929 : vector<16x1xi32> to vector<16xi32>
        %gather3A_931 = tpu.dynamic_gather %get3A_800[%gather3A_930] in [0] : vector<16xf32>, vector<16xi32> -> vector<16xf32>
        %add3A_932 = arith.constant 128 : i32
        %add3A_933 = arith.addi %add3A_932, %mul3A_455 : i32
        %add3A_934 = arith.constant 6 : i32
        %add3A_935 = arith.addi %add3A_933, %add3A_934 : i32
        %get3A_936 = arith.index_cast %add3A_935 : i32 to index
        %get3A_937 = arith.constant 0 : index
        %get3A_938 = tpu.vector_load %arg8[%get3A_936, %get3A_937] {strides = array<i32>} : memref<512x16xi32, #tpu.memory_space<vmem>>, vector<16xi32>,
        %shift_left3A_939 = arith.constant 16 : i32
        %shift_left3A_940 = vector.broadcast %shift_left3A_939 : i32 to vector<16xi32>
        %shift_left3A_941 = arith.shli %get3A_938, %shift_left3A_940 : vector<16xi32>
        %bitcast3A_942 = vector.bitcast %shift_left3A_941 : vector<16xi32> to vector<16xf32>
        %bitcast3A_943 = vector.bitcast %get3A_938 : vector<16xi32> to vector<16xf32>
        %mul3A_944 = arith.mulf %gather3A_931, %bitcast3A_942 : vector<16xf32>
        %add3A_945 = arith.addf %add3A_924, %mul3A_944 : vector<16xf32>
        %mul3A_946 = arith.mulf %gather3A_931, %bitcast3A_943 : vector<16xf32>
        %add3A_947 = arith.addf %add3A_926, %mul3A_946 : vector<16xf32>
        %broadcast_in_dim3A_948 = arith.constant 7 : i32
        %broadcast_in_dim3A_949 = vector.broadcast %broadcast_in_dim3A_948 : i32 to vector<16xi32>
        %broadcast_in_dim3A_950 = vector.shape_cast %broadcast_in_dim3A_949 : vector<16xi32> to vector<16x1xi32>
        %gather3A_951 = vector.shape_cast %broadcast_in_dim3A_950 : vector<16x1xi32> to vector<16xi32>
        %gather3A_952 = tpu.dynamic_gather %get3A_800[%gather3A_951] in [0] : vector<16xf32>, vector<16xi32> -> vector<16xf32>
        %add3A_953 = arith.constant 128 : i32
        %add3A_954 = arith.addi %add3A_953, %mul3A_455 : i32
        %add3A_955 = arith.constant 7 : i32
        %add3A_956 = arith.addi %add3A_954, %add3A_955 : i32
        %get3A_957 = arith.index_cast %add3A_956 : i32 to index
        %get3A_958 = arith.constant 0 : index
        %get3A_959 = tpu.vector_load %arg8[%get3A_957, %get3A_958] {strides = array<i32>} : memref<512x16xi32, #tpu.memory_space<vmem>>, vector<16xi32>,
        %shift_left3A_960 = arith.constant 16 : i32
        %shift_left3A_961 = vector.broadcast %shift_left3A_960 : i32 to vector<16xi32>
        %shift_left3A_962 = arith.shli %get3A_959, %shift_left3A_961 : vector<16xi32>
        %bitcast3A_963 = vector.bitcast %shift_left3A_962 : vector<16xi32> to vector<16xf32>
        %bitcast3A_964 = vector.bitcast %get3A_959 : vector<16xi32> to vector<16xf32>
        %mul3A_965 = arith.mulf %gather3A_952, %bitcast3A_963 : vector<16xf32>
        %add3A_966 = arith.addf %add3A_945, %mul3A_965 : vector<16xf32>
        %mul3A_967 = arith.mulf %gather3A_952, %bitcast3A_964 : vector<16xf32>
        %add3A_968 = arith.addf %add3A_947, %mul3A_967 : vector<16xf32>
        %broadcast_in_dim3A_969 = arith.constant 8 : i32
        %broadcast_in_dim3A_970 = vector.broadcast %broadcast_in_dim3A_969 : i32 to vector<16xi32>
        %broadcast_in_dim3A_971 = vector.shape_cast %broadcast_in_dim3A_970 : vector<16xi32> to vector<16x1xi32>
        %gather3A_972 = vector.shape_cast %broadcast_in_dim3A_971 : vector<16x1xi32> to vector<16xi32>
        %gather3A_973 = tpu.dynamic_gather %get3A_800[%gather3A_972] in [0] : vector<16xf32>, vector<16xi32> -> vector<16xf32>
        %add3A_974 = arith.constant 128 : i32
        %add3A_975 = arith.addi %add3A_974, %mul3A_455 : i32
        %add3A_976 = arith.constant 8 : i32
        %add3A_977 = arith.addi %add3A_975, %add3A_976 : i32
        %get3A_978 = arith.index_cast %add3A_977 : i32 to index
        %get3A_979 = arith.constant 0 : index
        %get3A_980 = tpu.vector_load %arg8[%get3A_978, %get3A_979] {strides = array<i32>} : memref<512x16xi32, #tpu.memory_space<vmem>>, vector<16xi32>,
        %shift_left3A_981 = arith.constant 16 : i32
        %shift_left3A_982 = vector.broadcast %shift_left3A_981 : i32 to vector<16xi32>
        %shift_left3A_983 = arith.shli %get3A_980, %shift_left3A_982 : vector<16xi32>
        %bitcast3A_984 = vector.bitcast %shift_left3A_983 : vector<16xi32> to vector<16xf32>
        %bitcast3A_985 = vector.bitcast %get3A_980 : vector<16xi32> to vector<16xf32>
        %mul3A_986 = arith.mulf %gather3A_973, %bitcast3A_984 : vector<16xf32>
        %add3A_987 = arith.addf %add3A_966, %mul3A_986 : vector<16xf32>
        %mul3A_988 = arith.mulf %gather3A_973, %bitcast3A_985 : vector<16xf32>
        %add3A_989 = arith.addf %add3A_968, %mul3A_988 : vector<16xf32>
        %broadcast_in_dim3A_990 = arith.constant 9 : i32
        %broadcast_in_dim3A_991 = vector.broadcast %broadcast_in_dim3A_990 : i32 to vector<16xi32>
        %broadcast_in_dim3A_992 = vector.shape_cast %broadcast_in_dim3A_991 : vector<16xi32> to vector<16x1xi32>
        %gather3A_993 = vector.shape_cast %broadcast_in_dim3A_992 : vector<16x1xi32> to vector<16xi32>
        %gather3A_994 = tpu.dynamic_gather %get3A_800[%gather3A_993] in [0] : vector<16xf32>, vector<16xi32> -> vector<16xf32>
        %add3A_995 = arith.constant 128 : i32
        %add3A_996 = arith.addi %add3A_995, %mul3A_455 : i32
        %add3A_997 = arith.constant 9 : i32
        %add3A_998 = arith.addi %add3A_996, %add3A_997 : i32
        %get3A_999 = arith.index_cast %add3A_998 : i32 to index
        %get3A_1000 = arith.constant 0 : index
        %get3A_1001 = tpu.vector_load %arg8[%get3A_999, %get3A_1000] {strides = array<i32>} : memref<512x16xi32, #tpu.memory_space<vmem>>, vector<16xi32>,
        %shift_left3A_1002 = arith.constant 16 : i32
        %shift_left3A_1003 = vector.broadcast %shift_left3A_1002 : i32 to vector<16xi32>
        %shift_left3A_1004 = arith.shli %get3A_1001, %shift_left3A_1003 : vector<16xi32>
        %bitcast3A_1005 = vector.bitcast %shift_left3A_1004 : vector<16xi32> to vector<16xf32>
        %bitcast3A_1006 = vector.bitcast %get3A_1001 : vector<16xi32> to vector<16xf32>
        %mul3A_1007 = arith.mulf %gather3A_994, %bitcast3A_1005 : vector<16xf32>
        %add3A_1008 = arith.addf %add3A_987, %mul3A_1007 : vector<16xf32>
        %mul3A_1009 = arith.mulf %gather3A_994, %bitcast3A_1006 : vector<16xf32>
        %add3A_1010 = arith.addf %add3A_989, %mul3A_1009 : vector<16xf32>
        %broadcast_in_dim3A_1011 = arith.constant 10 : i32
        %broadcast_in_dim3A_1012 = vector.broadcast %broadcast_in_dim3A_1011 : i32 to vector<16xi32>
        %broadcast_in_dim3A_1013 = vector.shape_cast %broadcast_in_dim3A_1012 : vector<16xi32> to vector<16x1xi32>
        %gather3A_1014 = vector.shape_cast %broadcast_in_dim3A_1013 : vector<16x1xi32> to vector<16xi32>
        %gather3A_1015 = tpu.dynamic_gather %get3A_800[%gather3A_1014] in [0] : vector<16xf32>, vector<16xi32> -> vector<16xf32>
        %add3A_1016 = arith.constant 128 : i32
        %add3A_1017 = arith.addi %add3A_1016, %mul3A_455 : i32
        %add3A_1018 = arith.constant 10 : i32
        %add3A_1019 = arith.addi %add3A_1017, %add3A_1018 : i32
        %get3A_1020 = arith.index_cast %add3A_1019 : i32 to index
        %get3A_1021 = arith.constant 0 : index
        %get3A_1022 = tpu.vector_load %arg8[%get3A_1020, %get3A_1021] {strides = array<i32>} : memref<512x16xi32, #tpu.memory_space<vmem>>, vector<16xi32>,
        %shift_left3A_1023 = arith.constant 16 : i32
        %shift_left3A_1024 = vector.broadcast %shift_left3A_1023 : i32 to vector<16xi32>
        %shift_left3A_1025 = arith.shli %get3A_1022, %shift_left3A_1024 : vector<16xi32>
        %bitcast3A_1026 = vector.bitcast %shift_left3A_1025 : vector<16xi32> to vector<16xf32>
        %bitcast3A_1027 = vector.bitcast %get3A_1022 : vector<16xi32> to vector<16xf32>
        %mul3A_1028 = arith.mulf %gather3A_1015, %bitcast3A_1026 : vector<16xf32>
        %add3A_1029 = arith.addf %add3A_1008, %mul3A_1028 : vector<16xf32>
        %mul3A_1030 = arith.mulf %gather3A_1015, %bitcast3A_1027 : vector<16xf32>
        %add3A_1031 = arith.addf %add3A_1010, %mul3A_1030 : vector<16xf32>
        %broadcast_in_dim3A_1032 = arith.constant 11 : i32
        %broadcast_in_dim3A_1033 = vector.broadcast %broadcast_in_dim3A_1032 : i32 to vector<16xi32>
        %broadcast_in_dim3A_1034 = vector.shape_cast %broadcast_in_dim3A_1033 : vector<16xi32> to vector<16x1xi32>
        %gather3A_1035 = vector.shape_cast %broadcast_in_dim3A_1034 : vector<16x1xi32> to vector<16xi32>
        %gather3A_1036 = tpu.dynamic_gather %get3A_800[%gather3A_1035] in [0] : vector<16xf32>, vector<16xi32> -> vector<16xf32>
        %add3A_1037 = arith.constant 128 : i32
        %add3A_1038 = arith.addi %add3A_1037, %mul3A_455 : i32
        %add3A_1039 = arith.constant 11 : i32
        %add3A_1040 = arith.addi %add3A_1038, %add3A_1039 : i32
        %get3A_1041 = arith.index_cast %add3A_1040 : i32 to index
        %get3A_1042 = arith.constant 0 : index
        %get3A_1043 = tpu.vector_load %arg8[%get3A_1041, %get3A_1042] {strides = array<i32>} : memref<512x16xi32, #tpu.memory_space<vmem>>, vector<16xi32>,
        %shift_left3A_1044 = arith.constant 16 : i32
        %shift_left3A_1045 = vector.broadcast %shift_left3A_1044 : i32 to vector<16xi32>
        %shift_left3A_1046 = arith.shli %get3A_1043, %shift_left3A_1045 : vector<16xi32>
        %bitcast3A_1047 = vector.bitcast %shift_left3A_1046 : vector<16xi32> to vector<16xf32>
        %bitcast3A_1048 = vector.bitcast %get3A_1043 : vector<16xi32> to vector<16xf32>
        %mul3A_1049 = arith.mulf %gather3A_1036, %bitcast3A_1047 : vector<16xf32>
        %add3A_1050 = arith.addf %add3A_1029, %mul3A_1049 : vector<16xf32>
        %mul3A_1051 = arith.mulf %gather3A_1036, %bitcast3A_1048 : vector<16xf32>
        %add3A_1052 = arith.addf %add3A_1031, %mul3A_1051 : vector<16xf32>
        %broadcast_in_dim3A_1053 = arith.constant 12 : i32
        %broadcast_in_dim3A_1054 = vector.broadcast %broadcast_in_dim3A_1053 : i32 to vector<16xi32>
        %broadcast_in_dim3A_1055 = vector.shape_cast %broadcast_in_dim3A_1054 : vector<16xi32> to vector<16x1xi32>
        %gather3A_1056 = vector.shape_cast %broadcast_in_dim3A_1055 : vector<16x1xi32> to vector<16xi32>
        %gather3A_1057 = tpu.dynamic_gather %get3A_800[%gather3A_1056] in [0] : vector<16xf32>, vector<16xi32> -> vector<16xf32>
        %add3A_1058 = arith.constant 128 : i32
        %add3A_1059 = arith.addi %add3A_1058, %mul3A_455 : i32
        %add3A_1060 = arith.constant 12 : i32
        %add3A_1061 = arith.addi %add3A_1059, %add3A_1060 : i32
        %get3A_1062 = arith.index_cast %add3A_1061 : i32 to index
        %get3A_1063 = arith.constant 0 : index
        %get3A_1064 = tpu.vector_load %arg8[%get3A_1062, %get3A_1063] {strides = array<i32>} : memref<512x16xi32, #tpu.memory_space<vmem>>, vector<16xi32>,
        %shift_left3A_1065 = arith.constant 16 : i32
        %shift_left3A_1066 = vector.broadcast %shift_left3A_1065 : i32 to vector<16xi32>
        %shift_left3A_1067 = arith.shli %get3A_1064, %shift_left3A_1066 : vector<16xi32>
        %bitcast3A_1068 = vector.bitcast %shift_left3A_1067 : vector<16xi32> to vector<16xf32>
        %bitcast3A_1069 = vector.bitcast %get3A_1064 : vector<16xi32> to vector<16xf32>
        %mul3A_1070 = arith.mulf %gather3A_1057, %bitcast3A_1068 : vector<16xf32>
        %add3A_1071 = arith.addf %add3A_1050, %mul3A_1070 : vector<16xf32>
        %mul3A_1072 = arith.mulf %gather3A_1057, %bitcast3A_1069 : vector<16xf32>
        %add3A_1073 = arith.addf %add3A_1052, %mul3A_1072 : vector<16xf32>
        %broadcast_in_dim3A_1074 = arith.constant 13 : i32
        %broadcast_in_dim3A_1075 = vector.broadcast %broadcast_in_dim3A_1074 : i32 to vector<16xi32>
        %broadcast_in_dim3A_1076 = vector.shape_cast %broadcast_in_dim3A_1075 : vector<16xi32> to vector<16x1xi32>
        %gather3A_1077 = vector.shape_cast %broadcast_in_dim3A_1076 : vector<16x1xi32> to vector<16xi32>
        %gather3A_1078 = tpu.dynamic_gather %get3A_800[%gather3A_1077] in [0] : vector<16xf32>, vector<16xi32> -> vector<16xf32>
        %add3A_1079 = arith.constant 128 : i32
        %add3A_1080 = arith.addi %add3A_1079, %mul3A_455 : i32
        %add3A_1081 = arith.constant 13 : i32
        %add3A_1082 = arith.addi %add3A_1080, %add3A_1081 : i32
        %get3A_1083 = arith.index_cast %add3A_1082 : i32 to index
        %get3A_1084 = arith.constant 0 : index
        %get3A_1085 = tpu.vector_load %arg8[%get3A_1083, %get3A_1084] {strides = array<i32>} : memref<512x16xi32, #tpu.memory_space<vmem>>, vector<16xi32>,
        %shift_left3A_1086 = arith.constant 16 : i32
        %shift_left3A_1087 = vector.broadcast %shift_left3A_1086 : i32 to vector<16xi32>
        %shift_left3A_1088 = arith.shli %get3A_1085, %shift_left3A_1087 : vector<16xi32>
        %bitcast3A_1089 = vector.bitcast %shift_left3A_1088 : vector<16xi32> to vector<16xf32>
        %bitcast3A_1090 = vector.bitcast %get3A_1085 : vector<16xi32> to vector<16xf32>
        %mul3A_1091 = arith.mulf %gather3A_1078, %bitcast3A_1089 : vector<16xf32>
        %add3A_1092 = arith.addf %add3A_1071, %mul3A_1091 : vector<16xf32>
        %mul3A_1093 = arith.mulf %gather3A_1078, %bitcast3A_1090 : vector<16xf32>
        %add3A_1094 = arith.addf %add3A_1073, %mul3A_1093 : vector<16xf32>
        %broadcast_in_dim3A_1095 = arith.constant 14 : i32
        %broadcast_in_dim3A_1096 = vector.broadcast %broadcast_in_dim3A_1095 : i32 to vector<16xi32>
        %broadcast_in_dim3A_1097 = vector.shape_cast %broadcast_in_dim3A_1096 : vector<16xi32> to vector<16x1xi32>
        %gather3A_1098 = vector.shape_cast %broadcast_in_dim3A_1097 : vector<16x1xi32> to vector<16xi32>
        %gather3A_1099 = tpu.dynamic_gather %get3A_800[%gather3A_1098] in [0] : vector<16xf32>, vector<16xi32> -> vector<16xf32>
        %add3A_1100 = arith.constant 128 : i32
        %add3A_1101 = arith.addi %add3A_1100, %mul3A_455 : i32
        %add3A_1102 = arith.constant 14 : i32
        %add3A_1103 = arith.addi %add3A_1101, %add3A_1102 : i32
        %get3A_1104 = arith.index_cast %add3A_1103 : i32 to index
        %get3A_1105 = arith.constant 0 : index
        %get3A_1106 = tpu.vector_load %arg8[%get3A_1104, %get3A_1105] {strides = array<i32>} : memref<512x16xi32, #tpu.memory_space<vmem>>, vector<16xi32>,
        %shift_left3A_1107 = arith.constant 16 : i32
        %shift_left3A_1108 = vector.broadcast %shift_left3A_1107 : i32 to vector<16xi32>
        %shift_left3A_1109 = arith.shli %get3A_1106, %shift_left3A_1108 : vector<16xi32>
        %bitcast3A_1110 = vector.bitcast %shift_left3A_1109 : vector<16xi32> to vector<16xf32>
        %bitcast3A_1111 = vector.bitcast %get3A_1106 : vector<16xi32> to vector<16xf32>
        %mul3A_1112 = arith.mulf %gather3A_1099, %bitcast3A_1110 : vector<16xf32>
        %add3A_1113 = arith.addf %add3A_1092, %mul3A_1112 : vector<16xf32>
        %mul3A_1114 = arith.mulf %gather3A_1099, %bitcast3A_1111 : vector<16xf32>
        %add3A_1115 = arith.addf %add3A_1094, %mul3A_1114 : vector<16xf32>
        %broadcast_in_dim3A_1116 = arith.constant 15 : i32
        %broadcast_in_dim3A_1117 = vector.broadcast %broadcast_in_dim3A_1116 : i32 to vector<16xi32>
        %broadcast_in_dim3A_1118 = vector.shape_cast %broadcast_in_dim3A_1117 : vector<16xi32> to vector<16x1xi32>
        %gather3A_1119 = vector.shape_cast %broadcast_in_dim3A_1118 : vector<16x1xi32> to vector<16xi32>
        %gather3A_1120 = tpu.dynamic_gather %get3A_800[%gather3A_1119] in [0] : vector<16xf32>, vector<16xi32> -> vector<16xf32>
        %add3A_1121 = arith.constant 128 : i32
        %add3A_1122 = arith.addi %add3A_1121, %mul3A_455 : i32
        %add3A_1123 = arith.constant 15 : i32
        %add3A_1124 = arith.addi %add3A_1122, %add3A_1123 : i32
        %get3A_1125 = arith.index_cast %add3A_1124 : i32 to index
        %get3A_1126 = arith.constant 0 : index
        %get3A_1127 = tpu.vector_load %arg8[%get3A_1125, %get3A_1126] {strides = array<i32>} : memref<512x16xi32, #tpu.memory_space<vmem>>, vector<16xi32>,
        %shift_left3A_1128 = arith.constant 16 : i32
        %shift_left3A_1129 = vector.broadcast %shift_left3A_1128 : i32 to vector<16xi32>
        %shift_left3A_1130 = arith.shli %get3A_1127, %shift_left3A_1129 : vector<16xi32>
        %bitcast3A_1131 = vector.bitcast %shift_left3A_1130 : vector<16xi32> to vector<16xf32>
        %bitcast3A_1132 = vector.bitcast %get3A_1127 : vector<16xi32> to vector<16xf32>
        %mul3A_1133 = arith.mulf %gather3A_1120, %bitcast3A_1131 : vector<16xf32>
        %add3A_1134 = arith.addf %add3A_1113, %mul3A_1133 : vector<16xf32>
        %mul3A_1135 = arith.mulf %gather3A_1120, %bitcast3A_1132 : vector<16xf32>
        %add3A_1136 = arith.addf %add3A_1115, %mul3A_1135 : vector<16xf32>
        %get3A_1137 = arith.constant 2 : i32
        %get3A_1138 = arith.index_cast %get3A_1137 : i32 to index
        %get3A_1139 = arith.index_cast %mul3A_308 : i32 to index
        %get3A_1140 = arith.index_cast %mul3A_455 : i32 to index
        %get3A_1141 = tpu.vector_load %arg7[%get3A_1138, %get3A_1139, %get3A_1140] {strides = array<i32>} : memref<4x64x128xf32, #tpu.memory_space<vmem>>, vector<16xf32>,
        %broadcast_in_dim3A_1142 = arith.constant 0 : i32
        %broadcast_in_dim3A_1143 = vector.broadcast %broadcast_in_dim3A_1142 : i32 to vector<16xi32>
        %broadcast_in_dim3A_1144 = vector.shape_cast %broadcast_in_dim3A_1143 : vector<16xi32> to vector<16x1xi32>
        %gather3A_1145 = vector.shape_cast %broadcast_in_dim3A_1144 : vector<16x1xi32> to vector<16xi32>
        %gather3A_1146 = tpu.dynamic_gather %get3A_1141[%gather3A_1145] in [0] : vector<16xf32>, vector<16xi32> -> vector<16xf32>
        %add3A_1147 = arith.constant 256 : i32
        %add3A_1148 = arith.addi %add3A_1147, %mul3A_455 : i32
        %add3A_1149 = arith.constant 0 : i32
        %add3A_1150 = arith.addi %add3A_1148, %add3A_1149 : i32
        %get3A_1151 = arith.index_cast %add3A_1150 : i32 to index
        %get3A_1152 = arith.constant 0 : index
        %get3A_1153 = tpu.vector_load %arg8[%get3A_1151, %get3A_1152] {strides = array<i32>} : memref<512x16xi32, #tpu.memory_space<vmem>>, vector<16xi32>,
        %shift_left3A_1154 = arith.constant 16 : i32
        %shift_left3A_1155 = vector.broadcast %shift_left3A_1154 : i32 to vector<16xi32>
        %shift_left3A_1156 = arith.shli %get3A_1153, %shift_left3A_1155 : vector<16xi32>
        %bitcast3A_1157 = vector.bitcast %shift_left3A_1156 : vector<16xi32> to vector<16xf32>
        %bitcast3A_1158 = vector.bitcast %get3A_1153 : vector<16xi32> to vector<16xf32>
        %mul3A_1159 = arith.mulf %gather3A_1146, %bitcast3A_1157 : vector<16xf32>
        %add3A_1160 = arith.addf %add3A_1134, %mul3A_1159 : vector<16xf32>
        %mul3A_1161 = arith.mulf %gather3A_1146, %bitcast3A_1158 : vector<16xf32>
        %add3A_1162 = arith.addf %add3A_1136, %mul3A_1161 : vector<16xf32>
        %broadcast_in_dim3A_1163 = arith.constant 1 : i32
        %broadcast_in_dim3A_1164 = vector.broadcast %broadcast_in_dim3A_1163 : i32 to vector<16xi32>
        %broadcast_in_dim3A_1165 = vector.shape_cast %broadcast_in_dim3A_1164 : vector<16xi32> to vector<16x1xi32>
        %gather3A_1166 = vector.shape_cast %broadcast_in_dim3A_1165 : vector<16x1xi32> to vector<16xi32>
        %gather3A_1167 = tpu.dynamic_gather %get3A_1141[%gather3A_1166] in [0] : vector<16xf32>, vector<16xi32> -> vector<16xf32>
        %add3A_1168 = arith.constant 256 : i32
        %add3A_1169 = arith.addi %add3A_1168, %mul3A_455 : i32
        %add3A_1170 = arith.constant 1 : i32
        %add3A_1171 = arith.addi %add3A_1169, %add3A_1170 : i32
        %get3A_1172 = arith.index_cast %add3A_1171 : i32 to index
        %get3A_1173 = arith.constant 0 : index
        %get3A_1174 = tpu.vector_load %arg8[%get3A_1172, %get3A_1173] {strides = array<i32>} : memref<512x16xi32, #tpu.memory_space<vmem>>, vector<16xi32>,
        %shift_left3A_1175 = arith.constant 16 : i32
        %shift_left3A_1176 = vector.broadcast %shift_left3A_1175 : i32 to vector<16xi32>
        %shift_left3A_1177 = arith.shli %get3A_1174, %shift_left3A_1176 : vector<16xi32>
        %bitcast3A_1178 = vector.bitcast %shift_left3A_1177 : vector<16xi32> to vector<16xf32>
        %bitcast3A_1179 = vector.bitcast %get3A_1174 : vector<16xi32> to vector<16xf32>
        %mul3A_1180 = arith.mulf %gather3A_1167, %bitcast3A_1178 : vector<16xf32>
        %add3A_1181 = arith.addf %add3A_1160, %mul3A_1180 : vector<16xf32>
        %mul3A_1182 = arith.mulf %gather3A_1167, %bitcast3A_1179 : vector<16xf32>
        %add3A_1183 = arith.addf %add3A_1162, %mul3A_1182 : vector<16xf32>
        %broadcast_in_dim3A_1184 = arith.constant 2 : i32
        %broadcast_in_dim3A_1185 = vector.broadcast %broadcast_in_dim3A_1184 : i32 to vector<16xi32>
        %broadcast_in_dim3A_1186 = vector.shape_cast %broadcast_in_dim3A_1185 : vector<16xi32> to vector<16x1xi32>
        %gather3A_1187 = vector.shape_cast %broadcast_in_dim3A_1186 : vector<16x1xi32> to vector<16xi32>
        %gather3A_1188 = tpu.dynamic_gather %get3A_1141[%gather3A_1187] in [0] : vector<16xf32>, vector<16xi32> -> vector<16xf32>
        %add3A_1189 = arith.constant 256 : i32
        %add3A_1190 = arith.addi %add3A_1189, %mul3A_455 : i32
        %add3A_1191 = arith.constant 2 : i32
        %add3A_1192 = arith.addi %add3A_1190, %add3A_1191 : i32
        %get3A_1193 = arith.index_cast %add3A_1192 : i32 to index
        %get3A_1194 = arith.constant 0 : index
        %get3A_1195 = tpu.vector_load %arg8[%get3A_1193, %get3A_1194] {strides = array<i32>} : memref<512x16xi32, #tpu.memory_space<vmem>>, vector<16xi32>,
        %shift_left3A_1196 = arith.constant 16 : i32
        %shift_left3A_1197 = vector.broadcast %shift_left3A_1196 : i32 to vector<16xi32>
        %shift_left3A_1198 = arith.shli %get3A_1195, %shift_left3A_1197 : vector<16xi32>
        %bitcast3A_1199 = vector.bitcast %shift_left3A_1198 : vector<16xi32> to vector<16xf32>
        %bitcast3A_1200 = vector.bitcast %get3A_1195 : vector<16xi32> to vector<16xf32>
        %mul3A_1201 = arith.mulf %gather3A_1188, %bitcast3A_1199 : vector<16xf32>
        %add3A_1202 = arith.addf %add3A_1181, %mul3A_1201 : vector<16xf32>
        %mul3A_1203 = arith.mulf %gather3A_1188, %bitcast3A_1200 : vector<16xf32>
        %add3A_1204 = arith.addf %add3A_1183, %mul3A_1203 : vector<16xf32>
        %broadcast_in_dim3A_1205 = arith.constant 3 : i32
        %broadcast_in_dim3A_1206 = vector.broadcast %broadcast_in_dim3A_1205 : i32 to vector<16xi32>
        %broadcast_in_dim3A_1207 = vector.shape_cast %broadcast_in_dim3A_1206 : vector<16xi32> to vector<16x1xi32>
        %gather3A_1208 = vector.shape_cast %broadcast_in_dim3A_1207 : vector<16x1xi32> to vector<16xi32>
        %gather3A_1209 = tpu.dynamic_gather %get3A_1141[%gather3A_1208] in [0] : vector<16xf32>, vector<16xi32> -> vector<16xf32>
        %add3A_1210 = arith.constant 256 : i32
        %add3A_1211 = arith.addi %add3A_1210, %mul3A_455 : i32
        %add3A_1212 = arith.constant 3 : i32
        %add3A_1213 = arith.addi %add3A_1211, %add3A_1212 : i32
        %get3A_1214 = arith.index_cast %add3A_1213 : i32 to index
        %get3A_1215 = arith.constant 0 : index
        %get3A_1216 = tpu.vector_load %arg8[%get3A_1214, %get3A_1215] {strides = array<i32>} : memref<512x16xi32, #tpu.memory_space<vmem>>, vector<16xi32>,
        %shift_left3A_1217 = arith.constant 16 : i32
        %shift_left3A_1218 = vector.broadcast %shift_left3A_1217 : i32 to vector<16xi32>
        %shift_left3A_1219 = arith.shli %get3A_1216, %shift_left3A_1218 : vector<16xi32>
        %bitcast3A_1220 = vector.bitcast %shift_left3A_1219 : vector<16xi32> to vector<16xf32>
        %bitcast3A_1221 = vector.bitcast %get3A_1216 : vector<16xi32> to vector<16xf32>
        %mul3A_1222 = arith.mulf %gather3A_1209, %bitcast3A_1220 : vector<16xf32>
        %add3A_1223 = arith.addf %add3A_1202, %mul3A_1222 : vector<16xf32>
        %mul3A_1224 = arith.mulf %gather3A_1209, %bitcast3A_1221 : vector<16xf32>
        %add3A_1225 = arith.addf %add3A_1204, %mul3A_1224 : vector<16xf32>
        %broadcast_in_dim3A_1226 = arith.constant 4 : i32
        %broadcast_in_dim3A_1227 = vector.broadcast %broadcast_in_dim3A_1226 : i32 to vector<16xi32>
        %broadcast_in_dim3A_1228 = vector.shape_cast %broadcast_in_dim3A_1227 : vector<16xi32> to vector<16x1xi32>
        %gather3A_1229 = vector.shape_cast %broadcast_in_dim3A_1228 : vector<16x1xi32> to vector<16xi32>
        %gather3A_1230 = tpu.dynamic_gather %get3A_1141[%gather3A_1229] in [0] : vector<16xf32>, vector<16xi32> -> vector<16xf32>
        %add3A_1231 = arith.constant 256 : i32
        %add3A_1232 = arith.addi %add3A_1231, %mul3A_455 : i32
        %add3A_1233 = arith.constant 4 : i32
        %add3A_1234 = arith.addi %add3A_1232, %add3A_1233 : i32
        %get3A_1235 = arith.index_cast %add3A_1234 : i32 to index
        %get3A_1236 = arith.constant 0 : index
        %get3A_1237 = tpu.vector_load %arg8[%get3A_1235, %get3A_1236] {strides = array<i32>} : memref<512x16xi32, #tpu.memory_space<vmem>>, vector<16xi32>,
        %shift_left3A_1238 = arith.constant 16 : i32
        %shift_left3A_1239 = vector.broadcast %shift_left3A_1238 : i32 to vector<16xi32>
        %shift_left3A_1240 = arith.shli %get3A_1237, %shift_left3A_1239 : vector<16xi32>
        %bitcast3A_1241 = vector.bitcast %shift_left3A_1240 : vector<16xi32> to vector<16xf32>
        %bitcast3A_1242 = vector.bitcast %get3A_1237 : vector<16xi32> to vector<16xf32>
        %mul3A_1243 = arith.mulf %gather3A_1230, %bitcast3A_1241 : vector<16xf32>
        %add3A_1244 = arith.addf %add3A_1223, %mul3A_1243 : vector<16xf32>
        %mul3A_1245 = arith.mulf %gather3A_1230, %bitcast3A_1242 : vector<16xf32>
        %add3A_1246 = arith.addf %add3A_1225, %mul3A_1245 : vector<16xf32>
        %broadcast_in_dim3A_1247 = arith.constant 5 : i32
        %broadcast_in_dim3A_1248 = vector.broadcast %broadcast_in_dim3A_1247 : i32 to vector<16xi32>
        %broadcast_in_dim3A_1249 = vector.shape_cast %broadcast_in_dim3A_1248 : vector<16xi32> to vector<16x1xi32>
        %gather3A_1250 = vector.shape_cast %broadcast_in_dim3A_1249 : vector<16x1xi32> to vector<16xi32>
        %gather3A_1251 = tpu.dynamic_gather %get3A_1141[%gather3A_1250] in [0] : vector<16xf32>, vector<16xi32> -> vector<16xf32>
        %add3A_1252 = arith.constant 256 : i32
        %add3A_1253 = arith.addi %add3A_1252, %mul3A_455 : i32
        %add3A_1254 = arith.constant 5 : i32
        %add3A_1255 = arith.addi %add3A_1253, %add3A_1254 : i32
        %get3A_1256 = arith.index_cast %add3A_1255 : i32 to index
        %get3A_1257 = arith.constant 0 : index
        %get3A_1258 = tpu.vector_load %arg8[%get3A_1256, %get3A_1257] {strides = array<i32>} : memref<512x16xi32, #tpu.memory_space<vmem>>, vector<16xi32>,
        %shift_left3A_1259 = arith.constant 16 : i32
        %shift_left3A_1260 = vector.broadcast %shift_left3A_1259 : i32 to vector<16xi32>
        %shift_left3A_1261 = arith.shli %get3A_1258, %shift_left3A_1260 : vector<16xi32>
        %bitcast3A_1262 = vector.bitcast %shift_left3A_1261 : vector<16xi32> to vector<16xf32>
        %bitcast3A_1263 = vector.bitcast %get3A_1258 : vector<16xi32> to vector<16xf32>
        %mul3A_1264 = arith.mulf %gather3A_1251, %bitcast3A_1262 : vector<16xf32>
        %add3A_1265 = arith.addf %add3A_1244, %mul3A_1264 : vector<16xf32>
        %mul3A_1266 = arith.mulf %gather3A_1251, %bitcast3A_1263 : vector<16xf32>
        %add3A_1267 = arith.addf %add3A_1246, %mul3A_1266 : vector<16xf32>
        %broadcast_in_dim3A_1268 = arith.constant 6 : i32
        %broadcast_in_dim3A_1269 = vector.broadcast %broadcast_in_dim3A_1268 : i32 to vector<16xi32>
        %broadcast_in_dim3A_1270 = vector.shape_cast %broadcast_in_dim3A_1269 : vector<16xi32> to vector<16x1xi32>
        %gather3A_1271 = vector.shape_cast %broadcast_in_dim3A_1270 : vector<16x1xi32> to vector<16xi32>
        %gather3A_1272 = tpu.dynamic_gather %get3A_1141[%gather3A_1271] in [0] : vector<16xf32>, vector<16xi32> -> vector<16xf32>
        %add3A_1273 = arith.constant 256 : i32
        %add3A_1274 = arith.addi %add3A_1273, %mul3A_455 : i32
        %add3A_1275 = arith.constant 6 : i32
        %add3A_1276 = arith.addi %add3A_1274, %add3A_1275 : i32
        %get3A_1277 = arith.index_cast %add3A_1276 : i32 to index
        %get3A_1278 = arith.constant 0 : index
        %get3A_1279 = tpu.vector_load %arg8[%get3A_1277, %get3A_1278] {strides = array<i32>} : memref<512x16xi32, #tpu.memory_space<vmem>>, vector<16xi32>,
        %shift_left3A_1280 = arith.constant 16 : i32
        %shift_left3A_1281 = vector.broadcast %shift_left3A_1280 : i32 to vector<16xi32>
        %shift_left3A_1282 = arith.shli %get3A_1279, %shift_left3A_1281 : vector<16xi32>
        %bitcast3A_1283 = vector.bitcast %shift_left3A_1282 : vector<16xi32> to vector<16xf32>
        %bitcast3A_1284 = vector.bitcast %get3A_1279 : vector<16xi32> to vector<16xf32>
        %mul3A_1285 = arith.mulf %gather3A_1272, %bitcast3A_1283 : vector<16xf32>
        %add3A_1286 = arith.addf %add3A_1265, %mul3A_1285 : vector<16xf32>
        %mul3A_1287 = arith.mulf %gather3A_1272, %bitcast3A_1284 : vector<16xf32>
        %add3A_1288 = arith.addf %add3A_1267, %mul3A_1287 : vector<16xf32>
        %broadcast_in_dim3A_1289 = arith.constant 7 : i32
        %broadcast_in_dim3A_1290 = vector.broadcast %broadcast_in_dim3A_1289 : i32 to vector<16xi32>
        %broadcast_in_dim3A_1291 = vector.shape_cast %broadcast_in_dim3A_1290 : vector<16xi32> to vector<16x1xi32>
        %gather3A_1292 = vector.shape_cast %broadcast_in_dim3A_1291 : vector<16x1xi32> to vector<16xi32>
        %gather3A_1293 = tpu.dynamic_gather %get3A_1141[%gather3A_1292] in [0] : vector<16xf32>, vector<16xi32> -> vector<16xf32>
        %add3A_1294 = arith.constant 256 : i32
        %add3A_1295 = arith.addi %add3A_1294, %mul3A_455 : i32
        %add3A_1296 = arith.constant 7 : i32
        %add3A_1297 = arith.addi %add3A_1295, %add3A_1296 : i32
        %get3A_1298 = arith.index_cast %add3A_1297 : i32 to index
        %get3A_1299 = arith.constant 0 : index
        %get3A_1300 = tpu.vector_load %arg8[%get3A_1298, %get3A_1299] {strides = array<i32>} : memref<512x16xi32, #tpu.memory_space<vmem>>, vector<16xi32>,
        %shift_left3A_1301 = arith.constant 16 : i32
        %shift_left3A_1302 = vector.broadcast %shift_left3A_1301 : i32 to vector<16xi32>
        %shift_left3A_1303 = arith.shli %get3A_1300, %shift_left3A_1302 : vector<16xi32>
        %bitcast3A_1304 = vector.bitcast %shift_left3A_1303 : vector<16xi32> to vector<16xf32>
        %bitcast3A_1305 = vector.bitcast %get3A_1300 : vector<16xi32> to vector<16xf32>
        %mul3A_1306 = arith.mulf %gather3A_1293, %bitcast3A_1304 : vector<16xf32>
        %add3A_1307 = arith.addf %add3A_1286, %mul3A_1306 : vector<16xf32>
        %mul3A_1308 = arith.mulf %gather3A_1293, %bitcast3A_1305 : vector<16xf32>
        %add3A_1309 = arith.addf %add3A_1288, %mul3A_1308 : vector<16xf32>
        %broadcast_in_dim3A_1310 = arith.constant 8 : i32
        %broadcast_in_dim3A_1311 = vector.broadcast %broadcast_in_dim3A_1310 : i32 to vector<16xi32>
        %broadcast_in_dim3A_1312 = vector.shape_cast %broadcast_in_dim3A_1311 : vector<16xi32> to vector<16x1xi32>
        %gather3A_1313 = vector.shape_cast %broadcast_in_dim3A_1312 : vector<16x1xi32> to vector<16xi32>
        %gather3A_1314 = tpu.dynamic_gather %get3A_1141[%gather3A_1313] in [0] : vector<16xf32>, vector<16xi32> -> vector<16xf32>
        %add3A_1315 = arith.constant 256 : i32
        %add3A_1316 = arith.addi %add3A_1315, %mul3A_455 : i32
        %add3A_1317 = arith.constant 8 : i32
        %add3A_1318 = arith.addi %add3A_1316, %add3A_1317 : i32
        %get3A_1319 = arith.index_cast %add3A_1318 : i32 to index
        %get3A_1320 = arith.constant 0 : index
        %get3A_1321 = tpu.vector_load %arg8[%get3A_1319, %get3A_1320] {strides = array<i32>} : memref<512x16xi32, #tpu.memory_space<vmem>>, vector<16xi32>,
        %shift_left3A_1322 = arith.constant 16 : i32
        %shift_left3A_1323 = vector.broadcast %shift_left3A_1322 : i32 to vector<16xi32>
        %shift_left3A_1324 = arith.shli %get3A_1321, %shift_left3A_1323 : vector<16xi32>
        %bitcast3A_1325 = vector.bitcast %shift_left3A_1324 : vector<16xi32> to vector<16xf32>
        %bitcast3A_1326 = vector.bitcast %get3A_1321 : vector<16xi32> to vector<16xf32>
        %mul3A_1327 = arith.mulf %gather3A_1314, %bitcast3A_1325 : vector<16xf32>
        %add3A_1328 = arith.addf %add3A_1307, %mul3A_1327 : vector<16xf32>
        %mul3A_1329 = arith.mulf %gather3A_1314, %bitcast3A_1326 : vector<16xf32>
        %add3A_1330 = arith.addf %add3A_1309, %mul3A_1329 : vector<16xf32>
        %broadcast_in_dim3A_1331 = arith.constant 9 : i32
        %broadcast_in_dim3A_1332 = vector.broadcast %broadcast_in_dim3A_1331 : i32 to vector<16xi32>
        %broadcast_in_dim3A_1333 = vector.shape_cast %broadcast_in_dim3A_1332 : vector<16xi32> to vector<16x1xi32>
        %gather3A_1334 = vector.shape_cast %broadcast_in_dim3A_1333 : vector<16x1xi32> to vector<16xi32>
        %gather3A_1335 = tpu.dynamic_gather %get3A_1141[%gather3A_1334] in [0] : vector<16xf32>, vector<16xi32> -> vector<16xf32>
        %add3A_1336 = arith.constant 256 : i32
        %add3A_1337 = arith.addi %add3A_1336, %mul3A_455 : i32
        %add3A_1338 = arith.constant 9 : i32
        %add3A_1339 = arith.addi %add3A_1337, %add3A_1338 : i32
        %get3A_1340 = arith.index_cast %add3A_1339 : i32 to index
        %get3A_1341 = arith.constant 0 : index
        %get3A_1342 = tpu.vector_load %arg8[%get3A_1340, %get3A_1341] {strides = array<i32>} : memref<512x16xi32, #tpu.memory_space<vmem>>, vector<16xi32>,
        %shift_left3A_1343 = arith.constant 16 : i32
        %shift_left3A_1344 = vector.broadcast %shift_left3A_1343 : i32 to vector<16xi32>
        %shift_left3A_1345 = arith.shli %get3A_1342, %shift_left3A_1344 : vector<16xi32>
        %bitcast3A_1346 = vector.bitcast %shift_left3A_1345 : vector<16xi32> to vector<16xf32>
        %bitcast3A_1347 = vector.bitcast %get3A_1342 : vector<16xi32> to vector<16xf32>
        %mul3A_1348 = arith.mulf %gather3A_1335, %bitcast3A_1346 : vector<16xf32>
        %add3A_1349 = arith.addf %add3A_1328, %mul3A_1348 : vector<16xf32>
        %mul3A_1350 = arith.mulf %gather3A_1335, %bitcast3A_1347 : vector<16xf32>
        %add3A_1351 = arith.addf %add3A_1330, %mul3A_1350 : vector<16xf32>
        %broadcast_in_dim3A_1352 = arith.constant 10 : i32
        %broadcast_in_dim3A_1353 = vector.broadcast %broadcast_in_dim3A_1352 : i32 to vector<16xi32>
        %broadcast_in_dim3A_1354 = vector.shape_cast %broadcast_in_dim3A_1353 : vector<16xi32> to vector<16x1xi32>
        %gather3A_1355 = vector.shape_cast %broadcast_in_dim3A_1354 : vector<16x1xi32> to vector<16xi32>
        %gather3A_1356 = tpu.dynamic_gather %get3A_1141[%gather3A_1355] in [0] : vector<16xf32>, vector<16xi32> -> vector<16xf32>
        %add3A_1357 = arith.constant 256 : i32
        %add3A_1358 = arith.addi %add3A_1357, %mul3A_455 : i32
        %add3A_1359 = arith.constant 10 : i32
        %add3A_1360 = arith.addi %add3A_1358, %add3A_1359 : i32
        %get3A_1361 = arith.index_cast %add3A_1360 : i32 to index
        %get3A_1362 = arith.constant 0 : index
        %get3A_1363 = tpu.vector_load %arg8[%get3A_1361, %get3A_1362] {strides = array<i32>} : memref<512x16xi32, #tpu.memory_space<vmem>>, vector<16xi32>,
        %shift_left3A_1364 = arith.constant 16 : i32
        %shift_left3A_1365 = vector.broadcast %shift_left3A_1364 : i32 to vector<16xi32>
        %shift_left3A_1366 = arith.shli %get3A_1363, %shift_left3A_1365 : vector<16xi32>
        %bitcast3A_1367 = vector.bitcast %shift_left3A_1366 : vector<16xi32> to vector<16xf32>
        %bitcast3A_1368 = vector.bitcast %get3A_1363 : vector<16xi32> to vector<16xf32>
        %mul3A_1369 = arith.mulf %gather3A_1356, %bitcast3A_1367 : vector<16xf32>
        %add3A_1370 = arith.addf %add3A_1349, %mul3A_1369 : vector<16xf32>
        %mul3A_1371 = arith.mulf %gather3A_1356, %bitcast3A_1368 : vector<16xf32>
        %add3A_1372 = arith.addf %add3A_1351, %mul3A_1371 : vector<16xf32>
        %broadcast_in_dim3A_1373 = arith.constant 11 : i32
        %broadcast_in_dim3A_1374 = vector.broadcast %broadcast_in_dim3A_1373 : i32 to vector<16xi32>
        %broadcast_in_dim3A_1375 = vector.shape_cast %broadcast_in_dim3A_1374 : vector<16xi32> to vector<16x1xi32>
        %gather3A_1376 = vector.shape_cast %broadcast_in_dim3A_1375 : vector<16x1xi32> to vector<16xi32>
        %gather3A_1377 = tpu.dynamic_gather %get3A_1141[%gather3A_1376] in [0] : vector<16xf32>, vector<16xi32> -> vector<16xf32>
        %add3A_1378 = arith.constant 256 : i32
        %add3A_1379 = arith.addi %add3A_1378, %mul3A_455 : i32
        %add3A_1380 = arith.constant 11 : i32
        %add3A_1381 = arith.addi %add3A_1379, %add3A_1380 : i32
        %get3A_1382 = arith.index_cast %add3A_1381 : i32 to index
        %get3A_1383 = arith.constant 0 : index
        %get3A_1384 = tpu.vector_load %arg8[%get3A_1382, %get3A_1383] {strides = array<i32>} : memref<512x16xi32, #tpu.memory_space<vmem>>, vector<16xi32>,
        %shift_left3A_1385 = arith.constant 16 : i32
        %shift_left3A_1386 = vector.broadcast %shift_left3A_1385 : i32 to vector<16xi32>
        %shift_left3A_1387 = arith.shli %get3A_1384, %shift_left3A_1386 : vector<16xi32>
        %bitcast3A_1388 = vector.bitcast %shift_left3A_1387 : vector<16xi32> to vector<16xf32>
        %bitcast3A_1389 = vector.bitcast %get3A_1384 : vector<16xi32> to vector<16xf32>
        %mul3A_1390 = arith.mulf %gather3A_1377, %bitcast3A_1388 : vector<16xf32>
        %add3A_1391 = arith.addf %add3A_1370, %mul3A_1390 : vector<16xf32>
        %mul3A_1392 = arith.mulf %gather3A_1377, %bitcast3A_1389 : vector<16xf32>
        %add3A_1393 = arith.addf %add3A_1372, %mul3A_1392 : vector<16xf32>
        %broadcast_in_dim3A_1394 = arith.constant 12 : i32
        %broadcast_in_dim3A_1395 = vector.broadcast %broadcast_in_dim3A_1394 : i32 to vector<16xi32>
        %broadcast_in_dim3A_1396 = vector.shape_cast %broadcast_in_dim3A_1395 : vector<16xi32> to vector<16x1xi32>
        %gather3A_1397 = vector.shape_cast %broadcast_in_dim3A_1396 : vector<16x1xi32> to vector<16xi32>
        %gather3A_1398 = tpu.dynamic_gather %get3A_1141[%gather3A_1397] in [0] : vector<16xf32>, vector<16xi32> -> vector<16xf32>
        %add3A_1399 = arith.constant 256 : i32
        %add3A_1400 = arith.addi %add3A_1399, %mul3A_455 : i32
        %add3A_1401 = arith.constant 12 : i32
        %add3A_1402 = arith.addi %add3A_1400, %add3A_1401 : i32
        %get3A_1403 = arith.index_cast %add3A_1402 : i32 to index
        %get3A_1404 = arith.constant 0 : index
        %get3A_1405 = tpu.vector_load %arg8[%get3A_1403, %get3A_1404] {strides = array<i32>} : memref<512x16xi32, #tpu.memory_space<vmem>>, vector<16xi32>,
        %shift_left3A_1406 = arith.constant 16 : i32
        %shift_left3A_1407 = vector.broadcast %shift_left3A_1406 : i32 to vector<16xi32>
        %shift_left3A_1408 = arith.shli %get3A_1405, %shift_left3A_1407 : vector<16xi32>
        %bitcast3A_1409 = vector.bitcast %shift_left3A_1408 : vector<16xi32> to vector<16xf32>
        %bitcast3A_1410 = vector.bitcast %get3A_1405 : vector<16xi32> to vector<16xf32>
        %mul3A_1411 = arith.mulf %gather3A_1398, %bitcast3A_1409 : vector<16xf32>
        %add3A_1412 = arith.addf %add3A_1391, %mul3A_1411 : vector<16xf32>
        %mul3A_1413 = arith.mulf %gather3A_1398, %bitcast3A_1410 : vector<16xf32>
        %add3A_1414 = arith.addf %add3A_1393, %mul3A_1413 : vector<16xf32>
        %broadcast_in_dim3A_1415 = arith.constant 13 : i32
        %broadcast_in_dim3A_1416 = vector.broadcast %broadcast_in_dim3A_1415 : i32 to vector<16xi32>
        %broadcast_in_dim3A_1417 = vector.shape_cast %broadcast_in_dim3A_1416 : vector<16xi32> to vector<16x1xi32>
        %gather3A_1418 = vector.shape_cast %broadcast_in_dim3A_1417 : vector<16x1xi32> to vector<16xi32>
        %gather3A_1419 = tpu.dynamic_gather %get3A_1141[%gather3A_1418] in [0] : vector<16xf32>, vector<16xi32> -> vector<16xf32>
        %add3A_1420 = arith.constant 256 : i32
        %add3A_1421 = arith.addi %add3A_1420, %mul3A_455 : i32
        %add3A_1422 = arith.constant 13 : i32
        %add3A_1423 = arith.addi %add3A_1421, %add3A_1422 : i32
        %get3A_1424 = arith.index_cast %add3A_1423 : i32 to index
        %get3A_1425 = arith.constant 0 : index
        %get3A_1426 = tpu.vector_load %arg8[%get3A_1424, %get3A_1425] {strides = array<i32>} : memref<512x16xi32, #tpu.memory_space<vmem>>, vector<16xi32>,
        %shift_left3A_1427 = arith.constant 16 : i32
        %shift_left3A_1428 = vector.broadcast %shift_left3A_1427 : i32 to vector<16xi32>
        %shift_left3A_1429 = arith.shli %get3A_1426, %shift_left3A_1428 : vector<16xi32>
        %bitcast3A_1430 = vector.bitcast %shift_left3A_1429 : vector<16xi32> to vector<16xf32>
        %bitcast3A_1431 = vector.bitcast %get3A_1426 : vector<16xi32> to vector<16xf32>
        %mul3A_1432 = arith.mulf %gather3A_1419, %bitcast3A_1430 : vector<16xf32>
        %add3A_1433 = arith.addf %add3A_1412, %mul3A_1432 : vector<16xf32>
        %mul3A_1434 = arith.mulf %gather3A_1419, %bitcast3A_1431 : vector<16xf32>
        %add3A_1435 = arith.addf %add3A_1414, %mul3A_1434 : vector<16xf32>
        %broadcast_in_dim3A_1436 = arith.constant 14 : i32
        %broadcast_in_dim3A_1437 = vector.broadcast %broadcast_in_dim3A_1436 : i32 to vector<16xi32>
        %broadcast_in_dim3A_1438 = vector.shape_cast %broadcast_in_dim3A_1437 : vector<16xi32> to vector<16x1xi32>
        %gather3A_1439 = vector.shape_cast %broadcast_in_dim3A_1438 : vector<16x1xi32> to vector<16xi32>
        %gather3A_1440 = tpu.dynamic_gather %get3A_1141[%gather3A_1439] in [0] : vector<16xf32>, vector<16xi32> -> vector<16xf32>
        %add3A_1441 = arith.constant 256 : i32
        %add3A_1442 = arith.addi %add3A_1441, %mul3A_455 : i32
        %add3A_1443 = arith.constant 14 : i32
        %add3A_1444 = arith.addi %add3A_1442, %add3A_1443 : i32
        %get3A_1445 = arith.index_cast %add3A_1444 : i32 to index
        %get3A_1446 = arith.constant 0 : index
        %get3A_1447 = tpu.vector_load %arg8[%get3A_1445, %get3A_1446] {strides = array<i32>} : memref<512x16xi32, #tpu.memory_space<vmem>>, vector<16xi32>,
        %shift_left3A_1448 = arith.constant 16 : i32
        %shift_left3A_1449 = vector.broadcast %shift_left3A_1448 : i32 to vector<16xi32>
        %shift_left3A_1450 = arith.shli %get3A_1447, %shift_left3A_1449 : vector<16xi32>
        %bitcast3A_1451 = vector.bitcast %shift_left3A_1450 : vector<16xi32> to vector<16xf32>
        %bitcast3A_1452 = vector.bitcast %get3A_1447 : vector<16xi32> to vector<16xf32>
        %mul3A_1453 = arith.mulf %gather3A_1440, %bitcast3A_1451 : vector<16xf32>
        %add3A_1454 = arith.addf %add3A_1433, %mul3A_1453 : vector<16xf32>
        %mul3A_1455 = arith.mulf %gather3A_1440, %bitcast3A_1452 : vector<16xf32>
        %add3A_1456 = arith.addf %add3A_1435, %mul3A_1455 : vector<16xf32>
        %broadcast_in_dim3A_1457 = arith.constant 15 : i32
        %broadcast_in_dim3A_1458 = vector.broadcast %broadcast_in_dim3A_1457 : i32 to vector<16xi32>
        %broadcast_in_dim3A_1459 = vector.shape_cast %broadcast_in_dim3A_1458 : vector<16xi32> to vector<16x1xi32>
        %gather3A_1460 = vector.shape_cast %broadcast_in_dim3A_1459 : vector<16x1xi32> to vector<16xi32>
        %gather3A_1461 = tpu.dynamic_gather %get3A_1141[%gather3A_1460] in [0] : vector<16xf32>, vector<16xi32> -> vector<16xf32>
        %add3A_1462 = arith.constant 256 : i32
        %add3A_1463 = arith.addi %add3A_1462, %mul3A_455 : i32
        %add3A_1464 = arith.constant 15 : i32
        %add3A_1465 = arith.addi %add3A_1463, %add3A_1464 : i32
        %get3A_1466 = arith.index_cast %add3A_1465 : i32 to index
        %get3A_1467 = arith.constant 0 : index
        %get3A_1468 = tpu.vector_load %arg8[%get3A_1466, %get3A_1467] {strides = array<i32>} : memref<512x16xi32, #tpu.memory_space<vmem>>, vector<16xi32>,
        %shift_left3A_1469 = arith.constant 16 : i32
        %shift_left3A_1470 = vector.broadcast %shift_left3A_1469 : i32 to vector<16xi32>
        %shift_left3A_1471 = arith.shli %get3A_1468, %shift_left3A_1470 : vector<16xi32>
        %bitcast3A_1472 = vector.bitcast %shift_left3A_1471 : vector<16xi32> to vector<16xf32>
        %bitcast3A_1473 = vector.bitcast %get3A_1468 : vector<16xi32> to vector<16xf32>
        %mul3A_1474 = arith.mulf %gather3A_1461, %bitcast3A_1472 : vector<16xf32>
        %add3A_1475 = arith.addf %add3A_1454, %mul3A_1474 : vector<16xf32>
        %mul3A_1476 = arith.mulf %gather3A_1461, %bitcast3A_1473 : vector<16xf32>
        %add3A_1477 = arith.addf %add3A_1456, %mul3A_1476 : vector<16xf32>
        %get3A_1478 = arith.constant 3 : i32
        %get3A_1479 = arith.index_cast %get3A_1478 : i32 to index
        %get3A_1480 = arith.index_cast %mul3A_308 : i32 to index
        %get3A_1481 = arith.index_cast %mul3A_455 : i32 to index
        %get3A_1482 = tpu.vector_load %arg7[%get3A_1479, %get3A_1480, %get3A_1481] {strides = array<i32>} : memref<4x64x128xf32, #tpu.memory_space<vmem>>, vector<16xf32>,
        %broadcast_in_dim3A_1483 = arith.constant 0 : i32
        %broadcast_in_dim3A_1484 = vector.broadcast %broadcast_in_dim3A_1483 : i32 to vector<16xi32>
        %broadcast_in_dim3A_1485 = vector.shape_cast %broadcast_in_dim3A_1484 : vector<16xi32> to vector<16x1xi32>
        %gather3A_1486 = vector.shape_cast %broadcast_in_dim3A_1485 : vector<16x1xi32> to vector<16xi32>
        %gather3A_1487 = tpu.dynamic_gather %get3A_1482[%gather3A_1486] in [0] : vector<16xf32>, vector<16xi32> -> vector<16xf32>
        %add3A_1488 = arith.constant 384 : i32
        %add3A_1489 = arith.addi %add3A_1488, %mul3A_455 : i32
        %add3A_1490 = arith.constant 0 : i32
        %add3A_1491 = arith.addi %add3A_1489, %add3A_1490 : i32
        %get3A_1492 = arith.index_cast %add3A_1491 : i32 to index
        %get3A_1493 = arith.constant 0 : index
        %get3A_1494 = tpu.vector_load %arg8[%get3A_1492, %get3A_1493] {strides = array<i32>} : memref<512x16xi32, #tpu.memory_space<vmem>>, vector<16xi32>,
        %shift_left3A_1495 = arith.constant 16 : i32
        %shift_left3A_1496 = vector.broadcast %shift_left3A_1495 : i32 to vector<16xi32>
        %shift_left3A_1497 = arith.shli %get3A_1494, %shift_left3A_1496 : vector<16xi32>
        %bitcast3A_1498 = vector.bitcast %shift_left3A_1497 : vector<16xi32> to vector<16xf32>
        %bitcast3A_1499 = vector.bitcast %get3A_1494 : vector<16xi32> to vector<16xf32>
        %mul3A_1500 = arith.mulf %gather3A_1487, %bitcast3A_1498 : vector<16xf32>
        %add3A_1501 = arith.addf %add3A_1475, %mul3A_1500 : vector<16xf32>
        %mul3A_1502 = arith.mulf %gather3A_1487, %bitcast3A_1499 : vector<16xf32>
        %add3A_1503 = arith.addf %add3A_1477, %mul3A_1502 : vector<16xf32>
        %broadcast_in_dim3A_1504 = arith.constant 1 : i32
        %broadcast_in_dim3A_1505 = vector.broadcast %broadcast_in_dim3A_1504 : i32 to vector<16xi32>
        %broadcast_in_dim3A_1506 = vector.shape_cast %broadcast_in_dim3A_1505 : vector<16xi32> to vector<16x1xi32>
        %gather3A_1507 = vector.shape_cast %broadcast_in_dim3A_1506 : vector<16x1xi32> to vector<16xi32>
        %gather3A_1508 = tpu.dynamic_gather %get3A_1482[%gather3A_1507] in [0] : vector<16xf32>, vector<16xi32> -> vector<16xf32>
        %add3A_1509 = arith.constant 384 : i32
        %add3A_1510 = arith.addi %add3A_1509, %mul3A_455 : i32
        %add3A_1511 = arith.constant 1 : i32
        %add3A_1512 = arith.addi %add3A_1510, %add3A_1511 : i32
        %get3A_1513 = arith.index_cast %add3A_1512 : i32 to index
        %get3A_1514 = arith.constant 0 : index
        %get3A_1515 = tpu.vector_load %arg8[%get3A_1513, %get3A_1514] {strides = array<i32>} : memref<512x16xi32, #tpu.memory_space<vmem>>, vector<16xi32>,
        %shift_left3A_1516 = arith.constant 16 : i32
        %shift_left3A_1517 = vector.broadcast %shift_left3A_1516 : i32 to vector<16xi32>
        %shift_left3A_1518 = arith.shli %get3A_1515, %shift_left3A_1517 : vector<16xi32>
        %bitcast3A_1519 = vector.bitcast %shift_left3A_1518 : vector<16xi32> to vector<16xf32>
        %bitcast3A_1520 = vector.bitcast %get3A_1515 : vector<16xi32> to vector<16xf32>
        %mul3A_1521 = arith.mulf %gather3A_1508, %bitcast3A_1519 : vector<16xf32>
        %add3A_1522 = arith.addf %add3A_1501, %mul3A_1521 : vector<16xf32>
        %mul3A_1523 = arith.mulf %gather3A_1508, %bitcast3A_1520 : vector<16xf32>
        %add3A_1524 = arith.addf %add3A_1503, %mul3A_1523 : vector<16xf32>
        %broadcast_in_dim3A_1525 = arith.constant 2 : i32
        %broadcast_in_dim3A_1526 = vector.broadcast %broadcast_in_dim3A_1525 : i32 to vector<16xi32>
        %broadcast_in_dim3A_1527 = vector.shape_cast %broadcast_in_dim3A_1526 : vector<16xi32> to vector<16x1xi32>
        %gather3A_1528 = vector.shape_cast %broadcast_in_dim3A_1527 : vector<16x1xi32> to vector<16xi32>
        %gather3A_1529 = tpu.dynamic_gather %get3A_1482[%gather3A_1528] in [0] : vector<16xf32>, vector<16xi32> -> vector<16xf32>
        %add3A_1530 = arith.constant 384 : i32
        %add3A_1531 = arith.addi %add3A_1530, %mul3A_455 : i32
        %add3A_1532 = arith.constant 2 : i32
        %add3A_1533 = arith.addi %add3A_1531, %add3A_1532 : i32
        %get3A_1534 = arith.index_cast %add3A_1533 : i32 to index
        %get3A_1535 = arith.constant 0 : index
        %get3A_1536 = tpu.vector_load %arg8[%get3A_1534, %get3A_1535] {strides = array<i32>} : memref<512x16xi32, #tpu.memory_space<vmem>>, vector<16xi32>,
        %shift_left3A_1537 = arith.constant 16 : i32
        %shift_left3A_1538 = vector.broadcast %shift_left3A_1537 : i32 to vector<16xi32>
        %shift_left3A_1539 = arith.shli %get3A_1536, %shift_left3A_1538 : vector<16xi32>
        %bitcast3A_1540 = vector.bitcast %shift_left3A_1539 : vector<16xi32> to vector<16xf32>
        %bitcast3A_1541 = vector.bitcast %get3A_1536 : vector<16xi32> to vector<16xf32>
        %mul3A_1542 = arith.mulf %gather3A_1529, %bitcast3A_1540 : vector<16xf32>
        %add3A_1543 = arith.addf %add3A_1522, %mul3A_1542 : vector<16xf32>
        %mul3A_1544 = arith.mulf %gather3A_1529, %bitcast3A_1541 : vector<16xf32>
        %add3A_1545 = arith.addf %add3A_1524, %mul3A_1544 : vector<16xf32>
        %broadcast_in_dim3A_1546 = arith.constant 3 : i32
        %broadcast_in_dim3A_1547 = vector.broadcast %broadcast_in_dim3A_1546 : i32 to vector<16xi32>
        %broadcast_in_dim3A_1548 = vector.shape_cast %broadcast_in_dim3A_1547 : vector<16xi32> to vector<16x1xi32>
        %gather3A_1549 = vector.shape_cast %broadcast_in_dim3A_1548 : vector<16x1xi32> to vector<16xi32>
        %gather3A_1550 = tpu.dynamic_gather %get3A_1482[%gather3A_1549] in [0] : vector<16xf32>, vector<16xi32> -> vector<16xf32>
        %add3A_1551 = arith.constant 384 : i32
        %add3A_1552 = arith.addi %add3A_1551, %mul3A_455 : i32
        %add3A_1553 = arith.constant 3 : i32
        %add3A_1554 = arith.addi %add3A_1552, %add3A_1553 : i32
        %get3A_1555 = arith.index_cast %add3A_1554 : i32 to index
        %get3A_1556 = arith.constant 0 : index
        %get3A_1557 = tpu.vector_load %arg8[%get3A_1555, %get3A_1556] {strides = array<i32>} : memref<512x16xi32, #tpu.memory_space<vmem>>, vector<16xi32>,
        %shift_left3A_1558 = arith.constant 16 : i32
        %shift_left3A_1559 = vector.broadcast %shift_left3A_1558 : i32 to vector<16xi32>
        %shift_left3A_1560 = arith.shli %get3A_1557, %shift_left3A_1559 : vector<16xi32>
        %bitcast3A_1561 = vector.bitcast %shift_left3A_1560 : vector<16xi32> to vector<16xf32>
        %bitcast3A_1562 = vector.bitcast %get3A_1557 : vector<16xi32> to vector<16xf32>
        %mul3A_1563 = arith.mulf %gather3A_1550, %bitcast3A_1561 : vector<16xf32>
        %add3A_1564 = arith.addf %add3A_1543, %mul3A_1563 : vector<16xf32>
        %mul3A_1565 = arith.mulf %gather3A_1550, %bitcast3A_1562 : vector<16xf32>
        %add3A_1566 = arith.addf %add3A_1545, %mul3A_1565 : vector<16xf32>
        %broadcast_in_dim3A_1567 = arith.constant 4 : i32
        %broadcast_in_dim3A_1568 = vector.broadcast %broadcast_in_dim3A_1567 : i32 to vector<16xi32>
        %broadcast_in_dim3A_1569 = vector.shape_cast %broadcast_in_dim3A_1568 : vector<16xi32> to vector<16x1xi32>
        %gather3A_1570 = vector.shape_cast %broadcast_in_dim3A_1569 : vector<16x1xi32> to vector<16xi32>
        %gather3A_1571 = tpu.dynamic_gather %get3A_1482[%gather3A_1570] in [0] : vector<16xf32>, vector<16xi32> -> vector<16xf32>
        %add3A_1572 = arith.constant 384 : i32
        %add3A_1573 = arith.addi %add3A_1572, %mul3A_455 : i32
        %add3A_1574 = arith.constant 4 : i32
        %add3A_1575 = arith.addi %add3A_1573, %add3A_1574 : i32
        %get3A_1576 = arith.index_cast %add3A_1575 : i32 to index
        %get3A_1577 = arith.constant 0 : index
        %get3A_1578 = tpu.vector_load %arg8[%get3A_1576, %get3A_1577] {strides = array<i32>} : memref<512x16xi32, #tpu.memory_space<vmem>>, vector<16xi32>,
        %shift_left3A_1579 = arith.constant 16 : i32
        %shift_left3A_1580 = vector.broadcast %shift_left3A_1579 : i32 to vector<16xi32>
        %shift_left3A_1581 = arith.shli %get3A_1578, %shift_left3A_1580 : vector<16xi32>
        %bitcast3A_1582 = vector.bitcast %shift_left3A_1581 : vector<16xi32> to vector<16xf32>
        %bitcast3A_1583 = vector.bitcast %get3A_1578 : vector<16xi32> to vector<16xf32>
        %mul3A_1584 = arith.mulf %gather3A_1571, %bitcast3A_1582 : vector<16xf32>
        %add3A_1585 = arith.addf %add3A_1564, %mul3A_1584 : vector<16xf32>
        %mul3A_1586 = arith.mulf %gather3A_1571, %bitcast3A_1583 : vector<16xf32>
        %add3A_1587 = arith.addf %add3A_1566, %mul3A_1586 : vector<16xf32>
        %broadcast_in_dim3A_1588 = arith.constant 5 : i32
        %broadcast_in_dim3A_1589 = vector.broadcast %broadcast_in_dim3A_1588 : i32 to vector<16xi32>
        %broadcast_in_dim3A_1590 = vector.shape_cast %broadcast_in_dim3A_1589 : vector<16xi32> to vector<16x1xi32>
        %gather3A_1591 = vector.shape_cast %broadcast_in_dim3A_1590 : vector<16x1xi32> to vector<16xi32>
        %gather3A_1592 = tpu.dynamic_gather %get3A_1482[%gather3A_1591] in [0] : vector<16xf32>, vector<16xi32> -> vector<16xf32>
        %add3A_1593 = arith.constant 384 : i32
        %add3A_1594 = arith.addi %add3A_1593, %mul3A_455 : i32
        %add3A_1595 = arith.constant 5 : i32
        %add3A_1596 = arith.addi %add3A_1594, %add3A_1595 : i32
        %get3A_1597 = arith.index_cast %add3A_1596 : i32 to index
        %get3A_1598 = arith.constant 0 : index
        %get3A_1599 = tpu.vector_load %arg8[%get3A_1597, %get3A_1598] {strides = array<i32>} : memref<512x16xi32, #tpu.memory_space<vmem>>, vector<16xi32>,
        %shift_left3A_1600 = arith.constant 16 : i32
        %shift_left3A_1601 = vector.broadcast %shift_left3A_1600 : i32 to vector<16xi32>
        %shift_left3A_1602 = arith.shli %get3A_1599, %shift_left3A_1601 : vector<16xi32>
        %bitcast3A_1603 = vector.bitcast %shift_left3A_1602 : vector<16xi32> to vector<16xf32>
        %bitcast3A_1604 = vector.bitcast %get3A_1599 : vector<16xi32> to vector<16xf32>
        %mul3A_1605 = arith.mulf %gather3A_1592, %bitcast3A_1603 : vector<16xf32>
        %add3A_1606 = arith.addf %add3A_1585, %mul3A_1605 : vector<16xf32>
        %mul3A_1607 = arith.mulf %gather3A_1592, %bitcast3A_1604 : vector<16xf32>
        %add3A_1608 = arith.addf %add3A_1587, %mul3A_1607 : vector<16xf32>
        %broadcast_in_dim3A_1609 = arith.constant 6 : i32
        %broadcast_in_dim3A_1610 = vector.broadcast %broadcast_in_dim3A_1609 : i32 to vector<16xi32>
        %broadcast_in_dim3A_1611 = vector.shape_cast %broadcast_in_dim3A_1610 : vector<16xi32> to vector<16x1xi32>
        %gather3A_1612 = vector.shape_cast %broadcast_in_dim3A_1611 : vector<16x1xi32> to vector<16xi32>
        %gather3A_1613 = tpu.dynamic_gather %get3A_1482[%gather3A_1612] in [0] : vector<16xf32>, vector<16xi32> -> vector<16xf32>
        %add3A_1614 = arith.constant 384 : i32
        %add3A_1615 = arith.addi %add3A_1614, %mul3A_455 : i32
        %add3A_1616 = arith.constant 6 : i32
        %add3A_1617 = arith.addi %add3A_1615, %add3A_1616 : i32
        %get3A_1618 = arith.index_cast %add3A_1617 : i32 to index
        %get3A_1619 = arith.constant 0 : index
        %get3A_1620 = tpu.vector_load %arg8[%get3A_1618, %get3A_1619] {strides = array<i32>} : memref<512x16xi32, #tpu.memory_space<vmem>>, vector<16xi32>,
        %shift_left3A_1621 = arith.constant 16 : i32
        %shift_left3A_1622 = vector.broadcast %shift_left3A_1621 : i32 to vector<16xi32>
        %shift_left3A_1623 = arith.shli %get3A_1620, %shift_left3A_1622 : vector<16xi32>
        %bitcast3A_1624 = vector.bitcast %shift_left3A_1623 : vector<16xi32> to vector<16xf32>
        %bitcast3A_1625 = vector.bitcast %get3A_1620 : vector<16xi32> to vector<16xf32>
        %mul3A_1626 = arith.mulf %gather3A_1613, %bitcast3A_1624 : vector<16xf32>
        %add3A_1627 = arith.addf %add3A_1606, %mul3A_1626 : vector<16xf32>
        %mul3A_1628 = arith.mulf %gather3A_1613, %bitcast3A_1625 : vector<16xf32>
        %add3A_1629 = arith.addf %add3A_1608, %mul3A_1628 : vector<16xf32>
        %broadcast_in_dim3A_1630 = arith.constant 7 : i32
        %broadcast_in_dim3A_1631 = vector.broadcast %broadcast_in_dim3A_1630 : i32 to vector<16xi32>
        %broadcast_in_dim3A_1632 = vector.shape_cast %broadcast_in_dim3A_1631 : vector<16xi32> to vector<16x1xi32>
        %gather3A_1633 = vector.shape_cast %broadcast_in_dim3A_1632 : vector<16x1xi32> to vector<16xi32>
        %gather3A_1634 = tpu.dynamic_gather %get3A_1482[%gather3A_1633] in [0] : vector<16xf32>, vector<16xi32> -> vector<16xf32>
        %add3A_1635 = arith.constant 384 : i32
        %add3A_1636 = arith.addi %add3A_1635, %mul3A_455 : i32
        %add3A_1637 = arith.constant 7 : i32
        %add3A_1638 = arith.addi %add3A_1636, %add3A_1637 : i32
        %get3A_1639 = arith.index_cast %add3A_1638 : i32 to index
        %get3A_1640 = arith.constant 0 : index
        %get3A_1641 = tpu.vector_load %arg8[%get3A_1639, %get3A_1640] {strides = array<i32>} : memref<512x16xi32, #tpu.memory_space<vmem>>, vector<16xi32>,
        %shift_left3A_1642 = arith.constant 16 : i32
        %shift_left3A_1643 = vector.broadcast %shift_left3A_1642 : i32 to vector<16xi32>
        %shift_left3A_1644 = arith.shli %get3A_1641, %shift_left3A_1643 : vector<16xi32>
        %bitcast3A_1645 = vector.bitcast %shift_left3A_1644 : vector<16xi32> to vector<16xf32>
        %bitcast3A_1646 = vector.bitcast %get3A_1641 : vector<16xi32> to vector<16xf32>
        %mul3A_1647 = arith.mulf %gather3A_1634, %bitcast3A_1645 : vector<16xf32>
        %add3A_1648 = arith.addf %add3A_1627, %mul3A_1647 : vector<16xf32>
        %mul3A_1649 = arith.mulf %gather3A_1634, %bitcast3A_1646 : vector<16xf32>
        %add3A_1650 = arith.addf %add3A_1629, %mul3A_1649 : vector<16xf32>
        %broadcast_in_dim3A_1651 = arith.constant 8 : i32
        %broadcast_in_dim3A_1652 = vector.broadcast %broadcast_in_dim3A_1651 : i32 to vector<16xi32>
        %broadcast_in_dim3A_1653 = vector.shape_cast %broadcast_in_dim3A_1652 : vector<16xi32> to vector<16x1xi32>
        %gather3A_1654 = vector.shape_cast %broadcast_in_dim3A_1653 : vector<16x1xi32> to vector<16xi32>
        %gather3A_1655 = tpu.dynamic_gather %get3A_1482[%gather3A_1654] in [0] : vector<16xf32>, vector<16xi32> -> vector<16xf32>
        %add3A_1656 = arith.constant 384 : i32
        %add3A_1657 = arith.addi %add3A_1656, %mul3A_455 : i32
        %add3A_1658 = arith.constant 8 : i32
        %add3A_1659 = arith.addi %add3A_1657, %add3A_1658 : i32
        %get3A_1660 = arith.index_cast %add3A_1659 : i32 to index
        %get3A_1661 = arith.constant 0 : index
        %get3A_1662 = tpu.vector_load %arg8[%get3A_1660, %get3A_1661] {strides = array<i32>} : memref<512x16xi32, #tpu.memory_space<vmem>>, vector<16xi32>,
        %shift_left3A_1663 = arith.constant 16 : i32
        %shift_left3A_1664 = vector.broadcast %shift_left3A_1663 : i32 to vector<16xi32>
        %shift_left3A_1665 = arith.shli %get3A_1662, %shift_left3A_1664 : vector<16xi32>
        %bitcast3A_1666 = vector.bitcast %shift_left3A_1665 : vector<16xi32> to vector<16xf32>
        %bitcast3A_1667 = vector.bitcast %get3A_1662 : vector<16xi32> to vector<16xf32>
        %mul3A_1668 = arith.mulf %gather3A_1655, %bitcast3A_1666 : vector<16xf32>
        %add3A_1669 = arith.addf %add3A_1648, %mul3A_1668 : vector<16xf32>
        %mul3A_1670 = arith.mulf %gather3A_1655, %bitcast3A_1667 : vector<16xf32>
        %add3A_1671 = arith.addf %add3A_1650, %mul3A_1670 : vector<16xf32>
        %broadcast_in_dim3A_1672 = arith.constant 9 : i32
        %broadcast_in_dim3A_1673 = vector.broadcast %broadcast_in_dim3A_1672 : i32 to vector<16xi32>
        %broadcast_in_dim3A_1674 = vector.shape_cast %broadcast_in_dim3A_1673 : vector<16xi32> to vector<16x1xi32>
        %gather3A_1675 = vector.shape_cast %broadcast_in_dim3A_1674 : vector<16x1xi32> to vector<16xi32>
        %gather3A_1676 = tpu.dynamic_gather %get3A_1482[%gather3A_1675] in [0] : vector<16xf32>, vector<16xi32> -> vector<16xf32>
        %add3A_1677 = arith.constant 384 : i32
        %add3A_1678 = arith.addi %add3A_1677, %mul3A_455 : i32
        %add3A_1679 = arith.constant 9 : i32
        %add3A_1680 = arith.addi %add3A_1678, %add3A_1679 : i32
        %get3A_1681 = arith.index_cast %add3A_1680 : i32 to index
        %get3A_1682 = arith.constant 0 : index
        %get3A_1683 = tpu.vector_load %arg8[%get3A_1681, %get3A_1682] {strides = array<i32>} : memref<512x16xi32, #tpu.memory_space<vmem>>, vector<16xi32>,
        %shift_left3A_1684 = arith.constant 16 : i32
        %shift_left3A_1685 = vector.broadcast %shift_left3A_1684 : i32 to vector<16xi32>
        %shift_left3A_1686 = arith.shli %get3A_1683, %shift_left3A_1685 : vector<16xi32>
        %bitcast3A_1687 = vector.bitcast %shift_left3A_1686 : vector<16xi32> to vector<16xf32>
        %bitcast3A_1688 = vector.bitcast %get3A_1683 : vector<16xi32> to vector<16xf32>
        %mul3A_1689 = arith.mulf %gather3A_1676, %bitcast3A_1687 : vector<16xf32>
        %add3A_1690 = arith.addf %add3A_1669, %mul3A_1689 : vector<16xf32>
        %mul3A_1691 = arith.mulf %gather3A_1676, %bitcast3A_1688 : vector<16xf32>
        %add3A_1692 = arith.addf %add3A_1671, %mul3A_1691 : vector<16xf32>
        %broadcast_in_dim3A_1693 = arith.constant 10 : i32
        %broadcast_in_dim3A_1694 = vector.broadcast %broadcast_in_dim3A_1693 : i32 to vector<16xi32>
        %broadcast_in_dim3A_1695 = vector.shape_cast %broadcast_in_dim3A_1694 : vector<16xi32> to vector<16x1xi32>
        %gather3A_1696 = vector.shape_cast %broadcast_in_dim3A_1695 : vector<16x1xi32> to vector<16xi32>
        %gather3A_1697 = tpu.dynamic_gather %get3A_1482[%gather3A_1696] in [0] : vector<16xf32>, vector<16xi32> -> vector<16xf32>
        %add3A_1698 = arith.constant 384 : i32
        %add3A_1699 = arith.addi %add3A_1698, %mul3A_455 : i32
        %add3A_1700 = arith.constant 10 : i32
        %add3A_1701 = arith.addi %add3A_1699, %add3A_1700 : i32
        %get3A_1702 = arith.index_cast %add3A_1701 : i32 to index
        %get3A_1703 = arith.constant 0 : index
        %get3A_1704 = tpu.vector_load %arg8[%get3A_1702, %get3A_1703] {strides = array<i32>} : memref<512x16xi32, #tpu.memory_space<vmem>>, vector<16xi32>,
        %shift_left3A_1705 = arith.constant 16 : i32
        %shift_left3A_1706 = vector.broadcast %shift_left3A_1705 : i32 to vector<16xi32>
        %shift_left3A_1707 = arith.shli %get3A_1704, %shift_left3A_1706 : vector<16xi32>
        %bitcast3A_1708 = vector.bitcast %shift_left3A_1707 : vector<16xi32> to vector<16xf32>
        %bitcast3A_1709 = vector.bitcast %get3A_1704 : vector<16xi32> to vector<16xf32>
        %mul3A_1710 = arith.mulf %gather3A_1697, %bitcast3A_1708 : vector<16xf32>
        %add3A_1711 = arith.addf %add3A_1690, %mul3A_1710 : vector<16xf32>
        %mul3A_1712 = arith.mulf %gather3A_1697, %bitcast3A_1709 : vector<16xf32>
        %add3A_1713 = arith.addf %add3A_1692, %mul3A_1712 : vector<16xf32>
        %broadcast_in_dim3A_1714 = arith.constant 11 : i32
        %broadcast_in_dim3A_1715 = vector.broadcast %broadcast_in_dim3A_1714 : i32 to vector<16xi32>
        %broadcast_in_dim3A_1716 = vector.shape_cast %broadcast_in_dim3A_1715 : vector<16xi32> to vector<16x1xi32>
        %gather3A_1717 = vector.shape_cast %broadcast_in_dim3A_1716 : vector<16x1xi32> to vector<16xi32>
        %gather3A_1718 = tpu.dynamic_gather %get3A_1482[%gather3A_1717] in [0] : vector<16xf32>, vector<16xi32> -> vector<16xf32>
        %add3A_1719 = arith.constant 384 : i32
        %add3A_1720 = arith.addi %add3A_1719, %mul3A_455 : i32
        %add3A_1721 = arith.constant 11 : i32
        %add3A_1722 = arith.addi %add3A_1720, %add3A_1721 : i32
        %get3A_1723 = arith.index_cast %add3A_1722 : i32 to index
        %get3A_1724 = arith.constant 0 : index
        %get3A_1725 = tpu.vector_load %arg8[%get3A_1723, %get3A_1724] {strides = array<i32>} : memref<512x16xi32, #tpu.memory_space<vmem>>, vector<16xi32>,
        %shift_left3A_1726 = arith.constant 16 : i32
        %shift_left3A_1727 = vector.broadcast %shift_left3A_1726 : i32 to vector<16xi32>
        %shift_left3A_1728 = arith.shli %get3A_1725, %shift_left3A_1727 : vector<16xi32>
        %bitcast3A_1729 = vector.bitcast %shift_left3A_1728 : vector<16xi32> to vector<16xf32>
        %bitcast3A_1730 = vector.bitcast %get3A_1725 : vector<16xi32> to vector<16xf32>
        %mul3A_1731 = arith.mulf %gather3A_1718, %bitcast3A_1729 : vector<16xf32>
        %add3A_1732 = arith.addf %add3A_1711, %mul3A_1731 : vector<16xf32>
        %mul3A_1733 = arith.mulf %gather3A_1718, %bitcast3A_1730 : vector<16xf32>
        %add3A_1734 = arith.addf %add3A_1713, %mul3A_1733 : vector<16xf32>
        %broadcast_in_dim3A_1735 = arith.constant 12 : i32
        %broadcast_in_dim3A_1736 = vector.broadcast %broadcast_in_dim3A_1735 : i32 to vector<16xi32>
        %broadcast_in_dim3A_1737 = vector.shape_cast %broadcast_in_dim3A_1736 : vector<16xi32> to vector<16x1xi32>
        %gather3A_1738 = vector.shape_cast %broadcast_in_dim3A_1737 : vector<16x1xi32> to vector<16xi32>
        %gather3A_1739 = tpu.dynamic_gather %get3A_1482[%gather3A_1738] in [0] : vector<16xf32>, vector<16xi32> -> vector<16xf32>
        %add3A_1740 = arith.constant 384 : i32
        %add3A_1741 = arith.addi %add3A_1740, %mul3A_455 : i32
        %add3A_1742 = arith.constant 12 : i32
        %add3A_1743 = arith.addi %add3A_1741, %add3A_1742 : i32
        %get3A_1744 = arith.index_cast %add3A_1743 : i32 to index
        %get3A_1745 = arith.constant 0 : index
        %get3A_1746 = tpu.vector_load %arg8[%get3A_1744, %get3A_1745] {strides = array<i32>} : memref<512x16xi32, #tpu.memory_space<vmem>>, vector<16xi32>,
        %shift_left3A_1747 = arith.constant 16 : i32
        %shift_left3A_1748 = vector.broadcast %shift_left3A_1747 : i32 to vector<16xi32>
        %shift_left3A_1749 = arith.shli %get3A_1746, %shift_left3A_1748 : vector<16xi32>
        %bitcast3A_1750 = vector.bitcast %shift_left3A_1749 : vector<16xi32> to vector<16xf32>
        %bitcast3A_1751 = vector.bitcast %get3A_1746 : vector<16xi32> to vector<16xf32>
        %mul3A_1752 = arith.mulf %gather3A_1739, %bitcast3A_1750 : vector<16xf32>
        %add3A_1753 = arith.addf %add3A_1732, %mul3A_1752 : vector<16xf32>
        %mul3A_1754 = arith.mulf %gather3A_1739, %bitcast3A_1751 : vector<16xf32>
        %add3A_1755 = arith.addf %add3A_1734, %mul3A_1754 : vector<16xf32>
        %broadcast_in_dim3A_1756 = arith.constant 13 : i32
        %broadcast_in_dim3A_1757 = vector.broadcast %broadcast_in_dim3A_1756 : i32 to vector<16xi32>
        %broadcast_in_dim3A_1758 = vector.shape_cast %broadcast_in_dim3A_1757 : vector<16xi32> to vector<16x1xi32>
        %gather3A_1759 = vector.shape_cast %broadcast_in_dim3A_1758 : vector<16x1xi32> to vector<16xi32>
        %gather3A_1760 = tpu.dynamic_gather %get3A_1482[%gather3A_1759] in [0] : vector<16xf32>, vector<16xi32> -> vector<16xf32>
        %add3A_1761 = arith.constant 384 : i32
        %add3A_1762 = arith.addi %add3A_1761, %mul3A_455 : i32
        %add3A_1763 = arith.constant 13 : i32
        %add3A_1764 = arith.addi %add3A_1762, %add3A_1763 : i32
        %get3A_1765 = arith.index_cast %add3A_1764 : i32 to index
        %get3A_1766 = arith.constant 0 : index
        %get3A_1767 = tpu.vector_load %arg8[%get3A_1765, %get3A_1766] {strides = array<i32>} : memref<512x16xi32, #tpu.memory_space<vmem>>, vector<16xi32>,
        %shift_left3A_1768 = arith.constant 16 : i32
        %shift_left3A_1769 = vector.broadcast %shift_left3A_1768 : i32 to vector<16xi32>
        %shift_left3A_1770 = arith.shli %get3A_1767, %shift_left3A_1769 : vector<16xi32>
        %bitcast3A_1771 = vector.bitcast %shift_left3A_1770 : vector<16xi32> to vector<16xf32>
        %bitcast3A_1772 = vector.bitcast %get3A_1767 : vector<16xi32> to vector<16xf32>
        %mul3A_1773 = arith.mulf %gather3A_1760, %bitcast3A_1771 : vector<16xf32>
        %add3A_1774 = arith.addf %add3A_1753, %mul3A_1773 : vector<16xf32>
        %mul3A_1775 = arith.mulf %gather3A_1760, %bitcast3A_1772 : vector<16xf32>
        %add3A_1776 = arith.addf %add3A_1755, %mul3A_1775 : vector<16xf32>
        %broadcast_in_dim3A_1777 = arith.constant 14 : i32
        %broadcast_in_dim3A_1778 = vector.broadcast %broadcast_in_dim3A_1777 : i32 to vector<16xi32>
        %broadcast_in_dim3A_1779 = vector.shape_cast %broadcast_in_dim3A_1778 : vector<16xi32> to vector<16x1xi32>
        %gather3A_1780 = vector.shape_cast %broadcast_in_dim3A_1779 : vector<16x1xi32> to vector<16xi32>
        %gather3A_1781 = tpu.dynamic_gather %get3A_1482[%gather3A_1780] in [0] : vector<16xf32>, vector<16xi32> -> vector<16xf32>
        %add3A_1782 = arith.constant 384 : i32
        %add3A_1783 = arith.addi %add3A_1782, %mul3A_455 : i32
        %add3A_1784 = arith.constant 14 : i32
        %add3A_1785 = arith.addi %add3A_1783, %add3A_1784 : i32
        %get3A_1786 = arith.index_cast %add3A_1785 : i32 to index
        %get3A_1787 = arith.constant 0 : index
        %get3A_1788 = tpu.vector_load %arg8[%get3A_1786, %get3A_1787] {strides = array<i32>} : memref<512x16xi32, #tpu.memory_space<vmem>>, vector<16xi32>,
        %shift_left3A_1789 = arith.constant 16 : i32
        %shift_left3A_1790 = vector.broadcast %shift_left3A_1789 : i32 to vector<16xi32>
        %shift_left3A_1791 = arith.shli %get3A_1788, %shift_left3A_1790 : vector<16xi32>
        %bitcast3A_1792 = vector.bitcast %shift_left3A_1791 : vector<16xi32> to vector<16xf32>
        %bitcast3A_1793 = vector.bitcast %get3A_1788 : vector<16xi32> to vector<16xf32>
        %mul3A_1794 = arith.mulf %gather3A_1781, %bitcast3A_1792 : vector<16xf32>
        %add3A_1795 = arith.addf %add3A_1774, %mul3A_1794 : vector<16xf32>
        %mul3A_1796 = arith.mulf %gather3A_1781, %bitcast3A_1793 : vector<16xf32>
        %add3A_1797 = arith.addf %add3A_1776, %mul3A_1796 : vector<16xf32>
        %broadcast_in_dim3A_1798 = arith.constant 15 : i32
        %broadcast_in_dim3A_1799 = vector.broadcast %broadcast_in_dim3A_1798 : i32 to vector<16xi32>
        %broadcast_in_dim3A_1800 = vector.shape_cast %broadcast_in_dim3A_1799 : vector<16xi32> to vector<16x1xi32>
        %gather3A_1801 = vector.shape_cast %broadcast_in_dim3A_1800 : vector<16x1xi32> to vector<16xi32>
        %gather3A_1802 = tpu.dynamic_gather %get3A_1482[%gather3A_1801] in [0] : vector<16xf32>, vector<16xi32> -> vector<16xf32>
        %add3A_1803 = arith.constant 384 : i32
        %add3A_1804 = arith.addi %add3A_1803, %mul3A_455 : i32
        %add3A_1805 = arith.constant 15 : i32
        %add3A_1806 = arith.addi %add3A_1804, %add3A_1805 : i32
        %get3A_1807 = arith.index_cast %add3A_1806 : i32 to index
        %get3A_1808 = arith.constant 0 : index
        %get3A_1809 = tpu.vector_load %arg8[%get3A_1807, %get3A_1808] {strides = array<i32>} : memref<512x16xi32, #tpu.memory_space<vmem>>, vector<16xi32>,
        %shift_left3A_1810 = arith.constant 16 : i32
        %shift_left3A_1811 = vector.broadcast %shift_left3A_1810 : i32 to vector<16xi32>
        %shift_left3A_1812 = arith.shli %get3A_1809, %shift_left3A_1811 : vector<16xi32>
        %bitcast3A_1813 = vector.bitcast %shift_left3A_1812 : vector<16xi32> to vector<16xf32>
        %bitcast3A_1814 = vector.bitcast %get3A_1809 : vector<16xi32> to vector<16xf32>
        %mul3A_1815 = arith.mulf %gather3A_1802, %bitcast3A_1813 : vector<16xf32>
        %add3A_1816 = arith.addf %add3A_1795, %mul3A_1815 : vector<16xf32>
        %mul3A_1817 = arith.mulf %gather3A_1802, %bitcast3A_1814 : vector<16xf32>
        %add3A_1818 = arith.addf %add3A_1797, %mul3A_1817 : vector<16xf32>
        %swap3A = arith.index_cast %mul3A_308 : i32 to index
        %swap3A_1819 = arith.index_cast %scan3A_453 : i32 to index
        %swap3A_1820 = arith.constant 0 : index
        %swap3A_1821 = tpu.vector_load %arg10[%swap3A, %swap3A_1819, %swap3A_1820] {strides = array<i32>} : memref<64x8x32xf32, #tpu.memory_space<vmem>>, vector<16xf32>,
        tpu.vector_store %arg10[%swap3A, %swap3A_1819, %swap3A_1820], %add3A_1816 {strides = array<i32>} : memref<64x8x32xf32, #tpu.memory_space<vmem>>, vector<16xf32>,
        %swap3A_1822 = arith.index_cast %mul3A_308 : i32 to index
        %swap3A_1823 = arith.index_cast %scan3A_453 : i32 to index
        %swap3A_1824 = arith.constant 16 : index
        %swap3A_1825 = tpu.vector_load %arg10[%swap3A_1822, %swap3A_1823, %swap3A_1824] {strides = array<i32>} : memref<64x8x32xf32, #tpu.memory_space<vmem>>, vector<16xf32>,
        tpu.vector_store %arg10[%swap3A_1822, %swap3A_1823, %swap3A_1824], %add3A_1818 {strides = array<i32>} : memref<64x8x32xf32, #tpu.memory_space<vmem>>, vector<16xf32>,
      }
      %scan3A_400 = arith.constant 8 : i32
      %lt3A = arith.constant 31 : i32
      %lt3A_401 = arith.cmpi slt, %scan3A_306, %lt3A : i32
      %convert_element_type3A = arith.extui %lt3A_401 : i1 to i32
      %cond3A = arith.constant 0 : i32
      %cond3A_402 = arith.cmpi ne, %convert_element_type3A, %cond3A : i32
      scf.if %cond3A_402 {
        %add3A_453 = arith.constant 2 : i32
        %add3A_454 = arith.addi %mul3A_308, %add3A_453 : i32
        %dma_start3A_455 = arith.constant 0 : i32
        %dma_start3A_456 = arith.constant 0 : i32
        %dma_start3A_457 = arith.constant 0 : i32
        %dma_start3A_458 = tpu.memref_slice %arg8[%dma_start3A_456, %dma_start3A_457] : memref<512x16xi32, #tpu.memory_space<vmem>> -> memref<128x16xi32, #tpu.memory_space<vmem>>
        %dma_start3A_459 = arith.constant 0 : i32
        %dma_start3A_460 = tpu.memref_slice %arg6[%dma_start3A_455, %add3A_454, %dma_start3A_459] : memref<4x64x128xi32, #tpu.memory_space<vmem>> -> memref<1x1x128xi32, #tpu.memory_space<vmem>>
        %dma_start3A_461 = tpu.memref_squeeze %dma_start3A_460 : memref<1x1x128xi32, #tpu.memory_space<vmem>> -> memref<128xi32, #tpu.memory_space<vmem>>
        %dma_start3A_462 = arith.constant 0 : i32
        %dma_start3A_463 = arith.constant 0 : i32
        %dma_start3A_464 = tpu.memref_slice %arg2[%dma_start3A_462, %dma_start3A_463] : memref<1392640x16xi32, #tpu.memory_space<hbm>> -> memref<1392640x16xi32, #tpu.memory_space<hbm>>
        tpu.enqueue_indirect_dma source(%dma_start3A_464 : memref<1392640x16xi32, #tpu.memory_space<hbm>>) target(%dma_start3A_458 : memref<128x16xi32, #tpu.memory_space<vmem>>) offsets(%dma_start3A_461 : memref<128xi32, #tpu.memory_space<vmem>>) semaphore(%arg11 : memref<!tpu.dma_semaphore, #tpu.memory_space<semaphore_mem>>)
        %dma_start3A_465 = arith.constant 1 : i32
        %dma_start3A_466 = arith.constant 128 : i32
        %dma_start3A_467 = arith.constant 0 : i32
        %dma_start3A_468 = tpu.memref_slice %arg8[%dma_start3A_466, %dma_start3A_467] : memref<512x16xi32, #tpu.memory_space<vmem>> -> memref<128x16xi32, #tpu.memory_space<vmem>>
        %dma_start3A_469 = arith.constant 0 : i32
        %dma_start3A_470 = tpu.memref_slice %arg6[%dma_start3A_465, %add3A_454, %dma_start3A_469] : memref<4x64x128xi32, #tpu.memory_space<vmem>> -> memref<1x1x128xi32, #tpu.memory_space<vmem>>
        %dma_start3A_471 = tpu.memref_squeeze %dma_start3A_470 : memref<1x1x128xi32, #tpu.memory_space<vmem>> -> memref<128xi32, #tpu.memory_space<vmem>>
        %dma_start3A_472 = arith.constant 0 : i32
        %dma_start3A_473 = arith.constant 0 : i32
        %dma_start3A_474 = tpu.memref_slice %arg2[%dma_start3A_472, %dma_start3A_473] : memref<1392640x16xi32, #tpu.memory_space<hbm>> -> memref<1392640x16xi32, #tpu.memory_space<hbm>>
        tpu.enqueue_indirect_dma source(%dma_start3A_474 : memref<1392640x16xi32, #tpu.memory_space<hbm>>) target(%dma_start3A_468 : memref<128x16xi32, #tpu.memory_space<vmem>>) offsets(%dma_start3A_471 : memref<128xi32, #tpu.memory_space<vmem>>) semaphore(%arg11 : memref<!tpu.dma_semaphore, #tpu.memory_space<semaphore_mem>>)
        %dma_start3A_475 = arith.constant 2 : i32
        %dma_start3A_476 = arith.constant 256 : i32
        %dma_start3A_477 = arith.constant 0 : i32
        %dma_start3A_478 = tpu.memref_slice %arg8[%dma_start3A_476, %dma_start3A_477] : memref<512x16xi32, #tpu.memory_space<vmem>> -> memref<128x16xi32, #tpu.memory_space<vmem>>
        %dma_start3A_479 = arith.constant 0 : i32
        %dma_start3A_480 = tpu.memref_slice %arg6[%dma_start3A_475, %add3A_454, %dma_start3A_479] : memref<4x64x128xi32, #tpu.memory_space<vmem>> -> memref<1x1x128xi32, #tpu.memory_space<vmem>>
        %dma_start3A_481 = tpu.memref_squeeze %dma_start3A_480 : memref<1x1x128xi32, #tpu.memory_space<vmem>> -> memref<128xi32, #tpu.memory_space<vmem>>
        %dma_start3A_482 = arith.constant 0 : i32
        %dma_start3A_483 = arith.constant 0 : i32
        %dma_start3A_484 = tpu.memref_slice %arg2[%dma_start3A_482, %dma_start3A_483] : memref<1392640x16xi32, #tpu.memory_space<hbm>> -> memref<1392640x16xi32, #tpu.memory_space<hbm>>
        tpu.enqueue_indirect_dma source(%dma_start3A_484 : memref<1392640x16xi32, #tpu.memory_space<hbm>>) target(%dma_start3A_478 : memref<128x16xi32, #tpu.memory_space<vmem>>) offsets(%dma_start3A_481 : memref<128xi32, #tpu.memory_space<vmem>>) semaphore(%arg11 : memref<!tpu.dma_semaphore, #tpu.memory_space<semaphore_mem>>)
        %dma_start3A_485 = arith.constant 3 : i32
        %dma_start3A_486 = arith.constant 384 : i32
        %dma_start3A_487 = arith.constant 0 : i32
        %dma_start3A_488 = tpu.memref_slice %arg8[%dma_start3A_486, %dma_start3A_487] : memref<512x16xi32, #tpu.memory_space<vmem>> -> memref<128x16xi32, #tpu.memory_space<vmem>>
        %dma_start3A_489 = arith.constant 0 : i32
        %dma_start3A_490 = tpu.memref_slice %arg6[%dma_start3A_485, %add3A_454, %dma_start3A_489] : memref<4x64x128xi32, #tpu.memory_space<vmem>> -> memref<1x1x128xi32, #tpu.memory_space<vmem>>
        %dma_start3A_491 = tpu.memref_squeeze %dma_start3A_490 : memref<1x1x128xi32, #tpu.memory_space<vmem>> -> memref<128xi32, #tpu.memory_space<vmem>>
        %dma_start3A_492 = arith.constant 0 : i32
        %dma_start3A_493 = arith.constant 0 : i32
        %dma_start3A_494 = tpu.memref_slice %arg2[%dma_start3A_492, %dma_start3A_493] : memref<1392640x16xi32, #tpu.memory_space<hbm>> -> memref<1392640x16xi32, #tpu.memory_space<hbm>>
        tpu.enqueue_indirect_dma source(%dma_start3A_494 : memref<1392640x16xi32, #tpu.memory_space<hbm>>) target(%dma_start3A_488 : memref<128x16xi32, #tpu.memory_space<vmem>>) offsets(%dma_start3A_491 : memref<128xi32, #tpu.memory_space<vmem>>) semaphore(%arg11 : memref<!tpu.dma_semaphore, #tpu.memory_space<semaphore_mem>>)
      } else {
      }
      %dma_wait3A_403 = arith.constant 0 : i32
      %dma_wait3A_404 = arith.constant 0 : i32
      %dma_wait3A_405 = arith.constant 0 : i32
      %dma_wait3A_406 = arith.constant 0 : i32
      %dma_wait3A_407 = tpu.memref_slice %arg9[%dma_wait3A_405, %dma_wait3A_406] : memref<512x16xi32, #tpu.memory_space<vmem>> -> memref<128x16xi32, #tpu.memory_space<vmem>>
      %dma_wait3A_408 = arith.constant 0 : i32
      %dma_wait3A_409 = tpu.memref_slice %arg6[%dma_wait3A_403, %dma_wait3A_404, %dma_wait3A_408] : memref<4x64x128xi32, #tpu.memory_space<vmem>> -> memref<1x1x128xi32, #tpu.memory_space<vmem>>
      %dma_wait3A_410 = tpu.memref_squeeze %dma_wait3A_409 : memref<1x1x128xi32, #tpu.memory_space<vmem>> -> memref<128xi32, #tpu.memory_space<vmem>>
      %dma_wait3A_411 = arith.constant 0 : i32
      %dma_wait3A_412 = arith.constant 0 : i32
      %dma_wait3A_413 = tpu.memref_slice %arg2[%dma_wait3A_411, %dma_wait3A_412] : memref<1392640x16xi32, #tpu.memory_space<hbm>> -> memref<1392640x16xi32, #tpu.memory_space<hbm>>
      tpu.wait_indirect_dma semaphore(%arg12 : memref<!tpu.dma_semaphore, #tpu.memory_space<semaphore_mem>>) src(%dma_wait3A_413 : memref<1392640x16xi32, #tpu.memory_space<hbm>>) dst(%dma_wait3A_407 : memref<128x16xi32, #tpu.memory_space<vmem>>)
      %dma_wait3A_414 = arith.constant 0 : i32
      %dma_wait3A_415 = arith.constant 0 : i32
      %dma_wait3A_416 = arith.constant 128 : i32
      %dma_wait3A_417 = arith.constant 0 : i32
      %dma_wait3A_418 = tpu.memref_slice %arg9[%dma_wait3A_416, %dma_wait3A_417] : memref<512x16xi32, #tpu.memory_space<vmem>> -> memref<128x16xi32, #tpu.memory_space<vmem>>
      %dma_wait3A_419 = arith.constant 0 : i32
      %dma_wait3A_420 = tpu.memref_slice %arg6[%dma_wait3A_414, %dma_wait3A_415, %dma_wait3A_419] : memref<4x64x128xi32, #tpu.memory_space<vmem>> -> memref<1x1x128xi32, #tpu.memory_space<vmem>>
      %dma_wait3A_421 = tpu.memref_squeeze %dma_wait3A_420 : memref<1x1x128xi32, #tpu.memory_space<vmem>> -> memref<128xi32, #tpu.memory_space<vmem>>
      %dma_wait3A_422 = arith.constant 0 : i32
      %dma_wait3A_423 = arith.constant 0 : i32
      %dma_wait3A_424 = tpu.memref_slice %arg2[%dma_wait3A_422, %dma_wait3A_423] : memref<1392640x16xi32, #tpu.memory_space<hbm>> -> memref<1392640x16xi32, #tpu.memory_space<hbm>>
      tpu.wait_indirect_dma semaphore(%arg12 : memref<!tpu.dma_semaphore, #tpu.memory_space<semaphore_mem>>) src(%dma_wait3A_424 : memref<1392640x16xi32, #tpu.memory_space<hbm>>) dst(%dma_wait3A_418 : memref<128x16xi32, #tpu.memory_space<vmem>>)
      %dma_wait3A_425 = arith.constant 0 : i32
      %dma_wait3A_426 = arith.constant 0 : i32
      %dma_wait3A_427 = arith.constant 256 : i32
      %dma_wait3A_428 = arith.constant 0 : i32
      %dma_wait3A_429 = tpu.memref_slice %arg9[%dma_wait3A_427, %dma_wait3A_428] : memref<512x16xi32, #tpu.memory_space<vmem>> -> memref<128x16xi32, #tpu.memory_space<vmem>>
      %dma_wait3A_430 = arith.constant 0 : i32
      %dma_wait3A_431 = tpu.memref_slice %arg6[%dma_wait3A_425, %dma_wait3A_426, %dma_wait3A_430] : memref<4x64x128xi32, #tpu.memory_space<vmem>> -> memref<1x1x128xi32, #tpu.memory_space<vmem>>
      %dma_wait3A_432 = tpu.memref_squeeze %dma_wait3A_431 : memref<1x1x128xi32, #tpu.memory_space<vmem>> -> memref<128xi32, #tpu.memory_space<vmem>>
      %dma_wait3A_433 = arith.constant 0 : i32
      %dma_wait3A_434 = arith.constant 0 : i32
      %dma_wait3A_435 = tpu.memref_slice %arg2[%dma_wait3A_433, %dma_wait3A_434] : memref<1392640x16xi32, #tpu.memory_space<hbm>> -> memref<1392640x16xi32, #tpu.memory_space<hbm>>
      tpu.wait_indirect_dma semaphore(%arg12 : memref<!tpu.dma_semaphore, #tpu.memory_space<semaphore_mem>>) src(%dma_wait3A_435 : memref<1392640x16xi32, #tpu.memory_space<hbm>>) dst(%dma_wait3A_429 : memref<128x16xi32, #tpu.memory_space<vmem>>)
      %dma_wait3A_436 = arith.constant 0 : i32
      %dma_wait3A_437 = arith.constant 0 : i32
      %dma_wait3A_438 = arith.constant 384 : i32
      %dma_wait3A_439 = arith.constant 0 : i32
      %dma_wait3A_440 = tpu.memref_slice %arg9[%dma_wait3A_438, %dma_wait3A_439] : memref<512x16xi32, #tpu.memory_space<vmem>> -> memref<128x16xi32, #tpu.memory_space<vmem>>
      %dma_wait3A_441 = arith.constant 0 : i32
      %dma_wait3A_442 = tpu.memref_slice %arg6[%dma_wait3A_436, %dma_wait3A_437, %dma_wait3A_441] : memref<4x64x128xi32, #tpu.memory_space<vmem>> -> memref<1x1x128xi32, #tpu.memory_space<vmem>>
      %dma_wait3A_443 = tpu.memref_squeeze %dma_wait3A_442 : memref<1x1x128xi32, #tpu.memory_space<vmem>> -> memref<128xi32, #tpu.memory_space<vmem>>
      %dma_wait3A_444 = arith.constant 0 : i32
      %dma_wait3A_445 = arith.constant 0 : i32
      %dma_wait3A_446 = tpu.memref_slice %arg2[%dma_wait3A_444, %dma_wait3A_445] : memref<1392640x16xi32, #tpu.memory_space<hbm>> -> memref<1392640x16xi32, #tpu.memory_space<hbm>>
      tpu.wait_indirect_dma semaphore(%arg12 : memref<!tpu.dma_semaphore, #tpu.memory_space<semaphore_mem>>) src(%dma_wait3A_446 : memref<1392640x16xi32, #tpu.memory_space<hbm>>) dst(%dma_wait3A_440 : memref<128x16xi32, #tpu.memory_space<vmem>>)
      %scan3A_447 = arith.constant 0 : i32
      %scan3A_448 = arith.constant 0 : i32
      %scan3A_449 = arith.constant 8 : i32
      %scan3A_450 = arith.addi %scan3A_448, %scan3A_449 : i32
      %scan3A_451 = arith.constant 1 : i32
      scf.for %scan3A_453 = %scan3A_448 to %scan3A_450 step %scan3A_451  : i32 {
        %mul3A_454 = arith.constant 16 : i32
        %mul3A_455 = arith.muli %scan3A_453, %mul3A_454 : i32
        %broadcast_in_dim3A = arith.constant 0.000000e+00 : f32
        %broadcast_in_dim3A_456 = vector.broadcast %broadcast_in_dim3A : f32 to vector<16xf32>
        %broadcast_in_dim3A_457 = arith.constant 0.000000e+00 : f32
        %broadcast_in_dim3A_458 = vector.broadcast %broadcast_in_dim3A_457 : f32 to vector<16xf32>
        %get3A = arith.constant 0 : i32
        %get3A_459 = arith.index_cast %get3A : i32 to index
        %get3A_460 = arith.index_cast %add3A_310 : i32 to index
        %get3A_461 = arith.index_cast %mul3A_455 : i32 to index
        %get3A_462 = tpu.vector_load %arg7[%get3A_459, %get3A_460, %get3A_461] {strides = array<i32>} : memref<4x64x128xf32, #tpu.memory_space<vmem>>, vector<16xf32>,
        %broadcast_in_dim3A_463 = arith.constant 0 : i32
        %broadcast_in_dim3A_464 = vector.broadcast %broadcast_in_dim3A_463 : i32 to vector<16xi32>
        %broadcast_in_dim3A_465 = vector.shape_cast %broadcast_in_dim3A_464 : vector<16xi32> to vector<16x1xi32>
        %gather3A = vector.shape_cast %broadcast_in_dim3A_465 : vector<16x1xi32> to vector<16xi32>
        %gather3A_466 = tpu.dynamic_gather %get3A_462[%gather3A] in [0] : vector<16xf32>, vector<16xi32> -> vector<16xf32>
        %add3A_467 = arith.constant 0 : i32
        %add3A_468 = arith.addi %add3A_467, %mul3A_455 : i32
        %add3A_469 = arith.constant 0 : i32
        %add3A_470 = arith.addi %add3A_468, %add3A_469 : i32
        %get3A_471 = arith.index_cast %add3A_470 : i32 to index
        %get3A_472 = arith.constant 0 : index
        %get3A_473 = tpu.vector_load %arg9[%get3A_471, %get3A_472] {strides = array<i32>} : memref<512x16xi32, #tpu.memory_space<vmem>>, vector<16xi32>,
        %shift_left3A = arith.constant 16 : i32
        %shift_left3A_474 = vector.broadcast %shift_left3A : i32 to vector<16xi32>
        %shift_left3A_475 = arith.shli %get3A_473, %shift_left3A_474 : vector<16xi32>
        %bitcast3A = vector.bitcast %shift_left3A_475 : vector<16xi32> to vector<16xf32>
        %bitcast3A_476 = vector.bitcast %get3A_473 : vector<16xi32> to vector<16xf32>
        %mul3A_477 = arith.mulf %gather3A_466, %bitcast3A : vector<16xf32>
        %add3A_478 = arith.addf %broadcast_in_dim3A_456, %mul3A_477 : vector<16xf32>
        %mul3A_479 = arith.mulf %gather3A_466, %bitcast3A_476 : vector<16xf32>
        %add3A_480 = arith.addf %broadcast_in_dim3A_458, %mul3A_479 : vector<16xf32>
        %broadcast_in_dim3A_481 = arith.constant 1 : i32
        %broadcast_in_dim3A_482 = vector.broadcast %broadcast_in_dim3A_481 : i32 to vector<16xi32>
        %broadcast_in_dim3A_483 = vector.shape_cast %broadcast_in_dim3A_482 : vector<16xi32> to vector<16x1xi32>
        %gather3A_484 = vector.shape_cast %broadcast_in_dim3A_483 : vector<16x1xi32> to vector<16xi32>
        %gather3A_485 = tpu.dynamic_gather %get3A_462[%gather3A_484] in [0] : vector<16xf32>, vector<16xi32> -> vector<16xf32>
        %add3A_486 = arith.constant 0 : i32
        %add3A_487 = arith.addi %add3A_486, %mul3A_455 : i32
        %add3A_488 = arith.constant 1 : i32
        %add3A_489 = arith.addi %add3A_487, %add3A_488 : i32
        %get3A_490 = arith.index_cast %add3A_489 : i32 to index
        %get3A_491 = arith.constant 0 : index
        %get3A_492 = tpu.vector_load %arg9[%get3A_490, %get3A_491] {strides = array<i32>} : memref<512x16xi32, #tpu.memory_space<vmem>>, vector<16xi32>,
        %shift_left3A_493 = arith.constant 16 : i32
        %shift_left3A_494 = vector.broadcast %shift_left3A_493 : i32 to vector<16xi32>
        %shift_left3A_495 = arith.shli %get3A_492, %shift_left3A_494 : vector<16xi32>
        %bitcast3A_496 = vector.bitcast %shift_left3A_495 : vector<16xi32> to vector<16xf32>
        %bitcast3A_497 = vector.bitcast %get3A_492 : vector<16xi32> to vector<16xf32>
        %mul3A_498 = arith.mulf %gather3A_485, %bitcast3A_496 : vector<16xf32>
        %add3A_499 = arith.addf %add3A_478, %mul3A_498 : vector<16xf32>
        %mul3A_500 = arith.mulf %gather3A_485, %bitcast3A_497 : vector<16xf32>
        %add3A_501 = arith.addf %add3A_480, %mul3A_500 : vector<16xf32>
        %broadcast_in_dim3A_502 = arith.constant 2 : i32
        %broadcast_in_dim3A_503 = vector.broadcast %broadcast_in_dim3A_502 : i32 to vector<16xi32>
        %broadcast_in_dim3A_504 = vector.shape_cast %broadcast_in_dim3A_503 : vector<16xi32> to vector<16x1xi32>
        %gather3A_505 = vector.shape_cast %broadcast_in_dim3A_504 : vector<16x1xi32> to vector<16xi32>
        %gather3A_506 = tpu.dynamic_gather %get3A_462[%gather3A_505] in [0] : vector<16xf32>, vector<16xi32> -> vector<16xf32>
        %add3A_507 = arith.constant 0 : i32
        %add3A_508 = arith.addi %add3A_507, %mul3A_455 : i32
        %add3A_509 = arith.constant 2 : i32
        %add3A_510 = arith.addi %add3A_508, %add3A_509 : i32
        %get3A_511 = arith.index_cast %add3A_510 : i32 to index
        %get3A_512 = arith.constant 0 : index
        %get3A_513 = tpu.vector_load %arg9[%get3A_511, %get3A_512] {strides = array<i32>} : memref<512x16xi32, #tpu.memory_space<vmem>>, vector<16xi32>,
        %shift_left3A_514 = arith.constant 16 : i32
        %shift_left3A_515 = vector.broadcast %shift_left3A_514 : i32 to vector<16xi32>
        %shift_left3A_516 = arith.shli %get3A_513, %shift_left3A_515 : vector<16xi32>
        %bitcast3A_517 = vector.bitcast %shift_left3A_516 : vector<16xi32> to vector<16xf32>
        %bitcast3A_518 = vector.bitcast %get3A_513 : vector<16xi32> to vector<16xf32>
        %mul3A_519 = arith.mulf %gather3A_506, %bitcast3A_517 : vector<16xf32>
        %add3A_520 = arith.addf %add3A_499, %mul3A_519 : vector<16xf32>
        %mul3A_521 = arith.mulf %gather3A_506, %bitcast3A_518 : vector<16xf32>
        %add3A_522 = arith.addf %add3A_501, %mul3A_521 : vector<16xf32>
        %broadcast_in_dim3A_523 = arith.constant 3 : i32
        %broadcast_in_dim3A_524 = vector.broadcast %broadcast_in_dim3A_523 : i32 to vector<16xi32>
        %broadcast_in_dim3A_525 = vector.shape_cast %broadcast_in_dim3A_524 : vector<16xi32> to vector<16x1xi32>
        %gather3A_526 = vector.shape_cast %broadcast_in_dim3A_525 : vector<16x1xi32> to vector<16xi32>
        %gather3A_527 = tpu.dynamic_gather %get3A_462[%gather3A_526] in [0] : vector<16xf32>, vector<16xi32> -> vector<16xf32>
        %add3A_528 = arith.constant 0 : i32
        %add3A_529 = arith.addi %add3A_528, %mul3A_455 : i32
        %add3A_530 = arith.constant 3 : i32
        %add3A_531 = arith.addi %add3A_529, %add3A_530 : i32
        %get3A_532 = arith.index_cast %add3A_531 : i32 to index
        %get3A_533 = arith.constant 0 : index
        %get3A_534 = tpu.vector_load %arg9[%get3A_532, %get3A_533] {strides = array<i32>} : memref<512x16xi32, #tpu.memory_space<vmem>>, vector<16xi32>,
        %shift_left3A_535 = arith.constant 16 : i32
        %shift_left3A_536 = vector.broadcast %shift_left3A_535 : i32 to vector<16xi32>
        %shift_left3A_537 = arith.shli %get3A_534, %shift_left3A_536 : vector<16xi32>
        %bitcast3A_538 = vector.bitcast %shift_left3A_537 : vector<16xi32> to vector<16xf32>
        %bitcast3A_539 = vector.bitcast %get3A_534 : vector<16xi32> to vector<16xf32>
        %mul3A_540 = arith.mulf %gather3A_527, %bitcast3A_538 : vector<16xf32>
        %add3A_541 = arith.addf %add3A_520, %mul3A_540 : vector<16xf32>
        %mul3A_542 = arith.mulf %gather3A_527, %bitcast3A_539 : vector<16xf32>
        %add3A_543 = arith.addf %add3A_522, %mul3A_542 : vector<16xf32>
        %broadcast_in_dim3A_544 = arith.constant 4 : i32
        %broadcast_in_dim3A_545 = vector.broadcast %broadcast_in_dim3A_544 : i32 to vector<16xi32>
        %broadcast_in_dim3A_546 = vector.shape_cast %broadcast_in_dim3A_545 : vector<16xi32> to vector<16x1xi32>
        %gather3A_547 = vector.shape_cast %broadcast_in_dim3A_546 : vector<16x1xi32> to vector<16xi32>
        %gather3A_548 = tpu.dynamic_gather %get3A_462[%gather3A_547] in [0] : vector<16xf32>, vector<16xi32> -> vector<16xf32>
        %add3A_549 = arith.constant 0 : i32
        %add3A_550 = arith.addi %add3A_549, %mul3A_455 : i32
        %add3A_551 = arith.constant 4 : i32
        %add3A_552 = arith.addi %add3A_550, %add3A_551 : i32
        %get3A_553 = arith.index_cast %add3A_552 : i32 to index
        %get3A_554 = arith.constant 0 : index
        %get3A_555 = tpu.vector_load %arg9[%get3A_553, %get3A_554] {strides = array<i32>} : memref<512x16xi32, #tpu.memory_space<vmem>>, vector<16xi32>,
        %shift_left3A_556 = arith.constant 16 : i32
        %shift_left3A_557 = vector.broadcast %shift_left3A_556 : i32 to vector<16xi32>
        %shift_left3A_558 = arith.shli %get3A_555, %shift_left3A_557 : vector<16xi32>
        %bitcast3A_559 = vector.bitcast %shift_left3A_558 : vector<16xi32> to vector<16xf32>
        %bitcast3A_560 = vector.bitcast %get3A_555 : vector<16xi32> to vector<16xf32>
        %mul3A_561 = arith.mulf %gather3A_548, %bitcast3A_559 : vector<16xf32>
        %add3A_562 = arith.addf %add3A_541, %mul3A_561 : vector<16xf32>
        %mul3A_563 = arith.mulf %gather3A_548, %bitcast3A_560 : vector<16xf32>
        %add3A_564 = arith.addf %add3A_543, %mul3A_563 : vector<16xf32>
        %broadcast_in_dim3A_565 = arith.constant 5 : i32
        %broadcast_in_dim3A_566 = vector.broadcast %broadcast_in_dim3A_565 : i32 to vector<16xi32>
        %broadcast_in_dim3A_567 = vector.shape_cast %broadcast_in_dim3A_566 : vector<16xi32> to vector<16x1xi32>
        %gather3A_568 = vector.shape_cast %broadcast_in_dim3A_567 : vector<16x1xi32> to vector<16xi32>
        %gather3A_569 = tpu.dynamic_gather %get3A_462[%gather3A_568] in [0] : vector<16xf32>, vector<16xi32> -> vector<16xf32>
        %add3A_570 = arith.constant 0 : i32
        %add3A_571 = arith.addi %add3A_570, %mul3A_455 : i32
        %add3A_572 = arith.constant 5 : i32
        %add3A_573 = arith.addi %add3A_571, %add3A_572 : i32
        %get3A_574 = arith.index_cast %add3A_573 : i32 to index
        %get3A_575 = arith.constant 0 : index
        %get3A_576 = tpu.vector_load %arg9[%get3A_574, %get3A_575] {strides = array<i32>} : memref<512x16xi32, #tpu.memory_space<vmem>>, vector<16xi32>,
        %shift_left3A_577 = arith.constant 16 : i32
        %shift_left3A_578 = vector.broadcast %shift_left3A_577 : i32 to vector<16xi32>
        %shift_left3A_579 = arith.shli %get3A_576, %shift_left3A_578 : vector<16xi32>
        %bitcast3A_580 = vector.bitcast %shift_left3A_579 : vector<16xi32> to vector<16xf32>
        %bitcast3A_581 = vector.bitcast %get3A_576 : vector<16xi32> to vector<16xf32>
        %mul3A_582 = arith.mulf %gather3A_569, %bitcast3A_580 : vector<16xf32>
        %add3A_583 = arith.addf %add3A_562, %mul3A_582 : vector<16xf32>
        %mul3A_584 = arith.mulf %gather3A_569, %bitcast3A_581 : vector<16xf32>
        %add3A_585 = arith.addf %add3A_564, %mul3A_584 : vector<16xf32>
        %broadcast_in_dim3A_586 = arith.constant 6 : i32
        %broadcast_in_dim3A_587 = vector.broadcast %broadcast_in_dim3A_586 : i32 to vector<16xi32>
        %broadcast_in_dim3A_588 = vector.shape_cast %broadcast_in_dim3A_587 : vector<16xi32> to vector<16x1xi32>
        %gather3A_589 = vector.shape_cast %broadcast_in_dim3A_588 : vector<16x1xi32> to vector<16xi32>
        %gather3A_590 = tpu.dynamic_gather %get3A_462[%gather3A_589] in [0] : vector<16xf32>, vector<16xi32> -> vector<16xf32>
        %add3A_591 = arith.constant 0 : i32
        %add3A_592 = arith.addi %add3A_591, %mul3A_455 : i32
        %add3A_593 = arith.constant 6 : i32
        %add3A_594 = arith.addi %add3A_592, %add3A_593 : i32
        %get3A_595 = arith.index_cast %add3A_594 : i32 to index
        %get3A_596 = arith.constant 0 : index
        %get3A_597 = tpu.vector_load %arg9[%get3A_595, %get3A_596] {strides = array<i32>} : memref<512x16xi32, #tpu.memory_space<vmem>>, vector<16xi32>,
        %shift_left3A_598 = arith.constant 16 : i32
        %shift_left3A_599 = vector.broadcast %shift_left3A_598 : i32 to vector<16xi32>
        %shift_left3A_600 = arith.shli %get3A_597, %shift_left3A_599 : vector<16xi32>
        %bitcast3A_601 = vector.bitcast %shift_left3A_600 : vector<16xi32> to vector<16xf32>
        %bitcast3A_602 = vector.bitcast %get3A_597 : vector<16xi32> to vector<16xf32>
        %mul3A_603 = arith.mulf %gather3A_590, %bitcast3A_601 : vector<16xf32>
        %add3A_604 = arith.addf %add3A_583, %mul3A_603 : vector<16xf32>
        %mul3A_605 = arith.mulf %gather3A_590, %bitcast3A_602 : vector<16xf32>
        %add3A_606 = arith.addf %add3A_585, %mul3A_605 : vector<16xf32>
        %broadcast_in_dim3A_607 = arith.constant 7 : i32
        %broadcast_in_dim3A_608 = vector.broadcast %broadcast_in_dim3A_607 : i32 to vector<16xi32>
        %broadcast_in_dim3A_609 = vector.shape_cast %broadcast_in_dim3A_608 : vector<16xi32> to vector<16x1xi32>
        %gather3A_610 = vector.shape_cast %broadcast_in_dim3A_609 : vector<16x1xi32> to vector<16xi32>
        %gather3A_611 = tpu.dynamic_gather %get3A_462[%gather3A_610] in [0] : vector<16xf32>, vector<16xi32> -> vector<16xf32>
        %add3A_612 = arith.constant 0 : i32
        %add3A_613 = arith.addi %add3A_612, %mul3A_455 : i32
        %add3A_614 = arith.constant 7 : i32
        %add3A_615 = arith.addi %add3A_613, %add3A_614 : i32
        %get3A_616 = arith.index_cast %add3A_615 : i32 to index
        %get3A_617 = arith.constant 0 : index
        %get3A_618 = tpu.vector_load %arg9[%get3A_616, %get3A_617] {strides = array<i32>} : memref<512x16xi32, #tpu.memory_space<vmem>>, vector<16xi32>,
        %shift_left3A_619 = arith.constant 16 : i32
        %shift_left3A_620 = vector.broadcast %shift_left3A_619 : i32 to vector<16xi32>
        %shift_left3A_621 = arith.shli %get3A_618, %shift_left3A_620 : vector<16xi32>
        %bitcast3A_622 = vector.bitcast %shift_left3A_621 : vector<16xi32> to vector<16xf32>
        %bitcast3A_623 = vector.bitcast %get3A_618 : vector<16xi32> to vector<16xf32>
        %mul3A_624 = arith.mulf %gather3A_611, %bitcast3A_622 : vector<16xf32>
        %add3A_625 = arith.addf %add3A_604, %mul3A_624 : vector<16xf32>
        %mul3A_626 = arith.mulf %gather3A_611, %bitcast3A_623 : vector<16xf32>
        %add3A_627 = arith.addf %add3A_606, %mul3A_626 : vector<16xf32>
        %broadcast_in_dim3A_628 = arith.constant 8 : i32
        %broadcast_in_dim3A_629 = vector.broadcast %broadcast_in_dim3A_628 : i32 to vector<16xi32>
        %broadcast_in_dim3A_630 = vector.shape_cast %broadcast_in_dim3A_629 : vector<16xi32> to vector<16x1xi32>
        %gather3A_631 = vector.shape_cast %broadcast_in_dim3A_630 : vector<16x1xi32> to vector<16xi32>
        %gather3A_632 = tpu.dynamic_gather %get3A_462[%gather3A_631] in [0] : vector<16xf32>, vector<16xi32> -> vector<16xf32>
        %add3A_633 = arith.constant 0 : i32
        %add3A_634 = arith.addi %add3A_633, %mul3A_455 : i32
        %add3A_635 = arith.constant 8 : i32
        %add3A_636 = arith.addi %add3A_634, %add3A_635 : i32
        %get3A_637 = arith.index_cast %add3A_636 : i32 to index
        %get3A_638 = arith.constant 0 : index
        %get3A_639 = tpu.vector_load %arg9[%get3A_637, %get3A_638] {strides = array<i32>} : memref<512x16xi32, #tpu.memory_space<vmem>>, vector<16xi32>,
        %shift_left3A_640 = arith.constant 16 : i32
        %shift_left3A_641 = vector.broadcast %shift_left3A_640 : i32 to vector<16xi32>
        %shift_left3A_642 = arith.shli %get3A_639, %shift_left3A_641 : vector<16xi32>
        %bitcast3A_643 = vector.bitcast %shift_left3A_642 : vector<16xi32> to vector<16xf32>
        %bitcast3A_644 = vector.bitcast %get3A_639 : vector<16xi32> to vector<16xf32>
        %mul3A_645 = arith.mulf %gather3A_632, %bitcast3A_643 : vector<16xf32>
        %add3A_646 = arith.addf %add3A_625, %mul3A_645 : vector<16xf32>
        %mul3A_647 = arith.mulf %gather3A_632, %bitcast3A_644 : vector<16xf32>
        %add3A_648 = arith.addf %add3A_627, %mul3A_647 : vector<16xf32>
        %broadcast_in_dim3A_649 = arith.constant 9 : i32
        %broadcast_in_dim3A_650 = vector.broadcast %broadcast_in_dim3A_649 : i32 to vector<16xi32>
        %broadcast_in_dim3A_651 = vector.shape_cast %broadcast_in_dim3A_650 : vector<16xi32> to vector<16x1xi32>
        %gather3A_652 = vector.shape_cast %broadcast_in_dim3A_651 : vector<16x1xi32> to vector<16xi32>
        %gather3A_653 = tpu.dynamic_gather %get3A_462[%gather3A_652] in [0] : vector<16xf32>, vector<16xi32> -> vector<16xf32>
        %add3A_654 = arith.constant 0 : i32
        %add3A_655 = arith.addi %add3A_654, %mul3A_455 : i32
        %add3A_656 = arith.constant 9 : i32
        %add3A_657 = arith.addi %add3A_655, %add3A_656 : i32
        %get3A_658 = arith.index_cast %add3A_657 : i32 to index
        %get3A_659 = arith.constant 0 : index
        %get3A_660 = tpu.vector_load %arg9[%get3A_658, %get3A_659] {strides = array<i32>} : memref<512x16xi32, #tpu.memory_space<vmem>>, vector<16xi32>,
        %shift_left3A_661 = arith.constant 16 : i32
        %shift_left3A_662 = vector.broadcast %shift_left3A_661 : i32 to vector<16xi32>
        %shift_left3A_663 = arith.shli %get3A_660, %shift_left3A_662 : vector<16xi32>
        %bitcast3A_664 = vector.bitcast %shift_left3A_663 : vector<16xi32> to vector<16xf32>
        %bitcast3A_665 = vector.bitcast %get3A_660 : vector<16xi32> to vector<16xf32>
        %mul3A_666 = arith.mulf %gather3A_653, %bitcast3A_664 : vector<16xf32>
        %add3A_667 = arith.addf %add3A_646, %mul3A_666 : vector<16xf32>
        %mul3A_668 = arith.mulf %gather3A_653, %bitcast3A_665 : vector<16xf32>
        %add3A_669 = arith.addf %add3A_648, %mul3A_668 : vector<16xf32>
        %broadcast_in_dim3A_670 = arith.constant 10 : i32
        %broadcast_in_dim3A_671 = vector.broadcast %broadcast_in_dim3A_670 : i32 to vector<16xi32>
        %broadcast_in_dim3A_672 = vector.shape_cast %broadcast_in_dim3A_671 : vector<16xi32> to vector<16x1xi32>
        %gather3A_673 = vector.shape_cast %broadcast_in_dim3A_672 : vector<16x1xi32> to vector<16xi32>
        %gather3A_674 = tpu.dynamic_gather %get3A_462[%gather3A_673] in [0] : vector<16xf32>, vector<16xi32> -> vector<16xf32>
        %add3A_675 = arith.constant 0 : i32
        %add3A_676 = arith.addi %add3A_675, %mul3A_455 : i32
        %add3A_677 = arith.constant 10 : i32
        %add3A_678 = arith.addi %add3A_676, %add3A_677 : i32
        %get3A_679 = arith.index_cast %add3A_678 : i32 to index
        %get3A_680 = arith.constant 0 : index
        %get3A_681 = tpu.vector_load %arg9[%get3A_679, %get3A_680] {strides = array<i32>} : memref<512x16xi32, #tpu.memory_space<vmem>>, vector<16xi32>,
        %shift_left3A_682 = arith.constant 16 : i32
        %shift_left3A_683 = vector.broadcast %shift_left3A_682 : i32 to vector<16xi32>
        %shift_left3A_684 = arith.shli %get3A_681, %shift_left3A_683 : vector<16xi32>
        %bitcast3A_685 = vector.bitcast %shift_left3A_684 : vector<16xi32> to vector<16xf32>
        %bitcast3A_686 = vector.bitcast %get3A_681 : vector<16xi32> to vector<16xf32>
        %mul3A_687 = arith.mulf %gather3A_674, %bitcast3A_685 : vector<16xf32>
        %add3A_688 = arith.addf %add3A_667, %mul3A_687 : vector<16xf32>
        %mul3A_689 = arith.mulf %gather3A_674, %bitcast3A_686 : vector<16xf32>
        %add3A_690 = arith.addf %add3A_669, %mul3A_689 : vector<16xf32>
        %broadcast_in_dim3A_691 = arith.constant 11 : i32
        %broadcast_in_dim3A_692 = vector.broadcast %broadcast_in_dim3A_691 : i32 to vector<16xi32>
        %broadcast_in_dim3A_693 = vector.shape_cast %broadcast_in_dim3A_692 : vector<16xi32> to vector<16x1xi32>
        %gather3A_694 = vector.shape_cast %broadcast_in_dim3A_693 : vector<16x1xi32> to vector<16xi32>
        %gather3A_695 = tpu.dynamic_gather %get3A_462[%gather3A_694] in [0] : vector<16xf32>, vector<16xi32> -> vector<16xf32>
        %add3A_696 = arith.constant 0 : i32
        %add3A_697 = arith.addi %add3A_696, %mul3A_455 : i32
        %add3A_698 = arith.constant 11 : i32
        %add3A_699 = arith.addi %add3A_697, %add3A_698 : i32
        %get3A_700 = arith.index_cast %add3A_699 : i32 to index
        %get3A_701 = arith.constant 0 : index
        %get3A_702 = tpu.vector_load %arg9[%get3A_700, %get3A_701] {strides = array<i32>} : memref<512x16xi32, #tpu.memory_space<vmem>>, vector<16xi32>,
        %shift_left3A_703 = arith.constant 16 : i32
        %shift_left3A_704 = vector.broadcast %shift_left3A_703 : i32 to vector<16xi32>
        %shift_left3A_705 = arith.shli %get3A_702, %shift_left3A_704 : vector<16xi32>
        %bitcast3A_706 = vector.bitcast %shift_left3A_705 : vector<16xi32> to vector<16xf32>
        %bitcast3A_707 = vector.bitcast %get3A_702 : vector<16xi32> to vector<16xf32>
        %mul3A_708 = arith.mulf %gather3A_695, %bitcast3A_706 : vector<16xf32>
        %add3A_709 = arith.addf %add3A_688, %mul3A_708 : vector<16xf32>
        %mul3A_710 = arith.mulf %gather3A_695, %bitcast3A_707 : vector<16xf32>
        %add3A_711 = arith.addf %add3A_690, %mul3A_710 : vector<16xf32>
        %broadcast_in_dim3A_712 = arith.constant 12 : i32
        %broadcast_in_dim3A_713 = vector.broadcast %broadcast_in_dim3A_712 : i32 to vector<16xi32>
        %broadcast_in_dim3A_714 = vector.shape_cast %broadcast_in_dim3A_713 : vector<16xi32> to vector<16x1xi32>
        %gather3A_715 = vector.shape_cast %broadcast_in_dim3A_714 : vector<16x1xi32> to vector<16xi32>
        %gather3A_716 = tpu.dynamic_gather %get3A_462[%gather3A_715] in [0] : vector<16xf32>, vector<16xi32> -> vector<16xf32>
        %add3A_717 = arith.constant 0 : i32
        %add3A_718 = arith.addi %add3A_717, %mul3A_455 : i32
        %add3A_719 = arith.constant 12 : i32
        %add3A_720 = arith.addi %add3A_718, %add3A_719 : i32
        %get3A_721 = arith.index_cast %add3A_720 : i32 to index
        %get3A_722 = arith.constant 0 : index
        %get3A_723 = tpu.vector_load %arg9[%get3A_721, %get3A_722] {strides = array<i32>} : memref<512x16xi32, #tpu.memory_space<vmem>>, vector<16xi32>,
        %shift_left3A_724 = arith.constant 16 : i32
        %shift_left3A_725 = vector.broadcast %shift_left3A_724 : i32 to vector<16xi32>
        %shift_left3A_726 = arith.shli %get3A_723, %shift_left3A_725 : vector<16xi32>
        %bitcast3A_727 = vector.bitcast %shift_left3A_726 : vector<16xi32> to vector<16xf32>
        %bitcast3A_728 = vector.bitcast %get3A_723 : vector<16xi32> to vector<16xf32>
        %mul3A_729 = arith.mulf %gather3A_716, %bitcast3A_727 : vector<16xf32>
        %add3A_730 = arith.addf %add3A_709, %mul3A_729 : vector<16xf32>
        %mul3A_731 = arith.mulf %gather3A_716, %bitcast3A_728 : vector<16xf32>
        %add3A_732 = arith.addf %add3A_711, %mul3A_731 : vector<16xf32>
        %broadcast_in_dim3A_733 = arith.constant 13 : i32
        %broadcast_in_dim3A_734 = vector.broadcast %broadcast_in_dim3A_733 : i32 to vector<16xi32>
        %broadcast_in_dim3A_735 = vector.shape_cast %broadcast_in_dim3A_734 : vector<16xi32> to vector<16x1xi32>
        %gather3A_736 = vector.shape_cast %broadcast_in_dim3A_735 : vector<16x1xi32> to vector<16xi32>
        %gather3A_737 = tpu.dynamic_gather %get3A_462[%gather3A_736] in [0] : vector<16xf32>, vector<16xi32> -> vector<16xf32>
        %add3A_738 = arith.constant 0 : i32
        %add3A_739 = arith.addi %add3A_738, %mul3A_455 : i32
        %add3A_740 = arith.constant 13 : i32
        %add3A_741 = arith.addi %add3A_739, %add3A_740 : i32
        %get3A_742 = arith.index_cast %add3A_741 : i32 to index
        %get3A_743 = arith.constant 0 : index
        %get3A_744 = tpu.vector_load %arg9[%get3A_742, %get3A_743] {strides = array<i32>} : memref<512x16xi32, #tpu.memory_space<vmem>>, vector<16xi32>,
        %shift_left3A_745 = arith.constant 16 : i32
        %shift_left3A_746 = vector.broadcast %shift_left3A_745 : i32 to vector<16xi32>
        %shift_left3A_747 = arith.shli %get3A_744, %shift_left3A_746 : vector<16xi32>
        %bitcast3A_748 = vector.bitcast %shift_left3A_747 : vector<16xi32> to vector<16xf32>
        %bitcast3A_749 = vector.bitcast %get3A_744 : vector<16xi32> to vector<16xf32>
        %mul3A_750 = arith.mulf %gather3A_737, %bitcast3A_748 : vector<16xf32>
        %add3A_751 = arith.addf %add3A_730, %mul3A_750 : vector<16xf32>
        %mul3A_752 = arith.mulf %gather3A_737, %bitcast3A_749 : vector<16xf32>
        %add3A_753 = arith.addf %add3A_732, %mul3A_752 : vector<16xf32>
        %broadcast_in_dim3A_754 = arith.constant 14 : i32
        %broadcast_in_dim3A_755 = vector.broadcast %broadcast_in_dim3A_754 : i32 to vector<16xi32>
        %broadcast_in_dim3A_756 = vector.shape_cast %broadcast_in_dim3A_755 : vector<16xi32> to vector<16x1xi32>
        %gather3A_757 = vector.shape_cast %broadcast_in_dim3A_756 : vector<16x1xi32> to vector<16xi32>
        %gather3A_758 = tpu.dynamic_gather %get3A_462[%gather3A_757] in [0] : vector<16xf32>, vector<16xi32> -> vector<16xf32>
        %add3A_759 = arith.constant 0 : i32
        %add3A_760 = arith.addi %add3A_759, %mul3A_455 : i32
        %add3A_761 = arith.constant 14 : i32
        %add3A_762 = arith.addi %add3A_760, %add3A_761 : i32
        %get3A_763 = arith.index_cast %add3A_762 : i32 to index
        %get3A_764 = arith.constant 0 : index
        %get3A_765 = tpu.vector_load %arg9[%get3A_763, %get3A_764] {strides = array<i32>} : memref<512x16xi32, #tpu.memory_space<vmem>>, vector<16xi32>,
        %shift_left3A_766 = arith.constant 16 : i32
        %shift_left3A_767 = vector.broadcast %shift_left3A_766 : i32 to vector<16xi32>
        %shift_left3A_768 = arith.shli %get3A_765, %shift_left3A_767 : vector<16xi32>
        %bitcast3A_769 = vector.bitcast %shift_left3A_768 : vector<16xi32> to vector<16xf32>
        %bitcast3A_770 = vector.bitcast %get3A_765 : vector<16xi32> to vector<16xf32>
        %mul3A_771 = arith.mulf %gather3A_758, %bitcast3A_769 : vector<16xf32>
        %add3A_772 = arith.addf %add3A_751, %mul3A_771 : vector<16xf32>
        %mul3A_773 = arith.mulf %gather3A_758, %bitcast3A_770 : vector<16xf32>
        %add3A_774 = arith.addf %add3A_753, %mul3A_773 : vector<16xf32>
        %broadcast_in_dim3A_775 = arith.constant 15 : i32
        %broadcast_in_dim3A_776 = vector.broadcast %broadcast_in_dim3A_775 : i32 to vector<16xi32>
        %broadcast_in_dim3A_777 = vector.shape_cast %broadcast_in_dim3A_776 : vector<16xi32> to vector<16x1xi32>
        %gather3A_778 = vector.shape_cast %broadcast_in_dim3A_777 : vector<16x1xi32> to vector<16xi32>
        %gather3A_779 = tpu.dynamic_gather %get3A_462[%gather3A_778] in [0] : vector<16xf32>, vector<16xi32> -> vector<16xf32>
        %add3A_780 = arith.constant 0 : i32
        %add3A_781 = arith.addi %add3A_780, %mul3A_455 : i32
        %add3A_782 = arith.constant 15 : i32
        %add3A_783 = arith.addi %add3A_781, %add3A_782 : i32
        %get3A_784 = arith.index_cast %add3A_783 : i32 to index
        %get3A_785 = arith.constant 0 : index
        %get3A_786 = tpu.vector_load %arg9[%get3A_784, %get3A_785] {strides = array<i32>} : memref<512x16xi32, #tpu.memory_space<vmem>>, vector<16xi32>,
        %shift_left3A_787 = arith.constant 16 : i32
        %shift_left3A_788 = vector.broadcast %shift_left3A_787 : i32 to vector<16xi32>
        %shift_left3A_789 = arith.shli %get3A_786, %shift_left3A_788 : vector<16xi32>
        %bitcast3A_790 = vector.bitcast %shift_left3A_789 : vector<16xi32> to vector<16xf32>
        %bitcast3A_791 = vector.bitcast %get3A_786 : vector<16xi32> to vector<16xf32>
        %mul3A_792 = arith.mulf %gather3A_779, %bitcast3A_790 : vector<16xf32>
        %add3A_793 = arith.addf %add3A_772, %mul3A_792 : vector<16xf32>
        %mul3A_794 = arith.mulf %gather3A_779, %bitcast3A_791 : vector<16xf32>
        %add3A_795 = arith.addf %add3A_774, %mul3A_794 : vector<16xf32>
        %get3A_796 = arith.constant 1 : i32
        %get3A_797 = arith.index_cast %get3A_796 : i32 to index
        %get3A_798 = arith.index_cast %add3A_310 : i32 to index
        %get3A_799 = arith.index_cast %mul3A_455 : i32 to index
        %get3A_800 = tpu.vector_load %arg7[%get3A_797, %get3A_798, %get3A_799] {strides = array<i32>} : memref<4x64x128xf32, #tpu.memory_space<vmem>>, vector<16xf32>,
        %broadcast_in_dim3A_801 = arith.constant 0 : i32
        %broadcast_in_dim3A_802 = vector.broadcast %broadcast_in_dim3A_801 : i32 to vector<16xi32>
        %broadcast_in_dim3A_803 = vector.shape_cast %broadcast_in_dim3A_802 : vector<16xi32> to vector<16x1xi32>
        %gather3A_804 = vector.shape_cast %broadcast_in_dim3A_803 : vector<16x1xi32> to vector<16xi32>
        %gather3A_805 = tpu.dynamic_gather %get3A_800[%gather3A_804] in [0] : vector<16xf32>, vector<16xi32> -> vector<16xf32>
        %add3A_806 = arith.constant 128 : i32
        %add3A_807 = arith.addi %add3A_806, %mul3A_455 : i32
        %add3A_808 = arith.constant 0 : i32
        %add3A_809 = arith.addi %add3A_807, %add3A_808 : i32
        %get3A_810 = arith.index_cast %add3A_809 : i32 to index
        %get3A_811 = arith.constant 0 : index
        %get3A_812 = tpu.vector_load %arg9[%get3A_810, %get3A_811] {strides = array<i32>} : memref<512x16xi32, #tpu.memory_space<vmem>>, vector<16xi32>,
        %shift_left3A_813 = arith.constant 16 : i32
        %shift_left3A_814 = vector.broadcast %shift_left3A_813 : i32 to vector<16xi32>
        %shift_left3A_815 = arith.shli %get3A_812, %shift_left3A_814 : vector<16xi32>
        %bitcast3A_816 = vector.bitcast %shift_left3A_815 : vector<16xi32> to vector<16xf32>
        %bitcast3A_817 = vector.bitcast %get3A_812 : vector<16xi32> to vector<16xf32>
        %mul3A_818 = arith.mulf %gather3A_805, %bitcast3A_816 : vector<16xf32>
        %add3A_819 = arith.addf %add3A_793, %mul3A_818 : vector<16xf32>
        %mul3A_820 = arith.mulf %gather3A_805, %bitcast3A_817 : vector<16xf32>
        %add3A_821 = arith.addf %add3A_795, %mul3A_820 : vector<16xf32>
        %broadcast_in_dim3A_822 = arith.constant 1 : i32
        %broadcast_in_dim3A_823 = vector.broadcast %broadcast_in_dim3A_822 : i32 to vector<16xi32>
        %broadcast_in_dim3A_824 = vector.shape_cast %broadcast_in_dim3A_823 : vector<16xi32> to vector<16x1xi32>
        %gather3A_825 = vector.shape_cast %broadcast_in_dim3A_824 : vector<16x1xi32> to vector<16xi32>
        %gather3A_826 = tpu.dynamic_gather %get3A_800[%gather3A_825] in [0] : vector<16xf32>, vector<16xi32> -> vector<16xf32>
        %add3A_827 = arith.constant 128 : i32
        %add3A_828 = arith.addi %add3A_827, %mul3A_455 : i32
        %add3A_829 = arith.constant 1 : i32
        %add3A_830 = arith.addi %add3A_828, %add3A_829 : i32
        %get3A_831 = arith.index_cast %add3A_830 : i32 to index
        %get3A_832 = arith.constant 0 : index
        %get3A_833 = tpu.vector_load %arg9[%get3A_831, %get3A_832] {strides = array<i32>} : memref<512x16xi32, #tpu.memory_space<vmem>>, vector<16xi32>,
        %shift_left3A_834 = arith.constant 16 : i32
        %shift_left3A_835 = vector.broadcast %shift_left3A_834 : i32 to vector<16xi32>
        %shift_left3A_836 = arith.shli %get3A_833, %shift_left3A_835 : vector<16xi32>
        %bitcast3A_837 = vector.bitcast %shift_left3A_836 : vector<16xi32> to vector<16xf32>
        %bitcast3A_838 = vector.bitcast %get3A_833 : vector<16xi32> to vector<16xf32>
        %mul3A_839 = arith.mulf %gather3A_826, %bitcast3A_837 : vector<16xf32>
        %add3A_840 = arith.addf %add3A_819, %mul3A_839 : vector<16xf32>
        %mul3A_841 = arith.mulf %gather3A_826, %bitcast3A_838 : vector<16xf32>
        %add3A_842 = arith.addf %add3A_821, %mul3A_841 : vector<16xf32>
        %broadcast_in_dim3A_843 = arith.constant 2 : i32
        %broadcast_in_dim3A_844 = vector.broadcast %broadcast_in_dim3A_843 : i32 to vector<16xi32>
        %broadcast_in_dim3A_845 = vector.shape_cast %broadcast_in_dim3A_844 : vector<16xi32> to vector<16x1xi32>
        %gather3A_846 = vector.shape_cast %broadcast_in_dim3A_845 : vector<16x1xi32> to vector<16xi32>
        %gather3A_847 = tpu.dynamic_gather %get3A_800[%gather3A_846] in [0] : vector<16xf32>, vector<16xi32> -> vector<16xf32>
        %add3A_848 = arith.constant 128 : i32
        %add3A_849 = arith.addi %add3A_848, %mul3A_455 : i32
        %add3A_850 = arith.constant 2 : i32
        %add3A_851 = arith.addi %add3A_849, %add3A_850 : i32
        %get3A_852 = arith.index_cast %add3A_851 : i32 to index
        %get3A_853 = arith.constant 0 : index
        %get3A_854 = tpu.vector_load %arg9[%get3A_852, %get3A_853] {strides = array<i32>} : memref<512x16xi32, #tpu.memory_space<vmem>>, vector<16xi32>,
        %shift_left3A_855 = arith.constant 16 : i32
        %shift_left3A_856 = vector.broadcast %shift_left3A_855 : i32 to vector<16xi32>
        %shift_left3A_857 = arith.shli %get3A_854, %shift_left3A_856 : vector<16xi32>
        %bitcast3A_858 = vector.bitcast %shift_left3A_857 : vector<16xi32> to vector<16xf32>
        %bitcast3A_859 = vector.bitcast %get3A_854 : vector<16xi32> to vector<16xf32>
        %mul3A_860 = arith.mulf %gather3A_847, %bitcast3A_858 : vector<16xf32>
        %add3A_861 = arith.addf %add3A_840, %mul3A_860 : vector<16xf32>
        %mul3A_862 = arith.mulf %gather3A_847, %bitcast3A_859 : vector<16xf32>
        %add3A_863 = arith.addf %add3A_842, %mul3A_862 : vector<16xf32>
        %broadcast_in_dim3A_864 = arith.constant 3 : i32
        %broadcast_in_dim3A_865 = vector.broadcast %broadcast_in_dim3A_864 : i32 to vector<16xi32>
        %broadcast_in_dim3A_866 = vector.shape_cast %broadcast_in_dim3A_865 : vector<16xi32> to vector<16x1xi32>
        %gather3A_867 = vector.shape_cast %broadcast_in_dim3A_866 : vector<16x1xi32> to vector<16xi32>
        %gather3A_868 = tpu.dynamic_gather %get3A_800[%gather3A_867] in [0] : vector<16xf32>, vector<16xi32> -> vector<16xf32>
        %add3A_869 = arith.constant 128 : i32
        %add3A_870 = arith.addi %add3A_869, %mul3A_455 : i32
        %add3A_871 = arith.constant 3 : i32
        %add3A_872 = arith.addi %add3A_870, %add3A_871 : i32
        %get3A_873 = arith.index_cast %add3A_872 : i32 to index
        %get3A_874 = arith.constant 0 : index
        %get3A_875 = tpu.vector_load %arg9[%get3A_873, %get3A_874] {strides = array<i32>} : memref<512x16xi32, #tpu.memory_space<vmem>>, vector<16xi32>,
        %shift_left3A_876 = arith.constant 16 : i32
        %shift_left3A_877 = vector.broadcast %shift_left3A_876 : i32 to vector<16xi32>
        %shift_left3A_878 = arith.shli %get3A_875, %shift_left3A_877 : vector<16xi32>
        %bitcast3A_879 = vector.bitcast %shift_left3A_878 : vector<16xi32> to vector<16xf32>
        %bitcast3A_880 = vector.bitcast %get3A_875 : vector<16xi32> to vector<16xf32>
        %mul3A_881 = arith.mulf %gather3A_868, %bitcast3A_879 : vector<16xf32>
        %add3A_882 = arith.addf %add3A_861, %mul3A_881 : vector<16xf32>
        %mul3A_883 = arith.mulf %gather3A_868, %bitcast3A_880 : vector<16xf32>
        %add3A_884 = arith.addf %add3A_863, %mul3A_883 : vector<16xf32>
        %broadcast_in_dim3A_885 = arith.constant 4 : i32
        %broadcast_in_dim3A_886 = vector.broadcast %broadcast_in_dim3A_885 : i32 to vector<16xi32>
        %broadcast_in_dim3A_887 = vector.shape_cast %broadcast_in_dim3A_886 : vector<16xi32> to vector<16x1xi32>
        %gather3A_888 = vector.shape_cast %broadcast_in_dim3A_887 : vector<16x1xi32> to vector<16xi32>
        %gather3A_889 = tpu.dynamic_gather %get3A_800[%gather3A_888] in [0] : vector<16xf32>, vector<16xi32> -> vector<16xf32>
        %add3A_890 = arith.constant 128 : i32
        %add3A_891 = arith.addi %add3A_890, %mul3A_455 : i32
        %add3A_892 = arith.constant 4 : i32
        %add3A_893 = arith.addi %add3A_891, %add3A_892 : i32
        %get3A_894 = arith.index_cast %add3A_893 : i32 to index
        %get3A_895 = arith.constant 0 : index
        %get3A_896 = tpu.vector_load %arg9[%get3A_894, %get3A_895] {strides = array<i32>} : memref<512x16xi32, #tpu.memory_space<vmem>>, vector<16xi32>,
        %shift_left3A_897 = arith.constant 16 : i32
        %shift_left3A_898 = vector.broadcast %shift_left3A_897 : i32 to vector<16xi32>
        %shift_left3A_899 = arith.shli %get3A_896, %shift_left3A_898 : vector<16xi32>
        %bitcast3A_900 = vector.bitcast %shift_left3A_899 : vector<16xi32> to vector<16xf32>
        %bitcast3A_901 = vector.bitcast %get3A_896 : vector<16xi32> to vector<16xf32>
        %mul3A_902 = arith.mulf %gather3A_889, %bitcast3A_900 : vector<16xf32>
        %add3A_903 = arith.addf %add3A_882, %mul3A_902 : vector<16xf32>
        %mul3A_904 = arith.mulf %gather3A_889, %bitcast3A_901 : vector<16xf32>
        %add3A_905 = arith.addf %add3A_884, %mul3A_904 : vector<16xf32>
        %broadcast_in_dim3A_906 = arith.constant 5 : i32
        %broadcast_in_dim3A_907 = vector.broadcast %broadcast_in_dim3A_906 : i32 to vector<16xi32>
        %broadcast_in_dim3A_908 = vector.shape_cast %broadcast_in_dim3A_907 : vector<16xi32> to vector<16x1xi32>
        %gather3A_909 = vector.shape_cast %broadcast_in_dim3A_908 : vector<16x1xi32> to vector<16xi32>
        %gather3A_910 = tpu.dynamic_gather %get3A_800[%gather3A_909] in [0] : vector<16xf32>, vector<16xi32> -> vector<16xf32>
        %add3A_911 = arith.constant 128 : i32
        %add3A_912 = arith.addi %add3A_911, %mul3A_455 : i32
        %add3A_913 = arith.constant 5 : i32
        %add3A_914 = arith.addi %add3A_912, %add3A_913 : i32
        %get3A_915 = arith.index_cast %add3A_914 : i32 to index
        %get3A_916 = arith.constant 0 : index
        %get3A_917 = tpu.vector_load %arg9[%get3A_915, %get3A_916] {strides = array<i32>} : memref<512x16xi32, #tpu.memory_space<vmem>>, vector<16xi32>,
        %shift_left3A_918 = arith.constant 16 : i32
        %shift_left3A_919 = vector.broadcast %shift_left3A_918 : i32 to vector<16xi32>
        %shift_left3A_920 = arith.shli %get3A_917, %shift_left3A_919 : vector<16xi32>
        %bitcast3A_921 = vector.bitcast %shift_left3A_920 : vector<16xi32> to vector<16xf32>
        %bitcast3A_922 = vector.bitcast %get3A_917 : vector<16xi32> to vector<16xf32>
        %mul3A_923 = arith.mulf %gather3A_910, %bitcast3A_921 : vector<16xf32>
        %add3A_924 = arith.addf %add3A_903, %mul3A_923 : vector<16xf32>
        %mul3A_925 = arith.mulf %gather3A_910, %bitcast3A_922 : vector<16xf32>
        %add3A_926 = arith.addf %add3A_905, %mul3A_925 : vector<16xf32>
        %broadcast_in_dim3A_927 = arith.constant 6 : i32
        %broadcast_in_dim3A_928 = vector.broadcast %broadcast_in_dim3A_927 : i32 to vector<16xi32>
        %broadcast_in_dim3A_929 = vector.shape_cast %broadcast_in_dim3A_928 : vector<16xi32> to vector<16x1xi32>
        %gather3A_930 = vector.shape_cast %broadcast_in_dim3A_929 : vector<16x1xi32> to vector<16xi32>
        %gather3A_931 = tpu.dynamic_gather %get3A_800[%gather3A_930] in [0] : vector<16xf32>, vector<16xi32> -> vector<16xf32>
        %add3A_932 = arith.constant 128 : i32
        %add3A_933 = arith.addi %add3A_932, %mul3A_455 : i32
        %add3A_934 = arith.constant 6 : i32
        %add3A_935 = arith.addi %add3A_933, %add3A_934 : i32
        %get3A_936 = arith.index_cast %add3A_935 : i32 to index
        %get3A_937 = arith.constant 0 : index
        %get3A_938 = tpu.vector_load %arg9[%get3A_936, %get3A_937] {strides = array<i32>} : memref<512x16xi32, #tpu.memory_space<vmem>>, vector<16xi32>,
        %shift_left3A_939 = arith.constant 16 : i32
        %shift_left3A_940 = vector.broadcast %shift_left3A_939 : i32 to vector<16xi32>
        %shift_left3A_941 = arith.shli %get3A_938, %shift_left3A_940 : vector<16xi32>
        %bitcast3A_942 = vector.bitcast %shift_left3A_941 : vector<16xi32> to vector<16xf32>
        %bitcast3A_943 = vector.bitcast %get3A_938 : vector<16xi32> to vector<16xf32>
        %mul3A_944 = arith.mulf %gather3A_931, %bitcast3A_942 : vector<16xf32>
        %add3A_945 = arith.addf %add3A_924, %mul3A_944 : vector<16xf32>
        %mul3A_946 = arith.mulf %gather3A_931, %bitcast3A_943 : vector<16xf32>
        %add3A_947 = arith.addf %add3A_926, %mul3A_946 : vector<16xf32>
        %broadcast_in_dim3A_948 = arith.constant 7 : i32
        %broadcast_in_dim3A_949 = vector.broadcast %broadcast_in_dim3A_948 : i32 to vector<16xi32>
        %broadcast_in_dim3A_950 = vector.shape_cast %broadcast_in_dim3A_949 : vector<16xi32> to vector<16x1xi32>
        %gather3A_951 = vector.shape_cast %broadcast_in_dim3A_950 : vector<16x1xi32> to vector<16xi32>
        %gather3A_952 = tpu.dynamic_gather %get3A_800[%gather3A_951] in [0] : vector<16xf32>, vector<16xi32> -> vector<16xf32>
        %add3A_953 = arith.constant 128 : i32
        %add3A_954 = arith.addi %add3A_953, %mul3A_455 : i32
        %add3A_955 = arith.constant 7 : i32
        %add3A_956 = arith.addi %add3A_954, %add3A_955 : i32
        %get3A_957 = arith.index_cast %add3A_956 : i32 to index
        %get3A_958 = arith.constant 0 : index
        %get3A_959 = tpu.vector_load %arg9[%get3A_957, %get3A_958] {strides = array<i32>} : memref<512x16xi32, #tpu.memory_space<vmem>>, vector<16xi32>,
        %shift_left3A_960 = arith.constant 16 : i32
        %shift_left3A_961 = vector.broadcast %shift_left3A_960 : i32 to vector<16xi32>
        %shift_left3A_962 = arith.shli %get3A_959, %shift_left3A_961 : vector<16xi32>
        %bitcast3A_963 = vector.bitcast %shift_left3A_962 : vector<16xi32> to vector<16xf32>
        %bitcast3A_964 = vector.bitcast %get3A_959 : vector<16xi32> to vector<16xf32>
        %mul3A_965 = arith.mulf %gather3A_952, %bitcast3A_963 : vector<16xf32>
        %add3A_966 = arith.addf %add3A_945, %mul3A_965 : vector<16xf32>
        %mul3A_967 = arith.mulf %gather3A_952, %bitcast3A_964 : vector<16xf32>
        %add3A_968 = arith.addf %add3A_947, %mul3A_967 : vector<16xf32>
        %broadcast_in_dim3A_969 = arith.constant 8 : i32
        %broadcast_in_dim3A_970 = vector.broadcast %broadcast_in_dim3A_969 : i32 to vector<16xi32>
        %broadcast_in_dim3A_971 = vector.shape_cast %broadcast_in_dim3A_970 : vector<16xi32> to vector<16x1xi32>
        %gather3A_972 = vector.shape_cast %broadcast_in_dim3A_971 : vector<16x1xi32> to vector<16xi32>
        %gather3A_973 = tpu.dynamic_gather %get3A_800[%gather3A_972] in [0] : vector<16xf32>, vector<16xi32> -> vector<16xf32>
        %add3A_974 = arith.constant 128 : i32
        %add3A_975 = arith.addi %add3A_974, %mul3A_455 : i32
        %add3A_976 = arith.constant 8 : i32
        %add3A_977 = arith.addi %add3A_975, %add3A_976 : i32
        %get3A_978 = arith.index_cast %add3A_977 : i32 to index
        %get3A_979 = arith.constant 0 : index
        %get3A_980 = tpu.vector_load %arg9[%get3A_978, %get3A_979] {strides = array<i32>} : memref<512x16xi32, #tpu.memory_space<vmem>>, vector<16xi32>,
        %shift_left3A_981 = arith.constant 16 : i32
        %shift_left3A_982 = vector.broadcast %shift_left3A_981 : i32 to vector<16xi32>
        %shift_left3A_983 = arith.shli %get3A_980, %shift_left3A_982 : vector<16xi32>
        %bitcast3A_984 = vector.bitcast %shift_left3A_983 : vector<16xi32> to vector<16xf32>
        %bitcast3A_985 = vector.bitcast %get3A_980 : vector<16xi32> to vector<16xf32>
        %mul3A_986 = arith.mulf %gather3A_973, %bitcast3A_984 : vector<16xf32>
        %add3A_987 = arith.addf %add3A_966, %mul3A_986 : vector<16xf32>
        %mul3A_988 = arith.mulf %gather3A_973, %bitcast3A_985 : vector<16xf32>
        %add3A_989 = arith.addf %add3A_968, %mul3A_988 : vector<16xf32>
        %broadcast_in_dim3A_990 = arith.constant 9 : i32
        %broadcast_in_dim3A_991 = vector.broadcast %broadcast_in_dim3A_990 : i32 to vector<16xi32>
        %broadcast_in_dim3A_992 = vector.shape_cast %broadcast_in_dim3A_991 : vector<16xi32> to vector<16x1xi32>
        %gather3A_993 = vector.shape_cast %broadcast_in_dim3A_992 : vector<16x1xi32> to vector<16xi32>
        %gather3A_994 = tpu.dynamic_gather %get3A_800[%gather3A_993] in [0] : vector<16xf32>, vector<16xi32> -> vector<16xf32>
        %add3A_995 = arith.constant 128 : i32
        %add3A_996 = arith.addi %add3A_995, %mul3A_455 : i32
        %add3A_997 = arith.constant 9 : i32
        %add3A_998 = arith.addi %add3A_996, %add3A_997 : i32
        %get3A_999 = arith.index_cast %add3A_998 : i32 to index
        %get3A_1000 = arith.constant 0 : index
        %get3A_1001 = tpu.vector_load %arg9[%get3A_999, %get3A_1000] {strides = array<i32>} : memref<512x16xi32, #tpu.memory_space<vmem>>, vector<16xi32>,
        %shift_left3A_1002 = arith.constant 16 : i32
        %shift_left3A_1003 = vector.broadcast %shift_left3A_1002 : i32 to vector<16xi32>
        %shift_left3A_1004 = arith.shli %get3A_1001, %shift_left3A_1003 : vector<16xi32>
        %bitcast3A_1005 = vector.bitcast %shift_left3A_1004 : vector<16xi32> to vector<16xf32>
        %bitcast3A_1006 = vector.bitcast %get3A_1001 : vector<16xi32> to vector<16xf32>
        %mul3A_1007 = arith.mulf %gather3A_994, %bitcast3A_1005 : vector<16xf32>
        %add3A_1008 = arith.addf %add3A_987, %mul3A_1007 : vector<16xf32>
        %mul3A_1009 = arith.mulf %gather3A_994, %bitcast3A_1006 : vector<16xf32>
        %add3A_1010 = arith.addf %add3A_989, %mul3A_1009 : vector<16xf32>
        %broadcast_in_dim3A_1011 = arith.constant 10 : i32
        %broadcast_in_dim3A_1012 = vector.broadcast %broadcast_in_dim3A_1011 : i32 to vector<16xi32>
        %broadcast_in_dim3A_1013 = vector.shape_cast %broadcast_in_dim3A_1012 : vector<16xi32> to vector<16x1xi32>
        %gather3A_1014 = vector.shape_cast %broadcast_in_dim3A_1013 : vector<16x1xi32> to vector<16xi32>
        %gather3A_1015 = tpu.dynamic_gather %get3A_800[%gather3A_1014] in [0] : vector<16xf32>, vector<16xi32> -> vector<16xf32>
        %add3A_1016 = arith.constant 128 : i32
        %add3A_1017 = arith.addi %add3A_1016, %mul3A_455 : i32
        %add3A_1018 = arith.constant 10 : i32
        %add3A_1019 = arith.addi %add3A_1017, %add3A_1018 : i32
        %get3A_1020 = arith.index_cast %add3A_1019 : i32 to index
        %get3A_1021 = arith.constant 0 : index
        %get3A_1022 = tpu.vector_load %arg9[%get3A_1020, %get3A_1021] {strides = array<i32>} : memref<512x16xi32, #tpu.memory_space<vmem>>, vector<16xi32>,
        %shift_left3A_1023 = arith.constant 16 : i32
        %shift_left3A_1024 = vector.broadcast %shift_left3A_1023 : i32 to vector<16xi32>
        %shift_left3A_1025 = arith.shli %get3A_1022, %shift_left3A_1024 : vector<16xi32>
        %bitcast3A_1026 = vector.bitcast %shift_left3A_1025 : vector<16xi32> to vector<16xf32>
        %bitcast3A_1027 = vector.bitcast %get3A_1022 : vector<16xi32> to vector<16xf32>
        %mul3A_1028 = arith.mulf %gather3A_1015, %bitcast3A_1026 : vector<16xf32>
        %add3A_1029 = arith.addf %add3A_1008, %mul3A_1028 : vector<16xf32>
        %mul3A_1030 = arith.mulf %gather3A_1015, %bitcast3A_1027 : vector<16xf32>
        %add3A_1031 = arith.addf %add3A_1010, %mul3A_1030 : vector<16xf32>
        %broadcast_in_dim3A_1032 = arith.constant 11 : i32
        %broadcast_in_dim3A_1033 = vector.broadcast %broadcast_in_dim3A_1032 : i32 to vector<16xi32>
        %broadcast_in_dim3A_1034 = vector.shape_cast %broadcast_in_dim3A_1033 : vector<16xi32> to vector<16x1xi32>
        %gather3A_1035 = vector.shape_cast %broadcast_in_dim3A_1034 : vector<16x1xi32> to vector<16xi32>
        %gather3A_1036 = tpu.dynamic_gather %get3A_800[%gather3A_1035] in [0] : vector<16xf32>, vector<16xi32> -> vector<16xf32>
        %add3A_1037 = arith.constant 128 : i32
        %add3A_1038 = arith.addi %add3A_1037, %mul3A_455 : i32
        %add3A_1039 = arith.constant 11 : i32
        %add3A_1040 = arith.addi %add3A_1038, %add3A_1039 : i32
        %get3A_1041 = arith.index_cast %add3A_1040 : i32 to index
        %get3A_1042 = arith.constant 0 : index
        %get3A_1043 = tpu.vector_load %arg9[%get3A_1041, %get3A_1042] {strides = array<i32>} : memref<512x16xi32, #tpu.memory_space<vmem>>, vector<16xi32>,
        %shift_left3A_1044 = arith.constant 16 : i32
        %shift_left3A_1045 = vector.broadcast %shift_left3A_1044 : i32 to vector<16xi32>
        %shift_left3A_1046 = arith.shli %get3A_1043, %shift_left3A_1045 : vector<16xi32>
        %bitcast3A_1047 = vector.bitcast %shift_left3A_1046 : vector<16xi32> to vector<16xf32>
        %bitcast3A_1048 = vector.bitcast %get3A_1043 : vector<16xi32> to vector<16xf32>
        %mul3A_1049 = arith.mulf %gather3A_1036, %bitcast3A_1047 : vector<16xf32>
        %add3A_1050 = arith.addf %add3A_1029, %mul3A_1049 : vector<16xf32>
        %mul3A_1051 = arith.mulf %gather3A_1036, %bitcast3A_1048 : vector<16xf32>
        %add3A_1052 = arith.addf %add3A_1031, %mul3A_1051 : vector<16xf32>
        %broadcast_in_dim3A_1053 = arith.constant 12 : i32
        %broadcast_in_dim3A_1054 = vector.broadcast %broadcast_in_dim3A_1053 : i32 to vector<16xi32>
        %broadcast_in_dim3A_1055 = vector.shape_cast %broadcast_in_dim3A_1054 : vector<16xi32> to vector<16x1xi32>
        %gather3A_1056 = vector.shape_cast %broadcast_in_dim3A_1055 : vector<16x1xi32> to vector<16xi32>
        %gather3A_1057 = tpu.dynamic_gather %get3A_800[%gather3A_1056] in [0] : vector<16xf32>, vector<16xi32> -> vector<16xf32>
        %add3A_1058 = arith.constant 128 : i32
        %add3A_1059 = arith.addi %add3A_1058, %mul3A_455 : i32
        %add3A_1060 = arith.constant 12 : i32
        %add3A_1061 = arith.addi %add3A_1059, %add3A_1060 : i32
        %get3A_1062 = arith.index_cast %add3A_1061 : i32 to index
        %get3A_1063 = arith.constant 0 : index
        %get3A_1064 = tpu.vector_load %arg9[%get3A_1062, %get3A_1063] {strides = array<i32>} : memref<512x16xi32, #tpu.memory_space<vmem>>, vector<16xi32>,
        %shift_left3A_1065 = arith.constant 16 : i32
        %shift_left3A_1066 = vector.broadcast %shift_left3A_1065 : i32 to vector<16xi32>
        %shift_left3A_1067 = arith.shli %get3A_1064, %shift_left3A_1066 : vector<16xi32>
        %bitcast3A_1068 = vector.bitcast %shift_left3A_1067 : vector<16xi32> to vector<16xf32>
        %bitcast3A_1069 = vector.bitcast %get3A_1064 : vector<16xi32> to vector<16xf32>
        %mul3A_1070 = arith.mulf %gather3A_1057, %bitcast3A_1068 : vector<16xf32>
        %add3A_1071 = arith.addf %add3A_1050, %mul3A_1070 : vector<16xf32>
        %mul3A_1072 = arith.mulf %gather3A_1057, %bitcast3A_1069 : vector<16xf32>
        %add3A_1073 = arith.addf %add3A_1052, %mul3A_1072 : vector<16xf32>
        %broadcast_in_dim3A_1074 = arith.constant 13 : i32
        %broadcast_in_dim3A_1075 = vector.broadcast %broadcast_in_dim3A_1074 : i32 to vector<16xi32>
        %broadcast_in_dim3A_1076 = vector.shape_cast %broadcast_in_dim3A_1075 : vector<16xi32> to vector<16x1xi32>
        %gather3A_1077 = vector.shape_cast %broadcast_in_dim3A_1076 : vector<16x1xi32> to vector<16xi32>
        %gather3A_1078 = tpu.dynamic_gather %get3A_800[%gather3A_1077] in [0] : vector<16xf32>, vector<16xi32> -> vector<16xf32>
        %add3A_1079 = arith.constant 128 : i32
        %add3A_1080 = arith.addi %add3A_1079, %mul3A_455 : i32
        %add3A_1081 = arith.constant 13 : i32
        %add3A_1082 = arith.addi %add3A_1080, %add3A_1081 : i32
        %get3A_1083 = arith.index_cast %add3A_1082 : i32 to index
        %get3A_1084 = arith.constant 0 : index
        %get3A_1085 = tpu.vector_load %arg9[%get3A_1083, %get3A_1084] {strides = array<i32>} : memref<512x16xi32, #tpu.memory_space<vmem>>, vector<16xi32>,
        %shift_left3A_1086 = arith.constant 16 : i32
        %shift_left3A_1087 = vector.broadcast %shift_left3A_1086 : i32 to vector<16xi32>
        %shift_left3A_1088 = arith.shli %get3A_1085, %shift_left3A_1087 : vector<16xi32>
        %bitcast3A_1089 = vector.bitcast %shift_left3A_1088 : vector<16xi32> to vector<16xf32>
        %bitcast3A_1090 = vector.bitcast %get3A_1085 : vector<16xi32> to vector<16xf32>
        %mul3A_1091 = arith.mulf %gather3A_1078, %bitcast3A_1089 : vector<16xf32>
        %add3A_1092 = arith.addf %add3A_1071, %mul3A_1091 : vector<16xf32>
        %mul3A_1093 = arith.mulf %gather3A_1078, %bitcast3A_1090 : vector<16xf32>
        %add3A_1094 = arith.addf %add3A_1073, %mul3A_1093 : vector<16xf32>
        %broadcast_in_dim3A_1095 = arith.constant 14 : i32
        %broadcast_in_dim3A_1096 = vector.broadcast %broadcast_in_dim3A_1095 : i32 to vector<16xi32>
        %broadcast_in_dim3A_1097 = vector.shape_cast %broadcast_in_dim3A_1096 : vector<16xi32> to vector<16x1xi32>
        %gather3A_1098 = vector.shape_cast %broadcast_in_dim3A_1097 : vector<16x1xi32> to vector<16xi32>
        %gather3A_1099 = tpu.dynamic_gather %get3A_800[%gather3A_1098] in [0] : vector<16xf32>, vector<16xi32> -> vector<16xf32>
        %add3A_1100 = arith.constant 128 : i32
        %add3A_1101 = arith.addi %add3A_1100, %mul3A_455 : i32
        %add3A_1102 = arith.constant 14 : i32
        %add3A_1103 = arith.addi %add3A_1101, %add3A_1102 : i32
        %get3A_1104 = arith.index_cast %add3A_1103 : i32 to index
        %get3A_1105 = arith.constant 0 : index
        %get3A_1106 = tpu.vector_load %arg9[%get3A_1104, %get3A_1105] {strides = array<i32>} : memref<512x16xi32, #tpu.memory_space<vmem>>, vector<16xi32>,
        %shift_left3A_1107 = arith.constant 16 : i32
        %shift_left3A_1108 = vector.broadcast %shift_left3A_1107 : i32 to vector<16xi32>
        %shift_left3A_1109 = arith.shli %get3A_1106, %shift_left3A_1108 : vector<16xi32>
        %bitcast3A_1110 = vector.bitcast %shift_left3A_1109 : vector<16xi32> to vector<16xf32>
        %bitcast3A_1111 = vector.bitcast %get3A_1106 : vector<16xi32> to vector<16xf32>
        %mul3A_1112 = arith.mulf %gather3A_1099, %bitcast3A_1110 : vector<16xf32>
        %add3A_1113 = arith.addf %add3A_1092, %mul3A_1112 : vector<16xf32>
        %mul3A_1114 = arith.mulf %gather3A_1099, %bitcast3A_1111 : vector<16xf32>
        %add3A_1115 = arith.addf %add3A_1094, %mul3A_1114 : vector<16xf32>
        %broadcast_in_dim3A_1116 = arith.constant 15 : i32
        %broadcast_in_dim3A_1117 = vector.broadcast %broadcast_in_dim3A_1116 : i32 to vector<16xi32>
        %broadcast_in_dim3A_1118 = vector.shape_cast %broadcast_in_dim3A_1117 : vector<16xi32> to vector<16x1xi32>
        %gather3A_1119 = vector.shape_cast %broadcast_in_dim3A_1118 : vector<16x1xi32> to vector<16xi32>
        %gather3A_1120 = tpu.dynamic_gather %get3A_800[%gather3A_1119] in [0] : vector<16xf32>, vector<16xi32> -> vector<16xf32>
        %add3A_1121 = arith.constant 128 : i32
        %add3A_1122 = arith.addi %add3A_1121, %mul3A_455 : i32
        %add3A_1123 = arith.constant 15 : i32
        %add3A_1124 = arith.addi %add3A_1122, %add3A_1123 : i32
        %get3A_1125 = arith.index_cast %add3A_1124 : i32 to index
        %get3A_1126 = arith.constant 0 : index
        %get3A_1127 = tpu.vector_load %arg9[%get3A_1125, %get3A_1126] {strides = array<i32>} : memref<512x16xi32, #tpu.memory_space<vmem>>, vector<16xi32>,
        %shift_left3A_1128 = arith.constant 16 : i32
        %shift_left3A_1129 = vector.broadcast %shift_left3A_1128 : i32 to vector<16xi32>
        %shift_left3A_1130 = arith.shli %get3A_1127, %shift_left3A_1129 : vector<16xi32>
        %bitcast3A_1131 = vector.bitcast %shift_left3A_1130 : vector<16xi32> to vector<16xf32>
        %bitcast3A_1132 = vector.bitcast %get3A_1127 : vector<16xi32> to vector<16xf32>
        %mul3A_1133 = arith.mulf %gather3A_1120, %bitcast3A_1131 : vector<16xf32>
        %add3A_1134 = arith.addf %add3A_1113, %mul3A_1133 : vector<16xf32>
        %mul3A_1135 = arith.mulf %gather3A_1120, %bitcast3A_1132 : vector<16xf32>
        %add3A_1136 = arith.addf %add3A_1115, %mul3A_1135 : vector<16xf32>
        %get3A_1137 = arith.constant 2 : i32
        %get3A_1138 = arith.index_cast %get3A_1137 : i32 to index
        %get3A_1139 = arith.index_cast %add3A_310 : i32 to index
        %get3A_1140 = arith.index_cast %mul3A_455 : i32 to index
        %get3A_1141 = tpu.vector_load %arg7[%get3A_1138, %get3A_1139, %get3A_1140] {strides = array<i32>} : memref<4x64x128xf32, #tpu.memory_space<vmem>>, vector<16xf32>,
        %broadcast_in_dim3A_1142 = arith.constant 0 : i32
        %broadcast_in_dim3A_1143 = vector.broadcast %broadcast_in_dim3A_1142 : i32 to vector<16xi32>
        %broadcast_in_dim3A_1144 = vector.shape_cast %broadcast_in_dim3A_1143 : vector<16xi32> to vector<16x1xi32>
        %gather3A_1145 = vector.shape_cast %broadcast_in_dim3A_1144 : vector<16x1xi32> to vector<16xi32>
        %gather3A_1146 = tpu.dynamic_gather %get3A_1141[%gather3A_1145] in [0] : vector<16xf32>, vector<16xi32> -> vector<16xf32>
        %add3A_1147 = arith.constant 256 : i32
        %add3A_1148 = arith.addi %add3A_1147, %mul3A_455 : i32
        %add3A_1149 = arith.constant 0 : i32
        %add3A_1150 = arith.addi %add3A_1148, %add3A_1149 : i32
        %get3A_1151 = arith.index_cast %add3A_1150 : i32 to index
        %get3A_1152 = arith.constant 0 : index
        %get3A_1153 = tpu.vector_load %arg9[%get3A_1151, %get3A_1152] {strides = array<i32>} : memref<512x16xi32, #tpu.memory_space<vmem>>, vector<16xi32>,
        %shift_left3A_1154 = arith.constant 16 : i32
        %shift_left3A_1155 = vector.broadcast %shift_left3A_1154 : i32 to vector<16xi32>
        %shift_left3A_1156 = arith.shli %get3A_1153, %shift_left3A_1155 : vector<16xi32>
        %bitcast3A_1157 = vector.bitcast %shift_left3A_1156 : vector<16xi32> to vector<16xf32>
        %bitcast3A_1158 = vector.bitcast %get3A_1153 : vector<16xi32> to vector<16xf32>
        %mul3A_1159 = arith.mulf %gather3A_1146, %bitcast3A_1157 : vector<16xf32>
        %add3A_1160 = arith.addf %add3A_1134, %mul3A_1159 : vector<16xf32>
        %mul3A_1161 = arith.mulf %gather3A_1146, %bitcast3A_1158 : vector<16xf32>
        %add3A_1162 = arith.addf %add3A_1136, %mul3A_1161 : vector<16xf32>
        %broadcast_in_dim3A_1163 = arith.constant 1 : i32
        %broadcast_in_dim3A_1164 = vector.broadcast %broadcast_in_dim3A_1163 : i32 to vector<16xi32>
        %broadcast_in_dim3A_1165 = vector.shape_cast %broadcast_in_dim3A_1164 : vector<16xi32> to vector<16x1xi32>
        %gather3A_1166 = vector.shape_cast %broadcast_in_dim3A_1165 : vector<16x1xi32> to vector<16xi32>
        %gather3A_1167 = tpu.dynamic_gather %get3A_1141[%gather3A_1166] in [0] : vector<16xf32>, vector<16xi32> -> vector<16xf32>
        %add3A_1168 = arith.constant 256 : i32
        %add3A_1169 = arith.addi %add3A_1168, %mul3A_455 : i32
        %add3A_1170 = arith.constant 1 : i32
        %add3A_1171 = arith.addi %add3A_1169, %add3A_1170 : i32
        %get3A_1172 = arith.index_cast %add3A_1171 : i32 to index
        %get3A_1173 = arith.constant 0 : index
        %get3A_1174 = tpu.vector_load %arg9[%get3A_1172, %get3A_1173] {strides = array<i32>} : memref<512x16xi32, #tpu.memory_space<vmem>>, vector<16xi32>,
        %shift_left3A_1175 = arith.constant 16 : i32
        %shift_left3A_1176 = vector.broadcast %shift_left3A_1175 : i32 to vector<16xi32>
        %shift_left3A_1177 = arith.shli %get3A_1174, %shift_left3A_1176 : vector<16xi32>
        %bitcast3A_1178 = vector.bitcast %shift_left3A_1177 : vector<16xi32> to vector<16xf32>
        %bitcast3A_1179 = vector.bitcast %get3A_1174 : vector<16xi32> to vector<16xf32>
        %mul3A_1180 = arith.mulf %gather3A_1167, %bitcast3A_1178 : vector<16xf32>
        %add3A_1181 = arith.addf %add3A_1160, %mul3A_1180 : vector<16xf32>
        %mul3A_1182 = arith.mulf %gather3A_1167, %bitcast3A_1179 : vector<16xf32>
        %add3A_1183 = arith.addf %add3A_1162, %mul3A_1182 : vector<16xf32>
        %broadcast_in_dim3A_1184 = arith.constant 2 : i32
        %broadcast_in_dim3A_1185 = vector.broadcast %broadcast_in_dim3A_1184 : i32 to vector<16xi32>
        %broadcast_in_dim3A_1186 = vector.shape_cast %broadcast_in_dim3A_1185 : vector<16xi32> to vector<16x1xi32>
        %gather3A_1187 = vector.shape_cast %broadcast_in_dim3A_1186 : vector<16x1xi32> to vector<16xi32>
        %gather3A_1188 = tpu.dynamic_gather %get3A_1141[%gather3A_1187] in [0] : vector<16xf32>, vector<16xi32> -> vector<16xf32>
        %add3A_1189 = arith.constant 256 : i32
        %add3A_1190 = arith.addi %add3A_1189, %mul3A_455 : i32
        %add3A_1191 = arith.constant 2 : i32
        %add3A_1192 = arith.addi %add3A_1190, %add3A_1191 : i32
        %get3A_1193 = arith.index_cast %add3A_1192 : i32 to index
        %get3A_1194 = arith.constant 0 : index
        %get3A_1195 = tpu.vector_load %arg9[%get3A_1193, %get3A_1194] {strides = array<i32>} : memref<512x16xi32, #tpu.memory_space<vmem>>, vector<16xi32>,
        %shift_left3A_1196 = arith.constant 16 : i32
        %shift_left3A_1197 = vector.broadcast %shift_left3A_1196 : i32 to vector<16xi32>
        %shift_left3A_1198 = arith.shli %get3A_1195, %shift_left3A_1197 : vector<16xi32>
        %bitcast3A_1199 = vector.bitcast %shift_left3A_1198 : vector<16xi32> to vector<16xf32>
        %bitcast3A_1200 = vector.bitcast %get3A_1195 : vector<16xi32> to vector<16xf32>
        %mul3A_1201 = arith.mulf %gather3A_1188, %bitcast3A_1199 : vector<16xf32>
        %add3A_1202 = arith.addf %add3A_1181, %mul3A_1201 : vector<16xf32>
        %mul3A_1203 = arith.mulf %gather3A_1188, %bitcast3A_1200 : vector<16xf32>
        %add3A_1204 = arith.addf %add3A_1183, %mul3A_1203 : vector<16xf32>
        %broadcast_in_dim3A_1205 = arith.constant 3 : i32
        %broadcast_in_dim3A_1206 = vector.broadcast %broadcast_in_dim3A_1205 : i32 to vector<16xi32>
        %broadcast_in_dim3A_1207 = vector.shape_cast %broadcast_in_dim3A_1206 : vector<16xi32> to vector<16x1xi32>
        %gather3A_1208 = vector.shape_cast %broadcast_in_dim3A_1207 : vector<16x1xi32> to vector<16xi32>
        %gather3A_1209 = tpu.dynamic_gather %get3A_1141[%gather3A_1208] in [0] : vector<16xf32>, vector<16xi32> -> vector<16xf32>
        %add3A_1210 = arith.constant 256 : i32
        %add3A_1211 = arith.addi %add3A_1210, %mul3A_455 : i32
        %add3A_1212 = arith.constant 3 : i32
        %add3A_1213 = arith.addi %add3A_1211, %add3A_1212 : i32
        %get3A_1214 = arith.index_cast %add3A_1213 : i32 to index
        %get3A_1215 = arith.constant 0 : index
        %get3A_1216 = tpu.vector_load %arg9[%get3A_1214, %get3A_1215] {strides = array<i32>} : memref<512x16xi32, #tpu.memory_space<vmem>>, vector<16xi32>,
        %shift_left3A_1217 = arith.constant 16 : i32
        %shift_left3A_1218 = vector.broadcast %shift_left3A_1217 : i32 to vector<16xi32>
        %shift_left3A_1219 = arith.shli %get3A_1216, %shift_left3A_1218 : vector<16xi32>
        %bitcast3A_1220 = vector.bitcast %shift_left3A_1219 : vector<16xi32> to vector<16xf32>
        %bitcast3A_1221 = vector.bitcast %get3A_1216 : vector<16xi32> to vector<16xf32>
        %mul3A_1222 = arith.mulf %gather3A_1209, %bitcast3A_1220 : vector<16xf32>
        %add3A_1223 = arith.addf %add3A_1202, %mul3A_1222 : vector<16xf32>
        %mul3A_1224 = arith.mulf %gather3A_1209, %bitcast3A_1221 : vector<16xf32>
        %add3A_1225 = arith.addf %add3A_1204, %mul3A_1224 : vector<16xf32>
        %broadcast_in_dim3A_1226 = arith.constant 4 : i32
        %broadcast_in_dim3A_1227 = vector.broadcast %broadcast_in_dim3A_1226 : i32 to vector<16xi32>
        %broadcast_in_dim3A_1228 = vector.shape_cast %broadcast_in_dim3A_1227 : vector<16xi32> to vector<16x1xi32>
        %gather3A_1229 = vector.shape_cast %broadcast_in_dim3A_1228 : vector<16x1xi32> to vector<16xi32>
        %gather3A_1230 = tpu.dynamic_gather %get3A_1141[%gather3A_1229] in [0] : vector<16xf32>, vector<16xi32> -> vector<16xf32>
        %add3A_1231 = arith.constant 256 : i32
        %add3A_1232 = arith.addi %add3A_1231, %mul3A_455 : i32
        %add3A_1233 = arith.constant 4 : i32
        %add3A_1234 = arith.addi %add3A_1232, %add3A_1233 : i32
        %get3A_1235 = arith.index_cast %add3A_1234 : i32 to index
        %get3A_1236 = arith.constant 0 : index
        %get3A_1237 = tpu.vector_load %arg9[%get3A_1235, %get3A_1236] {strides = array<i32>} : memref<512x16xi32, #tpu.memory_space<vmem>>, vector<16xi32>,
        %shift_left3A_1238 = arith.constant 16 : i32
        %shift_left3A_1239 = vector.broadcast %shift_left3A_1238 : i32 to vector<16xi32>
        %shift_left3A_1240 = arith.shli %get3A_1237, %shift_left3A_1239 : vector<16xi32>
        %bitcast3A_1241 = vector.bitcast %shift_left3A_1240 : vector<16xi32> to vector<16xf32>
        %bitcast3A_1242 = vector.bitcast %get3A_1237 : vector<16xi32> to vector<16xf32>
        %mul3A_1243 = arith.mulf %gather3A_1230, %bitcast3A_1241 : vector<16xf32>
        %add3A_1244 = arith.addf %add3A_1223, %mul3A_1243 : vector<16xf32>
        %mul3A_1245 = arith.mulf %gather3A_1230, %bitcast3A_1242 : vector<16xf32>
        %add3A_1246 = arith.addf %add3A_1225, %mul3A_1245 : vector<16xf32>
        %broadcast_in_dim3A_1247 = arith.constant 5 : i32
        %broadcast_in_dim3A_1248 = vector.broadcast %broadcast_in_dim3A_1247 : i32 to vector<16xi32>
        %broadcast_in_dim3A_1249 = vector.shape_cast %broadcast_in_dim3A_1248 : vector<16xi32> to vector<16x1xi32>
        %gather3A_1250 = vector.shape_cast %broadcast_in_dim3A_1249 : vector<16x1xi32> to vector<16xi32>
        %gather3A_1251 = tpu.dynamic_gather %get3A_1141[%gather3A_1250] in [0] : vector<16xf32>, vector<16xi32> -> vector<16xf32>
        %add3A_1252 = arith.constant 256 : i32
        %add3A_1253 = arith.addi %add3A_1252, %mul3A_455 : i32
        %add3A_1254 = arith.constant 5 : i32
        %add3A_1255 = arith.addi %add3A_1253, %add3A_1254 : i32
        %get3A_1256 = arith.index_cast %add3A_1255 : i32 to index
        %get3A_1257 = arith.constant 0 : index
        %get3A_1258 = tpu.vector_load %arg9[%get3A_1256, %get3A_1257] {strides = array<i32>} : memref<512x16xi32, #tpu.memory_space<vmem>>, vector<16xi32>,
        %shift_left3A_1259 = arith.constant 16 : i32
        %shift_left3A_1260 = vector.broadcast %shift_left3A_1259 : i32 to vector<16xi32>
        %shift_left3A_1261 = arith.shli %get3A_1258, %shift_left3A_1260 : vector<16xi32>
        %bitcast3A_1262 = vector.bitcast %shift_left3A_1261 : vector<16xi32> to vector<16xf32>
        %bitcast3A_1263 = vector.bitcast %get3A_1258 : vector<16xi32> to vector<16xf32>
        %mul3A_1264 = arith.mulf %gather3A_1251, %bitcast3A_1262 : vector<16xf32>
        %add3A_1265 = arith.addf %add3A_1244, %mul3A_1264 : vector<16xf32>
        %mul3A_1266 = arith.mulf %gather3A_1251, %bitcast3A_1263 : vector<16xf32>
        %add3A_1267 = arith.addf %add3A_1246, %mul3A_1266 : vector<16xf32>
        %broadcast_in_dim3A_1268 = arith.constant 6 : i32
        %broadcast_in_dim3A_1269 = vector.broadcast %broadcast_in_dim3A_1268 : i32 to vector<16xi32>
        %broadcast_in_dim3A_1270 = vector.shape_cast %broadcast_in_dim3A_1269 : vector<16xi32> to vector<16x1xi32>
        %gather3A_1271 = vector.shape_cast %broadcast_in_dim3A_1270 : vector<16x1xi32> to vector<16xi32>
        %gather3A_1272 = tpu.dynamic_gather %get3A_1141[%gather3A_1271] in [0] : vector<16xf32>, vector<16xi32> -> vector<16xf32>
        %add3A_1273 = arith.constant 256 : i32
        %add3A_1274 = arith.addi %add3A_1273, %mul3A_455 : i32
        %add3A_1275 = arith.constant 6 : i32
        %add3A_1276 = arith.addi %add3A_1274, %add3A_1275 : i32
        %get3A_1277 = arith.index_cast %add3A_1276 : i32 to index
        %get3A_1278 = arith.constant 0 : index
        %get3A_1279 = tpu.vector_load %arg9[%get3A_1277, %get3A_1278] {strides = array<i32>} : memref<512x16xi32, #tpu.memory_space<vmem>>, vector<16xi32>,
        %shift_left3A_1280 = arith.constant 16 : i32
        %shift_left3A_1281 = vector.broadcast %shift_left3A_1280 : i32 to vector<16xi32>
        %shift_left3A_1282 = arith.shli %get3A_1279, %shift_left3A_1281 : vector<16xi32>
        %bitcast3A_1283 = vector.bitcast %shift_left3A_1282 : vector<16xi32> to vector<16xf32>
        %bitcast3A_1284 = vector.bitcast %get3A_1279 : vector<16xi32> to vector<16xf32>
        %mul3A_1285 = arith.mulf %gather3A_1272, %bitcast3A_1283 : vector<16xf32>
        %add3A_1286 = arith.addf %add3A_1265, %mul3A_1285 : vector<16xf32>
        %mul3A_1287 = arith.mulf %gather3A_1272, %bitcast3A_1284 : vector<16xf32>
        %add3A_1288 = arith.addf %add3A_1267, %mul3A_1287 : vector<16xf32>
        %broadcast_in_dim3A_1289 = arith.constant 7 : i32
        %broadcast_in_dim3A_1290 = vector.broadcast %broadcast_in_dim3A_1289 : i32 to vector<16xi32>
        %broadcast_in_dim3A_1291 = vector.shape_cast %broadcast_in_dim3A_1290 : vector<16xi32> to vector<16x1xi32>
        %gather3A_1292 = vector.shape_cast %broadcast_in_dim3A_1291 : vector<16x1xi32> to vector<16xi32>
        %gather3A_1293 = tpu.dynamic_gather %get3A_1141[%gather3A_1292] in [0] : vector<16xf32>, vector<16xi32> -> vector<16xf32>
        %add3A_1294 = arith.constant 256 : i32
        %add3A_1295 = arith.addi %add3A_1294, %mul3A_455 : i32
        %add3A_1296 = arith.constant 7 : i32
        %add3A_1297 = arith.addi %add3A_1295, %add3A_1296 : i32
        %get3A_1298 = arith.index_cast %add3A_1297 : i32 to index
        %get3A_1299 = arith.constant 0 : index
        %get3A_1300 = tpu.vector_load %arg9[%get3A_1298, %get3A_1299] {strides = array<i32>} : memref<512x16xi32, #tpu.memory_space<vmem>>, vector<16xi32>,
        %shift_left3A_1301 = arith.constant 16 : i32
        %shift_left3A_1302 = vector.broadcast %shift_left3A_1301 : i32 to vector<16xi32>
        %shift_left3A_1303 = arith.shli %get3A_1300, %shift_left3A_1302 : vector<16xi32>
        %bitcast3A_1304 = vector.bitcast %shift_left3A_1303 : vector<16xi32> to vector<16xf32>
        %bitcast3A_1305 = vector.bitcast %get3A_1300 : vector<16xi32> to vector<16xf32>
        %mul3A_1306 = arith.mulf %gather3A_1293, %bitcast3A_1304 : vector<16xf32>
        %add3A_1307 = arith.addf %add3A_1286, %mul3A_1306 : vector<16xf32>
        %mul3A_1308 = arith.mulf %gather3A_1293, %bitcast3A_1305 : vector<16xf32>
        %add3A_1309 = arith.addf %add3A_1288, %mul3A_1308 : vector<16xf32>
        %broadcast_in_dim3A_1310 = arith.constant 8 : i32
        %broadcast_in_dim3A_1311 = vector.broadcast %broadcast_in_dim3A_1310 : i32 to vector<16xi32>
        %broadcast_in_dim3A_1312 = vector.shape_cast %broadcast_in_dim3A_1311 : vector<16xi32> to vector<16x1xi32>
        %gather3A_1313 = vector.shape_cast %broadcast_in_dim3A_1312 : vector<16x1xi32> to vector<16xi32>
        %gather3A_1314 = tpu.dynamic_gather %get3A_1141[%gather3A_1313] in [0] : vector<16xf32>, vector<16xi32> -> vector<16xf32>
        %add3A_1315 = arith.constant 256 : i32
        %add3A_1316 = arith.addi %add3A_1315, %mul3A_455 : i32
        %add3A_1317 = arith.constant 8 : i32
        %add3A_1318 = arith.addi %add3A_1316, %add3A_1317 : i32
        %get3A_1319 = arith.index_cast %add3A_1318 : i32 to index
        %get3A_1320 = arith.constant 0 : index
        %get3A_1321 = tpu.vector_load %arg9[%get3A_1319, %get3A_1320] {strides = array<i32>} : memref<512x16xi32, #tpu.memory_space<vmem>>, vector<16xi32>,
        %shift_left3A_1322 = arith.constant 16 : i32
        %shift_left3A_1323 = vector.broadcast %shift_left3A_1322 : i32 to vector<16xi32>
        %shift_left3A_1324 = arith.shli %get3A_1321, %shift_left3A_1323 : vector<16xi32>
        %bitcast3A_1325 = vector.bitcast %shift_left3A_1324 : vector<16xi32> to vector<16xf32>
        %bitcast3A_1326 = vector.bitcast %get3A_1321 : vector<16xi32> to vector<16xf32>
        %mul3A_1327 = arith.mulf %gather3A_1314, %bitcast3A_1325 : vector<16xf32>
        %add3A_1328 = arith.addf %add3A_1307, %mul3A_1327 : vector<16xf32>
        %mul3A_1329 = arith.mulf %gather3A_1314, %bitcast3A_1326 : vector<16xf32>
        %add3A_1330 = arith.addf %add3A_1309, %mul3A_1329 : vector<16xf32>
        %broadcast_in_dim3A_1331 = arith.constant 9 : i32
        %broadcast_in_dim3A_1332 = vector.broadcast %broadcast_in_dim3A_1331 : i32 to vector<16xi32>
        %broadcast_in_dim3A_1333 = vector.shape_cast %broadcast_in_dim3A_1332 : vector<16xi32> to vector<16x1xi32>
        %gather3A_1334 = vector.shape_cast %broadcast_in_dim3A_1333 : vector<16x1xi32> to vector<16xi32>
        %gather3A_1335 = tpu.dynamic_gather %get3A_1141[%gather3A_1334] in [0] : vector<16xf32>, vector<16xi32> -> vector<16xf32>
        %add3A_1336 = arith.constant 256 : i32
        %add3A_1337 = arith.addi %add3A_1336, %mul3A_455 : i32
        %add3A_1338 = arith.constant 9 : i32
        %add3A_1339 = arith.addi %add3A_1337, %add3A_1338 : i32
        %get3A_1340 = arith.index_cast %add3A_1339 : i32 to index
        %get3A_1341 = arith.constant 0 : index
        %get3A_1342 = tpu.vector_load %arg9[%get3A_1340, %get3A_1341] {strides = array<i32>} : memref<512x16xi32, #tpu.memory_space<vmem>>, vector<16xi32>,
        %shift_left3A_1343 = arith.constant 16 : i32
        %shift_left3A_1344 = vector.broadcast %shift_left3A_1343 : i32 to vector<16xi32>
        %shift_left3A_1345 = arith.shli %get3A_1342, %shift_left3A_1344 : vector<16xi32>
        %bitcast3A_1346 = vector.bitcast %shift_left3A_1345 : vector<16xi32> to vector<16xf32>
        %bitcast3A_1347 = vector.bitcast %get3A_1342 : vector<16xi32> to vector<16xf32>
        %mul3A_1348 = arith.mulf %gather3A_1335, %bitcast3A_1346 : vector<16xf32>
        %add3A_1349 = arith.addf %add3A_1328, %mul3A_1348 : vector<16xf32>
        %mul3A_1350 = arith.mulf %gather3A_1335, %bitcast3A_1347 : vector<16xf32>
        %add3A_1351 = arith.addf %add3A_1330, %mul3A_1350 : vector<16xf32>
        %broadcast_in_dim3A_1352 = arith.constant 10 : i32
        %broadcast_in_dim3A_1353 = vector.broadcast %broadcast_in_dim3A_1352 : i32 to vector<16xi32>
        %broadcast_in_dim3A_1354 = vector.shape_cast %broadcast_in_dim3A_1353 : vector<16xi32> to vector<16x1xi32>
        %gather3A_1355 = vector.shape_cast %broadcast_in_dim3A_1354 : vector<16x1xi32> to vector<16xi32>
        %gather3A_1356 = tpu.dynamic_gather %get3A_1141[%gather3A_1355] in [0] : vector<16xf32>, vector<16xi32> -> vector<16xf32>
        %add3A_1357 = arith.constant 256 : i32
        %add3A_1358 = arith.addi %add3A_1357, %mul3A_455 : i32
        %add3A_1359 = arith.constant 10 : i32
        %add3A_1360 = arith.addi %add3A_1358, %add3A_1359 : i32
        %get3A_1361 = arith.index_cast %add3A_1360 : i32 to index
        %get3A_1362 = arith.constant 0 : index
        %get3A_1363 = tpu.vector_load %arg9[%get3A_1361, %get3A_1362] {strides = array<i32>} : memref<512x16xi32, #tpu.memory_space<vmem>>, vector<16xi32>,
        %shift_left3A_1364 = arith.constant 16 : i32
        %shift_left3A_1365 = vector.broadcast %shift_left3A_1364 : i32 to vector<16xi32>
        %shift_left3A_1366 = arith.shli %get3A_1363, %shift_left3A_1365 : vector<16xi32>
        %bitcast3A_1367 = vector.bitcast %shift_left3A_1366 : vector<16xi32> to vector<16xf32>
        %bitcast3A_1368 = vector.bitcast %get3A_1363 : vector<16xi32> to vector<16xf32>
        %mul3A_1369 = arith.mulf %gather3A_1356, %bitcast3A_1367 : vector<16xf32>
        %add3A_1370 = arith.addf %add3A_1349, %mul3A_1369 : vector<16xf32>
        %mul3A_1371 = arith.mulf %gather3A_1356, %bitcast3A_1368 : vector<16xf32>
        %add3A_1372 = arith.addf %add3A_1351, %mul3A_1371 : vector<16xf32>
        %broadcast_in_dim3A_1373 = arith.constant 11 : i32
        %broadcast_in_dim3A_1374 = vector.broadcast %broadcast_in_dim3A_1373 : i32 to vector<16xi32>
        %broadcast_in_dim3A_1375 = vector.shape_cast %broadcast_in_dim3A_1374 : vector<16xi32> to vector<16x1xi32>
        %gather3A_1376 = vector.shape_cast %broadcast_in_dim3A_1375 : vector<16x1xi32> to vector<16xi32>
        %gather3A_1377 = tpu.dynamic_gather %get3A_1141[%gather3A_1376] in [0] : vector<16xf32>, vector<16xi32> -> vector<16xf32>
        %add3A_1378 = arith.constant 256 : i32
        %add3A_1379 = arith.addi %add3A_1378, %mul3A_455 : i32
        %add3A_1380 = arith.constant 11 : i32
        %add3A_1381 = arith.addi %add3A_1379, %add3A_1380 : i32
        %get3A_1382 = arith.index_cast %add3A_1381 : i32 to index
        %get3A_1383 = arith.constant 0 : index
        %get3A_1384 = tpu.vector_load %arg9[%get3A_1382, %get3A_1383] {strides = array<i32>} : memref<512x16xi32, #tpu.memory_space<vmem>>, vector<16xi32>,
        %shift_left3A_1385 = arith.constant 16 : i32
        %shift_left3A_1386 = vector.broadcast %shift_left3A_1385 : i32 to vector<16xi32>
        %shift_left3A_1387 = arith.shli %get3A_1384, %shift_left3A_1386 : vector<16xi32>
        %bitcast3A_1388 = vector.bitcast %shift_left3A_1387 : vector<16xi32> to vector<16xf32>
        %bitcast3A_1389 = vector.bitcast %get3A_1384 : vector<16xi32> to vector<16xf32>
        %mul3A_1390 = arith.mulf %gather3A_1377, %bitcast3A_1388 : vector<16xf32>
        %add3A_1391 = arith.addf %add3A_1370, %mul3A_1390 : vector<16xf32>
        %mul3A_1392 = arith.mulf %gather3A_1377, %bitcast3A_1389 : vector<16xf32>
        %add3A_1393 = arith.addf %add3A_1372, %mul3A_1392 : vector<16xf32>
        %broadcast_in_dim3A_1394 = arith.constant 12 : i32
        %broadcast_in_dim3A_1395 = vector.broadcast %broadcast_in_dim3A_1394 : i32 to vector<16xi32>
        %broadcast_in_dim3A_1396 = vector.shape_cast %broadcast_in_dim3A_1395 : vector<16xi32> to vector<16x1xi32>
        %gather3A_1397 = vector.shape_cast %broadcast_in_dim3A_1396 : vector<16x1xi32> to vector<16xi32>
        %gather3A_1398 = tpu.dynamic_gather %get3A_1141[%gather3A_1397] in [0] : vector<16xf32>, vector<16xi32> -> vector<16xf32>
        %add3A_1399 = arith.constant 256 : i32
        %add3A_1400 = arith.addi %add3A_1399, %mul3A_455 : i32
        %add3A_1401 = arith.constant 12 : i32
        %add3A_1402 = arith.addi %add3A_1400, %add3A_1401 : i32
        %get3A_1403 = arith.index_cast %add3A_1402 : i32 to index
        %get3A_1404 = arith.constant 0 : index
        %get3A_1405 = tpu.vector_load %arg9[%get3A_1403, %get3A_1404] {strides = array<i32>} : memref<512x16xi32, #tpu.memory_space<vmem>>, vector<16xi32>,
        %shift_left3A_1406 = arith.constant 16 : i32
        %shift_left3A_1407 = vector.broadcast %shift_left3A_1406 : i32 to vector<16xi32>
        %shift_left3A_1408 = arith.shli %get3A_1405, %shift_left3A_1407 : vector<16xi32>
        %bitcast3A_1409 = vector.bitcast %shift_left3A_1408 : vector<16xi32> to vector<16xf32>
        %bitcast3A_1410 = vector.bitcast %get3A_1405 : vector<16xi32> to vector<16xf32>
        %mul3A_1411 = arith.mulf %gather3A_1398, %bitcast3A_1409 : vector<16xf32>
        %add3A_1412 = arith.addf %add3A_1391, %mul3A_1411 : vector<16xf32>
        %mul3A_1413 = arith.mulf %gather3A_1398, %bitcast3A_1410 : vector<16xf32>
        %add3A_1414 = arith.addf %add3A_1393, %mul3A_1413 : vector<16xf32>
        %broadcast_in_dim3A_1415 = arith.constant 13 : i32
        %broadcast_in_dim3A_1416 = vector.broadcast %broadcast_in_dim3A_1415 : i32 to vector<16xi32>
        %broadcast_in_dim3A_1417 = vector.shape_cast %broadcast_in_dim3A_1416 : vector<16xi32> to vector<16x1xi32>
        %gather3A_1418 = vector.shape_cast %broadcast_in_dim3A_1417 : vector<16x1xi32> to vector<16xi32>
        %gather3A_1419 = tpu.dynamic_gather %get3A_1141[%gather3A_1418] in [0] : vector<16xf32>, vector<16xi32> -> vector<16xf32>
        %add3A_1420 = arith.constant 256 : i32
        %add3A_1421 = arith.addi %add3A_1420, %mul3A_455 : i32
        %add3A_1422 = arith.constant 13 : i32
        %add3A_1423 = arith.addi %add3A_1421, %add3A_1422 : i32
        %get3A_1424 = arith.index_cast %add3A_1423 : i32 to index
        %get3A_1425 = arith.constant 0 : index
        %get3A_1426 = tpu.vector_load %arg9[%get3A_1424, %get3A_1425] {strides = array<i32>} : memref<512x16xi32, #tpu.memory_space<vmem>>, vector<16xi32>,
        %shift_left3A_1427 = arith.constant 16 : i32
        %shift_left3A_1428 = vector.broadcast %shift_left3A_1427 : i32 to vector<16xi32>
        %shift_left3A_1429 = arith.shli %get3A_1426, %shift_left3A_1428 : vector<16xi32>
        %bitcast3A_1430 = vector.bitcast %shift_left3A_1429 : vector<16xi32> to vector<16xf32>
        %bitcast3A_1431 = vector.bitcast %get3A_1426 : vector<16xi32> to vector<16xf32>
        %mul3A_1432 = arith.mulf %gather3A_1419, %bitcast3A_1430 : vector<16xf32>
        %add3A_1433 = arith.addf %add3A_1412, %mul3A_1432 : vector<16xf32>
        %mul3A_1434 = arith.mulf %gather3A_1419, %bitcast3A_1431 : vector<16xf32>
        %add3A_1435 = arith.addf %add3A_1414, %mul3A_1434 : vector<16xf32>
        %broadcast_in_dim3A_1436 = arith.constant 14 : i32
        %broadcast_in_dim3A_1437 = vector.broadcast %broadcast_in_dim3A_1436 : i32 to vector<16xi32>
        %broadcast_in_dim3A_1438 = vector.shape_cast %broadcast_in_dim3A_1437 : vector<16xi32> to vector<16x1xi32>
        %gather3A_1439 = vector.shape_cast %broadcast_in_dim3A_1438 : vector<16x1xi32> to vector<16xi32>
        %gather3A_1440 = tpu.dynamic_gather %get3A_1141[%gather3A_1439] in [0] : vector<16xf32>, vector<16xi32> -> vector<16xf32>
        %add3A_1441 = arith.constant 256 : i32
        %add3A_1442 = arith.addi %add3A_1441, %mul3A_455 : i32
        %add3A_1443 = arith.constant 14 : i32
        %add3A_1444 = arith.addi %add3A_1442, %add3A_1443 : i32
        %get3A_1445 = arith.index_cast %add3A_1444 : i32 to index
        %get3A_1446 = arith.constant 0 : index
        %get3A_1447 = tpu.vector_load %arg9[%get3A_1445, %get3A_1446] {strides = array<i32>} : memref<512x16xi32, #tpu.memory_space<vmem>>, vector<16xi32>,
        %shift_left3A_1448 = arith.constant 16 : i32
        %shift_left3A_1449 = vector.broadcast %shift_left3A_1448 : i32 to vector<16xi32>
        %shift_left3A_1450 = arith.shli %get3A_1447, %shift_left3A_1449 : vector<16xi32>
        %bitcast3A_1451 = vector.bitcast %shift_left3A_1450 : vector<16xi32> to vector<16xf32>
        %bitcast3A_1452 = vector.bitcast %get3A_1447 : vector<16xi32> to vector<16xf32>
        %mul3A_1453 = arith.mulf %gather3A_1440, %bitcast3A_1451 : vector<16xf32>
        %add3A_1454 = arith.addf %add3A_1433, %mul3A_1453 : vector<16xf32>
        %mul3A_1455 = arith.mulf %gather3A_1440, %bitcast3A_1452 : vector<16xf32>
        %add3A_1456 = arith.addf %add3A_1435, %mul3A_1455 : vector<16xf32>
        %broadcast_in_dim3A_1457 = arith.constant 15 : i32
        %broadcast_in_dim3A_1458 = vector.broadcast %broadcast_in_dim3A_1457 : i32 to vector<16xi32>
        %broadcast_in_dim3A_1459 = vector.shape_cast %broadcast_in_dim3A_1458 : vector<16xi32> to vector<16x1xi32>
        %gather3A_1460 = vector.shape_cast %broadcast_in_dim3A_1459 : vector<16x1xi32> to vector<16xi32>
        %gather3A_1461 = tpu.dynamic_gather %get3A_1141[%gather3A_1460] in [0] : vector<16xf32>, vector<16xi32> -> vector<16xf32>
        %add3A_1462 = arith.constant 256 : i32
        %add3A_1463 = arith.addi %add3A_1462, %mul3A_455 : i32
        %add3A_1464 = arith.constant 15 : i32
        %add3A_1465 = arith.addi %add3A_1463, %add3A_1464 : i32
        %get3A_1466 = arith.index_cast %add3A_1465 : i32 to index
        %get3A_1467 = arith.constant 0 : index
        %get3A_1468 = tpu.vector_load %arg9[%get3A_1466, %get3A_1467] {strides = array<i32>} : memref<512x16xi32, #tpu.memory_space<vmem>>, vector<16xi32>,
        %shift_left3A_1469 = arith.constant 16 : i32
        %shift_left3A_1470 = vector.broadcast %shift_left3A_1469 : i32 to vector<16xi32>
        %shift_left3A_1471 = arith.shli %get3A_1468, %shift_left3A_1470 : vector<16xi32>
        %bitcast3A_1472 = vector.bitcast %shift_left3A_1471 : vector<16xi32> to vector<16xf32>
        %bitcast3A_1473 = vector.bitcast %get3A_1468 : vector<16xi32> to vector<16xf32>
        %mul3A_1474 = arith.mulf %gather3A_1461, %bitcast3A_1472 : vector<16xf32>
        %add3A_1475 = arith.addf %add3A_1454, %mul3A_1474 : vector<16xf32>
        %mul3A_1476 = arith.mulf %gather3A_1461, %bitcast3A_1473 : vector<16xf32>
        %add3A_1477 = arith.addf %add3A_1456, %mul3A_1476 : vector<16xf32>
        %get3A_1478 = arith.constant 3 : i32
        %get3A_1479 = arith.index_cast %get3A_1478 : i32 to index
        %get3A_1480 = arith.index_cast %add3A_310 : i32 to index
        %get3A_1481 = arith.index_cast %mul3A_455 : i32 to index
        %get3A_1482 = tpu.vector_load %arg7[%get3A_1479, %get3A_1480, %get3A_1481] {strides = array<i32>} : memref<4x64x128xf32, #tpu.memory_space<vmem>>, vector<16xf32>,
        %broadcast_in_dim3A_1483 = arith.constant 0 : i32
        %broadcast_in_dim3A_1484 = vector.broadcast %broadcast_in_dim3A_1483 : i32 to vector<16xi32>
        %broadcast_in_dim3A_1485 = vector.shape_cast %broadcast_in_dim3A_1484 : vector<16xi32> to vector<16x1xi32>
        %gather3A_1486 = vector.shape_cast %broadcast_in_dim3A_1485 : vector<16x1xi32> to vector<16xi32>
        %gather3A_1487 = tpu.dynamic_gather %get3A_1482[%gather3A_1486] in [0] : vector<16xf32>, vector<16xi32> -> vector<16xf32>
        %add3A_1488 = arith.constant 384 : i32
        %add3A_1489 = arith.addi %add3A_1488, %mul3A_455 : i32
        %add3A_1490 = arith.constant 0 : i32
        %add3A_1491 = arith.addi %add3A_1489, %add3A_1490 : i32
        %get3A_1492 = arith.index_cast %add3A_1491 : i32 to index
        %get3A_1493 = arith.constant 0 : index
        %get3A_1494 = tpu.vector_load %arg9[%get3A_1492, %get3A_1493] {strides = array<i32>} : memref<512x16xi32, #tpu.memory_space<vmem>>, vector<16xi32>,
        %shift_left3A_1495 = arith.constant 16 : i32
        %shift_left3A_1496 = vector.broadcast %shift_left3A_1495 : i32 to vector<16xi32>
        %shift_left3A_1497 = arith.shli %get3A_1494, %shift_left3A_1496 : vector<16xi32>
        %bitcast3A_1498 = vector.bitcast %shift_left3A_1497 : vector<16xi32> to vector<16xf32>
        %bitcast3A_1499 = vector.bitcast %get3A_1494 : vector<16xi32> to vector<16xf32>
        %mul3A_1500 = arith.mulf %gather3A_1487, %bitcast3A_1498 : vector<16xf32>
        %add3A_1501 = arith.addf %add3A_1475, %mul3A_1500 : vector<16xf32>
        %mul3A_1502 = arith.mulf %gather3A_1487, %bitcast3A_1499 : vector<16xf32>
        %add3A_1503 = arith.addf %add3A_1477, %mul3A_1502 : vector<16xf32>
        %broadcast_in_dim3A_1504 = arith.constant 1 : i32
        %broadcast_in_dim3A_1505 = vector.broadcast %broadcast_in_dim3A_1504 : i32 to vector<16xi32>
        %broadcast_in_dim3A_1506 = vector.shape_cast %broadcast_in_dim3A_1505 : vector<16xi32> to vector<16x1xi32>
        %gather3A_1507 = vector.shape_cast %broadcast_in_dim3A_1506 : vector<16x1xi32> to vector<16xi32>
        %gather3A_1508 = tpu.dynamic_gather %get3A_1482[%gather3A_1507] in [0] : vector<16xf32>, vector<16xi32> -> vector<16xf32>
        %add3A_1509 = arith.constant 384 : i32
        %add3A_1510 = arith.addi %add3A_1509, %mul3A_455 : i32
        %add3A_1511 = arith.constant 1 : i32
        %add3A_1512 = arith.addi %add3A_1510, %add3A_1511 : i32
        %get3A_1513 = arith.index_cast %add3A_1512 : i32 to index
        %get3A_1514 = arith.constant 0 : index
        %get3A_1515 = tpu.vector_load %arg9[%get3A_1513, %get3A_1514] {strides = array<i32>} : memref<512x16xi32, #tpu.memory_space<vmem>>, vector<16xi32>,
        %shift_left3A_1516 = arith.constant 16 : i32
        %shift_left3A_1517 = vector.broadcast %shift_left3A_1516 : i32 to vector<16xi32>
        %shift_left3A_1518 = arith.shli %get3A_1515, %shift_left3A_1517 : vector<16xi32>
        %bitcast3A_1519 = vector.bitcast %shift_left3A_1518 : vector<16xi32> to vector<16xf32>
        %bitcast3A_1520 = vector.bitcast %get3A_1515 : vector<16xi32> to vector<16xf32>
        %mul3A_1521 = arith.mulf %gather3A_1508, %bitcast3A_1519 : vector<16xf32>
        %add3A_1522 = arith.addf %add3A_1501, %mul3A_1521 : vector<16xf32>
        %mul3A_1523 = arith.mulf %gather3A_1508, %bitcast3A_1520 : vector<16xf32>
        %add3A_1524 = arith.addf %add3A_1503, %mul3A_1523 : vector<16xf32>
        %broadcast_in_dim3A_1525 = arith.constant 2 : i32
        %broadcast_in_dim3A_1526 = vector.broadcast %broadcast_in_dim3A_1525 : i32 to vector<16xi32>
        %broadcast_in_dim3A_1527 = vector.shape_cast %broadcast_in_dim3A_1526 : vector<16xi32> to vector<16x1xi32>
        %gather3A_1528 = vector.shape_cast %broadcast_in_dim3A_1527 : vector<16x1xi32> to vector<16xi32>
        %gather3A_1529 = tpu.dynamic_gather %get3A_1482[%gather3A_1528] in [0] : vector<16xf32>, vector<16xi32> -> vector<16xf32>
        %add3A_1530 = arith.constant 384 : i32
        %add3A_1531 = arith.addi %add3A_1530, %mul3A_455 : i32
        %add3A_1532 = arith.constant 2 : i32
        %add3A_1533 = arith.addi %add3A_1531, %add3A_1532 : i32
        %get3A_1534 = arith.index_cast %add3A_1533 : i32 to index
        %get3A_1535 = arith.constant 0 : index
        %get3A_1536 = tpu.vector_load %arg9[%get3A_1534, %get3A_1535] {strides = array<i32>} : memref<512x16xi32, #tpu.memory_space<vmem>>, vector<16xi32>,
        %shift_left3A_1537 = arith.constant 16 : i32
        %shift_left3A_1538 = vector.broadcast %shift_left3A_1537 : i32 to vector<16xi32>
        %shift_left3A_1539 = arith.shli %get3A_1536, %shift_left3A_1538 : vector<16xi32>
        %bitcast3A_1540 = vector.bitcast %shift_left3A_1539 : vector<16xi32> to vector<16xf32>
        %bitcast3A_1541 = vector.bitcast %get3A_1536 : vector<16xi32> to vector<16xf32>
        %mul3A_1542 = arith.mulf %gather3A_1529, %bitcast3A_1540 : vector<16xf32>
        %add3A_1543 = arith.addf %add3A_1522, %mul3A_1542 : vector<16xf32>
        %mul3A_1544 = arith.mulf %gather3A_1529, %bitcast3A_1541 : vector<16xf32>
        %add3A_1545 = arith.addf %add3A_1524, %mul3A_1544 : vector<16xf32>
        %broadcast_in_dim3A_1546 = arith.constant 3 : i32
        %broadcast_in_dim3A_1547 = vector.broadcast %broadcast_in_dim3A_1546 : i32 to vector<16xi32>
        %broadcast_in_dim3A_1548 = vector.shape_cast %broadcast_in_dim3A_1547 : vector<16xi32> to vector<16x1xi32>
        %gather3A_1549 = vector.shape_cast %broadcast_in_dim3A_1548 : vector<16x1xi32> to vector<16xi32>
        %gather3A_1550 = tpu.dynamic_gather %get3A_1482[%gather3A_1549] in [0] : vector<16xf32>, vector<16xi32> -> vector<16xf32>
        %add3A_1551 = arith.constant 384 : i32
        %add3A_1552 = arith.addi %add3A_1551, %mul3A_455 : i32
        %add3A_1553 = arith.constant 3 : i32
        %add3A_1554 = arith.addi %add3A_1552, %add3A_1553 : i32
        %get3A_1555 = arith.index_cast %add3A_1554 : i32 to index
        %get3A_1556 = arith.constant 0 : index
        %get3A_1557 = tpu.vector_load %arg9[%get3A_1555, %get3A_1556] {strides = array<i32>} : memref<512x16xi32, #tpu.memory_space<vmem>>, vector<16xi32>,
        %shift_left3A_1558 = arith.constant 16 : i32
        %shift_left3A_1559 = vector.broadcast %shift_left3A_1558 : i32 to vector<16xi32>
        %shift_left3A_1560 = arith.shli %get3A_1557, %shift_left3A_1559 : vector<16xi32>
        %bitcast3A_1561 = vector.bitcast %shift_left3A_1560 : vector<16xi32> to vector<16xf32>
        %bitcast3A_1562 = vector.bitcast %get3A_1557 : vector<16xi32> to vector<16xf32>
        %mul3A_1563 = arith.mulf %gather3A_1550, %bitcast3A_1561 : vector<16xf32>
        %add3A_1564 = arith.addf %add3A_1543, %mul3A_1563 : vector<16xf32>
        %mul3A_1565 = arith.mulf %gather3A_1550, %bitcast3A_1562 : vector<16xf32>
        %add3A_1566 = arith.addf %add3A_1545, %mul3A_1565 : vector<16xf32>
        %broadcast_in_dim3A_1567 = arith.constant 4 : i32
        %broadcast_in_dim3A_1568 = vector.broadcast %broadcast_in_dim3A_1567 : i32 to vector<16xi32>
        %broadcast_in_dim3A_1569 = vector.shape_cast %broadcast_in_dim3A_1568 : vector<16xi32> to vector<16x1xi32>
        %gather3A_1570 = vector.shape_cast %broadcast_in_dim3A_1569 : vector<16x1xi32> to vector<16xi32>
        %gather3A_1571 = tpu.dynamic_gather %get3A_1482[%gather3A_1570] in [0] : vector<16xf32>, vector<16xi32> -> vector<16xf32>
        %add3A_1572 = arith.constant 384 : i32
        %add3A_1573 = arith.addi %add3A_1572, %mul3A_455 : i32
        %add3A_1574 = arith.constant 4 : i32
        %add3A_1575 = arith.addi %add3A_1573, %add3A_1574 : i32
        %get3A_1576 = arith.index_cast %add3A_1575 : i32 to index
        %get3A_1577 = arith.constant 0 : index
        %get3A_1578 = tpu.vector_load %arg9[%get3A_1576, %get3A_1577] {strides = array<i32>} : memref<512x16xi32, #tpu.memory_space<vmem>>, vector<16xi32>,
        %shift_left3A_1579 = arith.constant 16 : i32
        %shift_left3A_1580 = vector.broadcast %shift_left3A_1579 : i32 to vector<16xi32>
        %shift_left3A_1581 = arith.shli %get3A_1578, %shift_left3A_1580 : vector<16xi32>
        %bitcast3A_1582 = vector.bitcast %shift_left3A_1581 : vector<16xi32> to vector<16xf32>
        %bitcast3A_1583 = vector.bitcast %get3A_1578 : vector<16xi32> to vector<16xf32>
        %mul3A_1584 = arith.mulf %gather3A_1571, %bitcast3A_1582 : vector<16xf32>
        %add3A_1585 = arith.addf %add3A_1564, %mul3A_1584 : vector<16xf32>
        %mul3A_1586 = arith.mulf %gather3A_1571, %bitcast3A_1583 : vector<16xf32>
        %add3A_1587 = arith.addf %add3A_1566, %mul3A_1586 : vector<16xf32>
        %broadcast_in_dim3A_1588 = arith.constant 5 : i32
        %broadcast_in_dim3A_1589 = vector.broadcast %broadcast_in_dim3A_1588 : i32 to vector<16xi32>
        %broadcast_in_dim3A_1590 = vector.shape_cast %broadcast_in_dim3A_1589 : vector<16xi32> to vector<16x1xi32>
        %gather3A_1591 = vector.shape_cast %broadcast_in_dim3A_1590 : vector<16x1xi32> to vector<16xi32>
        %gather3A_1592 = tpu.dynamic_gather %get3A_1482[%gather3A_1591] in [0] : vector<16xf32>, vector<16xi32> -> vector<16xf32>
        %add3A_1593 = arith.constant 384 : i32
        %add3A_1594 = arith.addi %add3A_1593, %mul3A_455 : i32
        %add3A_1595 = arith.constant 5 : i32
        %add3A_1596 = arith.addi %add3A_1594, %add3A_1595 : i32
        %get3A_1597 = arith.index_cast %add3A_1596 : i32 to index
        %get3A_1598 = arith.constant 0 : index
        %get3A_1599 = tpu.vector_load %arg9[%get3A_1597, %get3A_1598] {strides = array<i32>} : memref<512x16xi32, #tpu.memory_space<vmem>>, vector<16xi32>,
        %shift_left3A_1600 = arith.constant 16 : i32
        %shift_left3A_1601 = vector.broadcast %shift_left3A_1600 : i32 to vector<16xi32>
        %shift_left3A_1602 = arith.shli %get3A_1599, %shift_left3A_1601 : vector<16xi32>
        %bitcast3A_1603 = vector.bitcast %shift_left3A_1602 : vector<16xi32> to vector<16xf32>
        %bitcast3A_1604 = vector.bitcast %get3A_1599 : vector<16xi32> to vector<16xf32>
        %mul3A_1605 = arith.mulf %gather3A_1592, %bitcast3A_1603 : vector<16xf32>
        %add3A_1606 = arith.addf %add3A_1585, %mul3A_1605 : vector<16xf32>
        %mul3A_1607 = arith.mulf %gather3A_1592, %bitcast3A_1604 : vector<16xf32>
        %add3A_1608 = arith.addf %add3A_1587, %mul3A_1607 : vector<16xf32>
        %broadcast_in_dim3A_1609 = arith.constant 6 : i32
        %broadcast_in_dim3A_1610 = vector.broadcast %broadcast_in_dim3A_1609 : i32 to vector<16xi32>
        %broadcast_in_dim3A_1611 = vector.shape_cast %broadcast_in_dim3A_1610 : vector<16xi32> to vector<16x1xi32>
        %gather3A_1612 = vector.shape_cast %broadcast_in_dim3A_1611 : vector<16x1xi32> to vector<16xi32>
        %gather3A_1613 = tpu.dynamic_gather %get3A_1482[%gather3A_1612] in [0] : vector<16xf32>, vector<16xi32> -> vector<16xf32>
        %add3A_1614 = arith.constant 384 : i32
        %add3A_1615 = arith.addi %add3A_1614, %mul3A_455 : i32
        %add3A_1616 = arith.constant 6 : i32
        %add3A_1617 = arith.addi %add3A_1615, %add3A_1616 : i32
        %get3A_1618 = arith.index_cast %add3A_1617 : i32 to index
        %get3A_1619 = arith.constant 0 : index
        %get3A_1620 = tpu.vector_load %arg9[%get3A_1618, %get3A_1619] {strides = array<i32>} : memref<512x16xi32, #tpu.memory_space<vmem>>, vector<16xi32>,
        %shift_left3A_1621 = arith.constant 16 : i32
        %shift_left3A_1622 = vector.broadcast %shift_left3A_1621 : i32 to vector<16xi32>
        %shift_left3A_1623 = arith.shli %get3A_1620, %shift_left3A_1622 : vector<16xi32>
        %bitcast3A_1624 = vector.bitcast %shift_left3A_1623 : vector<16xi32> to vector<16xf32>
        %bitcast3A_1625 = vector.bitcast %get3A_1620 : vector<16xi32> to vector<16xf32>
        %mul3A_1626 = arith.mulf %gather3A_1613, %bitcast3A_1624 : vector<16xf32>
        %add3A_1627 = arith.addf %add3A_1606, %mul3A_1626 : vector<16xf32>
        %mul3A_1628 = arith.mulf %gather3A_1613, %bitcast3A_1625 : vector<16xf32>
        %add3A_1629 = arith.addf %add3A_1608, %mul3A_1628 : vector<16xf32>
        %broadcast_in_dim3A_1630 = arith.constant 7 : i32
        %broadcast_in_dim3A_1631 = vector.broadcast %broadcast_in_dim3A_1630 : i32 to vector<16xi32>
        %broadcast_in_dim3A_1632 = vector.shape_cast %broadcast_in_dim3A_1631 : vector<16xi32> to vector<16x1xi32>
        %gather3A_1633 = vector.shape_cast %broadcast_in_dim3A_1632 : vector<16x1xi32> to vector<16xi32>
        %gather3A_1634 = tpu.dynamic_gather %get3A_1482[%gather3A_1633] in [0] : vector<16xf32>, vector<16xi32> -> vector<16xf32>
        %add3A_1635 = arith.constant 384 : i32
        %add3A_1636 = arith.addi %add3A_1635, %mul3A_455 : i32
        %add3A_1637 = arith.constant 7 : i32
        %add3A_1638 = arith.addi %add3A_1636, %add3A_1637 : i32
        %get3A_1639 = arith.index_cast %add3A_1638 : i32 to index
        %get3A_1640 = arith.constant 0 : index
        %get3A_1641 = tpu.vector_load %arg9[%get3A_1639, %get3A_1640] {strides = array<i32>} : memref<512x16xi32, #tpu.memory_space<vmem>>, vector<16xi32>,
        %shift_left3A_1642 = arith.constant 16 : i32
        %shift_left3A_1643 = vector.broadcast %shift_left3A_1642 : i32 to vector<16xi32>
        %shift_left3A_1644 = arith.shli %get3A_1641, %shift_left3A_1643 : vector<16xi32>
        %bitcast3A_1645 = vector.bitcast %shift_left3A_1644 : vector<16xi32> to vector<16xf32>
        %bitcast3A_1646 = vector.bitcast %get3A_1641 : vector<16xi32> to vector<16xf32>
        %mul3A_1647 = arith.mulf %gather3A_1634, %bitcast3A_1645 : vector<16xf32>
        %add3A_1648 = arith.addf %add3A_1627, %mul3A_1647 : vector<16xf32>
        %mul3A_1649 = arith.mulf %gather3A_1634, %bitcast3A_1646 : vector<16xf32>
        %add3A_1650 = arith.addf %add3A_1629, %mul3A_1649 : vector<16xf32>
        %broadcast_in_dim3A_1651 = arith.constant 8 : i32
        %broadcast_in_dim3A_1652 = vector.broadcast %broadcast_in_dim3A_1651 : i32 to vector<16xi32>
        %broadcast_in_dim3A_1653 = vector.shape_cast %broadcast_in_dim3A_1652 : vector<16xi32> to vector<16x1xi32>
        %gather3A_1654 = vector.shape_cast %broadcast_in_dim3A_1653 : vector<16x1xi32> to vector<16xi32>
        %gather3A_1655 = tpu.dynamic_gather %get3A_1482[%gather3A_1654] in [0] : vector<16xf32>, vector<16xi32> -> vector<16xf32>
        %add3A_1656 = arith.constant 384 : i32
        %add3A_1657 = arith.addi %add3A_1656, %mul3A_455 : i32
        %add3A_1658 = arith.constant 8 : i32
        %add3A_1659 = arith.addi %add3A_1657, %add3A_1658 : i32
        %get3A_1660 = arith.index_cast %add3A_1659 : i32 to index
        %get3A_1661 = arith.constant 0 : index
        %get3A_1662 = tpu.vector_load %arg9[%get3A_1660, %get3A_1661] {strides = array<i32>} : memref<512x16xi32, #tpu.memory_space<vmem>>, vector<16xi32>,
        %shift_left3A_1663 = arith.constant 16 : i32
        %shift_left3A_1664 = vector.broadcast %shift_left3A_1663 : i32 to vector<16xi32>
        %shift_left3A_1665 = arith.shli %get3A_1662, %shift_left3A_1664 : vector<16xi32>
        %bitcast3A_1666 = vector.bitcast %shift_left3A_1665 : vector<16xi32> to vector<16xf32>
        %bitcast3A_1667 = vector.bitcast %get3A_1662 : vector<16xi32> to vector<16xf32>
        %mul3A_1668 = arith.mulf %gather3A_1655, %bitcast3A_1666 : vector<16xf32>
        %add3A_1669 = arith.addf %add3A_1648, %mul3A_1668 : vector<16xf32>
        %mul3A_1670 = arith.mulf %gather3A_1655, %bitcast3A_1667 : vector<16xf32>
        %add3A_1671 = arith.addf %add3A_1650, %mul3A_1670 : vector<16xf32>
        %broadcast_in_dim3A_1672 = arith.constant 9 : i32
        %broadcast_in_dim3A_1673 = vector.broadcast %broadcast_in_dim3A_1672 : i32 to vector<16xi32>
        %broadcast_in_dim3A_1674 = vector.shape_cast %broadcast_in_dim3A_1673 : vector<16xi32> to vector<16x1xi32>
        %gather3A_1675 = vector.shape_cast %broadcast_in_dim3A_1674 : vector<16x1xi32> to vector<16xi32>
        %gather3A_1676 = tpu.dynamic_gather %get3A_1482[%gather3A_1675] in [0] : vector<16xf32>, vector<16xi32> -> vector<16xf32>
        %add3A_1677 = arith.constant 384 : i32
        %add3A_1678 = arith.addi %add3A_1677, %mul3A_455 : i32
        %add3A_1679 = arith.constant 9 : i32
        %add3A_1680 = arith.addi %add3A_1678, %add3A_1679 : i32
        %get3A_1681 = arith.index_cast %add3A_1680 : i32 to index
        %get3A_1682 = arith.constant 0 : index
        %get3A_1683 = tpu.vector_load %arg9[%get3A_1681, %get3A_1682] {strides = array<i32>} : memref<512x16xi32, #tpu.memory_space<vmem>>, vector<16xi32>,
        %shift_left3A_1684 = arith.constant 16 : i32
        %shift_left3A_1685 = vector.broadcast %shift_left3A_1684 : i32 to vector<16xi32>
        %shift_left3A_1686 = arith.shli %get3A_1683, %shift_left3A_1685 : vector<16xi32>
        %bitcast3A_1687 = vector.bitcast %shift_left3A_1686 : vector<16xi32> to vector<16xf32>
        %bitcast3A_1688 = vector.bitcast %get3A_1683 : vector<16xi32> to vector<16xf32>
        %mul3A_1689 = arith.mulf %gather3A_1676, %bitcast3A_1687 : vector<16xf32>
        %add3A_1690 = arith.addf %add3A_1669, %mul3A_1689 : vector<16xf32>
        %mul3A_1691 = arith.mulf %gather3A_1676, %bitcast3A_1688 : vector<16xf32>
        %add3A_1692 = arith.addf %add3A_1671, %mul3A_1691 : vector<16xf32>
        %broadcast_in_dim3A_1693 = arith.constant 10 : i32
        %broadcast_in_dim3A_1694 = vector.broadcast %broadcast_in_dim3A_1693 : i32 to vector<16xi32>
        %broadcast_in_dim3A_1695 = vector.shape_cast %broadcast_in_dim3A_1694 : vector<16xi32> to vector<16x1xi32>
        %gather3A_1696 = vector.shape_cast %broadcast_in_dim3A_1695 : vector<16x1xi32> to vector<16xi32>
        %gather3A_1697 = tpu.dynamic_gather %get3A_1482[%gather3A_1696] in [0] : vector<16xf32>, vector<16xi32> -> vector<16xf32>
        %add3A_1698 = arith.constant 384 : i32
        %add3A_1699 = arith.addi %add3A_1698, %mul3A_455 : i32
        %add3A_1700 = arith.constant 10 : i32
        %add3A_1701 = arith.addi %add3A_1699, %add3A_1700 : i32
        %get3A_1702 = arith.index_cast %add3A_1701 : i32 to index
        %get3A_1703 = arith.constant 0 : index
        %get3A_1704 = tpu.vector_load %arg9[%get3A_1702, %get3A_1703] {strides = array<i32>} : memref<512x16xi32, #tpu.memory_space<vmem>>, vector<16xi32>,
        %shift_left3A_1705 = arith.constant 16 : i32
        %shift_left3A_1706 = vector.broadcast %shift_left3A_1705 : i32 to vector<16xi32>
        %shift_left3A_1707 = arith.shli %get3A_1704, %shift_left3A_1706 : vector<16xi32>
        %bitcast3A_1708 = vector.bitcast %shift_left3A_1707 : vector<16xi32> to vector<16xf32>
        %bitcast3A_1709 = vector.bitcast %get3A_1704 : vector<16xi32> to vector<16xf32>
        %mul3A_1710 = arith.mulf %gather3A_1697, %bitcast3A_1708 : vector<16xf32>
        %add3A_1711 = arith.addf %add3A_1690, %mul3A_1710 : vector<16xf32>
        %mul3A_1712 = arith.mulf %gather3A_1697, %bitcast3A_1709 : vector<16xf32>
        %add3A_1713 = arith.addf %add3A_1692, %mul3A_1712 : vector<16xf32>
        %broadcast_in_dim3A_1714 = arith.constant 11 : i32
        %broadcast_in_dim3A_1715 = vector.broadcast %broadcast_in_dim3A_1714 : i32 to vector<16xi32>
        %broadcast_in_dim3A_1716 = vector.shape_cast %broadcast_in_dim3A_1715 : vector<16xi32> to vector<16x1xi32>
        %gather3A_1717 = vector.shape_cast %broadcast_in_dim3A_1716 : vector<16x1xi32> to vector<16xi32>
        %gather3A_1718 = tpu.dynamic_gather %get3A_1482[%gather3A_1717] in [0] : vector<16xf32>, vector<16xi32> -> vector<16xf32>
        %add3A_1719 = arith.constant 384 : i32
        %add3A_1720 = arith.addi %add3A_1719, %mul3A_455 : i32
        %add3A_1721 = arith.constant 11 : i32
        %add3A_1722 = arith.addi %add3A_1720, %add3A_1721 : i32
        %get3A_1723 = arith.index_cast %add3A_1722 : i32 to index
        %get3A_1724 = arith.constant 0 : index
        %get3A_1725 = tpu.vector_load %arg9[%get3A_1723, %get3A_1724] {strides = array<i32>} : memref<512x16xi32, #tpu.memory_space<vmem>>, vector<16xi32>,
        %shift_left3A_1726 = arith.constant 16 : i32
        %shift_left3A_1727 = vector.broadcast %shift_left3A_1726 : i32 to vector<16xi32>
        %shift_left3A_1728 = arith.shli %get3A_1725, %shift_left3A_1727 : vector<16xi32>
        %bitcast3A_1729 = vector.bitcast %shift_left3A_1728 : vector<16xi32> to vector<16xf32>
        %bitcast3A_1730 = vector.bitcast %get3A_1725 : vector<16xi32> to vector<16xf32>
        %mul3A_1731 = arith.mulf %gather3A_1718, %bitcast3A_1729 : vector<16xf32>
        %add3A_1732 = arith.addf %add3A_1711, %mul3A_1731 : vector<16xf32>
        %mul3A_1733 = arith.mulf %gather3A_1718, %bitcast3A_1730 : vector<16xf32>
        %add3A_1734 = arith.addf %add3A_1713, %mul3A_1733 : vector<16xf32>
        %broadcast_in_dim3A_1735 = arith.constant 12 : i32
        %broadcast_in_dim3A_1736 = vector.broadcast %broadcast_in_dim3A_1735 : i32 to vector<16xi32>
        %broadcast_in_dim3A_1737 = vector.shape_cast %broadcast_in_dim3A_1736 : vector<16xi32> to vector<16x1xi32>
        %gather3A_1738 = vector.shape_cast %broadcast_in_dim3A_1737 : vector<16x1xi32> to vector<16xi32>
        %gather3A_1739 = tpu.dynamic_gather %get3A_1482[%gather3A_1738] in [0] : vector<16xf32>, vector<16xi32> -> vector<16xf32>
        %add3A_1740 = arith.constant 384 : i32
        %add3A_1741 = arith.addi %add3A_1740, %mul3A_455 : i32
        %add3A_1742 = arith.constant 12 : i32
        %add3A_1743 = arith.addi %add3A_1741, %add3A_1742 : i32
        %get3A_1744 = arith.index_cast %add3A_1743 : i32 to index
        %get3A_1745 = arith.constant 0 : index
        %get3A_1746 = tpu.vector_load %arg9[%get3A_1744, %get3A_1745] {strides = array<i32>} : memref<512x16xi32, #tpu.memory_space<vmem>>, vector<16xi32>,
        %shift_left3A_1747 = arith.constant 16 : i32
        %shift_left3A_1748 = vector.broadcast %shift_left3A_1747 : i32 to vector<16xi32>
        %shift_left3A_1749 = arith.shli %get3A_1746, %shift_left3A_1748 : vector<16xi32>
        %bitcast3A_1750 = vector.bitcast %shift_left3A_1749 : vector<16xi32> to vector<16xf32>
        %bitcast3A_1751 = vector.bitcast %get3A_1746 : vector<16xi32> to vector<16xf32>
        %mul3A_1752 = arith.mulf %gather3A_1739, %bitcast3A_1750 : vector<16xf32>
        %add3A_1753 = arith.addf %add3A_1732, %mul3A_1752 : vector<16xf32>
        %mul3A_1754 = arith.mulf %gather3A_1739, %bitcast3A_1751 : vector<16xf32>
        %add3A_1755 = arith.addf %add3A_1734, %mul3A_1754 : vector<16xf32>
        %broadcast_in_dim3A_1756 = arith.constant 13 : i32
        %broadcast_in_dim3A_1757 = vector.broadcast %broadcast_in_dim3A_1756 : i32 to vector<16xi32>
        %broadcast_in_dim3A_1758 = vector.shape_cast %broadcast_in_dim3A_1757 : vector<16xi32> to vector<16x1xi32>
        %gather3A_1759 = vector.shape_cast %broadcast_in_dim3A_1758 : vector<16x1xi32> to vector<16xi32>
        %gather3A_1760 = tpu.dynamic_gather %get3A_1482[%gather3A_1759] in [0] : vector<16xf32>, vector<16xi32> -> vector<16xf32>
        %add3A_1761 = arith.constant 384 : i32
        %add3A_1762 = arith.addi %add3A_1761, %mul3A_455 : i32
        %add3A_1763 = arith.constant 13 : i32
        %add3A_1764 = arith.addi %add3A_1762, %add3A_1763 : i32
        %get3A_1765 = arith.index_cast %add3A_1764 : i32 to index
        %get3A_1766 = arith.constant 0 : index
        %get3A_1767 = tpu.vector_load %arg9[%get3A_1765, %get3A_1766] {strides = array<i32>} : memref<512x16xi32, #tpu.memory_space<vmem>>, vector<16xi32>,
        %shift_left3A_1768 = arith.constant 16 : i32
        %shift_left3A_1769 = vector.broadcast %shift_left3A_1768 : i32 to vector<16xi32>
        %shift_left3A_1770 = arith.shli %get3A_1767, %shift_left3A_1769 : vector<16xi32>
        %bitcast3A_1771 = vector.bitcast %shift_left3A_1770 : vector<16xi32> to vector<16xf32>
        %bitcast3A_1772 = vector.bitcast %get3A_1767 : vector<16xi32> to vector<16xf32>
        %mul3A_1773 = arith.mulf %gather3A_1760, %bitcast3A_1771 : vector<16xf32>
        %add3A_1774 = arith.addf %add3A_1753, %mul3A_1773 : vector<16xf32>
        %mul3A_1775 = arith.mulf %gather3A_1760, %bitcast3A_1772 : vector<16xf32>
        %add3A_1776 = arith.addf %add3A_1755, %mul3A_1775 : vector<16xf32>
        %broadcast_in_dim3A_1777 = arith.constant 14 : i32
        %broadcast_in_dim3A_1778 = vector.broadcast %broadcast_in_dim3A_1777 : i32 to vector<16xi32>
        %broadcast_in_dim3A_1779 = vector.shape_cast %broadcast_in_dim3A_1778 : vector<16xi32> to vector<16x1xi32>
        %gather3A_1780 = vector.shape_cast %broadcast_in_dim3A_1779 : vector<16x1xi32> to vector<16xi32>
        %gather3A_1781 = tpu.dynamic_gather %get3A_1482[%gather3A_1780] in [0] : vector<16xf32>, vector<16xi32> -> vector<16xf32>
        %add3A_1782 = arith.constant 384 : i32
        %add3A_1783 = arith.addi %add3A_1782, %mul3A_455 : i32
        %add3A_1784 = arith.constant 14 : i32
        %add3A_1785 = arith.addi %add3A_1783, %add3A_1784 : i32
        %get3A_1786 = arith.index_cast %add3A_1785 : i32 to index
        %get3A_1787 = arith.constant 0 : index
        %get3A_1788 = tpu.vector_load %arg9[%get3A_1786, %get3A_1787] {strides = array<i32>} : memref<512x16xi32, #tpu.memory_space<vmem>>, vector<16xi32>,
        %shift_left3A_1789 = arith.constant 16 : i32
        %shift_left3A_1790 = vector.broadcast %shift_left3A_1789 : i32 to vector<16xi32>
        %shift_left3A_1791 = arith.shli %get3A_1788, %shift_left3A_1790 : vector<16xi32>
        %bitcast3A_1792 = vector.bitcast %shift_left3A_1791 : vector<16xi32> to vector<16xf32>
        %bitcast3A_1793 = vector.bitcast %get3A_1788 : vector<16xi32> to vector<16xf32>
        %mul3A_1794 = arith.mulf %gather3A_1781, %bitcast3A_1792 : vector<16xf32>
        %add3A_1795 = arith.addf %add3A_1774, %mul3A_1794 : vector<16xf32>
        %mul3A_1796 = arith.mulf %gather3A_1781, %bitcast3A_1793 : vector<16xf32>
        %add3A_1797 = arith.addf %add3A_1776, %mul3A_1796 : vector<16xf32>
        %broadcast_in_dim3A_1798 = arith.constant 15 : i32
        %broadcast_in_dim3A_1799 = vector.broadcast %broadcast_in_dim3A_1798 : i32 to vector<16xi32>
        %broadcast_in_dim3A_1800 = vector.shape_cast %broadcast_in_dim3A_1799 : vector<16xi32> to vector<16x1xi32>
        %gather3A_1801 = vector.shape_cast %broadcast_in_dim3A_1800 : vector<16x1xi32> to vector<16xi32>
        %gather3A_1802 = tpu.dynamic_gather %get3A_1482[%gather3A_1801] in [0] : vector<16xf32>, vector<16xi32> -> vector<16xf32>
        %add3A_1803 = arith.constant 384 : i32
        %add3A_1804 = arith.addi %add3A_1803, %mul3A_455 : i32
        %add3A_1805 = arith.constant 15 : i32
        %add3A_1806 = arith.addi %add3A_1804, %add3A_1805 : i32
        %get3A_1807 = arith.index_cast %add3A_1806 : i32 to index
        %get3A_1808 = arith.constant 0 : index
        %get3A_1809 = tpu.vector_load %arg9[%get3A_1807, %get3A_1808] {strides = array<i32>} : memref<512x16xi32, #tpu.memory_space<vmem>>, vector<16xi32>,
        %shift_left3A_1810 = arith.constant 16 : i32
        %shift_left3A_1811 = vector.broadcast %shift_left3A_1810 : i32 to vector<16xi32>
        %shift_left3A_1812 = arith.shli %get3A_1809, %shift_left3A_1811 : vector<16xi32>
        %bitcast3A_1813 = vector.bitcast %shift_left3A_1812 : vector<16xi32> to vector<16xf32>
        %bitcast3A_1814 = vector.bitcast %get3A_1809 : vector<16xi32> to vector<16xf32>
        %mul3A_1815 = arith.mulf %gather3A_1802, %bitcast3A_1813 : vector<16xf32>
        %add3A_1816 = arith.addf %add3A_1795, %mul3A_1815 : vector<16xf32>
        %mul3A_1817 = arith.mulf %gather3A_1802, %bitcast3A_1814 : vector<16xf32>
        %add3A_1818 = arith.addf %add3A_1797, %mul3A_1817 : vector<16xf32>
        %swap3A = arith.index_cast %add3A_310 : i32 to index
        %swap3A_1819 = arith.index_cast %scan3A_453 : i32 to index
        %swap3A_1820 = arith.constant 0 : index
        %swap3A_1821 = tpu.vector_load %arg10[%swap3A, %swap3A_1819, %swap3A_1820] {strides = array<i32>} : memref<64x8x32xf32, #tpu.memory_space<vmem>>, vector<16xf32>,
        tpu.vector_store %arg10[%swap3A, %swap3A_1819, %swap3A_1820], %add3A_1816 {strides = array<i32>} : memref<64x8x32xf32, #tpu.memory_space<vmem>>, vector<16xf32>,
        %swap3A_1822 = arith.index_cast %add3A_310 : i32 to index
        %swap3A_1823 = arith.index_cast %scan3A_453 : i32 to index
        %swap3A_1824 = arith.constant 16 : index
        %swap3A_1825 = tpu.vector_load %arg10[%swap3A_1822, %swap3A_1823, %swap3A_1824] {strides = array<i32>} : memref<64x8x32xf32, #tpu.memory_space<vmem>>, vector<16xf32>,
        tpu.vector_store %arg10[%swap3A_1822, %swap3A_1823, %swap3A_1824], %add3A_1818 {strides = array<i32>} : memref<64x8x32xf32, #tpu.memory_space<vmem>>, vector<16xf32>,
      }
      %scan3A_452 = arith.constant 8 : i32
    }
    %scan3A_305 = arith.constant 32 : i32
    "tpu.region"() ({
      %run_scoped3A = tpu.sem_alloc : memref<!tpu.dma_semaphore, #tpu.memory_space<semaphore_mem>>
      %dma_start3A_306 = arith.constant 0 : i32
      %dma_start3A_307 = arith.constant 0 : i32
      %dma_start3A_308 = tpu.memref_slice %arg5[%mul3A_2, %dma_start3A_306, %dma_start3A_307] : memref<2048x8x32xf32, #tpu.memory_space<hbm>> -> memref<64x8x32xf32, #tpu.memory_space<hbm>>
      %dma_start3A_309 = arith.constant 0 : i32
      %dma_start3A_310 = arith.constant 0 : i32
      %dma_start3A_311 = tpu.memref_slice %arg5[%mul3A_2, %dma_start3A_309, %dma_start3A_310] : memref<2048x8x32xf32, #tpu.memory_space<hbm>> -> memref<64x8x32xf32, #tpu.memory_space<hbm>>
      tpu.enqueue_dma source(%arg10 : memref<64x8x32xf32, #tpu.memory_space<vmem>>) target(%dma_start3A_311 : memref<64x8x32xf32, #tpu.memory_space<hbm>>) target_semaphore(%run_scoped3A : memref<!tpu.dma_semaphore, #tpu.memory_space<semaphore_mem>>)
      %dma_wait3A_312 = arith.constant 0 : i32
      %dma_wait3A_313 = arith.constant 0 : i32
      %dma_wait3A_314 = tpu.memref_slice %arg5[%mul3A_2, %dma_wait3A_312, %dma_wait3A_313] : memref<2048x8x32xf32, #tpu.memory_space<hbm>> -> memref<64x8x32xf32, #tpu.memory_space<hbm>>
      %dma_wait3A_315 = arith.constant 0 : i32
      %dma_wait3A_316 = arith.constant 0 : i32
      %dma_wait3A_317 = tpu.memref_slice %arg5[%mul3A_2, %dma_wait3A_315, %dma_wait3A_316] : memref<2048x8x32xf32, #tpu.memory_space<hbm>> -> memref<64x8x32xf32, #tpu.memory_space<hbm>>
      tpu.wait_dma2 semaphore(%run_scoped3A : memref<!tpu.dma_semaphore, #tpu.memory_space<semaphore_mem>>) src(%arg10 : memref<64x8x32xf32, #tpu.memory_space<vmem>>) dst(%dma_wait3A_317 : memref<64x8x32xf32, #tpu.memory_space<hbm>>)
      tpu.yield
    }) : () -> ()
    return
  }
}

module attributes {stable_mosaic.version = 14 : i64} {
  func.func @_value_mm_kernel(%arg0: i32, %arg1: memref<10880x256xf32, #tpu.memory_space<vmem>>, %arg2: memref<256x128xf32, #tpu.memory_space<vmem>>, %arg3: memref<256x128xf32, #tpu.memory_space<vmem>>, %arg4: memref<1x128xf32, #tpu.memory_space<vmem>>, %arg5: memref<1x128xf32, #tpu.memory_space<vmem>>, %arg6: memref<10880x128xi32, #tpu.memory_space<vmem>>) attributes {dimension_semantics = [#tpu.dimension_semantics<arbitrary>], iteration_bounds = array<i64: 16>, scalar_prefetch = 0 : i64, scratch_operands = 0 : i64, tpu.core_type = #tpu.core_type<tc>, window_params = [{transform_indices = @transform_0, window_bounds = array<i64: 10880, 256>}, {pipeline_mode = #tpu.pipeline_mode<synchronous>, transform_indices = @transform_1, window_bounds = array<i64: 256, 128>}, {pipeline_mode = #tpu.pipeline_mode<synchronous>, transform_indices = @transform_2, window_bounds = array<i64: 256, 128>}, {pipeline_mode = #tpu.pipeline_mode<synchronous>, transform_indices = @transform_3, window_bounds = array<i64: 1, 128>}, {pipeline_mode = #tpu.pipeline_mode<synchronous>, transform_indices = @transform_4, window_bounds = array<i64: 1, 128>}, {transform_indices = @transform_5, window_bounds = array<i64: 10880, 128>}]} {
    %get3A = arith.constant 0 : index
    %get3A_0 = arith.constant 0 : index
    %get3A_1 = vector.load %arg1[%get3A, %get3A_0] : memref<10880x256xf32, #tpu.memory_space<vmem>>, vector<10880x256xf32>
    %get3A_2 = arith.constant 0 : index
    %get3A_3 = arith.constant 0 : index
    %get3A_4 = vector.load %arg2[%get3A_2, %get3A_3] : memref<256x128xf32, #tpu.memory_space<vmem>>, vector<256x128xf32>
    %dot_general3A = arith.constant dense<0.000000e+00> : vector<10880x128xf32>
    %dot_general3A_5 = tpu.matmul %get3A_1, %get3A_4, %dot_general3A {dimension_numbers = #tpu.dot_dimension_numbers<[1], [0], [0], [1], [0, 0, 1, 1], [], []>, transpose_lhs_hint = false} : vector<10880x256xf32>, vector<256x128xf32>, vector<10880x128xf32> -> vector<10880x128xf32>
    %get3A_6 = arith.constant 0 : index
    %get3A_7 = arith.constant 0 : index
    %get3A_8 = vector.load %arg4[%get3A_6, %get3A_7] : memref<1x128xf32, #tpu.memory_space<vmem>>, vector<1x128xf32>
    %add3A = vector.broadcast %get3A_8 : vector<1x128xf32> to vector<10880x128xf32>
    %add3A_9 = arith.addf %dot_general3A_5, %add3A : vector<10880x128xf32>
    %get3A_10 = arith.constant 0 : index
    %get3A_11 = arith.constant 0 : index
    %get3A_12 = vector.load %arg3[%get3A_10, %get3A_11] : memref<256x128xf32, #tpu.memory_space<vmem>>, vector<256x128xf32>
    %dot_general3A_13 = arith.constant dense<0.000000e+00> : vector<10880x128xf32>
    %dot_general3A_14 = tpu.matmul %get3A_1, %get3A_12, %dot_general3A_13 {dimension_numbers = #tpu.dot_dimension_numbers<[1], [0], [0], [1], [0, 0, 1, 1], [], []>, transpose_lhs_hint = false} : vector<10880x256xf32>, vector<256x128xf32>, vector<10880x128xf32> -> vector<10880x128xf32>
    %get3A_15 = arith.constant 0 : index
    %get3A_16 = arith.constant 0 : index
    %get3A_17 = vector.load %arg5[%get3A_15, %get3A_16] : memref<1x128xf32, #tpu.memory_space<vmem>>, vector<1x128xf32>
    %add3A_18 = vector.broadcast %get3A_17 : vector<1x128xf32> to vector<10880x128xf32>
    %add3A_19 = arith.addf %dot_general3A_14, %add3A_18 : vector<10880x128xf32>
    %bitcast_convert_type3A = tpu.bitcast %add3A_9 : vector<10880x128xf32> -> vector<10880x128xi32>
    %add3A_20 = arith.constant 32767 : i32
    %add3A_21 = vector.broadcast %add3A_20 : i32 to vector<10880x128xi32>
    %add3A_22 = arith.addi %bitcast_convert_type3A, %add3A_21 : vector<10880x128xi32>
    %shift_right_arithmetic3A = arith.constant 16 : i32
    %shift_right_arithmetic3A_23 = vector.broadcast %shift_right_arithmetic3A : i32 to vector<10880x128xi32>
    %shift_right_arithmetic3A_24 = arith.shrsi %bitcast_convert_type3A, %shift_right_arithmetic3A_23 : vector<10880x128xi32>
    %and3A = arith.constant 1 : i32
    %and3A_25 = vector.broadcast %and3A : i32 to vector<10880x128xi32>
    %and3A_26 = arith.andi %shift_right_arithmetic3A_24, %and3A_25 : vector<10880x128xi32>
    %add3A_27 = arith.addi %add3A_22, %and3A_26 : vector<10880x128xi32>
    %bitcast_convert_type3A_28 = tpu.bitcast %add3A_19 : vector<10880x128xf32> -> vector<10880x128xi32>
    %add3A_29 = arith.constant 32767 : i32
    %add3A_30 = vector.broadcast %add3A_29 : i32 to vector<10880x128xi32>
    %add3A_31 = arith.addi %bitcast_convert_type3A_28, %add3A_30 : vector<10880x128xi32>
    %shift_right_arithmetic3A_32 = arith.constant 16 : i32
    %shift_right_arithmetic3A_33 = vector.broadcast %shift_right_arithmetic3A_32 : i32 to vector<10880x128xi32>
    %shift_right_arithmetic3A_34 = arith.shrsi %bitcast_convert_type3A_28, %shift_right_arithmetic3A_33 : vector<10880x128xi32>
    %and3A_35 = arith.constant 1 : i32
    %and3A_36 = vector.broadcast %and3A_35 : i32 to vector<10880x128xi32>
    %and3A_37 = arith.andi %shift_right_arithmetic3A_34, %and3A_36 : vector<10880x128xi32>
    %add3A_38 = arith.addi %add3A_31, %and3A_37 : vector<10880x128xi32>
    %shift_right_arithmetic3A_39 = arith.constant 16 : i32
    %shift_right_arithmetic3A_40 = vector.broadcast %shift_right_arithmetic3A_39 : i32 to vector<10880x128xi32>
    %shift_right_arithmetic3A_41 = arith.shrsi %add3A_27, %shift_right_arithmetic3A_40 : vector<10880x128xi32>
    %and3A_42 = arith.constant 65535 : i32
    %and3A_43 = vector.broadcast %and3A_42 : i32 to vector<10880x128xi32>
    %and3A_44 = arith.andi %shift_right_arithmetic3A_41, %and3A_43 : vector<10880x128xi32>
    %and3A_45 = arith.constant -65536 : i32
    %and3A_46 = vector.broadcast %and3A_45 : i32 to vector<10880x128xi32>
    %and3A_47 = arith.andi %add3A_38, %and3A_46 : vector<10880x128xi32>
    %or3A = arith.ori %and3A_44, %and3A_47 : vector<10880x128xi32>
    %swap3A = arith.constant 0 : index
    %swap3A_48 = arith.constant 0 : index
    %swap3A_49 = vector.load %arg6[%swap3A, %swap3A_48] : memref<10880x128xi32, #tpu.memory_space<vmem>>, vector<10880x128xi32>
    tpu.vector_store %arg6[%swap3A, %swap3A_48], %or3A {strides = array<i32>} : memref<10880x128xi32, #tpu.memory_space<vmem>>, vector<10880x128xi32>,
    return
  }
  func.func @transform_0(%arg0: i32) -> (i32, i32) {
    %c0_i32 = arith.constant 0 : i32
    %c0_i32_0 = arith.constant 0 : i32
    return %arg0, %c0_i32 : i32, i32
  }
  func.func @transform_1(%arg0: i32) -> (i32, i32) {
    %c0_i32 = arith.constant 0 : i32
    %c0_i32_0 = arith.constant 0 : i32
    %c0_i32_1 = arith.constant 0 : i32
    return %c0_i32, %c0_i32_0 : i32, i32
  }
  func.func @transform_2(%arg0: i32) -> (i32, i32) {
    %c0_i32 = arith.constant 0 : i32
    %c0_i32_0 = arith.constant 0 : i32
    %c0_i32_1 = arith.constant 0 : i32
    return %c0_i32, %c0_i32_0 : i32, i32
  }
  func.func @transform_3(%arg0: i32) -> (i32, i32) {
    %c0_i32 = arith.constant 0 : i32
    %c0_i32_0 = arith.constant 0 : i32
    %c0_i32_1 = arith.constant 0 : i32
    return %c0_i32, %c0_i32_0 : i32, i32
  }
  func.func @transform_4(%arg0: i32) -> (i32, i32) {
    %c0_i32 = arith.constant 0 : i32
    %c0_i32_0 = arith.constant 0 : i32
    %c0_i32_1 = arith.constant 0 : i32
    return %c0_i32, %c0_i32_0 : i32, i32
  }
  func.func @transform_5(%arg0: i32) -> (i32, i32) {
    %c0_i32 = arith.constant 0 : i32
    %c0_i32_0 = arith.constant 0 : i32
    return %arg0, %c0_i32 : i32, i32
  }
}

module attributes {stable_mosaic.version = 14 : i64} {
  func.func @_sample_prep_kernel(%arg0: i32, %arg1: memref<2048x256xf32, #tpu.memory_space<vmem>>, %arg2: memref<256x128xf32, #tpu.memory_space<vmem>>, %arg3: memref<256x128xf32, #tpu.memory_space<vmem>>, %arg4: memref<256x128xf32, #tpu.memory_space<vmem>>, %arg5: memref<1x128xf32, #tpu.memory_space<vmem>>, %arg6: memref<1x128xf32, #tpu.memory_space<vmem>>, %arg7: memref<1x128xf32, #tpu.memory_space<vmem>>, %arg8: memref<2048x128xf32, #tpu.memory_space<vmem>>, %arg9: memref<2048x128xf32, #tpu.memory_space<vmem>>, %arg10: memref<4x2048x128xi32, #tpu.memory_space<vmem>>, %arg11: memref<4x2048x128xf32, #tpu.memory_space<vmem>>) attributes {dimension_semantics = [#tpu.dimension_semantics<arbitrary>], iteration_bounds = array<i64: 1>, scalar_prefetch = 0 : i64, scratch_operands = 0 : i64, tpu.core_type = #tpu.core_type<tc>, window_params = [{transform_indices = @transform_0, window_bounds = array<i64: 2048, 256>}, {pipeline_mode = #tpu.pipeline_mode<synchronous>, transform_indices = @transform_1, window_bounds = array<i64: 256, 128>}, {pipeline_mode = #tpu.pipeline_mode<synchronous>, transform_indices = @transform_2, window_bounds = array<i64: 256, 128>}, {pipeline_mode = #tpu.pipeline_mode<synchronous>, transform_indices = @transform_3, window_bounds = array<i64: 256, 128>}, {pipeline_mode = #tpu.pipeline_mode<synchronous>, transform_indices = @transform_4, window_bounds = array<i64: 1, 128>}, {pipeline_mode = #tpu.pipeline_mode<synchronous>, transform_indices = @transform_5, window_bounds = array<i64: 1, 128>}, {pipeline_mode = #tpu.pipeline_mode<synchronous>, transform_indices = @transform_6, window_bounds = array<i64: 1, 128>}, {transform_indices = @transform_7, window_bounds = array<i64: 2048, 128>}, {transform_indices = @transform_8, window_bounds = array<i64: 2048, 128>}, {transform_indices = @transform_9, window_bounds = array<i64: 4, 2048, 128>}, {transform_indices = @transform_10, window_bounds = array<i64: 4, 2048, 128>}]} {
    %get3A = arith.constant 0 : index
    %get3A_0 = arith.constant 0 : index
    %get3A_1 = vector.load %arg1[%get3A, %get3A_0] : memref<2048x256xf32, #tpu.memory_space<vmem>>, vector<2048x256xf32>
    %get3A_2 = arith.constant 0 : index
    %get3A_3 = arith.constant 0 : index
    %get3A_4 = vector.load %arg2[%get3A_2, %get3A_3] : memref<256x128xf32, #tpu.memory_space<vmem>>, vector<256x128xf32>
    %dot_general3A = arith.constant dense<0.000000e+00> : vector<2048x128xf32>
    %dot_general3A_5 = tpu.matmul %get3A_1, %get3A_4, %dot_general3A {dimension_numbers = #tpu.dot_dimension_numbers<[1], [0], [0], [1], [0, 0, 1, 1], [], []>, transpose_lhs_hint = false} : vector<2048x256xf32>, vector<256x128xf32>, vector<2048x128xf32> -> vector<2048x128xf32>
    %get3A_6 = arith.constant 0 : index
    %get3A_7 = arith.constant 0 : index
    %get3A_8 = vector.load %arg5[%get3A_6, %get3A_7] : memref<1x128xf32, #tpu.memory_space<vmem>>, vector<1x128xf32>
    %add3A = vector.broadcast %get3A_8 : vector<1x128xf32> to vector<2048x128xf32>
    %add3A_9 = arith.addf %dot_general3A_5, %add3A : vector<2048x128xf32>
    %get3A_10 = arith.constant 0 : index
    %get3A_11 = arith.constant 0 : index
    %get3A_12 = vector.load %arg3[%get3A_10, %get3A_11] : memref<256x128xf32, #tpu.memory_space<vmem>>, vector<256x128xf32>
    %dot_general3A_13 = arith.constant dense<0.000000e+00> : vector<2048x128xf32>
    %dot_general3A_14 = tpu.matmul %get3A_1, %get3A_12, %dot_general3A_13 {dimension_numbers = #tpu.dot_dimension_numbers<[1], [0], [0], [1], [0, 0, 1, 1], [], []>, transpose_lhs_hint = false} : vector<2048x256xf32>, vector<256x128xf32>, vector<2048x128xf32> -> vector<2048x128xf32>
    %get3A_15 = arith.constant 0 : index
    %get3A_16 = arith.constant 0 : index
    %get3A_17 = vector.load %arg6[%get3A_15, %get3A_16] : memref<1x128xf32, #tpu.memory_space<vmem>>, vector<1x128xf32>
    %add3A_18 = vector.broadcast %get3A_17 : vector<1x128xf32> to vector<2048x128xf32>
    %add3A_19 = arith.addf %dot_general3A_14, %add3A_18 : vector<2048x128xf32>
    %get3A_20 = arith.constant 0 : index
    %get3A_21 = arith.constant 0 : index
    %get3A_22 = vector.load %arg4[%get3A_20, %get3A_21] : memref<256x128xf32, #tpu.memory_space<vmem>>, vector<256x128xf32>
    %dot_general3A_23 = arith.constant dense<0.000000e+00> : vector<2048x128xf32>
    %dot_general3A_24 = tpu.matmul %get3A_1, %get3A_22, %dot_general3A_23 {dimension_numbers = #tpu.dot_dimension_numbers<[1], [0], [0], [1], [0, 0, 1, 1], [], []>, transpose_lhs_hint = false} : vector<2048x256xf32>, vector<256x128xf32>, vector<2048x128xf32> -> vector<2048x128xf32>
    %get3A_25 = arith.constant 0 : index
    %get3A_26 = arith.constant 0 : index
    %get3A_27 = vector.load %arg7[%get3A_25, %get3A_26] : memref<1x128xf32, #tpu.memory_space<vmem>>, vector<1x128xf32>
    %add3A_28 = vector.broadcast %get3A_27 : vector<1x128xf32> to vector<2048x128xf32>
    %add3A_29 = arith.addf %dot_general3A_24, %add3A_28 : vector<2048x128xf32>
    %reduce_max3A = arith.constant dense<0xFF800000> : vector<2048xf32>
    %reduce_max3A_30 = vector.multi_reduction <maximumf>, %add3A_29, %reduce_max3A [1] : vector<2048x128xf32> to vector<2048xf32>
    %broadcast_in_dim3A = vector.shape_cast %reduce_max3A_30 : vector<2048xf32> to vector<2048x1xf32>
    %sub3A = vector.broadcast %broadcast_in_dim3A : vector<2048x1xf32> to vector<2048x128xf32>
    %sub3A_31 = arith.subf %add3A_29, %sub3A : vector<2048x128xf32>
    %exp3A = math.exp %sub3A_31 : vector<2048x128xf32>
    %iota3A = tpu.iota {dimensions = array<i32: 0>} : vector<128x128xi32>
    %jit3A = arith.constant 16 : i32
    %div3A = vector.broadcast %jit3A : i32 to vector<128x128xi32>
    %div3A_32 = arith.divsi %iota3A, %div3A : vector<128x128xi32>
    %sign3A = arith.constant 0 : i32
    %sign3A_33 = vector.broadcast %sign3A : i32 to vector<128x128xi32>
    %sign3A_34 = arith.cmpi sgt, %iota3A, %sign3A_33 : vector<128x128xi32>
    %sign3A_35 = arith.extui %sign3A_34 : vector<128x128xi1> to vector<128x128xi32>
    %sign3A_36 = arith.constant 0 : i32
    %sign3A_37 = vector.broadcast %sign3A_36 : i32 to vector<128x128xi32>
    %sign3A_38 = arith.cmpi slt, %iota3A, %sign3A_37 : vector<128x128xi32>
    %sign3A_39 = arith.extui %sign3A_38 : vector<128x128xi1> to vector<128x128xi32>
    %sign3A_40 = arith.subi %sign3A_35, %sign3A_39 : vector<128x128xi32>
    %sign3A_41 = arith.constant 0 : i32
    %sign3A_42 = arith.cmpi sgt, %jit3A, %sign3A_41 : i32
    %sign3A_43 = arith.extui %sign3A_42 : i1 to i32
    %sign3A_44 = arith.constant 0 : i32
    %sign3A_45 = arith.cmpi slt, %jit3A, %sign3A_44 : i32
    %sign3A_46 = arith.extui %sign3A_45 : i1 to i32
    %sign3A_47 = arith.subi %sign3A_43, %sign3A_46 : i32
    %ne3A = vector.broadcast %sign3A_47 : i32 to vector<128x128xi32>
    %ne3A_48 = arith.cmpi ne, %sign3A_40, %ne3A : vector<128x128xi32>
    %rem3A = vector.broadcast %jit3A : i32 to vector<128x128xi32>
    %rem3A_49 = arith.remsi %iota3A, %rem3A : vector<128x128xi32>
    %ne3A_50 = arith.constant 0 : i32
    %ne3A_51 = vector.broadcast %ne3A_50 : i32 to vector<128x128xi32>
    %ne3A_52 = arith.cmpi ne, %rem3A_49, %ne3A_51 : vector<128x128xi32>
    %and3A = arith.andi %ne3A_48, %ne3A_52 : vector<128x128xi1>
    %sub3A_53 = arith.constant 1 : i32
    %sub3A_54 = vector.broadcast %sub3A_53 : i32 to vector<128x128xi32>
    %sub3A_55 = arith.subi %div3A_32, %sub3A_54 : vector<128x128xi32>
    %select_n3A = arith.select %and3A, %sub3A_55, %div3A_32 : vector<128x128xi1>, vector<128x128xi32>
    %iota3A_56 = tpu.iota {dimensions = array<i32: 1>} : vector<128x128xi32>
    %jit3A_57 = arith.constant 16 : i32
    %div3A_58 = vector.broadcast %jit3A_57 : i32 to vector<128x128xi32>
    %div3A_59 = arith.divsi %iota3A_56, %div3A_58 : vector<128x128xi32>
    %sign3A_60 = arith.constant 0 : i32
    %sign3A_61 = vector.broadcast %sign3A_60 : i32 to vector<128x128xi32>
    %sign3A_62 = arith.cmpi sgt, %iota3A_56, %sign3A_61 : vector<128x128xi32>
    %sign3A_63 = arith.extui %sign3A_62 : vector<128x128xi1> to vector<128x128xi32>
    %sign3A_64 = arith.constant 0 : i32
    %sign3A_65 = vector.broadcast %sign3A_64 : i32 to vector<128x128xi32>
    %sign3A_66 = arith.cmpi slt, %iota3A_56, %sign3A_65 : vector<128x128xi32>
    %sign3A_67 = arith.extui %sign3A_66 : vector<128x128xi1> to vector<128x128xi32>
    %sign3A_68 = arith.subi %sign3A_63, %sign3A_67 : vector<128x128xi32>
    %sign3A_69 = arith.constant 0 : i32
    %sign3A_70 = arith.cmpi sgt, %jit3A_57, %sign3A_69 : i32
    %sign3A_71 = arith.extui %sign3A_70 : i1 to i32
    %sign3A_72 = arith.constant 0 : i32
    %sign3A_73 = arith.cmpi slt, %jit3A_57, %sign3A_72 : i32
    %sign3A_74 = arith.extui %sign3A_73 : i1 to i32
    %sign3A_75 = arith.subi %sign3A_71, %sign3A_74 : i32
    %ne3A_76 = vector.broadcast %sign3A_75 : i32 to vector<128x128xi32>
    %ne3A_77 = arith.cmpi ne, %sign3A_68, %ne3A_76 : vector<128x128xi32>
    %rem3A_78 = vector.broadcast %jit3A_57 : i32 to vector<128x128xi32>
    %rem3A_79 = arith.remsi %iota3A_56, %rem3A_78 : vector<128x128xi32>
    %ne3A_80 = arith.constant 0 : i32
    %ne3A_81 = vector.broadcast %ne3A_80 : i32 to vector<128x128xi32>
    %ne3A_82 = arith.cmpi ne, %rem3A_79, %ne3A_81 : vector<128x128xi32>
    %and3A_83 = arith.andi %ne3A_77, %ne3A_82 : vector<128x128xi1>
    %sub3A_84 = arith.constant 1 : i32
    %sub3A_85 = vector.broadcast %sub3A_84 : i32 to vector<128x128xi32>
    %sub3A_86 = arith.subi %div3A_59, %sub3A_85 : vector<128x128xi32>
    %select_n3A_87 = arith.select %and3A_83, %sub3A_86, %div3A_59 : vector<128x128xi1>, vector<128x128xi32>
    %eq3A = arith.cmpi eq, %select_n3A, %select_n3A_87 : vector<128x128xi32>
    %convert_element_type3A = arith.extui %eq3A : vector<128x128xi1> to vector<128x128xi32>
    %convert_element_type3A_88 = arith.sitofp %convert_element_type3A : vector<128x128xi32> to vector<128x128xf32>
    %dot_general3A_89 = arith.constant dense<0.000000e+00> : vector<2048x128xf32>
    %dot_general3A_90 = tpu.matmul %exp3A, %convert_element_type3A_88, %dot_general3A_89 {dimension_numbers = #tpu.dot_dimension_numbers<[1], [0], [0], [1], [0, 0, 1, 1], [], []>, transpose_lhs_hint = false} : vector<2048x128xf32>, vector<128x128xf32>, vector<2048x128xf32> -> vector<2048x128xf32>
    %div3A_91 = arith.divf %exp3A, %dot_general3A_90 : vector<2048x128xf32>
    %iota3A_92 = tpu.iota {dimensions = array<i32: 1>} : vector<2048x128xi32>
    %jit3A_93 = arith.constant 16 : i32
    %eq3A_94 = arith.constant 0 : i32
    %eq3A_95 = arith.cmpi eq, %jit3A_93, %eq3A_94 : i32
    %jit3A_96 = arith.constant 1 : i32
    %select_n3A_97 = arith.select %eq3A_95, %jit3A_96, %jit3A_93 : i32
    %rem3A_98 = vector.broadcast %select_n3A_97 : i32 to vector<2048x128xi32>
    %rem3A_99 = arith.remsi %iota3A_92, %rem3A_98 : vector<2048x128xi32>
    %ne3A_100 = arith.constant 0 : i32
    %ne3A_101 = vector.broadcast %ne3A_100 : i32 to vector<2048x128xi32>
    %ne3A_102 = arith.cmpi ne, %rem3A_99, %ne3A_101 : vector<2048x128xi32>
    %lt3A = arith.constant 0 : i32
    %lt3A_103 = vector.broadcast %lt3A : i32 to vector<2048x128xi32>
    %lt3A_104 = arith.cmpi slt, %rem3A_99, %lt3A_103 : vector<2048x128xi32>
    %lt3A_105 = arith.constant 0 : i32
    %lt3A_106 = arith.cmpi slt, %select_n3A_97, %lt3A_105 : i32
    %ne3A_107 = vector.broadcast %lt3A_106 : i1 to vector<2048x128xi1>
    %ne3A_108 = vector.broadcast %ne3A_107 : vector<2048x128xi1> to vector<2048x128xi1>
    %ne3A_109 = arith.xori %lt3A_104, %ne3A_108 : vector<2048x128xi1>
    %and3A_110 = arith.andi %ne3A_109, %ne3A_102 : vector<2048x128xi1>
    %add3A_111 = vector.broadcast %select_n3A_97 : i32 to vector<2048x128xi32>
    %add3A_112 = arith.addi %rem3A_99, %add3A_111 : vector<2048x128xi32>
    %select_n3A_113 = arith.select %and3A_110, %add3A_112, %rem3A_99 : vector<2048x128xi1>, vector<2048x128xi32>
    %jit3A_114 = arith.constant 4 : i32
    %div3A_115 = vector.broadcast %jit3A_114 : i32 to vector<2048x128xi32>
    %div3A_116 = arith.divsi %select_n3A_113, %div3A_115 : vector<2048x128xi32>
    %sign3A_117 = arith.constant 0 : i32
    %sign3A_118 = vector.broadcast %sign3A_117 : i32 to vector<2048x128xi32>
    %sign3A_119 = arith.cmpi sgt, %select_n3A_113, %sign3A_118 : vector<2048x128xi32>
    %sign3A_120 = arith.extui %sign3A_119 : vector<2048x128xi1> to vector<2048x128xi32>
    %sign3A_121 = arith.constant 0 : i32
    %sign3A_122 = vector.broadcast %sign3A_121 : i32 to vector<2048x128xi32>
    %sign3A_123 = arith.cmpi slt, %select_n3A_113, %sign3A_122 : vector<2048x128xi32>
    %sign3A_124 = arith.extui %sign3A_123 : vector<2048x128xi1> to vector<2048x128xi32>
    %sign3A_125 = arith.subi %sign3A_120, %sign3A_124 : vector<2048x128xi32>
    %sign3A_126 = arith.constant 0 : i32
    %sign3A_127 = arith.cmpi sgt, %jit3A_114, %sign3A_126 : i32
    %sign3A_128 = arith.extui %sign3A_127 : i1 to i32
    %sign3A_129 = arith.constant 0 : i32
    %sign3A_130 = arith.cmpi slt, %jit3A_114, %sign3A_129 : i32
    %sign3A_131 = arith.extui %sign3A_130 : i1 to i32
    %sign3A_132 = arith.subi %sign3A_128, %sign3A_131 : i32
    %ne3A_133 = vector.broadcast %sign3A_132 : i32 to vector<2048x128xi32>
    %ne3A_134 = arith.cmpi ne, %sign3A_125, %ne3A_133 : vector<2048x128xi32>
    %rem3A_135 = vector.broadcast %jit3A_114 : i32 to vector<2048x128xi32>
    %rem3A_136 = arith.remsi %select_n3A_113, %rem3A_135 : vector<2048x128xi32>
    %ne3A_137 = arith.constant 0 : i32
    %ne3A_138 = vector.broadcast %ne3A_137 : i32 to vector<2048x128xi32>
    %ne3A_139 = arith.cmpi ne, %rem3A_136, %ne3A_138 : vector<2048x128xi32>
    %and3A_140 = arith.andi %ne3A_134, %ne3A_139 : vector<2048x128xi1>
    %sub3A_141 = arith.constant 1 : i32
    %sub3A_142 = vector.broadcast %sub3A_141 : i32 to vector<2048x128xi32>
    %sub3A_143 = arith.subi %div3A_116, %sub3A_142 : vector<2048x128xi32>
    %select_n3A_144 = arith.select %and3A_140, %sub3A_143, %div3A_116 : vector<2048x128xi1>, vector<2048x128xi32>
    %jit3A_145 = arith.constant 16 : i32
    %div3A_146 = vector.broadcast %jit3A_145 : i32 to vector<2048x128xi32>
    %div3A_147 = arith.divsi %iota3A_92, %div3A_146 : vector<2048x128xi32>
    %sign3A_148 = arith.constant 0 : i32
    %sign3A_149 = vector.broadcast %sign3A_148 : i32 to vector<2048x128xi32>
    %sign3A_150 = arith.cmpi sgt, %iota3A_92, %sign3A_149 : vector<2048x128xi32>
    %sign3A_151 = arith.extui %sign3A_150 : vector<2048x128xi1> to vector<2048x128xi32>
    %sign3A_152 = arith.constant 0 : i32
    %sign3A_153 = vector.broadcast %sign3A_152 : i32 to vector<2048x128xi32>
    %sign3A_154 = arith.cmpi slt, %iota3A_92, %sign3A_153 : vector<2048x128xi32>
    %sign3A_155 = arith.extui %sign3A_154 : vector<2048x128xi1> to vector<2048x128xi32>
    %sign3A_156 = arith.subi %sign3A_151, %sign3A_155 : vector<2048x128xi32>
    %sign3A_157 = arith.constant 0 : i32
    %sign3A_158 = arith.cmpi sgt, %jit3A_145, %sign3A_157 : i32
    %sign3A_159 = arith.extui %sign3A_158 : i1 to i32
    %sign3A_160 = arith.constant 0 : i32
    %sign3A_161 = arith.cmpi slt, %jit3A_145, %sign3A_160 : i32
    %sign3A_162 = arith.extui %sign3A_161 : i1 to i32
    %sign3A_163 = arith.subi %sign3A_159, %sign3A_162 : i32
    %ne3A_164 = vector.broadcast %sign3A_163 : i32 to vector<2048x128xi32>
    %ne3A_165 = arith.cmpi ne, %sign3A_156, %ne3A_164 : vector<2048x128xi32>
    %rem3A_166 = vector.broadcast %jit3A_145 : i32 to vector<2048x128xi32>
    %rem3A_167 = arith.remsi %iota3A_92, %rem3A_166 : vector<2048x128xi32>
    %ne3A_168 = arith.constant 0 : i32
    %ne3A_169 = vector.broadcast %ne3A_168 : i32 to vector<2048x128xi32>
    %ne3A_170 = arith.cmpi ne, %rem3A_167, %ne3A_169 : vector<2048x128xi32>
    %and3A_171 = arith.andi %ne3A_165, %ne3A_170 : vector<2048x128xi1>
    %sub3A_172 = arith.constant 1 : i32
    %sub3A_173 = vector.broadcast %sub3A_172 : i32 to vector<2048x128xi32>
    %sub3A_174 = arith.subi %div3A_147, %sub3A_173 : vector<2048x128xi32>
    %select_n3A_175 = arith.select %and3A_171, %sub3A_174, %div3A_147 : vector<2048x128xi1>, vector<2048x128xi32>
    %eq3A_176 = arith.constant 0 : i32
    %eq3A_177 = vector.broadcast %eq3A_176 : i32 to vector<2048x128xi32>
    %eq3A_178 = arith.cmpi eq, %select_n3A_144, %eq3A_177 : vector<2048x128xi32>
    %eq3A_179 = arith.constant 1 : i32
    %eq3A_180 = vector.broadcast %eq3A_179 : i32 to vector<2048x128xi32>
    %eq3A_181 = arith.cmpi eq, %select_n3A_144, %eq3A_180 : vector<2048x128xi32>
    %eq3A_182 = arith.constant 2 : i32
    %eq3A_183 = vector.broadcast %eq3A_182 : i32 to vector<2048x128xi32>
    %eq3A_184 = arith.cmpi eq, %select_n3A_144, %eq3A_183 : vector<2048x128xi32>
    %jit3A_185 = arith.constant 64 : i32
    %jit3A_186 = arith.constant 32 : i32
    %broadcast_in_dim3A_187 = vector.broadcast %jit3A_185 : i32 to vector<2048x128xi32>
    %broadcast_in_dim3A_188 = vector.broadcast %jit3A_186 : i32 to vector<2048x128xi32>
    %select_n3A_189 = arith.select %eq3A_184, %broadcast_in_dim3A_187, %broadcast_in_dim3A_188 : vector<2048x128xi1>, vector<2048x128xi32>
    %jit3A_190 = arith.constant 128 : i32
    %broadcast_in_dim3A_191 = vector.broadcast %jit3A_190 : i32 to vector<2048x128xi32>
    %select_n3A_192 = arith.select %eq3A_181, %broadcast_in_dim3A_191, %select_n3A_189 : vector<2048x128xi1>, vector<2048x128xi32>
    %jit3A_193 = arith.constant 256 : i32
    %broadcast_in_dim3A_194 = vector.broadcast %jit3A_193 : i32 to vector<2048x128xi32>
    %select_n3A_195 = arith.select %eq3A_178, %broadcast_in_dim3A_194, %select_n3A_192 : vector<2048x128xi1>, vector<2048x128xi32>
    %eq3A_196 = arith.constant 0 : i32
    %eq3A_197 = vector.broadcast %eq3A_196 : i32 to vector<2048x128xi32>
    %eq3A_198 = arith.cmpi eq, %select_n3A_144, %eq3A_197 : vector<2048x128xi32>
    %eq3A_199 = arith.constant 1 : i32
    %eq3A_200 = vector.broadcast %eq3A_199 : i32 to vector<2048x128xi32>
    %eq3A_201 = arith.cmpi eq, %select_n3A_144, %eq3A_200 : vector<2048x128xi32>
    %eq3A_202 = arith.constant 2 : i32
    %eq3A_203 = vector.broadcast %eq3A_202 : i32 to vector<2048x128xi32>
    %eq3A_204 = arith.cmpi eq, %select_n3A_144, %eq3A_203 : vector<2048x128xi32>
    %jit3A_205 = arith.constant 81920 : i32
    %jit3A_206 = arith.constant 86016 : i32
    %broadcast_in_dim3A_207 = vector.broadcast %jit3A_205 : i32 to vector<2048x128xi32>
    %broadcast_in_dim3A_208 = vector.broadcast %jit3A_206 : i32 to vector<2048x128xi32>
    %select_n3A_209 = arith.select %eq3A_204, %broadcast_in_dim3A_207, %broadcast_in_dim3A_208 : vector<2048x128xi1>, vector<2048x128xi32>
    %jit3A_210 = arith.constant 65536 : i32
    %broadcast_in_dim3A_211 = vector.broadcast %jit3A_210 : i32 to vector<2048x128xi32>
    %select_n3A_212 = arith.select %eq3A_201, %broadcast_in_dim3A_211, %select_n3A_209 : vector<2048x128xi1>, vector<2048x128xi32>
    %jit3A_213 = arith.constant 0 : i32
    %broadcast_in_dim3A_214 = vector.broadcast %jit3A_213 : i32 to vector<2048x128xi32>
    %select_n3A_215 = arith.select %eq3A_198, %broadcast_in_dim3A_214, %select_n3A_212 : vector<2048x128xi1>, vector<2048x128xi32>
    %convert_element_type3A_216 = arith.sitofp %select_n3A_195 : vector<2048x128xi32> to vector<2048x128xf32>
    %convert_element_type3A_217 = arith.sitofp %select_n3A_195 : vector<2048x128xi32> to vector<2048x128xf32>
    %mul3A = arith.constant 2048 : i32
    %mul3A_218 = arith.muli %arg0, %mul3A : i32
    %iota3A_219 = tpu.iota {dimensions = array<i32: 0>} : vector<2048x128xi32>
    %add3A_220 = vector.broadcast %mul3A_218 : i32 to vector<2048x128xi32>
    %add3A_221 = arith.addi %add3A_220, %iota3A_219 : vector<2048x128xi32>
    %jit3A_222 = arith.constant 1024 : i32
    %div3A_223 = vector.broadcast %jit3A_222 : i32 to vector<2048x128xi32>
    %div3A_224 = arith.divsi %add3A_221, %div3A_223 : vector<2048x128xi32>
    %sign3A_225 = arith.constant 0 : i32
    %sign3A_226 = vector.broadcast %sign3A_225 : i32 to vector<2048x128xi32>
    %sign3A_227 = arith.cmpi sgt, %add3A_221, %sign3A_226 : vector<2048x128xi32>
    %sign3A_228 = arith.extui %sign3A_227 : vector<2048x128xi1> to vector<2048x128xi32>
    %sign3A_229 = arith.constant 0 : i32
    %sign3A_230 = vector.broadcast %sign3A_229 : i32 to vector<2048x128xi32>
    %sign3A_231 = arith.cmpi slt, %add3A_221, %sign3A_230 : vector<2048x128xi32>
    %sign3A_232 = arith.extui %sign3A_231 : vector<2048x128xi1> to vector<2048x128xi32>
    %sign3A_233 = arith.subi %sign3A_228, %sign3A_232 : vector<2048x128xi32>
    %sign3A_234 = arith.constant 0 : i32
    %sign3A_235 = arith.cmpi sgt, %jit3A_222, %sign3A_234 : i32
    %sign3A_236 = arith.extui %sign3A_235 : i1 to i32
    %sign3A_237 = arith.constant 0 : i32
    %sign3A_238 = arith.cmpi slt, %jit3A_222, %sign3A_237 : i32
    %sign3A_239 = arith.extui %sign3A_238 : i1 to i32
    %sign3A_240 = arith.subi %sign3A_236, %sign3A_239 : i32
    %ne3A_241 = vector.broadcast %sign3A_240 : i32 to vector<2048x128xi32>
    %ne3A_242 = arith.cmpi ne, %sign3A_233, %ne3A_241 : vector<2048x128xi32>
    %rem3A_243 = vector.broadcast %jit3A_222 : i32 to vector<2048x128xi32>
    %rem3A_244 = arith.remsi %add3A_221, %rem3A_243 : vector<2048x128xi32>
    %ne3A_245 = arith.constant 0 : i32
    %ne3A_246 = vector.broadcast %ne3A_245 : i32 to vector<2048x128xi32>
    %ne3A_247 = arith.cmpi ne, %rem3A_244, %ne3A_246 : vector<2048x128xi32>
    %and3A_248 = arith.andi %ne3A_242, %ne3A_247 : vector<2048x128xi1>
    %sub3A_249 = arith.constant 1 : i32
    %sub3A_250 = vector.broadcast %sub3A_249 : i32 to vector<2048x128xi32>
    %sub3A_251 = arith.subi %div3A_224, %sub3A_250 : vector<2048x128xi32>
    %select_n3A_252 = arith.select %and3A_248, %sub3A_251, %div3A_224 : vector<2048x128xi1>, vector<2048x128xi32>
    %get3A_253 = arith.constant 0 : index
    %get3A_254 = arith.constant 0 : index
    %get3A_255 = vector.load %arg8[%get3A_253, %get3A_254] : memref<2048x128xf32, #tpu.memory_space<vmem>>, vector<2048x128xf32>
    %mul3A_256 = arith.mulf %get3A_255, %convert_element_type3A_216 : vector<2048x128xf32>
    %add3A_257 = arith.addf %mul3A_256, %add3A_9 : vector<2048x128xf32>
    %sub3A_258 = arith.constant 5.000000e-01 : f32
    %sub3A_259 = vector.broadcast %sub3A_258 : f32 to vector<2048x128xf32>
    %sub3A_260 = arith.subf %add3A_257, %sub3A_259 : vector<2048x128xf32>
    %get3A_261 = arith.constant 0 : index
    %get3A_262 = arith.constant 0 : index
    %get3A_263 = vector.load %arg9[%get3A_261, %get3A_262] : memref<2048x128xf32, #tpu.memory_space<vmem>>, vector<2048x128xf32>
    %mul3A_264 = arith.mulf %get3A_263, %convert_element_type3A_217 : vector<2048x128xf32>
    %add3A_265 = arith.addf %mul3A_264, %add3A_19 : vector<2048x128xf32>
    %sub3A_266 = arith.constant 5.000000e-01 : f32
    %sub3A_267 = vector.broadcast %sub3A_266 : f32 to vector<2048x128xf32>
    %sub3A_268 = arith.subf %add3A_265, %sub3A_267 : vector<2048x128xf32>
    %floor3A = math.floor %sub3A_260 : vector<2048x128xf32>
    %floor3A_269 = math.floor %sub3A_268 : vector<2048x128xf32>
    %sub3A_270 = arith.subf %sub3A_260, %floor3A : vector<2048x128xf32>
    %sub3A_271 = arith.subf %sub3A_268, %floor3A_269 : vector<2048x128xf32>
    %add3A_272 = arith.constant 0.000000e+00 : f32
    %add3A_273 = vector.broadcast %add3A_272 : f32 to vector<2048x128xf32>
    %add3A_274 = arith.addf %floor3A, %add3A_273 : vector<2048x128xf32>
    %add3A_275 = arith.constant 0.000000e+00 : f32
    %add3A_276 = vector.broadcast %add3A_275 : f32 to vector<2048x128xf32>
    %add3A_277 = arith.addf %floor3A_269, %add3A_276 : vector<2048x128xf32>
    %ge3A = arith.constant 0.000000e+00 : f32
    %ge3A_278 = vector.broadcast %ge3A : f32 to vector<2048x128xf32>
    %ge3A_279 = arith.cmpf oge, %add3A_274, %ge3A_278 : vector<2048x128xf32>
    %sub3A_280 = arith.constant 1.000000e+00 : f32
    %sub3A_281 = vector.broadcast %sub3A_280 : f32 to vector<2048x128xf32>
    %sub3A_282 = arith.subf %convert_element_type3A_216, %sub3A_281 : vector<2048x128xf32>
    %le3A = arith.cmpf ole, %add3A_274, %sub3A_282 : vector<2048x128xf32>
    %and3A_283 = arith.andi %ge3A_279, %le3A : vector<2048x128xi1>
    %ge3A_284 = arith.constant 0.000000e+00 : f32
    %ge3A_285 = vector.broadcast %ge3A_284 : f32 to vector<2048x128xf32>
    %ge3A_286 = arith.cmpf oge, %add3A_277, %ge3A_285 : vector<2048x128xf32>
    %and3A_287 = arith.andi %and3A_283, %ge3A_286 : vector<2048x128xi1>
    %sub3A_288 = arith.constant 1.000000e+00 : f32
    %sub3A_289 = vector.broadcast %sub3A_288 : f32 to vector<2048x128xf32>
    %sub3A_290 = arith.subf %convert_element_type3A_217, %sub3A_289 : vector<2048x128xf32>
    %le3A_291 = arith.cmpf ole, %add3A_277, %sub3A_290 : vector<2048x128xf32>
    %and3A_292 = arith.andi %and3A_287, %le3A_291 : vector<2048x128xi1>
    %sub3A_293 = arith.constant 1.000000e+00 : f32
    %sub3A_294 = vector.broadcast %sub3A_293 : f32 to vector<2048x128xf32>
    %sub3A_295 = arith.subf %convert_element_type3A_216, %sub3A_294 : vector<2048x128xf32>
    %jit3A_296 = arith.constant 0 : i32
    %convert_element_type3A_297 = arith.sitofp %jit3A_296 : i32 to f32
    %max3A = vector.broadcast %convert_element_type3A_297 : f32 to vector<2048x128xf32>
    %max3A_298 = arith.maximumf %max3A, %add3A_274 : vector<2048x128xf32>
    %min3A = arith.minimumf %sub3A_295, %max3A_298 : vector<2048x128xf32>
    %convert_element_type3A_299 = arith.fptosi %min3A : vector<2048x128xf32> to vector<2048x128xi32>
    %sub3A_300 = arith.constant 1.000000e+00 : f32
    %sub3A_301 = vector.broadcast %sub3A_300 : f32 to vector<2048x128xf32>
    %sub3A_302 = arith.subf %convert_element_type3A_217, %sub3A_301 : vector<2048x128xf32>
    %jit3A_303 = arith.constant 0 : i32
    %convert_element_type3A_304 = arith.sitofp %jit3A_303 : i32 to f32
    %max3A_305 = vector.broadcast %convert_element_type3A_304 : f32 to vector<2048x128xf32>
    %max3A_306 = arith.maximumf %max3A_305, %add3A_277 : vector<2048x128xf32>
    %min3A_307 = arith.minimumf %sub3A_302, %max3A_306 : vector<2048x128xf32>
    %convert_element_type3A_308 = arith.fptosi %min3A_307 : vector<2048x128xf32> to vector<2048x128xi32>
    %mul3A_309 = arith.muli %convert_element_type3A_308, %select_n3A_195 : vector<2048x128xi32>
    %add3A_310 = arith.addi %select_n3A_215, %mul3A_309 : vector<2048x128xi32>
    %add3A_311 = arith.addi %add3A_310, %convert_element_type3A_299 : vector<2048x128xi32>
    %mul3A_312 = arith.constant 87040 : i32
    %mul3A_313 = vector.broadcast %mul3A_312 : i32 to vector<2048x128xi32>
    %mul3A_314 = arith.muli %select_n3A_252, %mul3A_313 : vector<2048x128xi32>
    %add3A_315 = arith.addi %mul3A_314, %add3A_311 : vector<2048x128xi32>
    %mul3A_316 = arith.constant 8 : i32
    %mul3A_317 = vector.broadcast %mul3A_316 : i32 to vector<2048x128xi32>
    %mul3A_318 = arith.muli %add3A_315, %mul3A_317 : vector<2048x128xi32>
    %add3A_319 = arith.addi %mul3A_318, %select_n3A_175 : vector<2048x128xi32>
    %sub3A_320 = arith.constant 1.000000e+00 : f32
    %sub3A_321 = vector.broadcast %sub3A_320 : f32 to vector<2048x128xf32>
    %sub3A_322 = arith.subf %sub3A_321, %sub3A_270 : vector<2048x128xf32>
    %sub3A_323 = arith.constant 1.000000e+00 : f32
    %sub3A_324 = vector.broadcast %sub3A_323 : f32 to vector<2048x128xf32>
    %sub3A_325 = arith.subf %sub3A_324, %sub3A_271 : vector<2048x128xf32>
    %mul3A_326 = arith.mulf %sub3A_322, %sub3A_325 : vector<2048x128xf32>
    %mul3A_327 = arith.mulf %div3A_91, %mul3A_326 : vector<2048x128xf32>
    %jit3A_328 = arith.constant 0.000000e+00 : f32
    %broadcast_in_dim3A_329 = vector.broadcast %jit3A_328 : f32 to vector<2048x128xf32>
    %select_n3A_330 = arith.select %and3A_292, %mul3A_327, %broadcast_in_dim3A_329 : vector<2048x128xi1>, vector<2048x128xf32>
    %swap3A = arith.constant 0 : index
    %swap3A_331 = arith.constant 0 : index
    %swap3A_332 = arith.constant 0 : index
    %swap3A_333 = vector.load %arg10[%swap3A, %swap3A_331, %swap3A_332] : memref<4x2048x128xi32, #tpu.memory_space<vmem>>, vector<1x2048x128xi32>
    %swap3A_334 = vector.shape_cast %swap3A_333 : vector<1x2048x128xi32> to vector<2048x128xi32>
    %swap3A_335 = vector.shape_cast %add3A_319 : vector<2048x128xi32> to vector<1x2048x128xi32>
    tpu.vector_store %arg10[%swap3A, %swap3A_331, %swap3A_332], %swap3A_335 {strides = array<i32>} : memref<4x2048x128xi32, #tpu.memory_space<vmem>>, vector<1x2048x128xi32>,
    %swap3A_336 = arith.constant 0 : index
    %swap3A_337 = arith.constant 0 : index
    %swap3A_338 = arith.constant 0 : index
    %swap3A_339 = vector.load %arg11[%swap3A_336, %swap3A_337, %swap3A_338] : memref<4x2048x128xf32, #tpu.memory_space<vmem>>, vector<1x2048x128xf32>
    %swap3A_340 = vector.shape_cast %swap3A_339 : vector<1x2048x128xf32> to vector<2048x128xf32>
    %swap3A_341 = vector.shape_cast %select_n3A_330 : vector<2048x128xf32> to vector<1x2048x128xf32>
    tpu.vector_store %arg11[%swap3A_336, %swap3A_337, %swap3A_338], %swap3A_341 {strides = array<i32>} : memref<4x2048x128xf32, #tpu.memory_space<vmem>>, vector<1x2048x128xf32>,
    %add3A_342 = arith.constant 1.000000e+00 : f32
    %add3A_343 = vector.broadcast %add3A_342 : f32 to vector<2048x128xf32>
    %add3A_344 = arith.addf %floor3A, %add3A_343 : vector<2048x128xf32>
    %add3A_345 = arith.constant 0.000000e+00 : f32
    %add3A_346 = vector.broadcast %add3A_345 : f32 to vector<2048x128xf32>
    %add3A_347 = arith.addf %floor3A_269, %add3A_346 : vector<2048x128xf32>
    %ge3A_348 = arith.constant 0.000000e+00 : f32
    %ge3A_349 = vector.broadcast %ge3A_348 : f32 to vector<2048x128xf32>
    %ge3A_350 = arith.cmpf oge, %add3A_344, %ge3A_349 : vector<2048x128xf32>
    %sub3A_351 = arith.constant 1.000000e+00 : f32
    %sub3A_352 = vector.broadcast %sub3A_351 : f32 to vector<2048x128xf32>
    %sub3A_353 = arith.subf %convert_element_type3A_216, %sub3A_352 : vector<2048x128xf32>
    %le3A_354 = arith.cmpf ole, %add3A_344, %sub3A_353 : vector<2048x128xf32>
    %and3A_355 = arith.andi %ge3A_350, %le3A_354 : vector<2048x128xi1>
    %ge3A_356 = arith.constant 0.000000e+00 : f32
    %ge3A_357 = vector.broadcast %ge3A_356 : f32 to vector<2048x128xf32>
    %ge3A_358 = arith.cmpf oge, %add3A_347, %ge3A_357 : vector<2048x128xf32>
    %and3A_359 = arith.andi %and3A_355, %ge3A_358 : vector<2048x128xi1>
    %sub3A_360 = arith.constant 1.000000e+00 : f32
    %sub3A_361 = vector.broadcast %sub3A_360 : f32 to vector<2048x128xf32>
    %sub3A_362 = arith.subf %convert_element_type3A_217, %sub3A_361 : vector<2048x128xf32>
    %le3A_363 = arith.cmpf ole, %add3A_347, %sub3A_362 : vector<2048x128xf32>
    %and3A_364 = arith.andi %and3A_359, %le3A_363 : vector<2048x128xi1>
    %sub3A_365 = arith.constant 1.000000e+00 : f32
    %sub3A_366 = vector.broadcast %sub3A_365 : f32 to vector<2048x128xf32>
    %sub3A_367 = arith.subf %convert_element_type3A_216, %sub3A_366 : vector<2048x128xf32>
    %jit3A_368 = arith.constant 0 : i32
    %convert_element_type3A_369 = arith.sitofp %jit3A_368 : i32 to f32
    %max3A_370 = vector.broadcast %convert_element_type3A_369 : f32 to vector<2048x128xf32>
    %max3A_371 = arith.maximumf %max3A_370, %add3A_344 : vector<2048x128xf32>
    %min3A_372 = arith.minimumf %sub3A_367, %max3A_371 : vector<2048x128xf32>
    %convert_element_type3A_373 = arith.fptosi %min3A_372 : vector<2048x128xf32> to vector<2048x128xi32>
    %sub3A_374 = arith.constant 1.000000e+00 : f32
    %sub3A_375 = vector.broadcast %sub3A_374 : f32 to vector<2048x128xf32>
    %sub3A_376 = arith.subf %convert_element_type3A_217, %sub3A_375 : vector<2048x128xf32>
    %jit3A_377 = arith.constant 0 : i32
    %convert_element_type3A_378 = arith.sitofp %jit3A_377 : i32 to f32
    %max3A_379 = vector.broadcast %convert_element_type3A_378 : f32 to vector<2048x128xf32>
    %max3A_380 = arith.maximumf %max3A_379, %add3A_347 : vector<2048x128xf32>
    %min3A_381 = arith.minimumf %sub3A_376, %max3A_380 : vector<2048x128xf32>
    %convert_element_type3A_382 = arith.fptosi %min3A_381 : vector<2048x128xf32> to vector<2048x128xi32>
    %mul3A_383 = arith.muli %convert_element_type3A_382, %select_n3A_195 : vector<2048x128xi32>
    %add3A_384 = arith.addi %select_n3A_215, %mul3A_383 : vector<2048x128xi32>
    %add3A_385 = arith.addi %add3A_384, %convert_element_type3A_373 : vector<2048x128xi32>
    %mul3A_386 = arith.constant 87040 : i32
    %mul3A_387 = vector.broadcast %mul3A_386 : i32 to vector<2048x128xi32>
    %mul3A_388 = arith.muli %select_n3A_252, %mul3A_387 : vector<2048x128xi32>
    %add3A_389 = arith.addi %mul3A_388, %add3A_385 : vector<2048x128xi32>
    %mul3A_390 = arith.constant 8 : i32
    %mul3A_391 = vector.broadcast %mul3A_390 : i32 to vector<2048x128xi32>
    %mul3A_392 = arith.muli %add3A_389, %mul3A_391 : vector<2048x128xi32>
    %add3A_393 = arith.addi %mul3A_392, %select_n3A_175 : vector<2048x128xi32>
    %sub3A_394 = arith.constant 1.000000e+00 : f32
    %sub3A_395 = vector.broadcast %sub3A_394 : f32 to vector<2048x128xf32>
    %sub3A_396 = arith.subf %sub3A_395, %sub3A_271 : vector<2048x128xf32>
    %mul3A_397 = arith.mulf %sub3A_270, %sub3A_396 : vector<2048x128xf32>
    %mul3A_398 = arith.mulf %div3A_91, %mul3A_397 : vector<2048x128xf32>
    %jit3A_399 = arith.constant 0.000000e+00 : f32
    %broadcast_in_dim3A_400 = vector.broadcast %jit3A_399 : f32 to vector<2048x128xf32>
    %select_n3A_401 = arith.select %and3A_364, %mul3A_398, %broadcast_in_dim3A_400 : vector<2048x128xi1>, vector<2048x128xf32>
    %swap3A_402 = arith.constant 1 : index
    %swap3A_403 = arith.constant 0 : index
    %swap3A_404 = arith.constant 0 : index
    %swap3A_405 = vector.load %arg10[%swap3A_402, %swap3A_403, %swap3A_404] : memref<4x2048x128xi32, #tpu.memory_space<vmem>>, vector<1x2048x128xi32>
    %swap3A_406 = vector.shape_cast %swap3A_405 : vector<1x2048x128xi32> to vector<2048x128xi32>
    %swap3A_407 = vector.shape_cast %add3A_393 : vector<2048x128xi32> to vector<1x2048x128xi32>
    tpu.vector_store %arg10[%swap3A_402, %swap3A_403, %swap3A_404], %swap3A_407 {strides = array<i32>} : memref<4x2048x128xi32, #tpu.memory_space<vmem>>, vector<1x2048x128xi32>,
    %swap3A_408 = arith.constant 1 : index
    %swap3A_409 = arith.constant 0 : index
    %swap3A_410 = arith.constant 0 : index
    %swap3A_411 = vector.load %arg11[%swap3A_408, %swap3A_409, %swap3A_410] : memref<4x2048x128xf32, #tpu.memory_space<vmem>>, vector<1x2048x128xf32>
    %swap3A_412 = vector.shape_cast %swap3A_411 : vector<1x2048x128xf32> to vector<2048x128xf32>
    %swap3A_413 = vector.shape_cast %select_n3A_401 : vector<2048x128xf32> to vector<1x2048x128xf32>
    tpu.vector_store %arg11[%swap3A_408, %swap3A_409, %swap3A_410], %swap3A_413 {strides = array<i32>} : memref<4x2048x128xf32, #tpu.memory_space<vmem>>, vector<1x2048x128xf32>,
    %add3A_414 = arith.constant 0.000000e+00 : f32
    %add3A_415 = vector.broadcast %add3A_414 : f32 to vector<2048x128xf32>
    %add3A_416 = arith.addf %floor3A, %add3A_415 : vector<2048x128xf32>
    %add3A_417 = arith.constant 1.000000e+00 : f32
    %add3A_418 = vector.broadcast %add3A_417 : f32 to vector<2048x128xf32>
    %add3A_419 = arith.addf %floor3A_269, %add3A_418 : vector<2048x128xf32>
    %ge3A_420 = arith.constant 0.000000e+00 : f32
    %ge3A_421 = vector.broadcast %ge3A_420 : f32 to vector<2048x128xf32>
    %ge3A_422 = arith.cmpf oge, %add3A_416, %ge3A_421 : vector<2048x128xf32>
    %sub3A_423 = arith.constant 1.000000e+00 : f32
    %sub3A_424 = vector.broadcast %sub3A_423 : f32 to vector<2048x128xf32>
    %sub3A_425 = arith.subf %convert_element_type3A_216, %sub3A_424 : vector<2048x128xf32>
    %le3A_426 = arith.cmpf ole, %add3A_416, %sub3A_425 : vector<2048x128xf32>
    %and3A_427 = arith.andi %ge3A_422, %le3A_426 : vector<2048x128xi1>
    %ge3A_428 = arith.constant 0.000000e+00 : f32
    %ge3A_429 = vector.broadcast %ge3A_428 : f32 to vector<2048x128xf32>
    %ge3A_430 = arith.cmpf oge, %add3A_419, %ge3A_429 : vector<2048x128xf32>
    %and3A_431 = arith.andi %and3A_427, %ge3A_430 : vector<2048x128xi1>
    %sub3A_432 = arith.constant 1.000000e+00 : f32
    %sub3A_433 = vector.broadcast %sub3A_432 : f32 to vector<2048x128xf32>
    %sub3A_434 = arith.subf %convert_element_type3A_217, %sub3A_433 : vector<2048x128xf32>
    %le3A_435 = arith.cmpf ole, %add3A_419, %sub3A_434 : vector<2048x128xf32>
    %and3A_436 = arith.andi %and3A_431, %le3A_435 : vector<2048x128xi1>
    %sub3A_437 = arith.constant 1.000000e+00 : f32
    %sub3A_438 = vector.broadcast %sub3A_437 : f32 to vector<2048x128xf32>
    %sub3A_439 = arith.subf %convert_element_type3A_216, %sub3A_438 : vector<2048x128xf32>
    %jit3A_440 = arith.constant 0 : i32
    %convert_element_type3A_441 = arith.sitofp %jit3A_440 : i32 to f32
    %max3A_442 = vector.broadcast %convert_element_type3A_441 : f32 to vector<2048x128xf32>
    %max3A_443 = arith.maximumf %max3A_442, %add3A_416 : vector<2048x128xf32>
    %min3A_444 = arith.minimumf %sub3A_439, %max3A_443 : vector<2048x128xf32>
    %convert_element_type3A_445 = arith.fptosi %min3A_444 : vector<2048x128xf32> to vector<2048x128xi32>
    %sub3A_446 = arith.constant 1.000000e+00 : f32
    %sub3A_447 = vector.broadcast %sub3A_446 : f32 to vector<2048x128xf32>
    %sub3A_448 = arith.subf %convert_element_type3A_217, %sub3A_447 : vector<2048x128xf32>
    %jit3A_449 = arith.constant 0 : i32
    %convert_element_type3A_450 = arith.sitofp %jit3A_449 : i32 to f32
    %max3A_451 = vector.broadcast %convert_element_type3A_450 : f32 to vector<2048x128xf32>
    %max3A_452 = arith.maximumf %max3A_451, %add3A_419 : vector<2048x128xf32>
    %min3A_453 = arith.minimumf %sub3A_448, %max3A_452 : vector<2048x128xf32>
    %convert_element_type3A_454 = arith.fptosi %min3A_453 : vector<2048x128xf32> to vector<2048x128xi32>
    %mul3A_455 = arith.muli %convert_element_type3A_454, %select_n3A_195 : vector<2048x128xi32>
    %add3A_456 = arith.addi %select_n3A_215, %mul3A_455 : vector<2048x128xi32>
    %add3A_457 = arith.addi %add3A_456, %convert_element_type3A_445 : vector<2048x128xi32>
    %mul3A_458 = arith.constant 87040 : i32
    %mul3A_459 = vector.broadcast %mul3A_458 : i32 to vector<2048x128xi32>
    %mul3A_460 = arith.muli %select_n3A_252, %mul3A_459 : vector<2048x128xi32>
    %add3A_461 = arith.addi %mul3A_460, %add3A_457 : vector<2048x128xi32>
    %mul3A_462 = arith.constant 8 : i32
    %mul3A_463 = vector.broadcast %mul3A_462 : i32 to vector<2048x128xi32>
    %mul3A_464 = arith.muli %add3A_461, %mul3A_463 : vector<2048x128xi32>
    %add3A_465 = arith.addi %mul3A_464, %select_n3A_175 : vector<2048x128xi32>
    %sub3A_466 = arith.constant 1.000000e+00 : f32
    %sub3A_467 = vector.broadcast %sub3A_466 : f32 to vector<2048x128xf32>
    %sub3A_468 = arith.subf %sub3A_467, %sub3A_270 : vector<2048x128xf32>
    %mul3A_469 = arith.mulf %sub3A_468, %sub3A_271 : vector<2048x128xf32>
    %mul3A_470 = arith.mulf %div3A_91, %mul3A_469 : vector<2048x128xf32>
    %jit3A_471 = arith.constant 0.000000e+00 : f32
    %broadcast_in_dim3A_472 = vector.broadcast %jit3A_471 : f32 to vector<2048x128xf32>
    %select_n3A_473 = arith.select %and3A_436, %mul3A_470, %broadcast_in_dim3A_472 : vector<2048x128xi1>, vector<2048x128xf32>
    %swap3A_474 = arith.constant 2 : index
    %swap3A_475 = arith.constant 0 : index
    %swap3A_476 = arith.constant 0 : index
    %swap3A_477 = vector.load %arg10[%swap3A_474, %swap3A_475, %swap3A_476] : memref<4x2048x128xi32, #tpu.memory_space<vmem>>, vector<1x2048x128xi32>
    %swap3A_478 = vector.shape_cast %swap3A_477 : vector<1x2048x128xi32> to vector<2048x128xi32>
    %swap3A_479 = vector.shape_cast %add3A_465 : vector<2048x128xi32> to vector<1x2048x128xi32>
    tpu.vector_store %arg10[%swap3A_474, %swap3A_475, %swap3A_476], %swap3A_479 {strides = array<i32>} : memref<4x2048x128xi32, #tpu.memory_space<vmem>>, vector<1x2048x128xi32>,
    %swap3A_480 = arith.constant 2 : index
    %swap3A_481 = arith.constant 0 : index
    %swap3A_482 = arith.constant 0 : index
    %swap3A_483 = vector.load %arg11[%swap3A_480, %swap3A_481, %swap3A_482] : memref<4x2048x128xf32, #tpu.memory_space<vmem>>, vector<1x2048x128xf32>
    %swap3A_484 = vector.shape_cast %swap3A_483 : vector<1x2048x128xf32> to vector<2048x128xf32>
    %swap3A_485 = vector.shape_cast %select_n3A_473 : vector<2048x128xf32> to vector<1x2048x128xf32>
    tpu.vector_store %arg11[%swap3A_480, %swap3A_481, %swap3A_482], %swap3A_485 {strides = array<i32>} : memref<4x2048x128xf32, #tpu.memory_space<vmem>>, vector<1x2048x128xf32>,
    %add3A_486 = arith.constant 1.000000e+00 : f32
    %add3A_487 = vector.broadcast %add3A_486 : f32 to vector<2048x128xf32>
    %add3A_488 = arith.addf %floor3A, %add3A_487 : vector<2048x128xf32>
    %add3A_489 = arith.constant 1.000000e+00 : f32
    %add3A_490 = vector.broadcast %add3A_489 : f32 to vector<2048x128xf32>
    %add3A_491 = arith.addf %floor3A_269, %add3A_490 : vector<2048x128xf32>
    %ge3A_492 = arith.constant 0.000000e+00 : f32
    %ge3A_493 = vector.broadcast %ge3A_492 : f32 to vector<2048x128xf32>
    %ge3A_494 = arith.cmpf oge, %add3A_488, %ge3A_493 : vector<2048x128xf32>
    %sub3A_495 = arith.constant 1.000000e+00 : f32
    %sub3A_496 = vector.broadcast %sub3A_495 : f32 to vector<2048x128xf32>
    %sub3A_497 = arith.subf %convert_element_type3A_216, %sub3A_496 : vector<2048x128xf32>
    %le3A_498 = arith.cmpf ole, %add3A_488, %sub3A_497 : vector<2048x128xf32>
    %and3A_499 = arith.andi %ge3A_494, %le3A_498 : vector<2048x128xi1>
    %ge3A_500 = arith.constant 0.000000e+00 : f32
    %ge3A_501 = vector.broadcast %ge3A_500 : f32 to vector<2048x128xf32>
    %ge3A_502 = arith.cmpf oge, %add3A_491, %ge3A_501 : vector<2048x128xf32>
    %and3A_503 = arith.andi %and3A_499, %ge3A_502 : vector<2048x128xi1>
    %sub3A_504 = arith.constant 1.000000e+00 : f32
    %sub3A_505 = vector.broadcast %sub3A_504 : f32 to vector<2048x128xf32>
    %sub3A_506 = arith.subf %convert_element_type3A_217, %sub3A_505 : vector<2048x128xf32>
    %le3A_507 = arith.cmpf ole, %add3A_491, %sub3A_506 : vector<2048x128xf32>
    %and3A_508 = arith.andi %and3A_503, %le3A_507 : vector<2048x128xi1>
    %sub3A_509 = arith.constant 1.000000e+00 : f32
    %sub3A_510 = vector.broadcast %sub3A_509 : f32 to vector<2048x128xf32>
    %sub3A_511 = arith.subf %convert_element_type3A_216, %sub3A_510 : vector<2048x128xf32>
    %jit3A_512 = arith.constant 0 : i32
    %convert_element_type3A_513 = arith.sitofp %jit3A_512 : i32 to f32
    %max3A_514 = vector.broadcast %convert_element_type3A_513 : f32 to vector<2048x128xf32>
    %max3A_515 = arith.maximumf %max3A_514, %add3A_488 : vector<2048x128xf32>
    %min3A_516 = arith.minimumf %sub3A_511, %max3A_515 : vector<2048x128xf32>
    %convert_element_type3A_517 = arith.fptosi %min3A_516 : vector<2048x128xf32> to vector<2048x128xi32>
    %sub3A_518 = arith.constant 1.000000e+00 : f32
    %sub3A_519 = vector.broadcast %sub3A_518 : f32 to vector<2048x128xf32>
    %sub3A_520 = arith.subf %convert_element_type3A_217, %sub3A_519 : vector<2048x128xf32>
    %jit3A_521 = arith.constant 0 : i32
    %convert_element_type3A_522 = arith.sitofp %jit3A_521 : i32 to f32
    %max3A_523 = vector.broadcast %convert_element_type3A_522 : f32 to vector<2048x128xf32>
    %max3A_524 = arith.maximumf %max3A_523, %add3A_491 : vector<2048x128xf32>
    %min3A_525 = arith.minimumf %sub3A_520, %max3A_524 : vector<2048x128xf32>
    %convert_element_type3A_526 = arith.fptosi %min3A_525 : vector<2048x128xf32> to vector<2048x128xi32>
    %mul3A_527 = arith.muli %convert_element_type3A_526, %select_n3A_195 : vector<2048x128xi32>
    %add3A_528 = arith.addi %select_n3A_215, %mul3A_527 : vector<2048x128xi32>
    %add3A_529 = arith.addi %add3A_528, %convert_element_type3A_517 : vector<2048x128xi32>
    %mul3A_530 = arith.constant 87040 : i32
    %mul3A_531 = vector.broadcast %mul3A_530 : i32 to vector<2048x128xi32>
    %mul3A_532 = arith.muli %select_n3A_252, %mul3A_531 : vector<2048x128xi32>
    %add3A_533 = arith.addi %mul3A_532, %add3A_529 : vector<2048x128xi32>
    %mul3A_534 = arith.constant 8 : i32
    %mul3A_535 = vector.broadcast %mul3A_534 : i32 to vector<2048x128xi32>
    %mul3A_536 = arith.muli %add3A_533, %mul3A_535 : vector<2048x128xi32>
    %add3A_537 = arith.addi %mul3A_536, %select_n3A_175 : vector<2048x128xi32>
    %mul3A_538 = arith.mulf %sub3A_270, %sub3A_271 : vector<2048x128xf32>
    %mul3A_539 = arith.mulf %div3A_91, %mul3A_538 : vector<2048x128xf32>
    %jit3A_540 = arith.constant 0.000000e+00 : f32
    %broadcast_in_dim3A_541 = vector.broadcast %jit3A_540 : f32 to vector<2048x128xf32>
    %select_n3A_542 = arith.select %and3A_508, %mul3A_539, %broadcast_in_dim3A_541 : vector<2048x128xi1>, vector<2048x128xf32>
    %swap3A_543 = arith.constant 3 : index
    %swap3A_544 = arith.constant 0 : index
    %swap3A_545 = arith.constant 0 : index
    %swap3A_546 = vector.load %arg10[%swap3A_543, %swap3A_544, %swap3A_545] : memref<4x2048x128xi32, #tpu.memory_space<vmem>>, vector<1x2048x128xi32>
    %swap3A_547 = vector.shape_cast %swap3A_546 : vector<1x2048x128xi32> to vector<2048x128xi32>
    %swap3A_548 = vector.shape_cast %add3A_537 : vector<2048x128xi32> to vector<1x2048x128xi32>
    tpu.vector_store %arg10[%swap3A_543, %swap3A_544, %swap3A_545], %swap3A_548 {strides = array<i32>} : memref<4x2048x128xi32, #tpu.memory_space<vmem>>, vector<1x2048x128xi32>,
    %swap3A_549 = arith.constant 3 : index
    %swap3A_550 = arith.constant 0 : index
    %swap3A_551 = arith.constant 0 : index
    %swap3A_552 = vector.load %arg11[%swap3A_549, %swap3A_550, %swap3A_551] : memref<4x2048x128xf32, #tpu.memory_space<vmem>>, vector<1x2048x128xf32>
    %swap3A_553 = vector.shape_cast %swap3A_552 : vector<1x2048x128xf32> to vector<2048x128xf32>
    %swap3A_554 = vector.shape_cast %select_n3A_542 : vector<2048x128xf32> to vector<1x2048x128xf32>
    tpu.vector_store %arg11[%swap3A_549, %swap3A_550, %swap3A_551], %swap3A_554 {strides = array<i32>} : memref<4x2048x128xf32, #tpu.memory_space<vmem>>, vector<1x2048x128xf32>,
    return
  }
  func.func @transform_0(%arg0: i32) -> (i32, i32) {
    %c0_i32 = arith.constant 0 : i32
    %c0_i32_0 = arith.constant 0 : i32
    return %arg0, %c0_i32 : i32, i32
  }
  func.func @transform_1(%arg0: i32) -> (i32, i32) {
    %c0_i32 = arith.constant 0 : i32
    %c0_i32_0 = arith.constant 0 : i32
    %c0_i32_1 = arith.constant 0 : i32
    return %c0_i32, %c0_i32_0 : i32, i32
  }
  func.func @transform_2(%arg0: i32) -> (i32, i32) {
    %c0_i32 = arith.constant 0 : i32
    %c0_i32_0 = arith.constant 0 : i32
    %c0_i32_1 = arith.constant 0 : i32
    return %c0_i32, %c0_i32_0 : i32, i32
  }
  func.func @transform_3(%arg0: i32) -> (i32, i32) {
    %c0_i32 = arith.constant 0 : i32
    %c0_i32_0 = arith.constant 0 : i32
    %c0_i32_1 = arith.constant 0 : i32
    return %c0_i32, %c0_i32_0 : i32, i32
  }
  func.func @transform_4(%arg0: i32) -> (i32, i32) {
    %c0_i32 = arith.constant 0 : i32
    %c0_i32_0 = arith.constant 0 : i32
    %c0_i32_1 = arith.constant 0 : i32
    return %c0_i32, %c0_i32_0 : i32, i32
  }
  func.func @transform_5(%arg0: i32) -> (i32, i32) {
    %c0_i32 = arith.constant 0 : i32
    %c0_i32_0 = arith.constant 0 : i32
    %c0_i32_1 = arith.constant 0 : i32
    return %c0_i32, %c0_i32_0 : i32, i32
  }
  func.func @transform_6(%arg0: i32) -> (i32, i32) {
    %c0_i32 = arith.constant 0 : i32
    %c0_i32_0 = arith.constant 0 : i32
    %c0_i32_1 = arith.constant 0 : i32
    return %c0_i32, %c0_i32_0 : i32, i32
  }
  func.func @transform_7(%arg0: i32) -> (i32, i32) {
    %c0_i32 = arith.constant 0 : i32
    %c0_i32_0 = arith.constant 0 : i32
    return %arg0, %c0_i32 : i32, i32
  }
  func.func @transform_8(%arg0: i32) -> (i32, i32) {
    %c0_i32 = arith.constant 0 : i32
    %c0_i32_0 = arith.constant 0 : i32
    return %arg0, %c0_i32 : i32, i32
  }
  func.func @transform_9(%arg0: i32) -> (i32, i32, i32) {
    %c0_i32 = arith.constant 0 : i32
    %c0_i32_0 = arith.constant 0 : i32
    %c0_i32_1 = arith.constant 0 : i32
    return %c0_i32, %arg0, %c0_i32_0 : i32, i32, i32
  }
  func.func @transform_10(%arg0: i32) -> (i32, i32, i32) {
    %c0_i32 = arith.constant 0 : i32
    %c0_i32_0 = arith.constant 0 : i32
    %c0_i32_1 = arith.constant 0 : i32
    return %c0_i32, %arg0, %c0_i32_0 : i32, i32, i32
  }
}

module attributes {stable_mosaic.version = 14 : i64} {
  func.func @_mm_bias_kernel(%arg0: i32, %arg1: memref<1024x256xf32, #tpu.memory_space<vmem>>, %arg2: memref<256x256xf32, #tpu.memory_space<vmem>>, %arg3: memref<1x256xf32, #tpu.memory_space<vmem>>, %arg4: memref<1024x256xf32, #tpu.memory_space<vmem>>) attributes {dimension_semantics = [#tpu.dimension_semantics<arbitrary>], iteration_bounds = array<i64: 2>, scalar_prefetch = 0 : i64, scratch_operands = 0 : i64, tpu.core_type = #tpu.core_type<tc>, window_params = [{transform_indices = @transform_0, window_bounds = array<i64: 1024, 256>}, {pipeline_mode = #tpu.pipeline_mode<synchronous>, transform_indices = @transform_1, window_bounds = array<i64: 256, 256>}, {pipeline_mode = #tpu.pipeline_mode<synchronous>, transform_indices = @transform_2, window_bounds = array<i64: 1, 256>}, {transform_indices = @transform_3, window_bounds = array<i64: 1024, 256>}]} {
    %get3A = arith.constant 0 : index
    %get3A_0 = arith.constant 0 : index
    %get3A_1 = vector.load %arg1[%get3A, %get3A_0] : memref<1024x256xf32, #tpu.memory_space<vmem>>, vector<1024x256xf32>
    %get3A_2 = arith.constant 0 : index
    %get3A_3 = arith.constant 0 : index
    %get3A_4 = vector.load %arg2[%get3A_2, %get3A_3] : memref<256x256xf32, #tpu.memory_space<vmem>>, vector<256x256xf32>
    %dot_general3A = arith.constant dense<0.000000e+00> : vector<1024x256xf32>
    %dot_general3A_5 = tpu.matmul %get3A_1, %get3A_4, %dot_general3A {dimension_numbers = #tpu.dot_dimension_numbers<[1], [0], [0], [1], [0, 0, 1, 1], [], []>, transpose_lhs_hint = false} : vector<1024x256xf32>, vector<256x256xf32>, vector<1024x256xf32> -> vector<1024x256xf32>
    %get3A_6 = arith.constant 0 : index
    %get3A_7 = arith.constant 0 : index
    %get3A_8 = vector.load %arg3[%get3A_6, %get3A_7] : memref<1x256xf32, #tpu.memory_space<vmem>>, vector<1x256xf32>
    %add3A = vector.broadcast %get3A_8 : vector<1x256xf32> to vector<1024x256xf32>
    %add3A_9 = arith.addf %dot_general3A_5, %add3A : vector<1024x256xf32>
    %swap3A = arith.constant 0 : index
    %swap3A_10 = arith.constant 0 : index
    %swap3A_11 = vector.load %arg4[%swap3A, %swap3A_10] : memref<1024x256xf32, #tpu.memory_space<vmem>>, vector<1024x256xf32>
    tpu.vector_store %arg4[%swap3A, %swap3A_10], %add3A_9 {strides = array<i32>} : memref<1024x256xf32, #tpu.memory_space<vmem>>, vector<1024x256xf32>,
    return
  }
  func.func @transform_0(%arg0: i32) -> (i32, i32) {
    %c0_i32 = arith.constant 0 : i32
    %c0_i32_0 = arith.constant 0 : i32
    return %arg0, %c0_i32 : i32, i32
  }
  func.func @transform_1(%arg0: i32) -> (i32, i32) {
    %c0_i32 = arith.constant 0 : i32
    %c0_i32_0 = arith.constant 0 : i32
    %c0_i32_1 = arith.constant 0 : i32
    return %c0_i32, %c0_i32_0 : i32, i32
  }
  func.func @transform_2(%arg0: i32) -> (i32, i32) {
    %c0_i32 = arith.constant 0 : i32
    %c0_i32_0 = arith.constant 0 : i32
    %c0_i32_1 = arith.constant 0 : i32
    return %c0_i32, %c0_i32_0 : i32, i32
  }
  func.func @transform_3(%arg0: i32) -> (i32, i32) {
    %c0_i32 = arith.constant 0 : i32
    %c0_i32_0 = arith.constant 0 : i32
    return %arg0, %c0_i32 : i32, i32
  }
}

</mosaic_0001>

<sc_bundles>
// kernel: kernel.6.cloned.1.call-start
scs
__scs_entry_jumppad:
0x0: {  	(pc) =	sbr.rel $0x88, $3  }
0x1: {  	(tag) =	ssettag $0x0;
	lr =	simm.s32 $0x1  }
0x2: {  	[smem:$0x3F96] =	sst lr;
	_ =	strace $0xD0000000  }
0x3: {  	_ = 	snop  }
0x4: {  	_ = 	snop  }
0x5: {  	_ = 	snop  }
0x6: {  	_ = 	snop  }
0x7: {  	_ = 	snop  }
__scs_overlays_trampoline_lowered:
0x8: {  	[smem:$0x3FA5] =	sst s0  }
0x9: {  	[smem:$0x3FA6] =	sst s1  }
0xa: {  	[smem:$0x3FA7] =	sst s2  }
0xb: {  	[smem:$0x3FA8] =	sst s3  }
0xc: {  	[smem:$0x3FA9] =	sst s4  }
0xd: {  	[smem:$0x3FAA] =	sst s5  }
0xe: {  	[smem:$0x3FAB] =	sst s6  }
0xf: {  	[smem:$0x3FAC] =	sst s7  }
0x10: {  	[smem:$0x3FAD] =	sst s8  }
0x11: {  	[smem:$0x3FAE] =	sst s9;
	s0 =	simm.s32 @!p0 $0x0  }
0x12: {  	s1 =	sld [smem:$0x3F94];
	s0 =	simm.s32 @p0 $0x1  }
0x13: {  	[smem:$0x3FAF] =	sst s0;
	s0 =	simm.s32 @!p1 $0x0  }
0x14: {  	s2 =	sld [smem:$0x3F93];
	s0 =	simm.s32 @p1 $0x1  }
0x15: {  	[smem:$0x3FB0] =	sst s0;
	s0 =	simm.s32 @!p2 $0x0  }
0x16: {  	s3 =	sld [smem:$0x3FDB];
	s0 =	simm.s32 @p2 $0x1  }
0x17: {  	s4 =	simm.s32 $0x1BF5;
	[smem:$0x3FB2] =	sst s0  }
0x18: {  	s0 =	sld [smem:$0x3F95];
	_ =	swait.ge [sflag:s4], $0x0  }
0x19: {  	s7 =	sld [smem:$0x3F96]  }
0x1a: {  	s8 =	sadd.s32 $0xFFFFE003, lr  }
0x1b: {  	s9 =	sadd.s32 $0xFFFFFEF7, lr;
	s5 =	simm.s32 $0xFFFFFFFF;
	p2 =	slt.u32 s8, $0xFFFFF086  }
0x1c: {  	p1 =	slt.u32 s9, $0xF7A;
	s5 =	simm.s32 @!p2 $0x0  }
0x1d: {  	s5 =	simm.s32 @p1 $0x1;
	p0 =	seq.s32 s7, s2  }
0x1e: {  	s7 =	smul.u32 @!p0 $0xF7A, s2;
	p2 =	seq.s32 @!p0 s5, $0x0  }
0x1f: {  	s9 =	smul.u32 $0xF7A, s1;
	s8 =	simm.s32 @!p0 $0x1BF5;
	p2 =	por !p2, p0  }
0x20: {  	[sflag:s8] =	ssyncset.s32 @!p0 $0xFFFFF086;
	s6 =	sadd.s32 @!p0 s3, s7;
	s7 =	simm.s32 @!p0 $0x108  }
0x21: {  	s3 =	sadd.s32 s3, s9;
	s6 =	sadd.s32 @!p0 $0x88, s6;
	s7 =	simm.s32 @p2 $0x1082  }
0x22: {  	[simem:s7], [sflag:s8] =	dma.local @!p0 [hbm:s6], $0xF7A  }
0x23: {  	s9 =	sor.u32 $0xD0000000, s2;
	s6 =	simm.s32 $0x108;
	_ =	swait.ge @!p0 [sflag:s8], $0x0  }
0x24: {  	s3 =	sadd.s32 $0x88, s3;
	s6 =	simm.s32 @!p1 $0x1082;
	[sflag:s4] =	ssyncset.s32 $0xFFFFF086  }
0x25: {  	[simem:s6], [sflag:s4] =	dma.local [hbm:s3], $0xF7A  }
0x26: {  	[smem:$0x3F96] =	sst s1;
	(tag) =	ssettag s2;
	_ =	strace s9  }
0x27: {  	s1 =	sld [smem:$0x3FA6]  }
0x28: {  	s2 =	sld [smem:$0x3FA7]  }
0x29: {  	s4 =	sld [smem:$0x3FA9]  }
0x2a: {  	p0 =	seq.s32 s5, $0x0;
	s5 =	sld [smem:$0x3FAA]  }
0x2b: {  	s6 =	sld [smem:$0x3FAB]  }
0x2c: {  	s7 =	sld [smem:$0x3FAC]  }
0x2d: {  	s3 =	simm.s32 $0x108;
	s8 =	sld [smem:$0x3FAD]  }
0x2e: {  	s3 =	simm.s32 @!p0 $0x1082;
	s9 =	sld [smem:$0x3FAE]  }
0x2f: {  	lr =	sadd.s32 s0, s3;
	s0 =	sld [smem:$0x3FA5]  }
0x30: {  	s3 =	sld [smem:$0x3FA8]  }
0x31: {  	[smem:$0x3FB1] =	sst s10  }
0x32: {  	s10 =	sld [smem:$0x3FAF];
	_ =	sdelay $0x3  }
0x33: {  	p0 =	seq.s32 s10, $0x1;
	s10 =	sld [smem:$0x3FB1];
	_ =	sdelay $0x3  }
0x34: {  	[smem:$0x3FB1] =	sst s10  }
0x35: {  	s10 =	sld [smem:$0x3FB0];
	_ =	sdelay $0x3  }
0x36: {  	p1 =	seq.s32 s10, $0x1;
	s10 =	sld [smem:$0x3FB1];
	_ =	sdelay $0x3  }
0x37: {  	[smem:$0x3FB1] =	sst s10  }
0x38: {  	s10 =	sld [smem:$0x3FB2]  }
0x39: {  	_ = 	snop;
	(pc) =	sbr.ind lr, $3  }
0x3a: {  	_ = 	snop  }
0x3b: {  	_ = 	snop  }
0x3c: {  	p2 =	seq.s32 s10, $0x1;
	s10 =	sld [smem:$0x3FB1]  }
0x3d: {  	_ =	shalt  }
0x3e: {  	_ =	shalt  }
0x3f: {  	_ =	shalt  }
0x40: {  	_ =	shalt  }
0x41: {  	_ =	shalt  }
0x42: {  	_ =	shalt  }
0x43: {  	_ =	shalt  }
0x44: {  	_ =	shalt  }
0x45: {  	_ =	shalt  }
0x46: {  	_ =	shalt  }
0x47: {  	_ =	shalt  }
0x48: {  	_ =	shalt  }
0x49: {  	_ =	shalt  }
0x4a: {  	_ =	shalt  }
0x4b: {  	_ =	shalt  }
0x4c: {  	_ =	shalt  }
0x4d: {  	_ =	shalt  }
0x4e: {  	_ =	shalt  }
0x4f: {  	_ =	shalt  }
0x50: {  	_ =	shalt  }
0x51: {  	_ =	shalt  }
0x52: {  	_ =	shalt  }
0x53: {  	_ =	shalt  }
0x54: {  	_ =	shalt  }
0x55: {  	_ =	shalt  }
0x56: {  	_ =	shalt  }
0x57: {  	_ =	shalt  }
0x58: {  	_ =	shalt  }
0x59: {  	_ =	shalt  }
0x5a: {  	_ =	shalt  }
0x5b: {  	_ =	shalt  }
0x5c: {  	_ =	shalt  }
0x5d: {  	_ =	shalt  }
0x5e: {  	_ =	shalt  }
0x5f: {  	_ =	shalt  }
0x60: {  	_ =	shalt  }
0x61: {  	_ =	shalt  }
0x62: {  	_ =	shalt  }
0x63: {  	_ =	shalt  }
0x64: {  	_ =	shalt  }
0x65: {  	_ =	shalt  }
0x66: {  	_ =	shalt  }
0x67: {  	_ =	shalt  }
0x68: {  	_ =	shalt  }
0x69: {  	_ =	shalt  }
0x6a: {  	_ =	shalt  }
0x6b: {  	_ =	shalt  }
0x6c: {  	_ =	shalt  }
0x6d: {  	_ =	shalt  }
0x6e: {  	_ =	shalt  }
0x6f: {  	_ =	shalt  }
0x70: {  	_ =	shalt  }
0x71: {  	_ =	shalt  }
0x72: {  	_ =	shalt  }
0x73: {  	_ =	shalt  }
0x74: {  	_ =	shalt  }
0x75: {  	_ =	shalt  }
0x76: {  	_ =	shalt  }
0x77: {  	_ =	shalt  }
0x78: {  	_ =	shalt  }
0x79: {  	_ =	shalt  }
0x7a: {  	_ =	shalt  }
0x7b: {  	_ =	shalt  }
0x7c: {  	_ =	shalt  }
0x7d: {  	_ =	shalt  }
0x7e: {  	_ =	shalt  }
0x7f: {  	_ =	shalt  }
0x80: {  	_ =	shalt  }
0x81: {  	_ =	shalt  }
0x82: {  	_ =	shalt  }
0x83: {  	_ =	shalt  }
0x84: {  	_ =	shalt  }
0x85: {  	_ =	shalt  }
0x86: {  	_ =	shalt  }
0x87: {  	_ =	shalt  }
.Lfunc_end0:
.L_simem_size_0:
called_computation_lowered:
.L_overlay_start_0:
0x88: {  	s2 =	sld [smem:$0x3FD9]  }
0x89: {  	s3 =	sld [smem:$0x3FFE];
	_ =	sdelay $0x1  }
0x8a: {  	s1 =	srdreg.scid  }
0x8b: {  	s0 =	sand.u32 $0x1, s1  }
0x8c: {  	s17 =	sshll.u32 s0, $0xA;
	s2 =	sadd.s32 s3, s2  }
0x8d: {  	s2 =	sadd.s32 s2, s17  }
0x8e: {  	[smem:$0x3FBD] =	sst s2  }
0x8f: {  	_ = 	snop  }
0x90: {  	s2 =	sld [smem:$0x3FD0];
	(tm) =	ssettm $0x1  }
0x91: {  	s18 =	sld [smem:$0x3FFB];
	_ =	sdelay $0x3  }
0x92: {  	_ =	strace s18  }
0x93: {  	s3 =	sld [smem:$0x3FFC];
	_ =	sdelay $0x3  }
0x94: {  	_ =	strace s3  }
0x95: {  	s3 =	sld [smem:$0x3FFD];
	_ =	sdelay $0x3  }
0x96: {  	_ =	strace s3  }
0x97: {  	_ =	strace $0x8FFFFFFF  }
0x98: {  	s19 =	sld [smem:$0x3FDB];
	_ =	sdelay $0x1  }
0x99: {  	s4 =	simm.s32 $_scs_section_size  }
0x9a: {  	s5 =	simm.s32 $_size__tile_overlayer_lowered;
	s6 =	simm.s32 $_tile_overlayer_lowered  }
0x9b: {  	s22 =	simm.s32 $0x1BFF;
	s21 =	sshll.u32 s6, $0x1;
	s3 =	sadd.s32 s4, s19  }
0x9c: {  	s7 =	simm.s32 $0x0;
	s20 =	sshll.u32 s5, $0x1;
	s5 =	sadd.s32 s21, s3  }
0x9d: {  	[timem:s7], [sflag:s22] =	dma.local [hbm:s5], s20  }
0x9e: {  	_ =	swait.ge [sflag:s22], s20  }
0x9f: {  	s4 =	ssub.s32 $0x0, s20;
	[sflag:s22] =	ssyncset.done $0x0  }
0xa0: {  	[sflag:s22] =	ssyncadd.s32 s4;
	_ =	sdelay $0x1  }
0xa1: {  	s23 =	simm.s32 $0x1B8B  }
0xa2: {  	_ =	swait.ge [sflag:s23], $0x1  }
0xa3: {  	[sflag:s23] =	ssyncset.done $0x0  }
0xa4: {  	s25 =	simm.s32 $0x1B8E;
	s24 =	sld [smem:$0x3FFE];
	[sflag:s23] =	ssyncadd.s32 $0xFFFFFFFF  }
0xa5: {  	s26 =	simm.s32 $execute0_lowered;
	[smem:$0x3FD2] =	sst s25  }
0xa6: {  	s5 =	sshll.u32 s26, $0x1;
	_ =	strace $0x80000046;
	[dreg:$0x1] =	wrdreg $0xFFFFFFFF  }
0xa7: {  	s28 =	simm.s32 $_size_execute0_lowered;
	s3 =	sadd.s32 s3, s5;
	[dreg:$0x0] =	wrdreg $0x0  }
0xa8: {  	s5 =	sshll.u32 s28, $0x1;
	[dreg:$0x2] =	wrdreg s3  }
0xa9: {  	[dreg:$0x3] =	wrdreg s5  }
0xaa: {  	[dreg:$0x4] =	wrdreg $0xC0  }
0xab: {  	_ =	task [dreg:s7], $0x5FFFF  }
0xac: {  	[dreg:$0x1] =	wrdreg $0xFFFFFFFF  }
0xad: {  	[dreg:$0x0] =	wrdreg $0x60  }
0xae: {  	[dreg:$0x2] =	wrdreg s24  }
0xaf: {  	[dreg:$0x3] =	wrdreg s2  }
0xb0: {  	[dreg:$0x4] =	wrdreg $0x9  }
0xb1: {  	_ =	task.clear_ibuf [dreg:s7], $0x5FFFF;
	_ =	strace $0x90000046  }
0xb2: {  	s29 =	simm.s32 $0x9;
	_ =	strace $0x80000048  }
0xb3: {  	_ =	swait.ge [sflag:s29], $0x1  }
0xb4: {  	[sflag:s29] =	ssyncadd.s32 $0xFFFFFFFF  }
0xb5: {  	_ =	strace $0x90000048  }
0xb6: {  	_ =	sfence  }
0xb7: {  	s30 =	sld [smem:$0x0];
	_ =	sdelay $0x2  }
0xb8: {  	s31 =	sshll.u32 s1, $0xD;
	s1 =	sshrl.u32 s1, $0x2  }
0xb9: {  	s3 =	sand.u32 $0x4000, s31;
	s1 =	sadd.s32 s1, s30  }
0xba: {  	s0 =	sor.u32 s3, s0;
	s1 =	sshll.u32 s1, $0x11  }
0xbb: {  	s0 =	sor.u32 s1, s0  }
0xbc: {  	s0 =	sadd.s32 $0x8F2B, s0  }
0xbd: {  	[sflag:s0] =	ssyncadd.remote.s32 $0x1  }
0xbe: {  	_ =	sfence.sel $0xFFFF  }
0xbf: {  	[dreg:$0x0] =	wrdreg $0xFFFFFFFF;
	(pc) =	sbr.abs _section_cstart, $3  }
0xc0: {  	[dreg:$0x1] =	wrdreg $0xFFFFFFFF  }
0xc1: {  	_ =	task.clear_ibuf [dreg:s7], $0x2FFFF;
	_ =	strace $0x9FFFFFFF  }
0xc2: {  	(tm) =	ssettm $0x7FFFFFFF  }
0xc3: {  	_ =	shalt  }
tec
execute0_lowered:
.L_overlay_start_1:
0x0: {  	(tag) =	ssettag $0x1  }
0x1: {  	s0 =	rddreg [dreg:$0x0]  }
0x2: {  	s1 =	rddreg [dreg:$0x1]  }
0x3: {  	s2 =	simm.s32 $0x0;
	s3 =	srdreg.scid;
	s5 =	stileid.u32  }
0x4: {  	s20 =	simm.s32 $0x1;
	s21 =	simm.s32 $0x80;
	s28 =	simm.s32 $0x12800  }
0x5: {  	s29 =	simm.s32 $0x13000;
	s30 =	simm.s32 $0x13800;
	s31 =	simm.s32 $0x2  }
0x6: {  	s15 =	simm.s32 $0x0;
	[smem:$0x7FF] =	sst s2;
	s4 =	sand.u32 $0x1, s3  }
0x7: {  	s5 =	sshll.u32 s5, $0x7;
	s3 =	sadd.s32 $0x1E00, s0;
	s11 =	sadd.s32 $0x2A9E00, s0  }
0x8: {  	s0 =	sadd.s32 $0x2C9E00, s0;
	s6 =	sshll.u32 s4, $0x6;
	s4 =	ssub.s32 $0x2, s4  }
0x9: {  	_ =	strace $0x80000047;
	s10 =	sor.u32 s6, s5;
	s26 =	sshrl.u32 s4, $0x1  }
0xa: {  	v0 =	vimm.s32 $0x0;
	s12 =	sshll.u32 s10, $0x4;
	s13 =	ssub.s32 s4, s26;
	s14 =	sshll.u32 s10, $0x5  }
0xb: {  	v1 =	vimm.s32 $0x1;
	v2 =	vimm.s32 $0x2;
	v3 =	vimm.s32 $0x3;
	s26 =	simm.s32 $0x12000;
	s4 =	sadd.s32 s11, s12;
	s5 =	sadd.s32 s0, s12  }
0xc: {  	v4 =	vimm.s32 $0x4;
	v5 =	vimm.s32 $0x5;
	v6 =	vimm.s32 $0x6;
	s7 =	sor.u32 $0x8000, s12;
	s9 =	sor.u32 $0x10000, s12;
	s12 =	sor.u32 $0x18000, s12  }
0xd: {  	v7 =	vimm.s32 $0x7;
	v8 =	vimm.s32 $0x8;
	v9 =	vimm.s32 $0x9;
	s13 =	smax.u32 s13, $0x1;
	s6 =	sadd.s32 s11, s7;
	s7 =	sadd.s32 s0, s7  }
0xe: {  	v10 =	vimm.s32 $0xA;
	v11 =	vimm.s32 $0xB;
	v12 =	vimm.s32 $0xC;
	s8 =	sadd.s32 s11, s9;
	s9 =	sadd.s32 s0, s9;
	s10 =	sadd.s32 s11, s12  }
0xf: {  	v13 =	vimm.s32 $0xD;
	v14 =	vimm.s32 $0xE;
	v15 =	vimm.s32 $0xF;
	s11 =	sadd.s32 s0, s12;
	s12 =	sadd.s32 s1, s14;
	s1 =	simm.s32 $0x3  }
.LBB2_1:
0x10: {  	[tilespmem:s2], [sflag:$0x1] =	stream.linear.gather [hbm4b:s4+s2], $0x2000, $0x38;
	[tilespmem:$0x18000] =	vst v63  }
0x11: {  	s17 =	simm.s32 $0x8000  }
0x12: {  	[tilespmem:s17], [sflag:$0x1] =	stream.linear.gather [hbm4b:s5+s2], $0x2000, $0x38;
	[tilespmem:$0x18000] =	vst v63  }
0x13: {  	s0 =	simm.s32 $0x2000  }
0x14: {  	[tilespmem:s0], [sflag:$0x1] =	stream.linear.gather [hbm4b:s6+s2], $0x2000, $0x38;
	[tilespmem:$0x18000] =	vst v63  }
0x15: {  	s14 =	simm.s32 $0xA000  }
0x16: {  	[tilespmem:s14], [sflag:$0x1] =	stream.linear.gather [hbm4b:s7+s2], $0x2000, $0x38;
	[tilespmem:$0x18000] =	vst v63  }
0x17: {  	s25 =	simm.s32 $0x4000  }
0x18: {  	[tilespmem:s25], [sflag:$0x1] =	stream.linear.gather [hbm4b:s8+s2], $0x2000, $0x38;
	[tilespmem:$0x18000] =	vst v63  }
0x19: {  	s16 =	simm.s32 $0xC000  }
0x1a: {  	[tilespmem:s16], [sflag:$0x1] =	stream.linear.gather [hbm4b:s9+s2], $0x2000, $0x38;
	[tilespmem:$0x18000] =	vst v63  }
0x1b: {  	s19 =	simm.s32 $0x6000  }
0x1c: {  	[tilespmem:s19], [sflag:$0x1] =	stream.linear.gather [hbm4b:s10+s2], $0x2000, $0x38;
	[tilespmem:$0x18000] =	vst v63  }
0x1d: {  	s18 =	simm.s32 $0xE000  }
0x1e: {  	[tilespmem:s18], [sflag:$0x1] =	stream.linear.gather [hbm4b:s11+s2], $0x2000, $0x38;
	[tilespmem:$0x18000] =	vst v63  }
0x1f: {  	_ =	swait.ge [sflag:s20], $0x2000  }
0x20: {  	[sflag:s20] =	ssyncset.done $0x0  }
0x21: {  	[sflag:s20] =	ssyncadd.s32 $0xFFFFE000  }
0x22: {  	_ =	swait.ge [sflag:s20], $0x2000  }
0x23: {  	[sflag:s20] =	ssyncset.done $0x0  }
0x24: {  	[sflag:s20] =	ssyncadd.s32 $0xFFFFE000  }
0x25: {  	_ =	swait.ge [sflag:s20], $0x2000  }
0x26: {  	[sflag:s20] =	ssyncset.done $0x0  }
0x27: {  	[sflag:s20] =	ssyncadd.s32 $0xFFFFE000  }
0x28: {  	_ =	swait.ge [sflag:s20], $0x2000  }
0x29: {  	[sflag:s20] =	ssyncset.done $0x0  }
0x2a: {  	[sflag:s20] =	ssyncadd.s32 $0xFFFFE000  }
0x2b: {  	_ =	swait.ge [sflag:s20], $0x2000  }
0x2c: {  	[sflag:s20] =	ssyncset.done $0x0  }
0x2d: {  	[sflag:s20] =	ssyncadd.s32 $0xFFFFE000  }
0x2e: {  	_ =	swait.ge [sflag:s20], $0x2000  }
0x2f: {  	[sflag:s20] =	ssyncset.done $0x0  }
0x30: {  	[sflag:s20] =	ssyncadd.s32 $0xFFFFE000  }
0x31: {  	_ =	swait.ge [sflag:s20], $0x2000  }
0x32: {  	[sflag:s20] =	ssyncset.done $0x0  }
0x33: {  	[sflag:s20] =	ssyncadd.s32 $0xFFFFE000  }
0x34: {  	_ =	swait.ge [sflag:s20], $0x2000  }
0x35: {  	[sflag:s20] =	ssyncset.done $0x0  }
0x36: {  	s22 =	simm.s32 $0x10000;
	[sflag:s20] =	ssyncadd.s32 $0xFFFFE000  }
0x37: {  	[tilespmem:s22], [sflag:$0x1] =	stream.indirect.gather [hbm4b:s3+s21], $0x10, s2, s21, $0xb8;
	[tilespmem:$0x18000] =	vst v63  }
0x38: {  	s23 =	simm.s32 $0x10800  }
0x39: {  	[tilespmem:s23], [sflag:$0x1] =	stream.indirect.gather [hbm4b:s3+s21], $0x10, s0, s21, $0xb8;
	[tilespmem:$0x18000] =	vst v63  }
0x3a: {  	s24 =	simm.s32 $0x11000  }
0x3b: {  	[tilespmem:s24], [sflag:$0x1] =	stream.indirect.gather [hbm4b:s3+s21], $0x10, s25, s21, $0xb8;
	[tilespmem:$0x18000] =	vst v63  }
0x3c: {  	s25 =	simm.s32 $0x11800  }
0x3d: {  	[tilespmem:s25], [sflag:$0x1] =	stream.indirect.gather [hbm4b:s3+s21], $0x10, s19, s21, $0xb8;
	[tilespmem:$0x18000] =	vst v63  }
0x3e: {  	s22 =	simm.s32 $0x14110;
	s23 =	simm.s32 $0x0;
	s25 =	simm.s32 $0x14010  }
.LBB2_2:
0x3f: {  	s0 =	sshll.u32 s23, $0x8  }
0x40: {  	s14 =	sor.u32 $0x80, s0  }
0x41: {  	[tilespmem:s26], [sflag:$0x2] =	stream.indirect.gather [hbm4b:s3+s21], $0x10, s14, s21, $0xb8;
	[tilespmem:$0x18000] =	vst v63  }
0x42: {  	s16 =	sor.u32 $0x2080, s0  }
0x43: {  	[tilespmem:s28], [sflag:$0x2] =	stream.indirect.gather [hbm4b:s3+s21], $0x10, s16, s21, $0xb8;
	[tilespmem:$0x18000] =	vst v63  }
0x44: {  	s18 =	sor.u32 $0x4080, s0  }
0x45: {  	[tilespmem:s29], [sflag:$0x2] =	stream.indirect.gather [hbm4b:s3+s21], $0x10, s18, s21, $0xb8;
	[tilespmem:$0x18000] =	vst v63  }
0x46: {  	s0 =	sor.u32 $0x6080, s0  }
0x47: {  	[tilespmem:s30], [sflag:$0x2] =	stream.indirect.gather [hbm4b:s3+s21], $0x10, s0, s21, $0xb8;
	[tilespmem:$0x18000] =	vst v63  }
0x48: {  	_ =	swait.ge [sflag:s20], $0x800  }
0x49: {  	[sflag:s20] =	ssyncset.done $0x0  }
0x4a: {  	[sflag:s20] =	ssyncadd.s32 $0xFFFFF800  }
0x4b: {  	_ =	swait.ge [sflag:s20], $0x800  }
0x4c: {  	[sflag:s20] =	ssyncset.done $0x0  }
0x4d: {  	[sflag:s20] =	ssyncadd.s32 $0xFFFFF800  }
0x4e: {  	_ =	swait.ge [sflag:s20], $0x800  }
0x4f: {  	v16 =	vmov s17;
	[sflag:s20] =	ssyncset.done $0x0  }
0x50: {  	[sflag:s20] =	ssyncadd.s32 $0xFFFFF800  }
0x51: {  	_ =	swait.ge [sflag:s20], $0x800  }
0x52: {  	[sflag:s20] =	ssyncset.done $0x0  }
0x53: {  	s19 =	simm.s32 $0x0;
	[sflag:s20] =	ssyncadd.s32 $0xFFFFF800  }
0x54: {  	s24 =	simm.s32 $0x11000;
	v17 =	vld.idx.msk [tilespmem:v16+s19+$0x0 ss:$0x1], $0xffff  }
0x55: {  	v18 =	vld [tilespmem:s24+$0xFFFFF000]  }
0x56: {  	v19 =	vld [tilespmem:s24+$0xFFFFF010]  }
0x57: {  	v21 =	vld [tilespmem:s24+$0xFFFFF020];
	_ =	sdelay $0x1  }
0x58: {  	v24 =	vld [tilespmem:s24+$0xFFFFF030];
	v20 =	vperm.xlane v17, v0  }
0x59: {  	v22 =	vshll.u32 v18, $0x10;
	v23 =	vperm.xlane v17, v1  }
0x5a: {  	v36 =	vld [tilespmem:s24+$0xFFFFF040];
	v25 =	vperm.xlane v17, v2;
	v22 =	vmul.f32 v22, v20  }
0x5b: {  	v26 =	vshll.u32 v19, $0x10;
	v27 =	vperm.xlane v17, v3;
	v37 =	vshll.u32 v21, $0x10  }
0x5c: {  	v39 =	vld [tilespmem:s24+$0xFFFFF050];
	v18 =	vmul.f32 v18, v20;
	v35 =	vmul.f32 v26, v23;
	v34 =	vadd.f32 $0.0e+00, v22  }
0x5d: {  	v28 =	vperm.xlane v17, v4;
	v40 =	vshll.u32 v24, $0x10;
	v19 =	vmul.f32 v19, v23  }
0x5e: {  	v42 =	vld [tilespmem:s24+$0xFFFFF060];
	v38 =	vmul.f32 v37, v25;
	v18 =	vadd.f32 $0.0e+00, v18;
	v20 =	vadd.f32 v35, v34  }
0x5f: {  	v43 =	vperm.xlane v17, v5;
	v44 =	vshll.u32 v36, $0x10;
	v21 =	vmul.f32 v21, v25  }
0x60: {  	v46 =	vld [tilespmem:s24+$0xFFFFF070];
	v41 =	vmul.f32 v40, v27;
	v18 =	vadd.f32 v19, v18;
	v19 =	vadd.f32 v38, v20  }
0x61: {  	v47 =	vperm.xlane v17, v6;
	v48 =	vshll.u32 v39, $0x10;
	v24 =	vmul.f32 v24, v27  }
0x62: {  	v50 =	vld [tilespmem:s24+$0xFFFFF080];
	v45 =	vmul.f32 v44, v28;
	v18 =	vadd.f32 v21, v18;
	v19 =	vadd.f32 v41, v19  }
0x63: {  	v51 =	vperm.xlane v17, v7;
	v52 =	vshll.u32 v42, $0x10;
	v26 =	vmul.f32 v36, v28  }
0x64: {  	v54 =	vld [tilespmem:s24+$0xFFFFF090];
	v49 =	vmul.f32 v48, v43;
	v18 =	vadd.f32 v24, v18;
	v19 =	vadd.f32 v45, v19  }
0x65: {  	v55 =	vperm.xlane v17, v8;
	v56 =	vshll.u32 v46, $0x10;
	v23 =	vmul.f32 v39, v43  }
0x66: {  	v58 =	vld [tilespmem:s24+$0xFFFFF0A0];
	v53 =	vmul.f32 v52, v47;
	v18 =	vadd.f32 v26, v18;
	v19 =	vadd.f32 v49, v19  }
0x67: {  	v59 =	vperm.xlane v17, v9;
	v60 =	vshll.u32 v50, $0x10;
	v57 =	vmul.f32 v56, v51  }
0x68: {  	v22 =	vmul.f32 v42, v47;
	v18 =	vadd.f32 v23, v18;
	v19 =	vadd.f32 v53, v19  }
0x69: {  	v62 =	vld [tilespmem:s24+$0xFFFFF0B0];
	v63 =	vperm.xlane v17, v10;
	v30 =	vshll.u32 v54, $0x10;
	v61 =	vmul.f32 v60, v55  }
0x6a: {  	v32 =	vld [tilespmem:s24+$0xFFFFF0C0];
	v21 =	vmul.f32 v46, v51;
	v18 =	vadd.f32 v22, v18;
	v19 =	vadd.f32 v57, v19  }
0x6b: {  	v33 =	vperm.xlane v17, v11;
	v31 =	vmul.f32 v30, v59;
	v34 =	vshll.u32 v58, $0x10  }
0x6c: {  	v36 =	vld [tilespmem:s24+$0xFFFFF0D0];
	v24 =	vmul.f32 v50, v55;
	v18 =	vadd.f32 v21, v18;
	v19 =	vadd.f32 v61, v19  }
0x6d: {  	v25 =	vmul.f32 v54, v59;
	v35 =	vmul.f32 v34, v63  }
0x6e: {  	v40 =	vld [tilespmem:s24+$0xFFFFF0E0];
	v38 =	vshll.u32 v62, $0x10;
	v18 =	vadd.f32 v24, v18;
	v19 =	vadd.f32 v31, v19  }
0x6f: {  	v37 =	vperm.xlane v17, v12;
	v42 =	vshll.u32 v32, $0x10;
	v39 =	vmul.f32 v38, v33  }
0x70: {  	v44 =	vld [tilespmem:s24+$0xFFFFF0F0];
	v23 =	vmul.f32 v58, v63;
	v18 =	vadd.f32 v25, v18;
	v19 =	vadd.f32 v35, v19  }
0x71: {  	v43 =	vmul.f32 v42, v37;
	v46 =	vshll.u32 v36, $0x10;
	v41 =	vperm.xlane v17, v13  }
0x72: {  	v29 =	vld.idx.msk [tilespmem:v16+s19+$0x2000 ss:$0x1], $0xffff;
	v22 =	vmul.f32 v62, v33;
	v18 =	vadd.f32 v23, v18;
	v19 =	vadd.f32 v39, v19  }
0x73: {  	v45 =	vperm.xlane v17, v14;
	v47 =	vmul.f32 v46, v41;
	v49 =	vshll.u32 v40, $0x10  }
0x74: {  	v48 =	vld [tilespmem:s24+$0xFFFFF800];
	v21 =	vmul.f32 v32, v37;
	v18 =	vadd.f32 v22, v18;
	v19 =	vadd.f32 v43, v19  }
0x75: {  	v17 =	vperm.xlane v17, v15;
	v50 =	vmul.f32 v49, v45;
	v53 =	vshll.u32 v44, $0x10  }
0x76: {  	v51 =	vld [tilespmem:s24+$0xFFFFF810];
	v24 =	vmul.f32 v36, v41;
	v18 =	vadd.f32 v21, v18;
	v19 =	vadd.f32 v47, v19  }
0x77: {  	v52 =	vperm.xlane v29, v0;
	v54 =	vmul.f32 v53, v17  }
0x78: {  	v55 =	vld [tilespmem:s24+$0xFFFFF820];
	v25 =	vmul.f32 v40, v45;
	v18 =	vadd.f32 v24, v18;
	v19 =	vadd.f32 v50, v19  }
0x79: {  	v56 =	vperm.xlane v29, v1;
	v17 =	vmul.f32 v44, v17;
	v57 =	vshll.u32 v48, $0x10  }
0x7a: {  	v59 =	vld [tilespmem:s24+$0xFFFFF830];
	v58 =	vmul.f32 v57, v52;
	v18 =	vadd.f32 v25, v18;
	v19 =	vadd.f32 v54, v19  }
0x7b: {  	v60 =	vperm.xlane v29, v2;
	v61 =	vshll.u32 v51, $0x10;
	v22 =	vmul.f32 v48, v52  }
0x7c: {  	v62 =	vld [tilespmem:s24+$0xFFFFF840];
	v17 =	vadd.f32 v17, v18;
	v18 =	vadd.f32 v58, v19;
	v19 =	vmul.f32 v61, v56  }
0x7d: {  	v63 =	vperm.xlane v29, v3;
	v30 =	vshll.u32 v55, $0x10;
	v21 =	vmul.f32 v51, v56  }
0x7e: {  	v31 =	vld [tilespmem:s24+$0xFFFFF850];
	v17 =	vadd.f32 v22, v17;
	v18 =	vadd.f32 v19, v18;
	v19 =	vmul.f32 v30, v60  }
0x7f: {  	v33 =	vshll.u32 v59, $0x10;
	v32 =	vperm.xlane v29, v4;
	v24 =	vmul.f32 v55, v60  }
0x80: {  	v34 =	vld [tilespmem:s24+$0xFFFFF860];
	v17 =	vadd.f32 v21, v17;
	v18 =	vadd.f32 v19, v18;
	v19 =	vmul.f32 v33, v63  }
0x81: {  	v36 =	vshll.u32 v62, $0x10;
	v35 =	vperm.xlane v29, v5;
	v23 =	vmul.f32 v59, v63  }
0x82: {  	v37 =	vld [tilespmem:s24+$0xFFFFF870];
	v17 =	vadd.f32 v24, v17;
	v18 =	vadd.f32 v19, v18;
	v19 =	vmul.f32 v36, v32  }
0x83: {  	v38 =	vperm.xlane v29, v6;
	v20 =	vmul.f32 v62, v32;
	v39 =	vshll.u32 v31, $0x10  }
0x84: {  	v40 =	vld [tilespmem:s24+$0xFFFFF880];
	v17 =	vadd.f32 v23, v17;
	v18 =	vadd.f32 v19, v18;
	v19 =	vmul.f32 v39, v35  }
0x85: {  	v42 =	vshll.u32 v34, $0x10;
	v41 =	vperm.xlane v29, v7;
	v22 =	vmul.f32 v31, v35  }
0x86: {  	v43 =	vld [tilespmem:s24+$0xFFFFF890];
	v17 =	vadd.f32 v20, v17;
	v18 =	vadd.f32 v19, v18;
	v19 =	vmul.f32 v42, v38  }
0x87: {  	v44 =	vperm.xlane v29, v8;
	v45 =	vshll.u32 v37, $0x10;
	v21 =	vmul.f32 v34, v38  }
0x88: {  	v46 =	vld [tilespmem:s24+$0xFFFFF8A0];
	v17 =	vadd.f32 v22, v17;
	v18 =	vadd.f32 v19, v18;
	v19 =	vmul.f32 v45, v41  }
0x89: {  	v48 =	vshll.u32 v40, $0x10;
	v47 =	vperm.xlane v29, v9;
	v24 =	vmul.f32 v37, v41  }
0x8a: {  	v49 =	vld [tilespmem:s24+$0xFFFFF8B0];
	v17 =	vadd.f32 v21, v17;
	v18 =	vadd.f32 v19, v18;
	v19 =	vmul.f32 v48, v44  }
0x8b: {  	v50 =	vperm.xlane v29, v10;
	v51 =	vshll.u32 v43, $0x10;
	v23 =	vmul.f32 v40, v44  }
0x8c: {  	v52 =	vld [tilespmem:s24+$0xFFFFF8C0];
	v17 =	vadd.f32 v24, v17;
	v18 =	vadd.f32 v19, v18;
	v19 =	vmul.f32 v51, v47  }
0x8d: {  	v53 =	vperm.xlane v29, v11;
	v54 =	vshll.u32 v46, $0x10;
	v20 =	vmul.f32 v43, v47  }
0x8e: {  	v55 =	vld [tilespmem:s24+$0xFFFFF8D0];
	v17 =	vadd.f32 v23, v17;
	v18 =	vadd.f32 v19, v18;
	v19 =	vmul.f32 v54, v50  }
0x8f: {  	v57 =	vshll.u32 v49, $0x10;
	v56 =	vperm.xlane v29, v12;
	v22 =	vmul.f32 v46, v50  }
0x90: {  	v58 =	vld [tilespmem:s24+$0xFFFFF8E0];
	v17 =	vadd.f32 v20, v17;
	v18 =	vadd.f32 v19, v18;
	v19 =	vmul.f32 v57, v53  }
0x91: {  	v28 =	vld.idx.msk [tilespmem:v16+s19+$0x4000 ss:$0x1], $0xffff;
	v59 =	vperm.xlane v29, v13;
	v60 =	vshll.u32 v52, $0x10;
	v21 =	vmul.f32 v49, v53  }
0x92: {  	v61 =	vld [tilespmem:s24+$0xFFFFF8F0];
	v17 =	vadd.f32 v22, v17;
	v18 =	vadd.f32 v19, v18;
	v19 =	vmul.f32 v60, v56  }
0x93: {  	v62 =	vperm.xlane v29, v14;
	v63 =	vshll.u32 v55, $0x10;
	v24 =	vmul.f32 v52, v56  }
0x94: {  	v30 =	vld [tilespmem:s24+$0x0];
	v17 =	vadd.f32 v21, v17;
	v18 =	vadd.f32 v19, v18;
	v19 =	vmul.f32 v63, v59  }
0x95: {  	v31 =	vperm.xlane v29, v15;
	v32 =	vshll.u32 v58, $0x10;
	v23 =	vmul.f32 v55, v59  }
0x96: {  	v33 =	vld [tilespmem:s24+$0x10];
	v17 =	vadd.f32 v24, v17;
	v18 =	vadd.f32 v19, v18;
	v19 =	vmul.f32 v32, v62  }
0x97: {  	v34 =	vperm.xlane v28, v0;
	v35 =	vshll.u32 v61, $0x10;
	v20 =	vmul.f32 v58, v62  }
0x98: {  	v36 =	vld [tilespmem:s24+$0x20];
	v17 =	vadd.f32 v23, v17;
	v18 =	vadd.f32 v19, v18;
	v19 =	vmul.f32 v35, v31  }
0x99: {  	v37 =	vperm.xlane v28, v1;
	v38 =	vshll.u32 v30, $0x10;
	v22 =	vmul.f32 v61, v31  }
0x9a: {  	v39 =	vld [tilespmem:s24+$0x30];
	v17 =	vadd.f32 v20, v17;
	v18 =	vadd.f32 v19, v18;
	v19 =	vmul.f32 v38, v34  }
0x9b: {  	v40 =	vperm.xlane v28, v2;
	v41 =	vshll.u32 v33, $0x10;
	v21 =	vmul.f32 v30, v34  }
0x9c: {  	v42 =	vld [tilespmem:s24+$0x40];
	v17 =	vadd.f32 v22, v17;
	v18 =	vadd.f32 v19, v18;
	v19 =	vmul.f32 v41, v37  }
0x9d: {  	v43 =	vperm.xlane v28, v3;
	v44 =	vshll.u32 v36, $0x10;
	v24 =	vmul.f32 v33, v37  }
0x9e: {  	v45 =	vld [tilespmem:s24+$0x50];
	v17 =	vadd.f32 v21, v17;
	v18 =	vadd.f32 v19, v18;
	v19 =	vmul.f32 v44, v40  }
0x9f: {  	v46 =	vperm.xlane v28, v4;
	v47 =	vshll.u32 v39, $0x10;
	v23 =	vmul.f32 v36, v40  }
0xa0: {  	v48 =	vld [tilespmem:s24+$0x60];
	v17 =	vadd.f32 v24, v17;
	v18 =	vadd.f32 v19, v18;
	v19 =	vmul.f32 v47, v43  }
0xa1: {  	v49 =	vperm.xlane v28, v5;
	v50 =	vshll.u32 v42, $0x10;
	v20 =	vmul.f32 v39, v43  }
0xa2: {  	v51 =	vld [tilespmem:s24+$0x70];
	v17 =	vadd.f32 v23, v17;
	v18 =	vadd.f32 v19, v18;
	v19 =	vmul.f32 v50, v46  }
0xa3: {  	v52 =	vperm.xlane v28, v6;
	v53 =	vshll.u32 v45, $0x10;
	v22 =	vmul.f32 v42, v46  }
0xa4: {  	v54 =	vld [tilespmem:s24+$0x80];
	v17 =	vadd.f32 v20, v17;
	v18 =	vadd.f32 v19, v18;
	v19 =	vmul.f32 v53, v49  }
0xa5: {  	v55 =	vperm.xlane v28, v7;
	v56 =	vshll.u32 v48, $0x10;
	v21 =	vmul.f32 v45, v49  }
0xa6: {  	v57 =	vld [tilespmem:s24+$0x90];
	v17 =	vadd.f32 v22, v17;
	v18 =	vadd.f32 v19, v18;
	v19 =	vmul.f32 v56, v52  }
0xa7: {  	v58 =	vperm.xlane v28, v8;
	v59 =	vshll.u32 v51, $0x10;
	v24 =	vmul.f32 v48, v52  }
0xa8: {  	v60 =	vld [tilespmem:s24+$0xA0];
	v17 =	vadd.f32 v21, v17;
	v18 =	vadd.f32 v19, v18;
	v19 =	vmul.f32 v59, v55  }
0xa9: {  	v61 =	vperm.xlane v28, v9;
	v62 =	vshll.u32 v54, $0x10;
	v23 =	vmul.f32 v51, v55  }
0xaa: {  	v63 =	vld [tilespmem:s24+$0xB0];
	v17 =	vadd.f32 v24, v17;
	v18 =	vadd.f32 v19, v18;
	v19 =	vmul.f32 v62, v58  }
0xab: {  	v32 =	vshll.u32 v57, $0x10;
	v31 =	vperm.xlane v28, v10;
	v20 =	vmul.f32 v54, v58  }
0xac: {  	v33 =	vld [tilespmem:s24+$0xC0];
	v17 =	vadd.f32 v23, v17;
	v18 =	vadd.f32 v19, v18;
	v19 =	vmul.f32 v32, v61  }
0xad: {  	v35 =	vshll.u32 v60, $0x10;
	v34 =	vperm.xlane v28, v11;
	v22 =	vmul.f32 v57, v61  }
0xae: {  	v36 =	vld [tilespmem:s24+$0xD0];
	v17 =	vadd.f32 v20, v17;
	v18 =	vadd.f32 v19, v18;
	v19 =	vmul.f32 v35, v31  }
0xaf: {  	v38 =	vshll.u32 v63, $0x10;
	v37 =	vperm.xlane v28, v12;
	v21 =	vmul.f32 v60, v31  }
0xb0: {  	v39 =	vld [tilespmem:s24+$0xE0];
	v17 =	vadd.f32 v22, v17;
	v18 =	vadd.f32 v19, v18;
	v19 =	vmul.f32 v38, v34  }
0xb1: {  	v29 =	vld.idx.msk [tilespmem:v16+s19+$0x6000 ss:$0x1], $0xffff;
	v41 =	vshll.u32 v33, $0x10;
	v40 =	vperm.xlane v28, v13;
	v24 =	vmul.f32 v63, v34  }
0xb2: {  	v42 =	vld [tilespmem:s24+$0xF0];
	v17 =	vadd.f32 v21, v17;
	v18 =	vadd.f32 v19, v18;
	v19 =	vmul.f32 v41, v37  }
0xb3: {  	v44 =	vshll.u32 v36, $0x10;
	v43 =	vperm.xlane v28, v14;
	v23 =	vmul.f32 v33, v37  }
0xb4: {  	v45 =	vld [tilespmem:s24+$0x800];
	v17 =	vadd.f32 v24, v17;
	v18 =	vadd.f32 v19, v18;
	v19 =	vmul.f32 v44, v40  }
0xb5: {  	v47 =	vshll.u32 v39, $0x10;
	v46 =	vperm.xlane v28, v15;
	v20 =	vmul.f32 v36, v40  }
0xb6: {  	v48 =	vld [tilespmem:s24+$0x810];
	v17 =	vadd.f32 v23, v17;
	v18 =	vadd.f32 v19, v18;
	v19 =	vmul.f32 v47, v43  }
0xb7: {  	v50 =	vshll.u32 v42, $0x10;
	v49 =	vperm.xlane v29, v0;
	v22 =	vmul.f32 v39, v43  }
0xb8: {  	v51 =	vld [tilespmem:s24+$0x820];
	v17 =	vadd.f32 v20, v17;
	v18 =	vadd.f32 v19, v18;
	v19 =	vmul.f32 v50, v46  }
0xb9: {  	v53 =	vshll.u32 v45, $0x10;
	v52 =	vperm.xlane v29, v1;
	v21 =	vmul.f32 v42, v46  }
0xba: {  	v54 =	vld [tilespmem:s24+$0x830];
	v17 =	vadd.f32 v22, v17;
	v18 =	vadd.f32 v19, v18;
	v19 =	vmul.f32 v53, v49  }
0xbb: {  	v56 =	vshll.u32 v48, $0x10;
	v55 =	vperm.xlane v29, v2;
	v24 =	vmul.f32 v45, v49  }
0xbc: {  	v57 =	vld [tilespmem:s24+$0x840];
	v17 =	vadd.f32 v21, v17;
	v18 =	vadd.f32 v19, v18;
	v19 =	vmul.f32 v56, v52  }
0xbd: {  	v59 =	vshll.u32 v51, $0x10;
	v58 =	vperm.xlane v29, v3;
	v23 =	vmul.f32 v48, v52  }
0xbe: {  	v60 =	vld [tilespmem:s24+$0x850];
	v17 =	vadd.f32 v24, v17;
	v18 =	vadd.f32 v19, v18;
	v19 =	vmul.f32 v59, v55  }
0xbf: {  	v62 =	vshll.u32 v54, $0x10;
	v61 =	vperm.xlane v29, v4;
	v20 =	vmul.f32 v51, v55  }
0xc0: {  	v63 =	vld [tilespmem:s24+$0x860];
	v17 =	vadd.f32 v23, v17;
	v18 =	vadd.f32 v19, v18;
	v19 =	vmul.f32 v62, v58  }
0xc1: {  	v30 =	vperm.xlane v29, v5;
	v31 =	vshll.u32 v57, $0x10;
	v22 =	vmul.f32 v54, v58  }
0xc2: {  	v32 =	vld [tilespmem:s24+$0x870];
	v17 =	vadd.f32 v20, v17;
	v18 =	vadd.f32 v19, v18;
	v19 =	vmul.f32 v31, v61  }
0xc3: {  	v33 =	vperm.xlane v29, v6;
	v34 =	vshll.u32 v60, $0x10;
	v21 =	vmul.f32 v57, v61  }
0xc4: {  	v35 =	vld [tilespmem:s24+$0x880];
	v17 =	vadd.f32 v22, v17;
	v18 =	vadd.f32 v19, v18;
	v19 =	vmul.f32 v34, v30  }
0xc5: {  	v36 =	vperm.xlane v29, v7;
	v37 =	vshll.u32 v63, $0x10;
	v24 =	vmul.f32 v60, v30  }
0xc6: {  	v38 =	vld [tilespmem:s24+$0x890];
	v17 =	vadd.f32 v21, v17;
	v18 =	vadd.f32 v19, v18;
	v19 =	vmul.f32 v37, v33  }
0xc7: {  	v39 =	vperm.xlane v29, v8;
	v40 =	vshll.u32 v32, $0x10;
	v23 =	vmul.f32 v63, v33  }
0xc8: {  	v41 =	vld [tilespmem:s24+$0x8A0];
	v17 =	vadd.f32 v24, v17;
	v18 =	vadd.f32 v19, v18;
	v19 =	vmul.f32 v40, v36  }
0xc9: {  	v42 =	vperm.xlane v29, v9;
	v43 =	vshll.u32 v35, $0x10;
	v20 =	vmul.f32 v32, v36  }
0xca: {  	v44 =	vld [tilespmem:s24+$0x8B0];
	v17 =	vadd.f32 v23, v17;
	v18 =	vadd.f32 v19, v18;
	v19 =	vmul.f32 v43, v39  }
0xcb: {  	v45 =	vperm.xlane v29, v10;
	v46 =	vshll.u32 v38, $0x10;
	v22 =	vmul.f32 v35, v39  }
0xcc: {  	v47 =	vld [tilespmem:s24+$0x8C0];
	v17 =	vadd.f32 v20, v17;
	v18 =	vadd.f32 v19, v18;
	v19 =	vmul.f32 v46, v42  }
0xcd: {  	v48 =	vperm.xlane v29, v11;
	v49 =	vshll.u32 v41, $0x10;
	v21 =	vmul.f32 v38, v42  }
0xce: {  	v50 =	vld [tilespmem:s24+$0x8D0];
	v17 =	vadd.f32 v22, v17;
	v18 =	vadd.f32 v19, v18;
	v19 =	vmul.f32 v49, v45  }
0xcf: {  	v51 =	vperm.xlane v29, v12;
	v52 =	vshll.u32 v44, $0x10;
	v24 =	vmul.f32 v41, v45  }
0xd0: {  	v53 =	vld [tilespmem:s24+$0x8E0];
	v17 =	vadd.f32 v21, v17;
	v18 =	vadd.f32 v19, v18;
	v19 =	vmul.f32 v52, v48  }
0xd1: {  	v54 =	vperm.xlane v29, v13;
	v55 =	vshll.u32 v47, $0x10;
	v23 =	vmul.f32 v44, v48  }
0xd2: {  	v56 =	vld [tilespmem:s24+$0x8F0];
	v17 =	vadd.f32 v24, v17;
	v18 =	vadd.f32 v19, v18;
	v19 =	vmul.f32 v55, v51  }
0xd3: {  	v57 =	vperm.xlane v29, v14;
	v58 =	vshll.u32 v50, $0x10;
	v20 =	vmul.f32 v47, v51  }
0xd4: {  	v17 =	vadd.f32 v23, v17;
	v18 =	vadd.f32 v19, v18;
	v19 =	vmul.f32 v58, v54  }
0xd5: {  	v59 =	vperm.xlane v29, v15;
	v60 =	vshll.u32 v53, $0x10;
	v22 =	vmul.f32 v50, v54  }
0xd6: {  	v17 =	vadd.f32 v20, v17;
	v18 =	vadd.f32 v19, v18;
	v19 =	vmul.f32 v60, v57  }
0xd7: {  	v62 =	vshll.u32 v56, $0x10;
	v61 =	vmul.f32 v53, v57  }
0xd8: {  	v17 =	vadd.f32 v22, v17;
	v18 =	vadd.f32 v19, v18;
	v19 =	vmul.f32 v62, v59;
	_ =	sdelay $0x1  }
0xd9: {  	v63 =	vmul.f32 v56, v59;
	v17 =	vadd.f32 v61, v17;
	v18 =	vadd.f32 v19, v18  }
0xda: {  	s14 =	simm.s32 $0x40  }
0xdb: {  	s0 =	simm.s32 $0x11100;
	s19 =	smov.u32 s25;
	s24 =	sshll.u32 s23, $0xA;
	v17 =	vadd.f32 v63, v17;
	[tilespmem:s25+$0xFFFFFFF0] =	vst v18  }
.LBB2_3:
0xdc: {  	s18 =	smov.u32 s14  }
0xdd: {  	s16 =	sshra.s32 s14, $0x2;
	[tilespmem:s19+$0x0] =	vst v17;
	s19 =	sadd.s32 $0x20, s19;
	s18 =	sadd.s32 $0x40, s14  }
0xde: {  	p0 =	sne.s32 s14, $0x1C0;
	v18 =	vld.idx.msk [tilespmem:v16+s16+$0x0 ss:$0x1], $0xffff;
	_ =	sdelay $0x1  }
0xdf: {  	v17 =	vld [tilespmem:s0+$0xFFFFF000];
	_ =	sdelay $0x1  }
0xe0: {  	v19 =	vld [tilespmem:s0+$0xFFFFF010];
	_ =	sdelay $0x1  }
0xe1: {  	v20 =	vperm.xlane v18, v0;
	v21 =	vperm.xlane v18, v1;
	v22 =	vld [tilespmem:s0+$0xFFFFF020]  }
0xe2: {  	v24 =	vperm.xlane v18, v2;
	v25 =	vperm.xlane v18, v3;
	v23 =	vshll.u32 v17, $0x10  }
0xe3: {  	v17 =	vmul.f32 v17, v20;
	v23 =	vmul.f32 v23, v20;
	v20 =	vld [tilespmem:s0+$0xFFFFF030]  }
0xe4: {  	v27 =	vperm.xlane v18, v4;
	v26 =	vshll.u32 v19, $0x10;
	v19 =	vmul.f32 v19, v21  }
0xe5: {  	v17 =	vadd.f32 $0.0e+00, v17;
	v23 =	vadd.f32 $0.0e+00, v23;
	v21 =	vmul.f32 v26, v21;
	v26 =	vld [tilespmem:s0+$0xFFFFF040]  }
0xe6: {  	v29 =	vperm.xlane v18, v5;
	v28 =	vshll.u32 v22, $0x10;
	v22 =	vmul.f32 v22, v24  }
0xe7: {  	v17 =	vadd.f32 v19, v17;
	v21 =	vadd.f32 v21, v23;
	v19 =	vmul.f32 v28, v24;
	v23 =	vld [tilespmem:s0+$0xFFFFF050]  }
0xe8: {  	v28 =	vperm.xlane v18, v6;
	v24 =	vshll.u32 v20, $0x10;
	v20 =	vmul.f32 v20, v25  }
0xe9: {  	v17 =	vadd.f32 v22, v17;
	v19 =	vadd.f32 v19, v21;
	v21 =	vmul.f32 v24, v25;
	v22 =	vld [tilespmem:s0+$0xFFFFF060]  }
0xea: {  	v24 =	vshll.u32 v26, $0x10;
	v25 =	vmul.f32 v26, v27;
	v26 =	vperm.xlane v18, v7  }
0xeb: {  	v17 =	vadd.f32 v20, v17;
	v19 =	vadd.f32 v21, v19;
	v20 =	vmul.f32 v24, v27;
	v21 =	vld [tilespmem:s0+$0xFFFFF070]  }
0xec: {  	v27 =	vperm.xlane v18, v8;
	v24 =	vshll.u32 v23, $0x10;
	v23 =	vmul.f32 v23, v29  }
0xed: {  	v17 =	vadd.f32 v25, v17;
	v19 =	vadd.f32 v20, v19;
	v20 =	vmul.f32 v24, v29;
	v24 =	vld [tilespmem:s0+$0xFFFFF080]  }
0xee: {  	v29 =	vperm.xlane v18, v9;
	v25 =	vshll.u32 v22, $0x10;
	v22 =	vmul.f32 v22, v28  }
0xef: {  	v17 =	vadd.f32 v23, v17;
	v19 =	vadd.f32 v20, v19;
	v20 =	vmul.f32 v25, v28;
	v23 =	vld [tilespmem:s0+$0xFFFFF090]  }
0xf0: {  	v28 =	vperm.xlane v18, v10;
	v25 =	vshll.u32 v21, $0x10;
	v21 =	vmul.f32 v21, v26  }
0xf1: {  	v17 =	vadd.f32 v22, v17;
	v19 =	vadd.f32 v20, v19;
	v20 =	vmul.f32 v25, v26;
	v22 =	vld [tilespmem:s0+$0xFFFFF0A0]  }
0xf2: {  	v26 =	vperm.xlane v18, v11;
	v25 =	vshll.u32 v24, $0x10;
	v24 =	vmul.f32 v24, v27  }
0xf3: {  	v17 =	vadd.f32 v21, v17;
	v19 =	vadd.f32 v20, v19;
	v20 =	vmul.f32 v25, v27;
	v21 =	vld [tilespmem:s0+$0xFFFFF0B0]  }
0xf4: {  	v27 =	vperm.xlane v18, v12;
	v25 =	vshll.u32 v23, $0x10;
	v23 =	vmul.f32 v23, v29  }
0xf5: {  	v19 =	vadd.f32 v20, v19;
	v20 =	vadd.f32 v24, v17;
	v24 =	vmul.f32 v25, v29;
	v25 =	vld [tilespmem:s0+$0xFFFFF0C0]  }
0xf6: {  	v30 =	vperm.xlane v18, v13;
	v29 =	vshll.u32 v22, $0x10;
	v22 =	vmul.f32 v22, v28;
	v17 =	vld.idx.msk [tilespmem:v16+s16+$0x2000 ss:$0x1], $0xffff  }
0xf7: {  	v19 =	vadd.f32 v24, v19;
	v20 =	vadd.f32 v23, v20;
	v23 =	vmul.f32 v29, v28;
	v24 =	vld [tilespmem:s0+$0xFFFFF0D0]  }
0xf8: {  	v29 =	vperm.xlane v18, v14;
	v28 =	vshll.u32 v21, $0x10;
	v21 =	vmul.f32 v21, v26  }
0xf9: {  	v19 =	vadd.f32 v23, v19;
	v20 =	vadd.f32 v22, v20;
	v22 =	vmul.f32 v28, v26;
	v23 =	vld [tilespmem:s0+$0xFFFFF0E0]  }
0xfa: {  	v18 =	vperm.xlane v18, v15;
	v26 =	vshll.u32 v25, $0x10;
	v25 =	vmul.f32 v25, v27  }
0xfb: {  	v19 =	vadd.f32 v22, v19;
	v20 =	vadd.f32 v21, v20;
	v21 =	vmul.f32 v26, v27;
	v22 =	vld [tilespmem:s0+$0xFFFFF0F0]  }
0xfc: {  	v27 =	vperm.xlane v17, v0;
	v26 =	vshll.u32 v24, $0x10;
	v24 =	vmul.f32 v24, v30  }
0xfd: {  	v19 =	vadd.f32 v21, v19;
	v20 =	vadd.f32 v25, v20;
	v21 =	vmul.f32 v26, v30;
	v25 =	vld [tilespmem:s0+$0xFFFFF800]  }
0xfe: {  	v28 =	vperm.xlane v17, v1;
	v26 =	vshll.u32 v23, $0x10;
	v23 =	vmul.f32 v23, v29  }
0xff: {  	v19 =	vadd.f32 v21, v19;
	v20 =	vadd.f32 v24, v20;
	v21 =	vmul.f32 v26, v29;
	v24 =	vld [tilespmem:s0+$0xFFFFF810]  }
0x100: {  	v29 =	vperm.xlane v17, v2;
	v26 =	vshll.u32 v22, $0x10;
	v22 =	vmul.f32 v22, v18  }
0x101: {  	v19 =	vadd.f32 v21, v19;
	v20 =	vadd.f32 v23, v20;
	v18 =	vmul.f32 v26, v18;
	v21 =	vld [tilespmem:s0+$0xFFFFF820]  }
0x102: {  	v26 =	vperm.xlane v17, v3;
	v23 =	vshll.u32 v25, $0x10;
	v25 =	vmul.f32 v25, v27  }
0x103: {  	v18 =	vadd.f32 v18, v19;
	v19 =	vadd.f32 v22, v20;
	v20 =	vmul.f32 v23, v27;
	v22 =	vld [tilespmem:s0+$0xFFFFF830]  }
0x104: {  	v27 =	vperm.xlane v17, v4;
	v23 =	vshll.u32 v24, $0x10;
	v24 =	vmul.f32 v24, v28  }
0x105: {  	v18 =	vadd.f32 v20, v18;
	v19 =	vadd.f32 v25, v19;
	v20 =	vmul.f32 v23, v28;
	v23 =	vld [tilespmem:s0+$0xFFFFF840]  }
0x106: {  	v28 =	vperm.xlane v17, v5;
	v25 =	vshll.u32 v21, $0x10;
	v21 =	vmul.f32 v21, v29  }
0x107: {  	v18 =	vadd.f32 v20, v18;
	v19 =	vadd.f32 v24, v19;
	v20 =	vmul.f32 v25, v29;
	v24 =	vld [tilespmem:s0+$0xFFFFF850]  }
0x108: {  	v29 =	vperm.xlane v17, v6;
	v25 =	vshll.u32 v22, $0x10;
	v22 =	vmul.f32 v22, v26  }
0x109: {  	v18 =	vadd.f32 v20, v18;
	v19 =	vadd.f32 v21, v19;
	v20 =	vmul.f32 v25, v26;
	v21 =	vld [tilespmem:s0+$0xFFFFF860]  }
0x10a: {  	v26 =	vperm.xlane v17, v7;
	v25 =	vshll.u32 v23, $0x10;
	v23 =	vmul.f32 v23, v27  }
0x10b: {  	v18 =	vadd.f32 v20, v18;
	v19 =	vadd.f32 v22, v19;
	v20 =	vmul.f32 v25, v27;
	v22 =	vld [tilespmem:s0+$0xFFFFF870]  }
0x10c: {  	v27 =	vperm.xlane v17, v8;
	v25 =	vshll.u32 v24, $0x10;
	v24 =	vmul.f32 v24, v28  }
0x10d: {  	v18 =	vadd.f32 v20, v18;
	v19 =	vadd.f32 v23, v19;
	v20 =	vmul.f32 v25, v28;
	v23 =	vld [tilespmem:s0+$0xFFFFF880]  }
0x10e: {  	v28 =	vperm.xlane v17, v9;
	v25 =	vshll.u32 v21, $0x10;
	v21 =	vmul.f32 v21, v29  }
0x10f: {  	v18 =	vadd.f32 v20, v18;
	v19 =	vadd.f32 v24, v19;
	v20 =	vmul.f32 v25, v29;
	v24 =	vld [tilespmem:s0+$0xFFFFF890]  }
0x110: {  	v29 =	vperm.xlane v17, v10;
	v25 =	vshll.u32 v22, $0x10;
	v22 =	vmul.f32 v22, v26  }
0x111: {  	v18 =	vadd.f32 v20, v18;
	v19 =	vadd.f32 v21, v19;
	v20 =	vmul.f32 v25, v26;
	v21 =	vld [tilespmem:s0+$0xFFFFF8A0]  }
0x112: {  	v26 =	vperm.xlane v17, v11;
	v25 =	vshll.u32 v23, $0x10;
	v23 =	vmul.f32 v23, v27  }
0x113: {  	v18 =	vadd.f32 v20, v18;
	v19 =	vadd.f32 v22, v19;
	v20 =	vmul.f32 v25, v27;
	v22 =	vld [tilespmem:s0+$0xFFFFF8B0]  }
0x114: {  	v27 =	vperm.xlane v17, v12;
	v25 =	vshll.u32 v24, $0x10;
	v24 =	vmul.f32 v24, v28  }
0x115: {  	v20 =	vadd.f32 v20, v18;
	v19 =	vadd.f32 v23, v19;
	v23 =	vmul.f32 v25, v28;
	v25 =	vld [tilespmem:s0+$0xFFFFF8C0]  }
0x116: {  	v30 =	vperm.xlane v17, v13;
	v28 =	vshll.u32 v21, $0x10;
	v21 =	vmul.f32 v21, v29;
	v18 =	vld.idx.msk [tilespmem:v16+s16+$0x4000 ss:$0x1], $0xffff  }
0x117: {  	v20 =	vadd.f32 v23, v20;
	v19 =	vadd.f32 v24, v19;
	v23 =	vmul.f32 v28, v29;
	v24 =	vld [tilespmem:s0+$0xFFFFF8D0]  }
0x118: {  	v29 =	vperm.xlane v17, v14;
	v28 =	vshll.u32 v22, $0x10;
	v22 =	vmul.f32 v22, v26  }
0x119: {  	v20 =	vadd.f32 v23, v20;
	v19 =	vadd.f32 v21, v19;
	v21 =	vmul.f32 v28, v26;
	v23 =	vld [tilespmem:s0+$0xFFFFF8E0]  }
0x11a: {  	v17 =	vperm.xlane v17, v15;
	v26 =	vshll.u32 v25, $0x10;
	v25 =	vmul.f32 v25, v27  }
0x11b: {  	v20 =	vadd.f32 v21, v20;
	v19 =	vadd.f32 v22, v19;
	v21 =	vmul.f32 v26, v27;
	v22 =	vld [tilespmem:s0+$0xFFFFF8F0]  }
0x11c: {  	v27 =	vperm.xlane v18, v0;
	v26 =	vshll.u32 v24, $0x10;
	v24 =	vmul.f32 v24, v30  }
0x11d: {  	v20 =	vadd.f32 v21, v20;
	v19 =	vadd.f32 v25, v19;
	v21 =	vmul.f32 v26, v30;
	v25 =	vld [tilespmem:s0+$0x0]  }
0x11e: {  	v28 =	vperm.xlane v18, v1;
	v26 =	vshll.u32 v23, $0x10;
	v23 =	vmul.f32 v23, v29  }
0x11f: {  	v20 =	vadd.f32 v21, v20;
	v19 =	vadd.f32 v24, v19;
	v21 =	vmul.f32 v26, v29;
	v24 =	vld [tilespmem:s0+$0x10]  }
0x120: {  	v29 =	vperm.xlane v18, v2;
	v26 =	vshll.u32 v22, $0x10;
	v22 =	vmul.f32 v22, v17  }
0x121: {  	v20 =	vadd.f32 v21, v20;
	v19 =	vadd.f32 v23, v19;
	v17 =	vmul.f32 v26, v17;
	v21 =	vld [tilespmem:s0+$0x20]  }
0x122: {  	v26 =	vperm.xlane v18, v3;
	v23 =	vshll.u32 v25, $0x10;
	v25 =	vmul.f32 v25, v27  }
0x123: {  	v17 =	vadd.f32 v17, v20;
	v19 =	vadd.f32 v22, v19;
	v20 =	vmul.f32 v23, v27;
	v22 =	vld [tilespmem:s0+$0x30]  }
0x124: {  	v27 =	vperm.xlane v18, v4;
	v23 =	vshll.u32 v24, $0x10;
	v24 =	vmul.f32 v24, v28  }
0x125: {  	v17 =	vadd.f32 v20, v17;
	v19 =	vadd.f32 v25, v19;
	v20 =	vmul.f32 v23, v28;
	v23 =	vld [tilespmem:s0+$0x40]  }
0x126: {  	v28 =	vperm.xlane v18, v5;
	v25 =	vshll.u32 v21, $0x10;
	v21 =	vmul.f32 v21, v29  }
0x127: {  	v17 =	vadd.f32 v20, v17;
	v19 =	vadd.f32 v24, v19;
	v20 =	vmul.f32 v25, v29;
	v24 =	vld [tilespmem:s0+$0x50]  }
0x128: {  	v29 =	vperm.xlane v18, v6;
	v25 =	vshll.u32 v22, $0x10;
	v22 =	vmul.f32 v22, v26  }
0x129: {  	v17 =	vadd.f32 v20, v17;
	v19 =	vadd.f32 v21, v19;
	v20 =	vmul.f32 v25, v26;
	v21 =	vld [tilespmem:s0+$0x60]  }
0x12a: {  	v26 =	vperm.xlane v18, v7;
	v25 =	vshll.u32 v23, $0x10;
	v23 =	vmul.f32 v23, v27  }
0x12b: {  	v17 =	vadd.f32 v20, v17;
	v19 =	vadd.f32 v22, v19;
	v20 =	vmul.f32 v25, v27;
	v22 =	vld [tilespmem:s0+$0x70]  }
0x12c: {  	v27 =	vperm.xlane v18, v8;
	v25 =	vshll.u32 v24, $0x10;
	v24 =	vmul.f32 v24, v28  }
0x12d: {  	v17 =	vadd.f32 v20, v17;
	v19 =	vadd.f32 v23, v19;
	v20 =	vmul.f32 v25, v28;
	v23 =	vld [tilespmem:s0+$0x80]  }
0x12e: {  	v28 =	vperm.xlane v18, v9;
	v25 =	vshll.u32 v21, $0x10;
	v21 =	vmul.f32 v21, v29  }
0x12f: {  	v17 =	vadd.f32 v20, v17;
	v19 =	vadd.f32 v24, v19;
	v20 =	vmul.f32 v25, v29;
	v24 =	vld [tilespmem:s0+$0x90]  }
0x130: {  	v29 =	vperm.xlane v18, v10;
	v25 =	vshll.u32 v22, $0x10;
	v22 =	vmul.f32 v22, v26  }
0x131: {  	v17 =	vadd.f32 v20, v17;
	v19 =	vadd.f32 v21, v19;
	v20 =	vmul.f32 v25, v26;
	v21 =	vld [tilespmem:s0+$0xA0]  }
0x132: {  	v26 =	vperm.xlane v18, v11;
	v25 =	vshll.u32 v23, $0x10;
	v23 =	vmul.f32 v23, v27  }
0x133: {  	v17 =	vadd.f32 v20, v17;
	v19 =	vadd.f32 v22, v19;
	v20 =	vmul.f32 v25, v27;
	v22 =	vld [tilespmem:s0+$0xB0]  }
0x134: {  	v27 =	vperm.xlane v18, v12;
	v25 =	vshll.u32 v24, $0x10;
	v24 =	vmul.f32 v24, v28  }
0x135: {  	v20 =	vadd.f32 v20, v17;
	v19 =	vadd.f32 v23, v19;
	v23 =	vmul.f32 v25, v28;
	v25 =	vld [tilespmem:s0+$0xC0]  }
0x136: {  	v30 =	vperm.xlane v18, v13;
	v28 =	vshll.u32 v21, $0x10;
	v21 =	vmul.f32 v21, v29;
	v17 =	vld.idx.msk [tilespmem:v16+s16+$0x6000 ss:$0x1], $0xffff  }
0x137: {  	v20 =	vadd.f32 v23, v20;
	v19 =	vadd.f32 v24, v19;
	v23 =	vmul.f32 v28, v29;
	v24 =	vld [tilespmem:s0+$0xD0]  }
0x138: {  	v29 =	vperm.xlane v18, v14;
	v28 =	vshll.u32 v22, $0x10;
	v22 =	vmul.f32 v22, v26  }
0x139: {  	v20 =	vadd.f32 v23, v20;
	v19 =	vadd.f32 v21, v19;
	v21 =	vmul.f32 v28, v26;
	v23 =	vld [tilespmem:s0+$0xE0]  }
0x13a: {  	v18 =	vperm.xlane v18, v15;
	v26 =	vshll.u32 v25, $0x10;
	v25 =	vmul.f32 v25, v27  }
0x13b: {  	v20 =	vadd.f32 v21, v20;
	v19 =	vadd.f32 v22, v19;
	v21 =	vmul.f32 v26, v27;
	v22 =	vld [tilespmem:s0+$0xF0]  }
0x13c: {  	v27 =	vperm.xlane v17, v0;
	v26 =	vshll.u32 v24, $0x10;
	v24 =	vmul.f32 v24, v30  }
0x13d: {  	v20 =	vadd.f32 v21, v20;
	v19 =	vadd.f32 v25, v19;
	v21 =	vmul.f32 v26, v30;
	v25 =	vld [tilespmem:s0+$0x800]  }
0x13e: {  	v28 =	vperm.xlane v17, v1;
	v26 =	vshll.u32 v23, $0x10;
	v23 =	vmul.f32 v23, v29  }
0x13f: {  	v20 =	vadd.f32 v21, v20;
	v19 =	vadd.f32 v24, v19;
	v21 =	vmul.f32 v26, v29;
	v24 =	vld [tilespmem:s0+$0x810]  }
0x140: {  	v29 =	vperm.xlane v17, v2;
	v26 =	vshll.u32 v22, $0x10;
	v22 =	vmul.f32 v22, v18  }
0x141: {  	v20 =	vadd.f32 v21, v20;
	v19 =	vadd.f32 v23, v19;
	v18 =	vmul.f32 v26, v18;
	v21 =	vld [tilespmem:s0+$0x820]  }
0x142: {  	v26 =	vperm.xlane v17, v3;
	v23 =	vshll.u32 v25, $0x10;
	v25 =	vmul.f32 v25, v27  }
0x143: {  	v18 =	vadd.f32 v18, v20;
	v19 =	vadd.f32 v22, v19;
	v20 =	vmul.f32 v23, v27;
	v22 =	vld [tilespmem:s0+$0x830]  }
0x144: {  	v27 =	vperm.xlane v17, v4;
	v23 =	vshll.u32 v24, $0x10;
	v24 =	vmul.f32 v24, v28  }
0x145: {  	v18 =	vadd.f32 v20, v18;
	v19 =	vadd.f32 v25, v19;
	v20 =	vmul.f32 v23, v28;
	v23 =	vld [tilespmem:s0+$0x840]  }
0x146: {  	v28 =	vperm.xlane v17, v5;
	v25 =	vshll.u32 v21, $0x10;
	v21 =	vmul.f32 v21, v29  }
0x147: {  	v18 =	vadd.f32 v20, v18;
	v19 =	vadd.f32 v24, v19;
	v20 =	vmul.f32 v25, v29;
	v24 =	vld [tilespmem:s0+$0x850]  }
0x148: {  	v29 =	vperm.xlane v17, v6;
	v25 =	vshll.u32 v22, $0x10;
	v22 =	vmul.f32 v22, v26  }
0x149: {  	v18 =	vadd.f32 v20, v18;
	v19 =	vadd.f32 v21, v19;
	v20 =	vmul.f32 v25, v26;
	v21 =	vld [tilespmem:s0+$0x860]  }
0x14a: {  	v26 =	vperm.xlane v17, v7;
	v25 =	vshll.u32 v23, $0x10;
	v23 =	vmul.f32 v23, v27  }
0x14b: {  	v18 =	vadd.f32 v20, v18;
	v19 =	vadd.f32 v22, v19;
	v20 =	vmul.f32 v25, v27;
	v22 =	vld [tilespmem:s0+$0x870]  }
0x14c: {  	v27 =	vperm.xlane v17, v8;
	v25 =	vshll.u32 v24, $0x10;
	v24 =	vmul.f32 v24, v28  }
0x14d: {  	v18 =	vadd.f32 v20, v18;
	v19 =	vadd.f32 v23, v19;
	v20 =	vmul.f32 v25, v28;
	v23 =	vld [tilespmem:s0+$0x880]  }
0x14e: {  	v28 =	vperm.xlane v17, v9;
	v25 =	vshll.u32 v21, $0x10;
	v21 =	vmul.f32 v21, v29  }
0x14f: {  	v18 =	vadd.f32 v20, v18;
	v19 =	vadd.f32 v24, v19;
	v20 =	vmul.f32 v25, v29;
	v24 =	vld [tilespmem:s0+$0x890]  }
0x150: {  	v29 =	vperm.xlane v17, v10;
	v25 =	vshll.u32 v22, $0x10;
	v22 =	vmul.f32 v22, v26  }
0x151: {  	v18 =	vadd.f32 v20, v18;
	v19 =	vadd.f32 v21, v19;
	v20 =	vmul.f32 v25, v26;
	v21 =	vld [tilespmem:s0+$0x8A0]  }
0x152: {  	v26 =	vperm.xlane v17, v11;
	v25 =	vshll.u32 v23, $0x10;
	v23 =	vmul.f32 v23, v27  }
0x153: {  	v18 =	vadd.f32 v20, v18;
	v19 =	vadd.f32 v22, v19;
	v20 =	vmul.f32 v25, v27;
	v22 =	vld [tilespmem:s0+$0x8B0]  }
0x154: {  	v27 =	vperm.xlane v17, v12;
	v25 =	vshll.u32 v24, $0x10;
	v24 =	vmul.f32 v24, v28  }
0x155: {  	v18 =	vadd.f32 v20, v18;
	v19 =	vadd.f32 v23, v19;
	v20 =	vmul.f32 v25, v28;
	v23 =	vld [tilespmem:s0+$0x8C0]  }
0x156: {  	v28 =	vperm.xlane v17, v13;
	v25 =	vshll.u32 v21, $0x10;
	v21 =	vmul.f32 v21, v29  }
0x157: {  	v18 =	vadd.f32 v20, v18;
	v19 =	vadd.f32 v24, v19;
	v20 =	vmul.f32 v25, v29;
	v24 =	vld [tilespmem:s0+$0x8D0]  }
0x158: {  	v29 =	vperm.xlane v17, v14;
	v25 =	vshll.u32 v22, $0x10;
	v22 =	vmul.f32 v22, v26  }
0x159: {  	v18 =	vadd.f32 v20, v18;
	v19 =	vadd.f32 v21, v19;
	v20 =	vmul.f32 v25, v26;
	v21 =	vld [tilespmem:s0+$0x8E0]  }
0x15a: {  	v17 =	vperm.xlane v17, v15;
	v25 =	vshll.u32 v23, $0x10;
	v23 =	vmul.f32 v23, v27  }
0x15b: {  	v18 =	vadd.f32 v20, v18;
	v19 =	vadd.f32 v22, v19;
	v20 =	vmul.f32 v25, v27;
	v22 =	vld [tilespmem:s0+$0x8F0]  }
0x15c: {  	v25 =	vshll.u32 v24, $0x10;
	v24 =	vmul.f32 v24, v28  }
0x15d: {  	v18 =	vadd.f32 v20, v18;
	v19 =	vadd.f32 v23, v19;
	v20 =	vmul.f32 v25, v28  }
0x15e: {  	v23 =	vshll.u32 v21, $0x10;
	v21 =	vmul.f32 v21, v29  }
0x15f: {  	v18 =	vadd.f32 v20, v18;
	v19 =	vadd.f32 v24, v19;
	v20 =	vmul.f32 v23, v29  }
0x160: {  	v23 =	vshll.u32 v22, $0x10;
	v22 =	vmul.f32 v22, v17  }
.Ltmp0:
0x161: {  	v18 =	vadd.f32 v20, v18;
	v19 =	vadd.f32 v21, v19;
	v17 =	vmul.f32 v23, v17;
	(pc) =	sbr.rel @p0 .LBB2_3-.Ltmp0, $3  }
0x162: {  	_ = 	snop  }
0x163: {  	v18 =	vadd.f32 v17, v18;
	v17 =	vadd.f32 v22, v19;
	_ =	sdelay $0x1  }
0x164: {  	s14 =	smov.u32 s18;
	s0 =	sadd.s32 $0x100, s0;
	[tilespmem:s19+$0xFFFFFFF0] =	vst v18  }
0x165: {  	p0 =	seq.s32 s23, $0x1F  }
0x166: {  	s0 =	sshrl.u32 @!p0 s24, $0x2  }
0x167: {  	[tilespmem:s19+$0x0] =	vst v17;
	s16 =	simm.s32 @!p0 $0x80;
	s18 =	simm.s32 @!p0 $0x10000;
	s14 =	sadd.s32 @!p0 $0x100, s0  }
0x168: {  	[tilespmem:s18], [sflag:$0x1] =	stream.indirect.gather @!p0 [hbm4b:s3+s16], $0x10, s14, s16, $0xb8;
	[tilespmem:$0x18000] =	vst v63  }
0x169: {  	s14 =	sadd.s32 @!p0 $0x2100, s0;
	s18 =	simm.s32 @!p0 $0x10800  }
0x16a: {  	[tilespmem:s18], [sflag:$0x1] =	stream.indirect.gather @!p0 [hbm4b:s3+s16], $0x10, s14, s16, $0xb8;
	[tilespmem:$0x18000] =	vst v63  }
0x16b: {  	s14 =	sadd.s32 @!p0 $0x4100, s0;
	s18 =	simm.s32 @!p0 $0x11000  }
0x16c: {  	[tilespmem:s18], [sflag:$0x1] =	stream.indirect.gather @!p0 [hbm4b:s3+s16], $0x10, s14, s16, $0xb8;
	[tilespmem:$0x18000] =	vst v63  }
0x16d: {  	s0 =	sadd.s32 @!p0 $0x6100, s0;
	s14 =	simm.s32 @!p0 $0x11800  }
0x16e: {  	[tilespmem:s14], [sflag:$0x1] =	stream.indirect.gather @!p0 [hbm4b:s3+s16], $0x10, s0, s16, $0xb8;
	[tilespmem:$0x18000] =	vst v63  }
0x16f: {  	_ =	swait.ge [sflag:s31], $0x800  }
0x170: {  	[sflag:s31] =	ssyncset.done $0x0  }
0x171: {  	[sflag:s31] =	ssyncadd.s32 $0xFFFFF800  }
0x172: {  	_ =	swait.ge [sflag:s31], $0x800  }
0x173: {  	[sflag:s31] =	ssyncset.done $0x0  }
0x174: {  	[sflag:s31] =	ssyncadd.s32 $0xFFFFF800  }
0x175: {  	_ =	swait.ge [sflag:s31], $0x800  }
0x176: {  	[sflag:s31] =	ssyncset.done $0x0  }
0x177: {  	[sflag:s31] =	ssyncadd.s32 $0xFFFFF800  }
0x178: {  	_ =	swait.ge [sflag:s31], $0x800  }
0x179: {  	[sflag:s31] =	ssyncset.done $0x0  }
0x17a: {  	s19 =	simm.s32 $0x0;
	[sflag:s31] =	ssyncadd.s32 $0xFFFFF800  }
0x17b: {  	s24 =	simm.s32 $0x13000;
	v17 =	vld.idx.msk [tilespmem:v16+s19+$0x80 ss:$0x1], $0xffff  }
0x17c: {  	v18 =	vld [tilespmem:s24+$0xFFFFF000]  }
0x17d: {  	v19 =	vld [tilespmem:s24+$0xFFFFF010]  }
0x17e: {  	v21 =	vld [tilespmem:s24+$0xFFFFF020];
	_ =	sdelay $0x1  }
0x17f: {  	v24 =	vld [tilespmem:s24+$0xFFFFF030];
	v20 =	vperm.xlane v17, v0  }
0x180: {  	v22 =	vshll.u32 v18, $0x10;
	v23 =	vperm.xlane v17, v1  }
0x181: {  	v36 =	vld [tilespmem:s24+$0xFFFFF040];
	v25 =	vperm.xlane v17, v2;
	v22 =	vmul.f32 v22, v20  }
0x182: {  	v26 =	vshll.u32 v19, $0x10;
	v27 =	vperm.xlane v17, v3;
	v37 =	vshll.u32 v21, $0x10  }
0x183: {  	v39 =	vld [tilespmem:s24+$0xFFFFF050];
	v18 =	vmul.f32 v18, v20;
	v35 =	vmul.f32 v26, v23;
	v34 =	vadd.f32 $0.0e+00, v22  }
0x184: {  	v28 =	vperm.xlane v17, v4;
	v40 =	vshll.u32 v24, $0x10;
	v19 =	vmul.f32 v19, v23  }
0x185: {  	v42 =	vld [tilespmem:s24+$0xFFFFF060];
	v38 =	vmul.f32 v37, v25;
	v18 =	vadd.f32 $0.0e+00, v18;
	v20 =	vadd.f32 v35, v34  }
0x186: {  	v43 =	vperm.xlane v17, v5;
	v44 =	vshll.u32 v36, $0x10;
	v21 =	vmul.f32 v21, v25  }
0x187: {  	v46 =	vld [tilespmem:s24+$0xFFFFF070];
	v41 =	vmul.f32 v40, v27;
	v18 =	vadd.f32 v19, v18;
	v19 =	vadd.f32 v38, v20  }
0x188: {  	v47 =	vperm.xlane v17, v6;
	v48 =	vshll.u32 v39, $0x10;
	v24 =	vmul.f32 v24, v27  }
0x189: {  	v50 =	vld [tilespmem:s24+$0xFFFFF080];
	v45 =	vmul.f32 v44, v28;
	v18 =	vadd.f32 v21, v18;
	v19 =	vadd.f32 v41, v19  }
0x18a: {  	v51 =	vperm.xlane v17, v7;
	v52 =	vshll.u32 v42, $0x10;
	v26 =	vmul.f32 v36, v28  }
0x18b: {  	v54 =	vld [tilespmem:s24+$0xFFFFF090];
	v49 =	vmul.f32 v48, v43;
	v18 =	vadd.f32 v24, v18;
	v19 =	vadd.f32 v45, v19  }
0x18c: {  	v55 =	vperm.xlane v17, v8;
	v56 =	vshll.u32 v46, $0x10;
	v23 =	vmul.f32 v39, v43  }
0x18d: {  	v58 =	vld [tilespmem:s24+$0xFFFFF0A0];
	v53 =	vmul.f32 v52, v47;
	v18 =	vadd.f32 v26, v18;
	v19 =	vadd.f32 v49, v19  }
0x18e: {  	v59 =	vperm.xlane v17, v9;
	v60 =	vshll.u32 v50, $0x10;
	v57 =	vmul.f32 v56, v51  }
0x18f: {  	v22 =	vmul.f32 v42, v47;
	v18 =	vadd.f32 v23, v18;
	v19 =	vadd.f32 v53, v19  }
0x190: {  	v62 =	vld [tilespmem:s24+$0xFFFFF0B0];
	v63 =	vperm.xlane v17, v10;
	v30 =	vshll.u32 v54, $0x10;
	v61 =	vmul.f32 v60, v55  }
0x191: {  	v32 =	vld [tilespmem:s24+$0xFFFFF0C0];
	v21 =	vmul.f32 v46, v51;
	v18 =	vadd.f32 v22, v18;
	v19 =	vadd.f32 v57, v19  }
0x192: {  	v33 =	vperm.xlane v17, v11;
	v31 =	vmul.f32 v30, v59;
	v34 =	vshll.u32 v58, $0x10  }
0x193: {  	v36 =	vld [tilespmem:s24+$0xFFFFF0D0];
	v24 =	vmul.f32 v50, v55;
	v18 =	vadd.f32 v21, v18;
	v19 =	vadd.f32 v61, v19  }
0x194: {  	v25 =	vmul.f32 v54, v59;
	v35 =	vmul.f32 v34, v63  }
0x195: {  	v40 =	vld [tilespmem:s24+$0xFFFFF0E0];
	v38 =	vshll.u32 v62, $0x10;
	v18 =	vadd.f32 v24, v18;
	v19 =	vadd.f32 v31, v19  }
0x196: {  	v37 =	vperm.xlane v17, v12;
	v42 =	vshll.u32 v32, $0x10;
	v39 =	vmul.f32 v38, v33  }
0x197: {  	v44 =	vld [tilespmem:s24+$0xFFFFF0F0];
	v23 =	vmul.f32 v58, v63;
	v18 =	vadd.f32 v25, v18;
	v19 =	vadd.f32 v35, v19  }
0x198: {  	v43 =	vmul.f32 v42, v37;
	v46 =	vshll.u32 v36, $0x10;
	v41 =	vperm.xlane v17, v13  }
0x199: {  	v29 =	vld.idx.msk [tilespmem:v16+s19+$0x2080 ss:$0x1], $0xffff;
	v22 =	vmul.f32 v62, v33;
	v18 =	vadd.f32 v23, v18;
	v19 =	vadd.f32 v39, v19  }
0x19a: {  	v45 =	vperm.xlane v17, v14;
	v47 =	vmul.f32 v46, v41;
	v49 =	vshll.u32 v40, $0x10  }
0x19b: {  	v48 =	vld [tilespmem:s24+$0xFFFFF800];
	v21 =	vmul.f32 v32, v37;
	v18 =	vadd.f32 v22, v18;
	v19 =	vadd.f32 v43, v19  }
0x19c: {  	v17 =	vperm.xlane v17, v15;
	v50 =	vmul.f32 v49, v45;
	v53 =	vshll.u32 v44, $0x10  }
0x19d: {  	v51 =	vld [tilespmem:s24+$0xFFFFF810];
	v24 =	vmul.f32 v36, v41;
	v18 =	vadd.f32 v21, v18;
	v19 =	vadd.f32 v47, v19  }
0x19e: {  	v52 =	vperm.xlane v29, v0;
	v54 =	vmul.f32 v53, v17  }
0x19f: {  	v55 =	vld [tilespmem:s24+$0xFFFFF820];
	v25 =	vmul.f32 v40, v45;
	v18 =	vadd.f32 v24, v18;
	v19 =	vadd.f32 v50, v19  }
0x1a0: {  	v56 =	vperm.xlane v29, v1;
	v17 =	vmul.f32 v44, v17;
	v57 =	vshll.u32 v48, $0x10  }
0x1a1: {  	v59 =	vld [tilespmem:s24+$0xFFFFF830];
	v58 =	vmul.f32 v57, v52;
	v18 =	vadd.f32 v25, v18;
	v19 =	vadd.f32 v54, v19  }
0x1a2: {  	v60 =	vperm.xlane v29, v2;
	v61 =	vshll.u32 v51, $0x10;
	v22 =	vmul.f32 v48, v52  }
0x1a3: {  	v62 =	vld [tilespmem:s24+$0xFFFFF840];
	v17 =	vadd.f32 v17, v18;
	v18 =	vadd.f32 v58, v19;
	v19 =	vmul.f32 v61, v56  }
0x1a4: {  	v63 =	vperm.xlane v29, v3;
	v30 =	vshll.u32 v55, $0x10;
	v21 =	vmul.f32 v51, v56  }
0x1a5: {  	v31 =	vld [tilespmem:s24+$0xFFFFF850];
	v17 =	vadd.f32 v22, v17;
	v18 =	vadd.f32 v19, v18;
	v19 =	vmul.f32 v30, v60  }
0x1a6: {  	v33 =	vshll.u32 v59, $0x10;
	v32 =	vperm.xlane v29, v4;
	v24 =	vmul.f32 v55, v60  }
0x1a7: {  	v34 =	vld [tilespmem:s24+$0xFFFFF860];
	v17 =	vadd.f32 v21, v17;
	v18 =	vadd.f32 v19, v18;
	v19 =	vmul.f32 v33, v63  }
0x1a8: {  	v36 =	vshll.u32 v62, $0x10;
	v35 =	vperm.xlane v29, v5;
	v23 =	vmul.f32 v59, v63  }
0x1a9: {  	v37 =	vld [tilespmem:s24+$0xFFFFF870];
	v17 =	vadd.f32 v24, v17;
	v18 =	vadd.f32 v19, v18;
	v19 =	vmul.f32 v36, v32  }
0x1aa: {  	v38 =	vperm.xlane v29, v6;
	v20 =	vmul.f32 v62, v32;
	v39 =	vshll.u32 v31, $0x10  }
0x1ab: {  	v40 =	vld [tilespmem:s24+$0xFFFFF880];
	v17 =	vadd.f32 v23, v17;
	v18 =	vadd.f32 v19, v18;
	v19 =	vmul.f32 v39, v35  }
0x1ac: {  	v42 =	vshll.u32 v34, $0x10;
	v41 =	vperm.xlane v29, v7;
	v22 =	vmul.f32 v31, v35  }
0x1ad: {  	v43 =	vld [tilespmem:s24+$0xFFFFF890];
	v17 =	vadd.f32 v20, v17;
	v18 =	vadd.f32 v19, v18;
	v19 =	vmul.f32 v42, v38  }
0x1ae: {  	v44 =	vperm.xlane v29, v8;
	v45 =	vshll.u32 v37, $0x10;
	v21 =	vmul.f32 v34, v38  }
0x1af: {  	v46 =	vld [tilespmem:s24+$0xFFFFF8A0];
	v17 =	vadd.f32 v22, v17;
	v18 =	vadd.f32 v19, v18;
	v19 =	vmul.f32 v45, v41  }
0x1b0: {  	v48 =	vshll.u32 v40, $0x10;
	v47 =	vperm.xlane v29, v9;
	v24 =	vmul.f32 v37, v41  }
0x1b1: {  	v49 =	vld [tilespmem:s24+$0xFFFFF8B0];
	v17 =	vadd.f32 v21, v17;
	v18 =	vadd.f32 v19, v18;
	v19 =	vmul.f32 v48, v44  }
0x1b2: {  	v50 =	vperm.xlane v29, v10;
	v51 =	vshll.u32 v43, $0x10;
	v23 =	vmul.f32 v40, v44  }
0x1b3: {  	v52 =	vld [tilespmem:s24+$0xFFFFF8C0];
	v17 =	vadd.f32 v24, v17;
	v18 =	vadd.f32 v19, v18;
	v19 =	vmul.f32 v51, v47  }
0x1b4: {  	v53 =	vperm.xlane v29, v11;
	v54 =	vshll.u32 v46, $0x10;
	v20 =	vmul.f32 v43, v47  }
0x1b5: {  	v55 =	vld [tilespmem:s24+$0xFFFFF8D0];
	v17 =	vadd.f32 v23, v17;
	v18 =	vadd.f32 v19, v18;
	v19 =	vmul.f32 v54, v50  }
0x1b6: {  	v57 =	vshll.u32 v49, $0x10;
	v56 =	vperm.xlane v29, v12;
	v22 =	vmul.f32 v46, v50  }
0x1b7: {  	v58 =	vld [tilespmem:s24+$0xFFFFF8E0];
	v17 =	vadd.f32 v20, v17;
	v18 =	vadd.f32 v19, v18;
	v19 =	vmul.f32 v57, v53  }
0x1b8: {  	v28 =	vld.idx.msk [tilespmem:v16+s19+$0x4080 ss:$0x1], $0xffff;
	v59 =	vperm.xlane v29, v13;
	v60 =	vshll.u32 v52, $0x10;
	v21 =	vmul.f32 v49, v53  }
0x1b9: {  	v61 =	vld [tilespmem:s24+$0xFFFFF8F0];
	v17 =	vadd.f32 v22, v17;
	v18 =	vadd.f32 v19, v18;
	v19 =	vmul.f32 v60, v56  }
0x1ba: {  	v62 =	vperm.xlane v29, v14;
	v63 =	vshll.u32 v55, $0x10;
	v24 =	vmul.f32 v52, v56  }
0x1bb: {  	v30 =	vld [tilespmem:s24+$0x0];
	v17 =	vadd.f32 v21, v17;
	v18 =	vadd.f32 v19, v18;
	v19 =	vmul.f32 v63, v59  }
0x1bc: {  	v31 =	vperm.xlane v29, v15;
	v32 =	vshll.u32 v58, $0x10;
	v23 =	vmul.f32 v55, v59  }
0x1bd: {  	v33 =	vld [tilespmem:s24+$0x10];
	v17 =	vadd.f32 v24, v17;
	v18 =	vadd.f32 v19, v18;
	v19 =	vmul.f32 v32, v62  }
0x1be: {  	v34 =	vperm.xlane v28, v0;
	v35 =	vshll.u32 v61, $0x10;
	v20 =	vmul.f32 v58, v62  }
0x1bf: {  	v36 =	vld [tilespmem:s24+$0x20];
	v17 =	vadd.f32 v23, v17;
	v18 =	vadd.f32 v19, v18;
	v19 =	vmul.f32 v35, v31  }
0x1c0: {  	v37 =	vperm.xlane v28, v1;
	v38 =	vshll.u32 v30, $0x10;
	v22 =	vmul.f32 v61, v31  }
0x1c1: {  	v39 =	vld [tilespmem:s24+$0x30];
	v17 =	vadd.f32 v20, v17;
	v18 =	vadd.f32 v19, v18;
	v19 =	vmul.f32 v38, v34  }
0x1c2: {  	v40 =	vperm.xlane v28, v2;
	v41 =	vshll.u32 v33, $0x10;
	v21 =	vmul.f32 v30, v34  }
0x1c3: {  	v42 =	vld [tilespmem:s24+$0x40];
	v17 =	vadd.f32 v22, v17;
	v18 =	vadd.f32 v19, v18;
	v19 =	vmul.f32 v41, v37  }
0x1c4: {  	v43 =	vperm.xlane v28, v3;
	v44 =	vshll.u32 v36, $0x10;
	v24 =	vmul.f32 v33, v37  }
0x1c5: {  	v45 =	vld [tilespmem:s24+$0x50];
	v17 =	vadd.f32 v21, v17;
	v18 =	vadd.f32 v19, v18;
	v19 =	vmul.f32 v44, v40  }
0x1c6: {  	v46 =	vperm.xlane v28, v4;
	v47 =	vshll.u32 v39, $0x10;
	v23 =	vmul.f32 v36, v40  }
0x1c7: {  	v48 =	vld [tilespmem:s24+$0x60];
	v17 =	vadd.f32 v24, v17;
	v18 =	vadd.f32 v19, v18;
	v19 =	vmul.f32 v47, v43  }
0x1c8: {  	v49 =	vperm.xlane v28, v5;
	v50 =	vshll.u32 v42, $0x10;
	v20 =	vmul.f32 v39, v43  }
0x1c9: {  	v51 =	vld [tilespmem:s24+$0x70];
	v17 =	vadd.f32 v23, v17;
	v18 =	vadd.f32 v19, v18;
	v19 =	vmul.f32 v50, v46  }
0x1ca: {  	v52 =	vperm.xlane v28, v6;
	v53 =	vshll.u32 v45, $0x10;
	v22 =	vmul.f32 v42, v46  }
0x1cb: {  	v54 =	vld [tilespmem:s24+$0x80];
	v17 =	vadd.f32 v20, v17;
	v18 =	vadd.f32 v19, v18;
	v19 =	vmul.f32 v53, v49  }
0x1cc: {  	v55 =	vperm.xlane v28, v7;
	v56 =	vshll.u32 v48, $0x10;
	v21 =	vmul.f32 v45, v49  }
0x1cd: {  	v57 =	vld [tilespmem:s24+$0x90];
	v17 =	vadd.f32 v22, v17;
	v18 =	vadd.f32 v19, v18;
	v19 =	vmul.f32 v56, v52  }
0x1ce: {  	v58 =	vperm.xlane v28, v8;
	v59 =	vshll.u32 v51, $0x10;
	v24 =	vmul.f32 v48, v52  }
0x1cf: {  	v60 =	vld [tilespmem:s24+$0xA0];
	v17 =	vadd.f32 v21, v17;
	v18 =	vadd.f32 v19, v18;
	v19 =	vmul.f32 v59, v55  }
0x1d0: {  	v61 =	vperm.xlane v28, v9;
	v62 =	vshll.u32 v54, $0x10;
	v23 =	vmul.f32 v51, v55  }
0x1d1: {  	v63 =	vld [tilespmem:s24+$0xB0];
	v17 =	vadd.f32 v24, v17;
	v18 =	vadd.f32 v19, v18;
	v19 =	vmul.f32 v62, v58  }
0x1d2: {  	v32 =	vshll.u32 v57, $0x10;
	v31 =	vperm.xlane v28, v10;
	v20 =	vmul.f32 v54, v58  }
0x1d3: {  	v33 =	vld [tilespmem:s24+$0xC0];
	v17 =	vadd.f32 v23, v17;
	v18 =	vadd.f32 v19, v18;
	v19 =	vmul.f32 v32, v61  }
0x1d4: {  	v35 =	vshll.u32 v60, $0x10;
	v34 =	vperm.xlane v28, v11;
	v22 =	vmul.f32 v57, v61  }
0x1d5: {  	v36 =	vld [tilespmem:s24+$0xD0];
	v17 =	vadd.f32 v20, v17;
	v18 =	vadd.f32 v19, v18;
	v19 =	vmul.f32 v35, v31  }
0x1d6: {  	v38 =	vshll.u32 v63, $0x10;
	v37 =	vperm.xlane v28, v12;
	v21 =	vmul.f32 v60, v31  }
0x1d7: {  	v39 =	vld [tilespmem:s24+$0xE0];
	v17 =	vadd.f32 v22, v17;
	v18 =	vadd.f32 v19, v18;
	v19 =	vmul.f32 v38, v34  }
0x1d8: {  	v29 =	vld.idx.msk [tilespmem:v16+s19+$0x6080 ss:$0x1], $0xffff;
	v41 =	vshll.u32 v33, $0x10;
	v40 =	vperm.xlane v28, v13;
	v24 =	vmul.f32 v63, v34  }
0x1d9: {  	v42 =	vld [tilespmem:s24+$0xF0];
	v17 =	vadd.f32 v21, v17;
	v18 =	vadd.f32 v19, v18;
	v19 =	vmul.f32 v41, v37  }
0x1da: {  	v44 =	vshll.u32 v36, $0x10;
	v43 =	vperm.xlane v28, v14;
	v23 =	vmul.f32 v33, v37  }
0x1db: {  	v45 =	vld [tilespmem:s24+$0x800];
	v17 =	vadd.f32 v24, v17;
	v18 =	vadd.f32 v19, v18;
	v19 =	vmul.f32 v44, v40  }
0x1dc: {  	v47 =	vshll.u32 v39, $0x10;
	v46 =	vperm.xlane v28, v15;
	v20 =	vmul.f32 v36, v40  }
0x1dd: {  	v48 =	vld [tilespmem:s24+$0x810];
	v17 =	vadd.f32 v23, v17;
	v18 =	vadd.f32 v19, v18;
	v19 =	vmul.f32 v47, v43  }
0x1de: {  	v50 =	vshll.u32 v42, $0x10;
	v49 =	vperm.xlane v29, v0;
	v22 =	vmul.f32 v39, v43  }
0x1df: {  	v51 =	vld [tilespmem:s24+$0x820];
	v17 =	vadd.f32 v20, v17;
	v18 =	vadd.f32 v19, v18;
	v19 =	vmul.f32 v50, v46  }
0x1e0: {  	v53 =	vshll.u32 v45, $0x10;
	v52 =	vperm.xlane v29, v1;
	v21 =	vmul.f32 v42, v46  }
0x1e1: {  	v54 =	vld [tilespmem:s24+$0x830];
	v17 =	vadd.f32 v22, v17;
	v18 =	vadd.f32 v19, v18;
	v19 =	vmul.f32 v53, v49  }
0x1e2: {  	v56 =	vshll.u32 v48, $0x10;
	v55 =	vperm.xlane v29, v2;
	v24 =	vmul.f32 v45, v49  }
0x1e3: {  	v57 =	vld [tilespmem:s24+$0x840];
	v17 =	vadd.f32 v21, v17;
	v18 =	vadd.f32 v19, v18;
	v19 =	vmul.f32 v56, v52  }
0x1e4: {  	v59 =	vshll.u32 v51, $0x10;
	v58 =	vperm.xlane v29, v3;
	v23 =	vmul.f32 v48, v52  }
0x1e5: {  	v60 =	vld [tilespmem:s24+$0x850];
	v17 =	vadd.f32 v24, v17;
	v18 =	vadd.f32 v19, v18;
	v19 =	vmul.f32 v59, v55  }
0x1e6: {  	v62 =	vshll.u32 v54, $0x10;
	v61 =	vperm.xlane v29, v4;
	v20 =	vmul.f32 v51, v55  }
0x1e7: {  	v63 =	vld [tilespmem:s24+$0x860];
	v17 =	vadd.f32 v23, v17;
	v18 =	vadd.f32 v19, v18;
	v19 =	vmul.f32 v62, v58  }
0x1e8: {  	v30 =	vperm.xlane v29, v5;
	v31 =	vshll.u32 v57, $0x10;
	v22 =	vmul.f32 v54, v58  }
0x1e9: {  	v32 =	vld [tilespmem:s24+$0x870];
	v17 =	vadd.f32 v20, v17;
	v18 =	vadd.f32 v19, v18;
	v19 =	vmul.f32 v31, v61  }
0x1ea: {  	v33 =	vperm.xlane v29, v6;
	v34 =	vshll.u32 v60, $0x10;
	v21 =	vmul.f32 v57, v61  }
0x1eb: {  	v35 =	vld [tilespmem:s24+$0x880];
	v17 =	vadd.f32 v22, v17;
	v18 =	vadd.f32 v19, v18;
	v19 =	vmul.f32 v34, v30  }
0x1ec: {  	v36 =	vperm.xlane v29, v7;
	v37 =	vshll.u32 v63, $0x10;
	v24 =	vmul.f32 v60, v30  }
0x1ed: {  	v38 =	vld [tilespmem:s24+$0x890];
	v17 =	vadd.f32 v21, v17;
	v18 =	vadd.f32 v19, v18;
	v19 =	vmul.f32 v37, v33  }
0x1ee: {  	v39 =	vperm.xlane v29, v8;
	v40 =	vshll.u32 v32, $0x10;
	v23 =	vmul.f32 v63, v33  }
0x1ef: {  	v41 =	vld [tilespmem:s24+$0x8A0];
	v17 =	vadd.f32 v24, v17;
	v18 =	vadd.f32 v19, v18;
	v19 =	vmul.f32 v40, v36  }
0x1f0: {  	v42 =	vperm.xlane v29, v9;
	v43 =	vshll.u32 v35, $0x10;
	v20 =	vmul.f32 v32, v36  }
0x1f1: {  	v44 =	vld [tilespmem:s24+$0x8B0];
	v17 =	vadd.f32 v23, v17;
	v18 =	vadd.f32 v19, v18;
	v19 =	vmul.f32 v43, v39  }
0x1f2: {  	v45 =	vperm.xlane v29, v10;
	v46 =	vshll.u32 v38, $0x10;
	v22 =	vmul.f32 v35, v39  }
0x1f3: {  	v47 =	vld [tilespmem:s24+$0x8C0];
	v17 =	vadd.f32 v20, v17;
	v18 =	vadd.f32 v19, v18;
	v19 =	vmul.f32 v46, v42  }
0x1f4: {  	v48 =	vperm.xlane v29, v11;
	v49 =	vshll.u32 v41, $0x10;
	v21 =	vmul.f32 v38, v42  }
0x1f5: {  	v50 =	vld [tilespmem:s24+$0x8D0];
	v17 =	vadd.f32 v22, v17;
	v18 =	vadd.f32 v19, v18;
	v19 =	vmul.f32 v49, v45  }
0x1f6: {  	v51 =	vperm.xlane v29, v12;
	v52 =	vshll.u32 v44, $0x10;
	v24 =	vmul.f32 v41, v45  }
0x1f7: {  	v53 =	vld [tilespmem:s24+$0x8E0];
	v17 =	vadd.f32 v21, v17;
	v18 =	vadd.f32 v19, v18;
	v19 =	vmul.f32 v52, v48  }
0x1f8: {  	v54 =	vperm.xlane v29, v13;
	v55 =	vshll.u32 v47, $0x10;
	v23 =	vmul.f32 v44, v48  }
0x1f9: {  	v56 =	vld [tilespmem:s24+$0x8F0];
	v17 =	vadd.f32 v24, v17;
	v18 =	vadd.f32 v19, v18;
	v19 =	vmul.f32 v55, v51  }
0x1fa: {  	v57 =	vperm.xlane v29, v14;
	v58 =	vshll.u32 v50, $0x10;
	v20 =	vmul.f32 v47, v51  }
0x1fb: {  	v17 =	vadd.f32 v23, v17;
	v18 =	vadd.f32 v19, v18;
	v19 =	vmul.f32 v58, v54  }
0x1fc: {  	v59 =	vperm.xlane v29, v15;
	v60 =	vshll.u32 v53, $0x10;
	v22 =	vmul.f32 v50, v54  }
0x1fd: {  	v17 =	vadd.f32 v20, v17;
	v18 =	vadd.f32 v19, v18;
	v19 =	vmul.f32 v60, v57  }
0x1fe: {  	v62 =	vshll.u32 v56, $0x10;
	v61 =	vmul.f32 v53, v57  }
0x1ff: {  	v17 =	vadd.f32 v22, v17;
	v18 =	vadd.f32 v19, v18;
	v19 =	vmul.f32 v62, v59;
	_ =	sdelay $0x1  }
0x200: {  	v63 =	vmul.f32 v56, v59;
	v17 =	vadd.f32 v61, v17;
	v18 =	vadd.f32 v19, v18;
	_ =	sdelay $0x1  }
0x201: {  	s18 =	simm.s32 $0x40;
	s0 =	simm.s32 $0x13100;
	s19 =	smov.u32 s22;
	v17 =	vadd.f32 v63, v17;
	[tilespmem:s22+$0xFFFFFFF0] =	vst v18  }
.LBB2_5:
0x202: {  	s14 =	smov.u32 s18  }
0x203: {  	s16 =	sshra.s32 s18, $0x2;
	[tilespmem:s19+$0x0] =	vst v17;
	s19 =	sadd.s32 $0x20, s19;
	s14 =	sadd.s32 $0x40, s18  }
0x204: {  	p0 =	sne.s32 s18, $0x1C0;
	v18 =	vld.idx.msk [tilespmem:v16+s16+$0x80 ss:$0x1], $0xffff;
	_ =	sdelay $0x1  }
0x205: {  	v17 =	vld [tilespmem:s0+$0xFFFFF000];
	_ =	sdelay $0x1  }
0x206: {  	v19 =	vld [tilespmem:s0+$0xFFFFF010];
	_ =	sdelay $0x1  }
0x207: {  	v20 =	vperm.xlane v18, v0;
	v21 =	vperm.xlane v18, v1;
	v22 =	vld [tilespmem:s0+$0xFFFFF020]  }
0x208: {  	v24 =	vperm.xlane v18, v2;
	v25 =	vperm.xlane v18, v3;
	v23 =	vshll.u32 v17, $0x10  }
0x209: {  	v17 =	vmul.f32 v17, v20;
	v23 =	vmul.f32 v23, v20;
	v20 =	vld [tilespmem:s0+$0xFFFFF030]  }
0x20a: {  	v27 =	vperm.xlane v18, v4;
	v26 =	vshll.u32 v19, $0x10;
	v19 =	vmul.f32 v19, v21  }
0x20b: {  	v17 =	vadd.f32 $0.0e+00, v17;
	v23 =	vadd.f32 $0.0e+00, v23;
	v21 =	vmul.f32 v26, v21;
	v26 =	vld [tilespmem:s0+$0xFFFFF040]  }
0x20c: {  	v29 =	vperm.xlane v18, v5;
	v28 =	vshll.u32 v22, $0x10;
	v22 =	vmul.f32 v22, v24  }
0x20d: {  	v17 =	vadd.f32 v19, v17;
	v21 =	vadd.f32 v21, v23;
	v19 =	vmul.f32 v28, v24;
	v23 =	vld [tilespmem:s0+$0xFFFFF050]  }
0x20e: {  	v28 =	vperm.xlane v18, v6;
	v24 =	vshll.u32 v20, $0x10;
	v20 =	vmul.f32 v20, v25  }
0x20f: {  	v17 =	vadd.f32 v22, v17;
	v19 =	vadd.f32 v19, v21;
	v21 =	vmul.f32 v24, v25;
	v22 =	vld [tilespmem:s0+$0xFFFFF060]  }
0x210: {  	v24 =	vshll.u32 v26, $0x10;
	v25 =	vmul.f32 v26, v27;
	v26 =	vperm.xlane v18, v7  }
0x211: {  	v17 =	vadd.f32 v20, v17;
	v19 =	vadd.f32 v21, v19;
	v20 =	vmul.f32 v24, v27;
	v21 =	vld [tilespmem:s0+$0xFFFFF070]  }
0x212: {  	v27 =	vperm.xlane v18, v8;
	v24 =	vshll.u32 v23, $0x10;
	v23 =	vmul.f32 v23, v29  }
0x213: {  	v17 =	vadd.f32 v25, v17;
	v19 =	vadd.f32 v20, v19;
	v20 =	vmul.f32 v24, v29;
	v24 =	vld [tilespmem:s0+$0xFFFFF080]  }
0x214: {  	v29 =	vperm.xlane v18, v9;
	v25 =	vshll.u32 v22, $0x10;
	v22 =	vmul.f32 v22, v28  }
0x215: {  	v17 =	vadd.f32 v23, v17;
	v19 =	vadd.f32 v20, v19;
	v20 =	vmul.f32 v25, v28;
	v23 =	vld [tilespmem:s0+$0xFFFFF090]  }
0x216: {  	v28 =	vperm.xlane v18, v10;
	v25 =	vshll.u32 v21, $0x10;
	v21 =	vmul.f32 v21, v26  }
0x217: {  	v17 =	vadd.f32 v22, v17;
	v19 =	vadd.f32 v20, v19;
	v20 =	vmul.f32 v25, v26;
	v22 =	vld [tilespmem:s0+$0xFFFFF0A0]  }
0x218: {  	v26 =	vperm.xlane v18, v11;
	v25 =	vshll.u32 v24, $0x10;
	v24 =	vmul.f32 v24, v27  }
0x219: {  	v17 =	vadd.f32 v21, v17;
	v19 =	vadd.f32 v20, v19;
	v20 =	vmul.f32 v25, v27;
	v21 =	vld [tilespmem:s0+$0xFFFFF0B0]  }
0x21a: {  	v27 =	vperm.xlane v18, v12;
	v25 =	vshll.u32 v23, $0x10;
	v23 =	vmul.f32 v23, v29  }
0x21b: {  	v19 =	vadd.f32 v20, v19;
	v20 =	vadd.f32 v24, v17;
	v24 =	vmul.f32 v25, v29;
	v25 =	vld [tilespmem:s0+$0xFFFFF0C0]  }
0x21c: {  	v30 =	vperm.xlane v18, v13;
	v29 =	vshll.u32 v22, $0x10;
	v22 =	vmul.f32 v22, v28;
	v17 =	vld.idx.msk [tilespmem:v16+s16+$0x2080 ss:$0x1], $0xffff  }
0x21d: {  	v19 =	vadd.f32 v24, v19;
	v20 =	vadd.f32 v23, v20;
	v23 =	vmul.f32 v29, v28;
	v24 =	vld [tilespmem:s0+$0xFFFFF0D0]  }
0x21e: {  	v29 =	vperm.xlane v18, v14;
	v28 =	vshll.u32 v21, $0x10;
	v21 =	vmul.f32 v21, v26  }
0x21f: {  	v19 =	vadd.f32 v23, v19;
	v20 =	vadd.f32 v22, v20;
	v22 =	vmul.f32 v28, v26;
	v23 =	vld [tilespmem:s0+$0xFFFFF0E0]  }
0x220: {  	v18 =	vperm.xlane v18, v15;
	v26 =	vshll.u32 v25, $0x10;
	v25 =	vmul.f32 v25, v27  }
0x221: {  	v19 =	vadd.f32 v22, v19;
	v20 =	vadd.f32 v21, v20;
	v21 =	vmul.f32 v26, v27;
	v22 =	vld [tilespmem:s0+$0xFFFFF0F0]  }
0x222: {  	v27 =	vperm.xlane v17, v0;
	v26 =	vshll.u32 v24, $0x10;
	v24 =	vmul.f32 v24, v30  }
0x223: {  	v19 =	vadd.f32 v21, v19;
	v20 =	vadd.f32 v25, v20;
	v21 =	vmul.f32 v26, v30;
	v25 =	vld [tilespmem:s0+$0xFFFFF800]  }
0x224: {  	v28 =	vperm.xlane v17, v1;
	v26 =	vshll.u32 v23, $0x10;
	v23 =	vmul.f32 v23, v29  }
0x225: {  	v19 =	vadd.f32 v21, v19;
	v20 =	vadd.f32 v24, v20;
	v21 =	vmul.f32 v26, v29;
	v24 =	vld [tilespmem:s0+$0xFFFFF810]  }
0x226: {  	v29 =	vperm.xlane v17, v2;
	v26 =	vshll.u32 v22, $0x10;
	v22 =	vmul.f32 v22, v18  }
0x227: {  	v19 =	vadd.f32 v21, v19;
	v20 =	vadd.f32 v23, v20;
	v18 =	vmul.f32 v26, v18;
	v21 =	vld [tilespmem:s0+$0xFFFFF820]  }
0x228: {  	v26 =	vperm.xlane v17, v3;
	v23 =	vshll.u32 v25, $0x10;
	v25 =	vmul.f32 v25, v27  }
0x229: {  	v18 =	vadd.f32 v18, v19;
	v19 =	vadd.f32 v22, v20;
	v20 =	vmul.f32 v23, v27;
	v22 =	vld [tilespmem:s0+$0xFFFFF830]  }
0x22a: {  	v27 =	vperm.xlane v17, v4;
	v23 =	vshll.u32 v24, $0x10;
	v24 =	vmul.f32 v24, v28  }
0x22b: {  	v18 =	vadd.f32 v20, v18;
	v19 =	vadd.f32 v25, v19;
	v20 =	vmul.f32 v23, v28;
	v23 =	vld [tilespmem:s0+$0xFFFFF840]  }
0x22c: {  	v28 =	vperm.xlane v17, v5;
	v25 =	vshll.u32 v21, $0x10;
	v21 =	vmul.f32 v21, v29  }
0x22d: {  	v18 =	vadd.f32 v20, v18;
	v19 =	vadd.f32 v24, v19;
	v20 =	vmul.f32 v25, v29;
	v24 =	vld [tilespmem:s0+$0xFFFFF850]  }
0x22e: {  	v29 =	vperm.xlane v17, v6;
	v25 =	vshll.u32 v22, $0x10;
	v22 =	vmul.f32 v22, v26  }
0x22f: {  	v18 =	vadd.f32 v20, v18;
	v19 =	vadd.f32 v21, v19;
	v20 =	vmul.f32 v25, v26;
	v21 =	vld [tilespmem:s0+$0xFFFFF860]  }
0x230: {  	v26 =	vperm.xlane v17, v7;
	v25 =	vshll.u32 v23, $0x10;
	v23 =	vmul.f32 v23, v27  }
0x231: {  	v18 =	vadd.f32 v20, v18;
	v19 =	vadd.f32 v22, v19;
	v20 =	vmul.f32 v25, v27;
	v22 =	vld [tilespmem:s0+$0xFFFFF870]  }
0x232: {  	v27 =	vperm.xlane v17, v8;
	v25 =	vshll.u32 v24, $0x10;
	v24 =	vmul.f32 v24, v28  }
0x233: {  	v18 =	vadd.f32 v20, v18;
	v19 =	vadd.f32 v23, v19;
	v20 =	vmul.f32 v25, v28;
	v23 =	vld [tilespmem:s0+$0xFFFFF880]  }
0x234: {  	v28 =	vperm.xlane v17, v9;
	v25 =	vshll.u32 v21, $0x10;
	v21 =	vmul.f32 v21, v29  }
0x235: {  	v18 =	vadd.f32 v20, v18;
	v19 =	vadd.f32 v24, v19;
	v20 =	vmul.f32 v25, v29;
	v24 =	vld [tilespmem:s0+$0xFFFFF890]  }
0x236: {  	v29 =	vperm.xlane v17, v10;
	v25 =	vshll.u32 v22, $0x10;
	v22 =	vmul.f32 v22, v26  }
0x237: {  	v18 =	vadd.f32 v20, v18;
	v19 =	vadd.f32 v21, v19;
	v20 =	vmul.f32 v25, v26;
	v21 =	vld [tilespmem:s0+$0xFFFFF8A0]  }
0x238: {  	v26 =	vperm.xlane v17, v11;
	v25 =	vshll.u32 v23, $0x10;
	v23 =	vmul.f32 v23, v27  }
0x239: {  	v18 =	vadd.f32 v20, v18;
	v19 =	vadd.f32 v22, v19;
	v20 =	vmul.f32 v25, v27;
	v22 =	vld [tilespmem:s0+$0xFFFFF8B0]  }
0x23a: {  	v27 =	vperm.xlane v17, v12;
	v25 =	vshll.u32 v24, $0x10;
	v24 =	vmul.f32 v24, v28  }
0x23b: {  	v20 =	vadd.f32 v20, v18;
	v19 =	vadd.f32 v23, v19;
	v23 =	vmul.f32 v25, v28;
	v25 =	vld [tilespmem:s0+$0xFFFFF8C0]  }
0x23c: {  	v30 =	vperm.xlane v17, v13;
	v28 =	vshll.u32 v21, $0x10;
	v21 =	vmul.f32 v21, v29;
	v18 =	vld.idx.msk [tilespmem:v16+s16+$0x4080 ss:$0x1], $0xffff  }
0x23d: {  	v20 =	vadd.f32 v23, v20;
	v19 =	vadd.f32 v24, v19;
	v23 =	vmul.f32 v28, v29;
	v24 =	vld [tilespmem:s0+$0xFFFFF8D0]  }
0x23e: {  	v29 =	vperm.xlane v17, v14;
	v28 =	vshll.u32 v22, $0x10;
	v22 =	vmul.f32 v22, v26  }
0x23f: {  	v20 =	vadd.f32 v23, v20;
	v19 =	vadd.f32 v21, v19;
	v21 =	vmul.f32 v28, v26;
	v23 =	vld [tilespmem:s0+$0xFFFFF8E0]  }
0x240: {  	v17 =	vperm.xlane v17, v15;
	v26 =	vshll.u32 v25, $0x10;
	v25 =	vmul.f32 v25, v27  }
0x241: {  	v20 =	vadd.f32 v21, v20;
	v19 =	vadd.f32 v22, v19;
	v21 =	vmul.f32 v26, v27;
	v22 =	vld [tilespmem:s0+$0xFFFFF8F0]  }
0x242: {  	v27 =	vperm.xlane v18, v0;
	v26 =	vshll.u32 v24, $0x10;
	v24 =	vmul.f32 v24, v30  }
0x243: {  	v20 =	vadd.f32 v21, v20;
	v19 =	vadd.f32 v25, v19;
	v21 =	vmul.f32 v26, v30;
	v25 =	vld [tilespmem:s0+$0x0]  }
0x244: {  	v28 =	vperm.xlane v18, v1;
	v26 =	vshll.u32 v23, $0x10;
	v23 =	vmul.f32 v23, v29  }
0x245: {  	v20 =	vadd.f32 v21, v20;
	v19 =	vadd.f32 v24, v19;
	v21 =	vmul.f32 v26, v29;
	v24 =	vld [tilespmem:s0+$0x10]  }
0x246: {  	v29 =	vperm.xlane v18, v2;
	v26 =	vshll.u32 v22, $0x10;
	v22 =	vmul.f32 v22, v17  }
0x247: {  	v20 =	vadd.f32 v21, v20;
	v19 =	vadd.f32 v23, v19;
	v17 =	vmul.f32 v26, v17;
	v21 =	vld [tilespmem:s0+$0x20]  }
0x248: {  	v26 =	vperm.xlane v18, v3;
	v23 =	vshll.u32 v25, $0x10;
	v25 =	vmul.f32 v25, v27  }
0x249: {  	v17 =	vadd.f32 v17, v20;
	v19 =	vadd.f32 v22, v19;
	v20 =	vmul.f32 v23, v27;
	v22 =	vld [tilespmem:s0+$0x30]  }
0x24a: {  	v27 =	vperm.xlane v18, v4;
	v23 =	vshll.u32 v24, $0x10;
	v24 =	vmul.f32 v24, v28  }
0x24b: {  	v17 =	vadd.f32 v20, v17;
	v19 =	vadd.f32 v25, v19;
	v20 =	vmul.f32 v23, v28;
	v23 =	vld [tilespmem:s0+$0x40]  }
0x24c: {  	v28 =	vperm.xlane v18, v5;
	v25 =	vshll.u32 v21, $0x10;
	v21 =	vmul.f32 v21, v29  }
0x24d: {  	v17 =	vadd.f32 v20, v17;
	v19 =	vadd.f32 v24, v19;
	v20 =	vmul.f32 v25, v29;
	v24 =	vld [tilespmem:s0+$0x50]  }
0x24e: {  	v29 =	vperm.xlane v18, v6;
	v25 =	vshll.u32 v22, $0x10;
	v22 =	vmul.f32 v22, v26  }
0x24f: {  	v17 =	vadd.f32 v20, v17;
	v19 =	vadd.f32 v21, v19;
	v20 =	vmul.f32 v25, v26;
	v21 =	vld [tilespmem:s0+$0x60]  }
0x250: {  	v26 =	vperm.xlane v18, v7;
	v25 =	vshll.u32 v23, $0x10;
	v23 =	vmul.f32 v23, v27  }
0x251: {  	v17 =	vadd.f32 v20, v17;
	v19 =	vadd.f32 v22, v19;
	v20 =	vmul.f32 v25, v27;
	v22 =	vld [tilespmem:s0+$0x70]  }
0x252: {  	v27 =	vperm.xlane v18, v8;
	v25 =	vshll.u32 v24, $0x10;
	v24 =	vmul.f32 v24, v28  }
0x253: {  	v17 =	vadd.f32 v20, v17;
	v19 =	vadd.f32 v23, v19;
	v20 =	vmul.f32 v25, v28;
	v23 =	vld [tilespmem:s0+$0x80]  }
0x254: {  	v28 =	vperm.xlane v18, v9;
	v25 =	vshll.u32 v21, $0x10;
	v21 =	vmul.f32 v21, v29  }
0x255: {  	v17 =	vadd.f32 v20, v17;
	v19 =	vadd.f32 v24, v19;
	v20 =	vmul.f32 v25, v29;
	v24 =	vld [tilespmem:s0+$0x90]  }
0x256: {  	v29 =	vperm.xlane v18, v10;
	v25 =	vshll.u32 v22, $0x10;
	v22 =	vmul.f32 v22, v26  }
0x257: {  	v17 =	vadd.f32 v20, v17;
	v19 =	vadd.f32 v21, v19;
	v20 =	vmul.f32 v25, v26;
	v21 =	vld [tilespmem:s0+$0xA0]  }
0x258: {  	v26 =	vperm.xlane v18, v11;
	v25 =	vshll.u32 v23, $0x10;
	v23 =	vmul.f32 v23, v27  }
0x259: {  	v17 =	vadd.f32 v20, v17;
	v19 =	vadd.f32 v22, v19;
	v20 =	vmul.f32 v25, v27;
	v22 =	vld [tilespmem:s0+$0xB0]  }
0x25a: {  	v27 =	vperm.xlane v18, v12;
	v25 =	vshll.u32 v24, $0x10;
	v24 =	vmul.f32 v24, v28  }
0x25b: {  	v20 =	vadd.f32 v20, v17;
	v19 =	vadd.f32 v23, v19;
	v23 =	vmul.f32 v25, v28;
	v25 =	vld [tilespmem:s0+$0xC0]  }
0x25c: {  	v30 =	vperm.xlane v18, v13;
	v28 =	vshll.u32 v21, $0x10;
	v21 =	vmul.f32 v21, v29;
	v17 =	vld.idx.msk [tilespmem:v16+s16+$0x6080 ss:$0x1], $0xffff  }
0x25d: {  	v20 =	vadd.f32 v23, v20;
	v19 =	vadd.f32 v24, v19;
	v23 =	vmul.f32 v28, v29;
	v24 =	vld [tilespmem:s0+$0xD0]  }
0x25e: {  	v29 =	vperm.xlane v18, v14;
	v28 =	vshll.u32 v22, $0x10;
	v22 =	vmul.f32 v22, v26  }
0x25f: {  	v20 =	vadd.f32 v23, v20;
	v19 =	vadd.f32 v21, v19;
	v21 =	vmul.f32 v28, v26;
	v23 =	vld [tilespmem:s0+$0xE0]  }
0x260: {  	v18 =	vperm.xlane v18, v15;
	v26 =	vshll.u32 v25, $0x10;
	v25 =	vmul.f32 v25, v27  }
0x261: {  	v20 =	vadd.f32 v21, v20;
	v19 =	vadd.f32 v22, v19;
	v21 =	vmul.f32 v26, v27;
	v22 =	vld [tilespmem:s0+$0xF0]  }
0x262: {  	v27 =	vperm.xlane v17, v0;
	v26 =	vshll.u32 v24, $0x10;
	v24 =	vmul.f32 v24, v30  }
0x263: {  	v20 =	vadd.f32 v21, v20;
	v19 =	vadd.f32 v25, v19;
	v21 =	vmul.f32 v26, v30;
	v25 =	vld [tilespmem:s0+$0x800]  }
0x264: {  	v28 =	vperm.xlane v17, v1;
	v26 =	vshll.u32 v23, $0x10;
	v23 =	vmul.f32 v23, v29  }
0x265: {  	v20 =	vadd.f32 v21, v20;
	v19 =	vadd.f32 v24, v19;
	v21 =	vmul.f32 v26, v29;
	v24 =	vld [tilespmem:s0+$0x810]  }
0x266: {  	v29 =	vperm.xlane v17, v2;
	v26 =	vshll.u32 v22, $0x10;
	v22 =	vmul.f32 v22, v18  }
0x267: {  	v20 =	vadd.f32 v21, v20;
	v19 =	vadd.f32 v23, v19;
	v18 =	vmul.f32 v26, v18;
	v21 =	vld [tilespmem:s0+$0x820]  }
0x268: {  	v26 =	vperm.xlane v17, v3;
	v23 =	vshll.u32 v25, $0x10;
	v25 =	vmul.f32 v25, v27  }
0x269: {  	v18 =	vadd.f32 v18, v20;
	v19 =	vadd.f32 v22, v19;
	v20 =	vmul.f32 v23, v27;
	v22 =	vld [tilespmem:s0+$0x830]  }
0x26a: {  	v27 =	vperm.xlane v17, v4;
	v23 =	vshll.u32 v24, $0x10;
	v24 =	vmul.f32 v24, v28  }
0x26b: {  	v18 =	vadd.f32 v20, v18;
	v19 =	vadd.f32 v25, v19;
	v20 =	vmul.f32 v23, v28;
	v23 =	vld [tilespmem:s0+$0x840]  }
0x26c: {  	v28 =	vperm.xlane v17, v5;
	v25 =	vshll.u32 v21, $0x10;
	v21 =	vmul.f32 v21, v29  }
0x26d: {  	v18 =	vadd.f32 v20, v18;
	v19 =	vadd.f32 v24, v19;
	v20 =	vmul.f32 v25, v29;
	v24 =	vld [tilespmem:s0+$0x850]  }
0x26e: {  	v29 =	vperm.xlane v17, v6;
	v25 =	vshll.u32 v22, $0x10;
	v22 =	vmul.f32 v22, v26  }
0x26f: {  	v18 =	vadd.f32 v20, v18;
	v19 =	vadd.f32 v21, v19;
	v20 =	vmul.f32 v25, v26;
	v21 =	vld [tilespmem:s0+$0x860]  }
0x270: {  	v26 =	vperm.xlane v17, v7;
	v25 =	vshll.u32 v23, $0x10;
	v23 =	vmul.f32 v23, v27  }
0x271: {  	v18 =	vadd.f32 v20, v18;
	v19 =	vadd.f32 v22, v19;
	v20 =	vmul.f32 v25, v27;
	v22 =	vld [tilespmem:s0+$0x870]  }
0x272: {  	v27 =	vperm.xlane v17, v8;
	v25 =	vshll.u32 v24, $0x10;
	v24 =	vmul.f32 v24, v28  }
0x273: {  	v18 =	vadd.f32 v20, v18;
	v19 =	vadd.f32 v23, v19;
	v20 =	vmul.f32 v25, v28;
	v23 =	vld [tilespmem:s0+$0x880]  }
0x274: {  	v28 =	vperm.xlane v17, v9;
	v25 =	vshll.u32 v21, $0x10;
	v21 =	vmul.f32 v21, v29  }
0x275: {  	v18 =	vadd.f32 v20, v18;
	v19 =	vadd.f32 v24, v19;
	v20 =	vmul.f32 v25, v29;
	v24 =	vld [tilespmem:s0+$0x890]  }
0x276: {  	v29 =	vperm.xlane v17, v10;
	v25 =	vshll.u32 v22, $0x10;
	v22 =	vmul.f32 v22, v26  }
0x277: {  	v18 =	vadd.f32 v20, v18;
	v19 =	vadd.f32 v21, v19;
	v20 =	vmul.f32 v25, v26;
	v21 =	vld [tilespmem:s0+$0x8A0]  }
0x278: {  	v26 =	vperm.xlane v17, v11;
	v25 =	vshll.u32 v23, $0x10;
	v23 =	vmul.f32 v23, v27  }
0x279: {  	v18 =	vadd.f32 v20, v18;
	v19 =	vadd.f32 v22, v19;
	v20 =	vmul.f32 v25, v27;
	v22 =	vld [tilespmem:s0+$0x8B0]  }
0x27a: {  	v27 =	vperm.xlane v17, v12;
	v25 =	vshll.u32 v24, $0x10;
	v24 =	vmul.f32 v24, v28  }
0x27b: {  	v18 =	vadd.f32 v20, v18;
	v19 =	vadd.f32 v23, v19;
	v20 =	vmul.f32 v25, v28;
	v23 =	vld [tilespmem:s0+$0x8C0]  }
0x27c: {  	v28 =	vperm.xlane v17, v13;
	v25 =	vshll.u32 v21, $0x10;
	v21 =	vmul.f32 v21, v29  }
0x27d: {  	v18 =	vadd.f32 v20, v18;
	v19 =	vadd.f32 v24, v19;
	v20 =	vmul.f32 v25, v29;
	v24 =	vld [tilespmem:s0+$0x8D0]  }
0x27e: {  	v29 =	vperm.xlane v17, v14;
	v25 =	vshll.u32 v22, $0x10;
	v22 =	vmul.f32 v22, v26  }
0x27f: {  	v18 =	vadd.f32 v20, v18;
	v19 =	vadd.f32 v21, v19;
	v20 =	vmul.f32 v25, v26;
	v21 =	vld [tilespmem:s0+$0x8E0]  }
0x280: {  	v17 =	vperm.xlane v17, v15;
	v25 =	vshll.u32 v23, $0x10;
	v23 =	vmul.f32 v23, v27  }
0x281: {  	v18 =	vadd.f32 v20, v18;
	v19 =	vadd.f32 v22, v19;
	v20 =	vmul.f32 v25, v27;
	v22 =	vld [tilespmem:s0+$0x8F0]  }
0x282: {  	v25 =	vshll.u32 v24, $0x10;
	v24 =	vmul.f32 v24, v28  }
0x283: {  	v18 =	vadd.f32 v20, v18;
	v19 =	vadd.f32 v23, v19;
	v20 =	vmul.f32 v25, v28  }
0x284: {  	v23 =	vshll.u32 v21, $0x10;
	v21 =	vmul.f32 v21, v29  }
0x285: {  	v18 =	vadd.f32 v20, v18;
	v19 =	vadd.f32 v24, v19;
	v20 =	vmul.f32 v23, v29  }
0x286: {  	v23 =	vshll.u32 v22, $0x10;
	v22 =	vmul.f32 v22, v17  }
.Ltmp1:
0x287: {  	v18 =	vadd.f32 v20, v18;
	v19 =	vadd.f32 v21, v19;
	v17 =	vmul.f32 v23, v17;
	(pc) =	sbr.rel @p0 .LBB2_5-.Ltmp1, $3  }
0x288: {  	_ = 	snop  }
0x289: {  	v18 =	vadd.f32 v17, v18;
	v17 =	vadd.f32 v22, v19;
	_ =	sdelay $0x1  }
0x28a: {  	s18 =	smov.u32 s14;
	s0 =	sadd.s32 $0x100, s0;
	[tilespmem:s19+$0xFFFFFFF0] =	vst v18  }
0x28b: {  	s23 =	sadd.s32 $0x1, s23  }
0x28c: {  	p0 =	sne.s32 s23, $0x20  }
.Ltmp2:
0x28d: {  	_ = 	snop;
	(pc) =	sbr.rel @p0 .LBB2_2-.Ltmp2, $2  }
0x28e: {  	_ =	sdelay $0x2  }
0x28f: {  	[tilespmem:s19+$0x0] =	vst v17;
	s25 =	sadd.s32 $0x200, s25;
	s17 =	sadd.s32 $0x100, s17;
	s22 =	sadd.s32 $0x200, s22  }
0x290: {  	s15 =	sadd.s32 $0x1, s15  }
0x291: {  	p0 =	sne.s32 s15, s13  }
.Ltmp3:
0x292: {  	s0 =	simm.s32 $0x14000;
	(pc) =	sbr.rel @p0 .LBB2_1-.Ltmp3, $4  }
0x293: {  	[hbm4b:s12+s2] =	stream.linear.scatter [tilespmem:s0], [sflag:$0x3], $0x4000, $0x38;
	[tilespmem:$0x18000] =	vst v63  }
0x294: {  	_ =	swait.ge [sflag:s1], $0x4000  }
0x295: {  	[sflag:s1] =	ssyncset.done $0x0  }
0x296: {  	[sflag:s1] =	ssyncadd.s32 $0xFFFFC000  }
0x297: {  	_ =	sfence.sel $0x180000  }
0x298: {  	[bflag:$0x0] =	sbarrier.arrive $0xFFFF  }
0x299: {  	_ =	strace $0x90000047  }
0x29a: {  	s0 =	stileid.u32;
	[bflag:$0x2] =	sbarrier.arrive $0xFFFF  }
0x29b: {  	p0 =	sne.s32 s0, $0x0;
	s0 =	rddreg [dreg:$0x2]  }
0x29c: {  	s0 =	sadd.s32 @!p0 $0x100000, s0  }
0x29d: {  	[sflag:s0] =	ssyncadd.tile.s32 @!p0 $0x1;
	_ =	shalt  }
.Lfunc_end2:
_tile_overlayer_lowered:
.L_overlay_start_2:
0x29e: {  	(tag) =	ssettag $0x2  }
0x29f: {  	s0 =	rddreg [dreg:$0x0];
	s2 =	stileid.u32  }
0x2a0: {  	s1 =	rddreg [dreg:$0x1];
	p0 =	sne.s32 s2, $0x0  }
0x2a1: {  	s3 =	rddreg [dreg:$0x2];
	[bflag:$0x3] =	sbarrier.arrive $0xFFFF;
	s2 =	simm.s32 @!p0 $0x1C03  }
0x2a2: {  	[timem:s3], [sflag:s2] =	dma.local @!p0 [hbm:s0], s1  }
0x2a3: {  	s0 =	simm.s32 @!p0 $0x3  }
0x2a4: {  	_ =	swait.ge @!p0 [sflag:s0], s1  }
0x2a5: {  	s1 =	ssub.s32 @!p0 $0x0, s1;
	[sflag:s0] =	ssyncset.done @!p0 $0x0  }
0x2a6: {  	[sflag:s0] =	ssyncadd.s32 @!p0 s1  }
0x2a7: {  	[bflag:$0x3] =	sbarrier.arrive $0xFFFF  }
0x2a8: {  	_ =	shalt  }

</sc_bundles>
